<compile_context>
chip_gen: v7x
topology: tpu7x:2x2x1
jax: 0.10.2.dev20260603
libtpu: 0.0.44.dev20260713+nightly
codegen_flags: <defaults>
</compile_context>

<pallas_src>
import functools

import jax
import jax.numpy as jnp
from jax import lax
from jax.experimental import pallas as pl
from jax.experimental.pallas import tpu as pltpu
from jax.experimental.pallas import tpu_sc as plsc

_NC, _NS = 2, 16
_NW = _NC * _NS
_C = 96
_INT_MIN = -(2**31)


def _sc_body(x_hbm, st_hbm, part_hbm, buf0, buf1, st_v, stage_v, rs0, rs1,
             *, N, DT, GPW, ST_LOAD):
    c = lax.axis_index("c")
    s = lax.axis_index("s")
    wid = s * _NC + c
    g0 = wid * GPW
    nj = DT // 16

    bufs = (buf0, buf1)
    rsems = (rs0, rs1)

    zero = jnp.zeros((16,), jnp.float32)

    def z_step(i, carry):
        stage_v[pl.ds(i * 16, 16)] = zero
        return carry

    lax.fori_loop(0, GPW * DT // 16, z_step, 0)

    pltpu.sync_copy(st_hbm.at[pl.ds(pl.multiple_of(g0, GPW), ST_LOAD)], st_v)

    lanes = lax.iota(jnp.int32, 16)

    def read_st(pos):
        base = (pos // 16) * 16
        w = st_v[pl.ds(pl.multiple_of(base, 16), 16)]
        return jnp.max(jnp.where(lanes == pos - base, w, _INT_MIN))

    row_a = read_st(0)
    row_b = read_st(GPW)
    nch = (row_b - row_a + _C - 1) // _C

    def chunk_base(q):
        want = row_a + q * _C
        base = jnp.minimum(want, N - _C)
        return want, base

    def start(q, b):
        _, base = chunk_base(q)
        pltpu.async_copy(
            x_hbm.at[pl.ds(pl.multiple_of(base * DT, 512), _C * DT)], bufs[b], rsems[b]
        )

    def wait(b):
        pltpu.make_async_copy(x_hbm.at[pl.ds(0, _C * DT)], bufs[b], rsems[b]).wait()

    def flush(cur, acc):
        so = (cur - g0) * DT
        for j in range(nj):
            stage_v[pl.ds(so + j * 16, 16)] = acc[j]

    zacc = (zero,) * nj

    def process(q, b, state):
        want, base = chunk_base(q)
        cend = jnp.minimum(want + _C, row_b)

        def w_cond(st_):
            return st_[0] < cend

        def w_body(st_):
            ptr, cur = st_[0], st_[1]
            acc = st_[2:]
            nxt = read_st(cur - g0 + 1)
            seg_end = jnp.minimum(nxt, cend)
            ro0 = ptr - base

            def rbody(r, acc_):
                ro = (ro0 + r) * DT
                return tuple(
                    acc_[j] + bufs[b][pl.ds(ro + j * 16, 16)] for j in range(nj)
                )

            acc2 = lax.fori_loop(0, seg_end - ptr, rbody, acc)

            def done_fn(a):
                flush(cur, a)
                return (cur + 1,) + zacc

            def cont_fn(a):
                return (cur,) + a

            out = lax.cond(nxt <= cend, done_fn, cont_fn, acc2)
            return (seg_end,) + out

        fin = lax.while_loop(w_cond, w_body, (want,) + state)
        return fin[1:]

    @pl.when(nch > 0)
    def _():
        start(0, 0)

    @pl.when(nch > 1)
    def _():
        start(1, 1)

    def outer(i, state):
        for b in range(2):
            q = i * 2 + b

            def hit(st_, q=q, b=b):
                wait(b)
                new = process(q, b, st_)

                @pl.when(q + 2 < nch)
                def _():
                    start(q + 2, b)

                return new

            state = lax.cond(q < nch, hit, lambda st_: st_, state)
        return state

    state0 = (g0,) + zacc
    fin = lax.fori_loop(0, (nch + 1) // 2, outer, state0)

    @pl.when(fin[0] < g0 + GPW)
    def _():
        flush(fin[0], fin[1:])

    pltpu.sync_copy(
        stage_v, part_hbm.at[pl.ds(pl.multiple_of(g0 * DT, GPW * DT), GPW * DT)]
    )


def _tc_reduce_body(p_ref, o_ref, *, D, T):
    acc = p_ref[:, 0:D]
    for t in range(1, T):
        acc = acc + p_ref[:, t * D : (t + 1) * D]
    o_ref[...] = acc


def kernel(node_ft_history, batch_index, num_graphs):
    N, D, T = node_ft_history.shape
    try:
        G = int(num_graphs)
    except Exception:
        G = 1024
    DT = D * T
    assert G % _NW == 0 and DT % 16 == 0 and N >= _C
    GPW = G // _NW

    x_flat = jnp.transpose(node_ft_history, (0, 2, 1)).reshape(N * DT)
    idx = batch_index.astype(jnp.int32)
    ST_LOAD = GPW + 16
    K = 256
    NB = -(-N // K)
    big = jnp.int32(2**30)
    idx_pad2d = jnp.concatenate([idx, jnp.full((NB * K - N,), big, jnp.int32)]).reshape(NB, K)
    bmax = jnp.max(idx_pad2d, axis=1)
    garr = jnp.arange(G + 1, dtype=jnp.int32)
    b_star = jnp.sum((bmax[None, :] < garr[:, None]).astype(jnp.int32), axis=1)
    bs = jnp.minimum(b_star, NB - 1)
    win = idx_pad2d[bs]
    starts = bs * K + jnp.sum((win < garr[:, None]).astype(jnp.int32), axis=1)
    starts = starts.astype(jnp.int32)
    starts = jnp.concatenate([starts, jnp.full((ST_LOAD - 1,), N, jnp.int32)])

    mesh = plsc.VectorSubcoreMesh(
        core_axis_name="c", subcore_axis_name="s", num_cores=_NC, num_subcores=_NS
    )
    sc = pl.kernel(
        functools.partial(_sc_body, N=N, DT=DT, GPW=GPW, ST_LOAD=ST_LOAD),
        out_type=jax.ShapeDtypeStruct((G * DT,), jnp.float32),
        mesh=mesh,
        compiler_params=pltpu.CompilerParams(needs_layout_passes=False),
        scratch_types=[
            pltpu.VMEM((_C * DT,), jnp.float32),
            pltpu.VMEM((_C * DT,), jnp.float32),
            pltpu.VMEM((ST_LOAD,), jnp.int32),
            pltpu.VMEM((GPW * DT,), jnp.float32),
            pltpu.SemaphoreType.DMA,
            pltpu.SemaphoreType.DMA,
        ],
    )
    part = sc(x_flat, starts).reshape(G, DT)

    return pl.pallas_call(
        functools.partial(_tc_reduce_body, D=D, T=T),
        out_shape=jax.ShapeDtypeStruct((G, D), jnp.float32),
    )(part)

# --- scband reference (transcript-rebuilt; emitter-appended) ---
"""Pipeline reference for scband-global-sum-history-pooling-6605659702021 (READ-ONLY COPY).

The authoritative reference and input builder live on the scoring server;
editing this copy changes nothing except your own understanding.
"""

import jax, jax.numpy as jnp
import numpy as np

N = 100000
D = 128
T = 4
NUM_GRAPHS = 1024

def setup_inputs(seed: int = 0) -> dict:
    key = jax.random.key(seed)
    k1, k2 = jax.random.split(key)
    node_ft_history = jax.random.normal(k1, (N, D, T), dtype=jnp.float32)
    batch_index = jnp.sort(jax.random.randint(k2, (N,), 0, NUM_GRAPHS, dtype=jnp.int64))
    return {"node_ft_history": node_ft_history, "batch_index": batch_index, "num_graphs": NUM_GRAPHS}

def reference(node_ft_history, batch_index, num_graphs):
    # x = torch.sum(node_ft_history, dim=-1) -> [N, D]
    x = jnp.sum(node_ft_history, axis=-1)
    # scatter(src=x, index=batch_index, dim=0, dim_size=num_graphs, reduce='sum')
    graph_ft = jax.ops.segment_sum(x, batch_index, num_segments=NUM_GRAPHS)
    graph_ft = graph_ft + (num_graphs - num_graphs).astype(graph_ft.dtype) if hasattr(num_graphs, "astype") else graph_ft + jnp.asarray(num_graphs - num_graphs, dtype=graph_ft.dtype)
    return graph_ft

if __name__ == "__main__":
    import jax
    _d = setup_inputs()
    print(jax.jit(kernel)(*tuple(_d.values())))

</pallas_src>

<mosaic_0001>
#map = affine_map<(d0, d1) -> (0)>
module attributes {stable_mosaic.version = 14 : i64} {
  func.func @_sc_body(%arg0: i32, %arg1: i32, %arg2: memref<51200000xf32, #tpu.memory_space<hbm>>, %arg3: memref<1072xi32, #tpu.memory_space<hbm>>, %arg4: memref<524288xf32, #tpu.memory_space<hbm>>, %arg5: memref<49152xf32, #tpu.memory_space<vmem>>, %arg6: memref<49152xf32, #tpu.memory_space<vmem>>, %arg7: memref<48xi32, #tpu.memory_space<vmem>>, %arg8: memref<16384xf32, #tpu.memory_space<vmem>>, %arg9: memref<!tpu.dma_semaphore, #tpu.memory_space<semaphore_mem>>, %arg10: memref<!tpu.dma_semaphore, #tpu.memory_space<semaphore_mem>>) attributes {dimension_semantics = [#tpu.dimension_semantics<core_parallel>, #tpu.dimension_semantics<subcore_parallel>], iteration_bounds = array<i64: 2, 16>, scalar_prefetch = 0 : i64, scratch_operands = 6 : i64, tpu.core_type = #tpu.core_type<sc_vector_subcore>, window_params = [{transform_indices = #map}, {transform_indices = #map}, {transform_indices = #map}]} {
    %mul3A = arith.constant 2 : i32
    %mul3A_0 = arith.muli %arg1, %mul3A : i32
    %add3A = arith.addi %mul3A_0, %arg0 : i32
    %mul3A_1 = arith.constant 32 : i32
    %mul3A_2 = arith.muli %add3A, %mul3A_1 : i32
    %broadcast_in_dim3A = arith.constant 0.000000e+00 : f32
    %broadcast_in_dim3A_3 = vector.broadcast %broadcast_in_dim3A : f32 to vector<16xf32>
    %scan3A = arith.constant 0 : i32
    %scan3A_4 = arith.constant 0 : i32
    %scan3A_5 = arith.constant 1024 : i32
    %scan3A_6 = arith.addi %scan3A_4, %scan3A_5 : i32
    %scan3A_7 = arith.constant 1 : i32
    scf.for %scan3A_114 = %scan3A_4 to %scan3A_6 step %scan3A_7  : i32 {
      %mul3A_115 = arith.constant 16 : i32
      %mul3A_116 = arith.muli %scan3A_114, %mul3A_115 : i32
      %swap3A = arith.index_cast %mul3A_116 : i32 to index
      %swap3A_117 = tpu.vector_load %arg8[%swap3A] {strides = array<i32>} : memref<16384xf32, #tpu.memory_space<vmem>>, vector<16xf32>,
      tpu.vector_store %arg8[%swap3A], %broadcast_in_dim3A_3 {strides = array<i32>} : memref<16384xf32, #tpu.memory_space<vmem>>, vector<16xf32>,
    }
    %scan3A_8 = arith.constant 1024 : i32
    %multiple_of3A = tpu.assume_multiple %mul3A_2, 32 : i32
    "tpu.region"() ({
      %run_scoped3A = tpu.sem_alloc : memref<!tpu.dma_semaphore, #tpu.memory_space<semaphore_mem>>
      %dma_start3A = tpu.memref_slice %arg3[%multiple_of3A] : memref<1072xi32, #tpu.memory_space<hbm>> -> memref<48xi32, #tpu.memory_space<hbm>>
      %dma_start3A_114 = tpu.memref_slice %arg3[%multiple_of3A] : memref<1072xi32, #tpu.memory_space<hbm>> -> memref<48xi32, #tpu.memory_space<hbm>>
      tpu.enqueue_dma source(%dma_start3A_114 : memref<48xi32, #tpu.memory_space<hbm>>) target(%arg7 : memref<48xi32, #tpu.memory_space<vmem>>) target_semaphore(%run_scoped3A : memref<!tpu.dma_semaphore, #tpu.memory_space<semaphore_mem>>)
      %dma_wait3A = tpu.memref_slice %arg3[%multiple_of3A] : memref<1072xi32, #tpu.memory_space<hbm>> -> memref<48xi32, #tpu.memory_space<hbm>>
      %dma_wait3A_115 = tpu.memref_slice %arg3[%multiple_of3A] : memref<1072xi32, #tpu.memory_space<hbm>> -> memref<48xi32, #tpu.memory_space<hbm>>
      tpu.wait_dma2 semaphore(%run_scoped3A : memref<!tpu.dma_semaphore, #tpu.memory_space<semaphore_mem>>) src(%dma_wait3A_115 : memref<48xi32, #tpu.memory_space<hbm>>) dst(%arg7 : memref<48xi32, #tpu.memory_space<vmem>>)
      tpu.yield
    }) : () -> ()
    %iota3A = tpu.iota {dimensions = array<i32: 0>} : vector<16xi32>
    %multiple_of3A_9 = arith.constant 0 : i32
    %multiple_of3A_10 = tpu.assume_multiple %multiple_of3A_9, 16 : i32
    %get3A = arith.index_cast %multiple_of3A_10 : i32 to index
    %get3A_11 = tpu.vector_load %arg7[%get3A] {strides = array<i32>} : memref<48xi32, #tpu.memory_space<vmem>>, vector<16xi32>,
    %eq3A = arith.constant 0 : i32
    %eq3A_12 = vector.broadcast %eq3A : i32 to vector<16xi32>
    %eq3A_13 = arith.cmpi eq, %iota3A, %eq3A_12 : vector<16xi32>
    %jit3A = arith.constant -2147483648 : i32
    %broadcast_in_dim3A_14 = vector.broadcast %jit3A : i32 to vector<16xi32>
    %select_n3A = arith.select %eq3A_13, %get3A_11, %broadcast_in_dim3A_14 : vector<16xi1>, vector<16xi32>
    %reduce_max3A = arith.constant true
    %reduce_max3A_15 = vector.broadcast %reduce_max3A : i1 to vector<16xi1>
    %reduce_max3A_16 = arith.constant -2147483648 : i32
    %reduce_max3A_17 = vector.broadcast %reduce_max3A_16 : i32 to vector<16xi32>
    %reduce_max3A_18 = arith.xori %select_n3A, %reduce_max3A_17 : vector<16xi32>
    %reduce_max3A_19 = tpu.scan <max>, %reduce_max3A_18 masked %reduce_max3A_15 : vector<16xi32>, vector<16xi1> -> vector<16xi32>
    %reduce_max3A_20 = arith.xori %reduce_max3A_19, %reduce_max3A_17 : vector<16xi32>
    %reduce_max3A_21 = vector.extract %reduce_max3A_20[15] : i32 from vector<16xi32>
    %multiple_of3A_22 = arith.constant 32 : i32
    %multiple_of3A_23 = tpu.assume_multiple %multiple_of3A_22, 16 : i32
    %get3A_24 = arith.index_cast %multiple_of3A_23 : i32 to index
    %get3A_25 = tpu.vector_load %arg7[%get3A_24] {strides = array<i32>} : memref<48xi32, #tpu.memory_space<vmem>>, vector<16xi32>,
    %eq3A_26 = arith.constant 0 : i32
    %eq3A_27 = vector.broadcast %eq3A_26 : i32 to vector<16xi32>
    %eq3A_28 = arith.cmpi eq, %iota3A, %eq3A_27 : vector<16xi32>
    %jit3A_29 = arith.constant -2147483648 : i32
    %broadcast_in_dim3A_30 = vector.broadcast %jit3A_29 : i32 to vector<16xi32>
    %select_n3A_31 = arith.select %eq3A_28, %get3A_25, %broadcast_in_dim3A_30 : vector<16xi1>, vector<16xi32>
    %reduce_max3A_32 = arith.constant true
    %reduce_max3A_33 = vector.broadcast %reduce_max3A_32 : i1 to vector<16xi1>
    %reduce_max3A_34 = arith.constant -2147483648 : i32
    %reduce_max3A_35 = vector.broadcast %reduce_max3A_34 : i32 to vector<16xi32>
    %reduce_max3A_36 = arith.xori %select_n3A_31, %reduce_max3A_35 : vector<16xi32>
    %reduce_max3A_37 = tpu.scan <max>, %reduce_max3A_36 masked %reduce_max3A_33 : vector<16xi32>, vector<16xi1> -> vector<16xi32>
    %reduce_max3A_38 = arith.xori %reduce_max3A_37, %reduce_max3A_35 : vector<16xi32>
    %reduce_max3A_39 = vector.extract %reduce_max3A_38[15] : i32 from vector<16xi32>
    %sub3A = arith.subi %reduce_max3A_39, %reduce_max3A_21 : i32
    %add3A_40 = arith.constant 96 : i32
    %add3A_41 = arith.addi %sub3A, %add3A_40 : i32
    %sub3A_42 = arith.constant 1 : i32
    %sub3A_43 = arith.subi %add3A_41, %sub3A_42 : i32
    %jit3A_44 = arith.constant 96 : i32
    %div3A = arith.divsi %sub3A_43, %jit3A_44 : i32
    %sign3A = arith.constant 0 : i32
    %sign3A_45 = arith.cmpi sgt, %sub3A_43, %sign3A : i32
    %sign3A_46 = arith.extui %sign3A_45 : i1 to i32
    %sign3A_47 = arith.constant 0 : i32
    %sign3A_48 = arith.cmpi slt, %sub3A_43, %sign3A_47 : i32
    %sign3A_49 = arith.extui %sign3A_48 : i1 to i32
    %sign3A_50 = arith.subi %sign3A_46, %sign3A_49 : i32
    %sign3A_51 = arith.constant 0 : i32
    %sign3A_52 = arith.cmpi sgt, %jit3A_44, %sign3A_51 : i32
    %sign3A_53 = arith.extui %sign3A_52 : i1 to i32
    %sign3A_54 = arith.constant 0 : i32
    %sign3A_55 = arith.cmpi slt, %jit3A_44, %sign3A_54 : i32
    %sign3A_56 = arith.extui %sign3A_55 : i1 to i32
    %sign3A_57 = arith.subi %sign3A_53, %sign3A_56 : i32
    %ne3A = arith.cmpi ne, %sign3A_50, %sign3A_57 : i32
    %rem3A = arith.remsi %sub3A_43, %jit3A_44 : i32
    %ne3A_58 = arith.constant 0 : i32
    %ne3A_59 = arith.cmpi ne, %rem3A, %ne3A_58 : i32
    %and3A = arith.andi %ne3A, %ne3A_59 : i1
    %sub3A_60 = arith.constant 1 : i32
    %sub3A_61 = arith.subi %div3A, %sub3A_60 : i32
    %select_n3A_62 = arith.select %and3A, %sub3A_61, %div3A : i32
    %gt3A = arith.constant 0 : i32
    %gt3A_63 = arith.cmpi sgt, %select_n3A_62, %gt3A : i32
    %convert_element_type3A = arith.extui %gt3A_63 : i1 to i32
    %cond3A = arith.constant 0 : i32
    %cond3A_64 = arith.cmpi ne, %convert_element_type3A, %cond3A : i32
    scf.if %cond3A_64 {
      %add3A_114 = arith.constant 0 : i32
      %add3A_115 = arith.addi %reduce_max3A_21, %add3A_114 : i32
      %min3A = arith.constant 99904 : i32
      %min3A_116 = arith.minsi %add3A_115, %min3A : i32
      %mul3A_117 = arith.constant 512 : i32
      %mul3A_118 = arith.muli %min3A_116, %mul3A_117 : i32
      %multiple_of3A_119 = tpu.assume_multiple %mul3A_118, 512 : i32
      %dma_start3A = tpu.memref_slice %arg2[%multiple_of3A_119] : memref<51200000xf32, #tpu.memory_space<hbm>> -> memref<49152xf32, #tpu.memory_space<hbm>>
      %dma_start3A_120 = tpu.memref_slice %arg2[%multiple_of3A_119] : memref<51200000xf32, #tpu.memory_space<hbm>> -> memref<49152xf32, #tpu.memory_space<hbm>>
      tpu.enqueue_dma source(%dma_start3A_120 : memref<49152xf32, #tpu.memory_space<hbm>>) target(%arg5 : memref<49152xf32, #tpu.memory_space<vmem>>) target_semaphore(%arg9 : memref<!tpu.dma_semaphore, #tpu.memory_space<semaphore_mem>>)
    } else {
    }
    %gt3A_65 = arith.constant 1 : i32
    %gt3A_66 = arith.cmpi sgt, %select_n3A_62, %gt3A_65 : i32
    %convert_element_type3A_67 = arith.extui %gt3A_66 : i1 to i32
    %cond3A_68 = arith.constant 0 : i32
    %cond3A_69 = arith.cmpi ne, %convert_element_type3A_67, %cond3A_68 : i32
    scf.if %cond3A_69 {
      %add3A_114 = arith.constant 96 : i32
      %add3A_115 = arith.addi %reduce_max3A_21, %add3A_114 : i32
      %min3A = arith.constant 99904 : i32
      %min3A_116 = arith.minsi %add3A_115, %min3A : i32
      %mul3A_117 = arith.constant 512 : i32
      %mul3A_118 = arith.muli %min3A_116, %mul3A_117 : i32
      %multiple_of3A_119 = tpu.assume_multiple %mul3A_118, 512 : i32
      %dma_start3A = tpu.memref_slice %arg2[%multiple_of3A_119] : memref<51200000xf32, #tpu.memory_space<hbm>> -> memref<49152xf32, #tpu.memory_space<hbm>>
      %dma_start3A_120 = tpu.memref_slice %arg2[%multiple_of3A_119] : memref<51200000xf32, #tpu.memory_space<hbm>> -> memref<49152xf32, #tpu.memory_space<hbm>>
      tpu.enqueue_dma source(%dma_start3A_120 : memref<49152xf32, #tpu.memory_space<hbm>>) target(%arg6 : memref<49152xf32, #tpu.memory_space<vmem>>) target_semaphore(%arg10 : memref<!tpu.dma_semaphore, #tpu.memory_space<semaphore_mem>>)
    } else {
    }
    %add3A_70 = arith.constant 1 : i32
    %add3A_71 = arith.addi %select_n3A_62, %add3A_70 : i32
    %jit3A_72 = arith.constant 2 : i32
    %div3A_73 = arith.divsi %add3A_71, %jit3A_72 : i32
    %sign3A_74 = arith.constant 0 : i32
    %sign3A_75 = arith.cmpi sgt, %add3A_71, %sign3A_74 : i32
    %sign3A_76 = arith.extui %sign3A_75 : i1 to i32
    %sign3A_77 = arith.constant 0 : i32
    %sign3A_78 = arith.cmpi slt, %add3A_71, %sign3A_77 : i32
    %sign3A_79 = arith.extui %sign3A_78 : i1 to i32
    %sign3A_80 = arith.subi %sign3A_76, %sign3A_79 : i32
    %sign3A_81 = arith.constant 0 : i32
    %sign3A_82 = arith.cmpi sgt, %jit3A_72, %sign3A_81 : i32
    %sign3A_83 = arith.extui %sign3A_82 : i1 to i32
    %sign3A_84 = arith.constant 0 : i32
    %sign3A_85 = arith.cmpi slt, %jit3A_72, %sign3A_84 : i32
    %sign3A_86 = arith.extui %sign3A_85 : i1 to i32
    %sign3A_87 = arith.subi %sign3A_83, %sign3A_86 : i32
    %ne3A_88 = arith.cmpi ne, %sign3A_80, %sign3A_87 : i32
    %rem3A_89 = arith.remsi %add3A_71, %jit3A_72 : i32
    %ne3A_90 = arith.constant 0 : i32
    %ne3A_91 = arith.cmpi ne, %rem3A_89, %ne3A_90 : i32
    %and3A_92 = arith.andi %ne3A_88, %ne3A_91 : i1
    %sub3A_93 = arith.constant 1 : i32
    %sub3A_94 = arith.subi %div3A_73, %sub3A_93 : i32
    %select_n3A_95 = arith.select %and3A_92, %sub3A_94, %div3A_73 : i32
    %while3A = arith.constant 0 : i32
    %while3A_96 = arith.subi %select_n3A_95, %while3A : i32
    %while3A_97 = arith.addi %while3A, %while3A_96 : i32
    %while3A_98 = arith.constant 1 : i32
    %while3A_99 = arith.divsi %while3A_96, %while3A_98 : i32
    %while3A_100 = arith.muli %while3A_99, %while3A_98 : i32
    %while3A_101 = arith.addi %while3A, %while3A_100 : i32
    %while3A_102 = arith.constant 1 : i32
    %while3A_103:33 = scf.for %while3A_114 = %while3A to %while3A_101 step %while3A_102 iter_args(%while3A_115 = %mul3A_2, %while3A_116 = %broadcast_in_dim3A_3, %while3A_117 = %broadcast_in_dim3A_3, %while3A_118 = %broadcast_in_dim3A_3, %while3A_119 = %broadcast_in_dim3A_3, %while3A_120 = %broadcast_in_dim3A_3, %while3A_121 = %broadcast_in_dim3A_3, %while3A_122 = %broadcast_in_dim3A_3, %while3A_123 = %broadcast_in_dim3A_3, %while3A_124 = %broadcast_in_dim3A_3, %while3A_125 = %broadcast_in_dim3A_3, %while3A_126 = %broadcast_in_dim3A_3, %while3A_127 = %broadcast_in_dim3A_3, %while3A_128 = %broadcast_in_dim3A_3, %while3A_129 = %broadcast_in_dim3A_3, %while3A_130 = %broadcast_in_dim3A_3, %while3A_131 = %broadcast_in_dim3A_3, %while3A_132 = %broadcast_in_dim3A_3, %while3A_133 = %broadcast_in_dim3A_3, %while3A_134 = %broadcast_in_dim3A_3, %while3A_135 = %broadcast_in_dim3A_3, %while3A_136 = %broadcast_in_dim3A_3, %while3A_137 = %broadcast_in_dim3A_3, %while3A_138 = %broadcast_in_dim3A_3, %while3A_139 = %broadcast_in_dim3A_3, %while3A_140 = %broadcast_in_dim3A_3, %while3A_141 = %broadcast_in_dim3A_3, %while3A_142 = %broadcast_in_dim3A_3, %while3A_143 = %broadcast_in_dim3A_3, %while3A_144 = %broadcast_in_dim3A_3, %while3A_145 = %broadcast_in_dim3A_3, %while3A_146 = %broadcast_in_dim3A_3, %while3A_147 = %broadcast_in_dim3A_3) -> (i32, vector<16xf32>, vector<16xf32>, vector<16xf32>, vector<16xf32>, vector<16xf32>, vector<16xf32>, vector<16xf32>, vector<16xf32>, vector<16xf32>, vector<16xf32>, vector<16xf32>, vector<16xf32>, vector<16xf32>, vector<16xf32>, vector<16xf32>, vector<16xf32>, vector<16xf32>, vector<16xf32>, vector<16xf32>, vector<16xf32>, vector<16xf32>, vector<16xf32>, vector<16xf32>, vector<16xf32>, vector<16xf32>, vector<16xf32>, vector<16xf32>, vector<16xf32>, vector<16xf32>, vector<16xf32>, vector<16xf32>, vector<16xf32>)  : i32 {
      %mul3A_148 = arith.constant 2 : i32
      %mul3A_149 = arith.muli %while3A_114, %mul3A_148 : i32
      %add3A_150 = arith.constant 0 : i32
      %add3A_151 = arith.addi %mul3A_149, %add3A_150 : i32
      %lt3A_152 = arith.cmpi slt, %add3A_151, %select_n3A_62 : i32
      %convert_element_type3A_153 = arith.extui %lt3A_152 : i1 to i32
      %cond3A_154 = arith.constant 0 : i32
      %cond3A_155 = arith.cmpi ne, %convert_element_type3A_153, %cond3A_154 : i32
      %cond3A_156:33 = scf.if %cond3A_155 -> (i32, vector<16xf32>, vector<16xf32>, vector<16xf32>, vector<16xf32>, vector<16xf32>, vector<16xf32>, vector<16xf32>, vector<16xf32>, vector<16xf32>, vector<16xf32>, vector<16xf32>, vector<16xf32>, vector<16xf32>, vector<16xf32>, vector<16xf32>, vector<16xf32>, vector<16xf32>, vector<16xf32>, vector<16xf32>, vector<16xf32>, vector<16xf32>, vector<16xf32>, vector<16xf32>, vector<16xf32>, vector<16xf32>, vector<16xf32>, vector<16xf32>, vector<16xf32>, vector<16xf32>, vector<16xf32>, vector<16xf32>, vector<16xf32>) {
        %dma_wait3A = arith.constant 0 : i32
        %dma_wait3A_166 = tpu.memref_slice %arg2[%dma_wait3A] : memref<51200000xf32, #tpu.memory_space<hbm>> -> memref<49152xf32, #tpu.memory_space<hbm>>
        %dma_wait3A_167 = arith.constant 0 : i32
        %dma_wait3A_168 = tpu.memref_slice %arg2[%dma_wait3A_167] : memref<51200000xf32, #tpu.memory_space<hbm>> -> memref<49152xf32, #tpu.memory_space<hbm>>
        tpu.wait_dma2 semaphore(%arg9 : memref<!tpu.dma_semaphore, #tpu.memory_space<semaphore_mem>>) src(%dma_wait3A_168 : memref<49152xf32, #tpu.memory_space<hbm>>) dst(%arg5 : memref<49152xf32, #tpu.memory_space<vmem>>)
        %mul3A_169 = arith.constant 96 : i32
        %mul3A_170 = arith.muli %add3A_151, %mul3A_169 : i32
        %add3A_171 = arith.addi %reduce_max3A_21, %mul3A_170 : i32
        %min3A = arith.constant 99904 : i32
        %min3A_172 = arith.minsi %add3A_171, %min3A : i32
        %add3A_173 = arith.constant 96 : i32
        %add3A_174 = arith.addi %add3A_171, %add3A_173 : i32
        %min3A_175 = arith.minsi %add3A_174, %reduce_max3A_39 : i32
        %while3A_176:34 = scf.while (%while3A_183 = %add3A_171, %while3A_184 = %while3A_115, %while3A_185 = %while3A_116, %while3A_186 = %while3A_117, %while3A_187 = %while3A_118, %while3A_188 = %while3A_119, %while3A_189 = %while3A_120, %while3A_190 = %while3A_121, %while3A_191 = %while3A_122, %while3A_192 = %while3A_123, %while3A_193 = %while3A_124, %while3A_194 = %while3A_125, %while3A_195 = %while3A_126, %while3A_196 = %while3A_127, %while3A_197 = %while3A_128, %while3A_198 = %while3A_129, %while3A_199 = %while3A_130, %while3A_200 = %while3A_131, %while3A_201 = %while3A_132, %while3A_202 = %while3A_133, %while3A_203 = %while3A_134, %while3A_204 = %while3A_135, %while3A_205 = %while3A_136, %while3A_206 = %while3A_137, %while3A_207 = %while3A_138, %while3A_208 = %while3A_139, %while3A_209 = %while3A_140, %while3A_210 = %while3A_141, %while3A_211 = %while3A_142, %while3A_212 = %while3A_143, %while3A_213 = %while3A_144, %while3A_214 = %while3A_145, %while3A_215 = %while3A_146, %while3A_216 = %while3A_147) : (i32, i32, vector<16xf32>, vector<16xf32>, vector<16xf32>, vector<16xf32>, vector<16xf32>, vector<16xf32>, vector<16xf32>, vector<16xf32>, vector<16xf32>, vector<16xf32>, vector<16xf32>, vector<16xf32>, vector<16xf32>, vector<16xf32>, vector<16xf32>, vector<16xf32>, vector<16xf32>, vector<16xf32>, vector<16xf32>, vector<16xf32>, vector<16xf32>, vector<16xf32>, vector<16xf32>, vector<16xf32>, vector<16xf32>, vector<16xf32>, vector<16xf32>, vector<16xf32>, vector<16xf32>, vector<16xf32>, vector<16xf32>, vector<16xf32>) -> (i32, i32, vector<16xf32>, vector<16xf32>, vector<16xf32>, vector<16xf32>, vector<16xf32>, vector<16xf32>, vector<16xf32>, vector<16xf32>, vector<16xf32>, vector<16xf32>, vector<16xf32>, vector<16xf32>, vector<16xf32>, vector<16xf32>, vector<16xf32>, vector<16xf32>, vector<16xf32>, vector<16xf32>, vector<16xf32>, vector<16xf32>, vector<16xf32>, vector<16xf32>, vector<16xf32>, vector<16xf32>, vector<16xf32>, vector<16xf32>, vector<16xf32>, vector<16xf32>, vector<16xf32>, vector<16xf32>, vector<16xf32>, vector<16xf32>) {
          %lt3A_217 = arith.cmpi slt, %while3A_183, %min3A_175 : i32
          scf.condition(%lt3A_217) %while3A_183, %while3A_184, %while3A_185, %while3A_186, %while3A_187, %while3A_188, %while3A_189, %while3A_190, %while3A_191, %while3A_192, %while3A_193, %while3A_194, %while3A_195, %while3A_196, %while3A_197, %while3A_198, %while3A_199, %while3A_200, %while3A_201, %while3A_202, %while3A_203, %while3A_204, %while3A_205, %while3A_206, %while3A_207, %while3A_208, %while3A_209, %while3A_210, %while3A_211, %while3A_212, %while3A_213, %while3A_214, %while3A_215, %while3A_216 : i32, i32, vector<16xf32>, vector<16xf32>, vector<16xf32>, vector<16xf32>, vector<16xf32>, vector<16xf32>, vector<16xf32>, vector<16xf32>, vector<16xf32>, vector<16xf32>, vector<16xf32>, vector<16xf32>, vector<16xf32>, vector<16xf32>, vector<16xf32>, vector<16xf32>, vector<16xf32>, vector<16xf32>, vector<16xf32>, vector<16xf32>, vector<16xf32>, vector<16xf32>, vector<16xf32>, vector<16xf32>, vector<16xf32>, vector<16xf32>, vector<16xf32>, vector<16xf32>, vector<16xf32>, vector<16xf32>, vector<16xf32>, vector<16xf32>
        } do {
        ^bb0(%while3A_183: i32, %while3A_184: i32, %while3A_185: vector<16xf32>, %while3A_186: vector<16xf32>, %while3A_187: vector<16xf32>, %while3A_188: vector<16xf32>, %while3A_189: vector<16xf32>, %while3A_190: vector<16xf32>, %while3A_191: vector<16xf32>, %while3A_192: vector<16xf32>, %while3A_193: vector<16xf32>, %while3A_194: vector<16xf32>, %while3A_195: vector<16xf32>, %while3A_196: vector<16xf32>, %while3A_197: vector<16xf32>, %while3A_198: vector<16xf32>, %while3A_199: vector<16xf32>, %while3A_200: vector<16xf32>, %while3A_201: vector<16xf32>, %while3A_202: vector<16xf32>, %while3A_203: vector<16xf32>, %while3A_204: vector<16xf32>, %while3A_205: vector<16xf32>, %while3A_206: vector<16xf32>, %while3A_207: vector<16xf32>, %while3A_208: vector<16xf32>, %while3A_209: vector<16xf32>, %while3A_210: vector<16xf32>, %while3A_211: vector<16xf32>, %while3A_212: vector<16xf32>, %while3A_213: vector<16xf32>, %while3A_214: vector<16xf32>, %while3A_215: vector<16xf32>, %while3A_216: vector<16xf32>):
          %sub3A_217 = arith.subi %while3A_184, %mul3A_2 : i32
          %add3A_218 = arith.constant 1 : i32
          %add3A_219 = arith.addi %sub3A_217, %add3A_218 : i32
          %jit3A_220 = arith.constant 16 : i32
          %div3A_221 = arith.divsi %add3A_219, %jit3A_220 : i32
          %sign3A_222 = arith.constant 0 : i32
          %sign3A_223 = arith.cmpi sgt, %add3A_219, %sign3A_222 : i32
          %sign3A_224 = arith.extui %sign3A_223 : i1 to i32
          %sign3A_225 = arith.constant 0 : i32
          %sign3A_226 = arith.cmpi slt, %add3A_219, %sign3A_225 : i32
          %sign3A_227 = arith.extui %sign3A_226 : i1 to i32
          %sign3A_228 = arith.subi %sign3A_224, %sign3A_227 : i32
          %sign3A_229 = arith.constant 0 : i32
          %sign3A_230 = arith.cmpi sgt, %jit3A_220, %sign3A_229 : i32
          %sign3A_231 = arith.extui %sign3A_230 : i1 to i32
          %sign3A_232 = arith.constant 0 : i32
          %sign3A_233 = arith.cmpi slt, %jit3A_220, %sign3A_232 : i32
          %sign3A_234 = arith.extui %sign3A_233 : i1 to i32
          %sign3A_235 = arith.subi %sign3A_231, %sign3A_234 : i32
          %ne3A_236 = arith.cmpi ne, %sign3A_228, %sign3A_235 : i32
          %rem3A_237 = arith.remsi %add3A_219, %jit3A_220 : i32
          %ne3A_238 = arith.constant 0 : i32
          %ne3A_239 = arith.cmpi ne, %rem3A_237, %ne3A_238 : i32
          %and3A_240 = arith.andi %ne3A_236, %ne3A_239 : i1
          %sub3A_241 = arith.constant 1 : i32
          %sub3A_242 = arith.subi %div3A_221, %sub3A_241 : i32
          %select_n3A_243 = arith.select %and3A_240, %sub3A_242, %div3A_221 : i32
          %mul3A_244 = arith.constant 16 : i32
          %mul3A_245 = arith.muli %select_n3A_243, %mul3A_244 : i32
          %multiple_of3A_246 = tpu.assume_multiple %mul3A_245, 16 : i32
          %get3A_247 = arith.index_cast %multiple_of3A_246 : i32 to index
          %get3A_248 = tpu.vector_load %arg7[%get3A_247] {strides = array<i32>} : memref<48xi32, #tpu.memory_space<vmem>>, vector<16xi32>,
          %sub3A_249 = arith.subi %add3A_219, %mul3A_245 : i32
          %eq3A_250 = vector.broadcast %sub3A_249 : i32 to vector<16xi32>
          %eq3A_251 = arith.cmpi eq, %iota3A, %eq3A_250 : vector<16xi32>
          %jit3A_252 = arith.constant -2147483648 : i32
          %broadcast_in_dim3A_253 = vector.broadcast %jit3A_252 : i32 to vector<16xi32>
          %select_n3A_254 = arith.select %eq3A_251, %get3A_248, %broadcast_in_dim3A_253 : vector<16xi1>, vector<16xi32>
          %reduce_max3A_255 = arith.constant true
          %reduce_max3A_256 = vector.broadcast %reduce_max3A_255 : i1 to vector<16xi1>
          %reduce_max3A_257 = arith.constant -2147483648 : i32
          %reduce_max3A_258 = vector.broadcast %reduce_max3A_257 : i32 to vector<16xi32>
          %reduce_max3A_259 = arith.xori %select_n3A_254, %reduce_max3A_258 : vector<16xi32>
          %reduce_max3A_260 = tpu.scan <max>, %reduce_max3A_259 masked %reduce_max3A_256 : vector<16xi32>, vector<16xi1> -> vector<16xi32>
          %reduce_max3A_261 = arith.xori %reduce_max3A_260, %reduce_max3A_258 : vector<16xi32>
          %reduce_max3A_262 = vector.extract %reduce_max3A_261[15] : i32 from vector<16xi32>
          %min3A_263 = arith.minsi %reduce_max3A_262, %min3A_175 : i32
          %sub3A_264 = arith.subi %while3A_183, %min3A_172 : i32
          %sub3A_265 = arith.subi %min3A_263, %while3A_183 : i32
          %while3A_266 = arith.constant 0 : i32
          %while3A_267 = arith.subi %sub3A_265, %while3A_266 : i32
          %while3A_268 = arith.addi %while3A_266, %while3A_267 : i32
          %while3A_269 = arith.constant 1 : i32
          %while3A_270 = arith.divsi %while3A_267, %while3A_269 : i32
          %while3A_271 = arith.muli %while3A_270, %while3A_269 : i32
          %while3A_272 = arith.addi %while3A_266, %while3A_271 : i32
          %while3A_273 = arith.constant 1 : i32
          %while3A_274:32 = scf.for %while3A_281 = %while3A_266 to %while3A_272 step %while3A_273 iter_args(%while3A_282 = %while3A_185, %while3A_283 = %while3A_186, %while3A_284 = %while3A_187, %while3A_285 = %while3A_188, %while3A_286 = %while3A_189, %while3A_287 = %while3A_190, %while3A_288 = %while3A_191, %while3A_289 = %while3A_192, %while3A_290 = %while3A_193, %while3A_291 = %while3A_194, %while3A_292 = %while3A_195, %while3A_293 = %while3A_196, %while3A_294 = %while3A_197, %while3A_295 = %while3A_198, %while3A_296 = %while3A_199, %while3A_297 = %while3A_200, %while3A_298 = %while3A_201, %while3A_299 = %while3A_202, %while3A_300 = %while3A_203, %while3A_301 = %while3A_204, %while3A_302 = %while3A_205, %while3A_303 = %while3A_206, %while3A_304 = %while3A_207, %while3A_305 = %while3A_208, %while3A_306 = %while3A_209, %while3A_307 = %while3A_210, %while3A_308 = %while3A_211, %while3A_309 = %while3A_212, %while3A_310 = %while3A_213, %while3A_311 = %while3A_214, %while3A_312 = %while3A_215, %while3A_313 = %while3A_216) -> (vector<16xf32>, vector<16xf32>, vector<16xf32>, vector<16xf32>, vector<16xf32>, vector<16xf32>, vector<16xf32>, vector<16xf32>, vector<16xf32>, vector<16xf32>, vector<16xf32>, vector<16xf32>, vector<16xf32>, vector<16xf32>, vector<16xf32>, vector<16xf32>, vector<16xf32>, vector<16xf32>, vector<16xf32>, vector<16xf32>, vector<16xf32>, vector<16xf32>, vector<16xf32>, vector<16xf32>, vector<16xf32>, vector<16xf32>, vector<16xf32>, vector<16xf32>, vector<16xf32>, vector<16xf32>, vector<16xf32>, vector<16xf32>)  : i32 {
            %add3A_314 = arith.addi %sub3A_264, %while3A_281 : i32
            %mul3A_315 = arith.constant 512 : i32
            %mul3A_316 = arith.muli %add3A_314, %mul3A_315 : i32
            %add3A_317 = arith.constant 0 : i32
            %add3A_318 = arith.addi %mul3A_316, %add3A_317 : i32
            %get3A_319 = arith.index_cast %add3A_318 : i32 to index
            %get3A_320 = tpu.vector_load %arg5[%get3A_319] {strides = array<i32>} : memref<49152xf32, #tpu.memory_space<vmem>>, vector<16xf32>,
            %add3A_321 = arith.addf %while3A_282, %get3A_320 : vector<16xf32>
            %add3A_322 = arith.constant 16 : i32
            %add3A_323 = arith.addi %mul3A_316, %add3A_322 : i32
            %get3A_324 = arith.index_cast %add3A_323 : i32 to index
            %get3A_325 = tpu.vector_load %arg5[%get3A_324] {strides = array<i32>} : memref<49152xf32, #tpu.memory_space<vmem>>, vector<16xf32>,
            %add3A_326 = arith.addf %while3A_283, %get3A_325 : vector<16xf32>
            %add3A_327 = arith.constant 32 : i32
            %add3A_328 = arith.addi %mul3A_316, %add3A_327 : i32
            %get3A_329 = arith.index_cast %add3A_328 : i32 to index
            %get3A_330 = tpu.vector_load %arg5[%get3A_329] {strides = array<i32>} : memref<49152xf32, #tpu.memory_space<vmem>>, vector<16xf32>,
            %add3A_331 = arith.addf %while3A_284, %get3A_330 : vector<16xf32>
            %add3A_332 = arith.constant 48 : i32
            %add3A_333 = arith.addi %mul3A_316, %add3A_332 : i32
            %get3A_334 = arith.index_cast %add3A_333 : i32 to index
            %get3A_335 = tpu.vector_load %arg5[%get3A_334] {strides = array<i32>} : memref<49152xf32, #tpu.memory_space<vmem>>, vector<16xf32>,
            %add3A_336 = arith.addf %while3A_285, %get3A_335 : vector<16xf32>
            %add3A_337 = arith.constant 64 : i32
            %add3A_338 = arith.addi %mul3A_316, %add3A_337 : i32
            %get3A_339 = arith.index_cast %add3A_338 : i32 to index
            %get3A_340 = tpu.vector_load %arg5[%get3A_339] {strides = array<i32>} : memref<49152xf32, #tpu.memory_space<vmem>>, vector<16xf32>,
            %add3A_341 = arith.addf %while3A_286, %get3A_340 : vector<16xf32>
            %add3A_342 = arith.constant 80 : i32
            %add3A_343 = arith.addi %mul3A_316, %add3A_342 : i32
            %get3A_344 = arith.index_cast %add3A_343 : i32 to index
            %get3A_345 = tpu.vector_load %arg5[%get3A_344] {strides = array<i32>} : memref<49152xf32, #tpu.memory_space<vmem>>, vector<16xf32>,
            %add3A_346 = arith.addf %while3A_287, %get3A_345 : vector<16xf32>
            %add3A_347 = arith.constant 96 : i32
            %add3A_348 = arith.addi %mul3A_316, %add3A_347 : i32
            %get3A_349 = arith.index_cast %add3A_348 : i32 to index
            %get3A_350 = tpu.vector_load %arg5[%get3A_349] {strides = array<i32>} : memref<49152xf32, #tpu.memory_space<vmem>>, vector<16xf32>,
            %add3A_351 = arith.addf %while3A_288, %get3A_350 : vector<16xf32>
            %add3A_352 = arith.constant 112 : i32
            %add3A_353 = arith.addi %mul3A_316, %add3A_352 : i32
            %get3A_354 = arith.index_cast %add3A_353 : i32 to index
            %get3A_355 = tpu.vector_load %arg5[%get3A_354] {strides = array<i32>} : memref<49152xf32, #tpu.memory_space<vmem>>, vector<16xf32>,
            %add3A_356 = arith.addf %while3A_289, %get3A_355 : vector<16xf32>
            %add3A_357 = arith.constant 128 : i32
            %add3A_358 = arith.addi %mul3A_316, %add3A_357 : i32
            %get3A_359 = arith.index_cast %add3A_358 : i32 to index
            %get3A_360 = tpu.vector_load %arg5[%get3A_359] {strides = array<i32>} : memref<49152xf32, #tpu.memory_space<vmem>>, vector<16xf32>,
            %add3A_361 = arith.addf %while3A_290, %get3A_360 : vector<16xf32>
            %add3A_362 = arith.constant 144 : i32
            %add3A_363 = arith.addi %mul3A_316, %add3A_362 : i32
            %get3A_364 = arith.index_cast %add3A_363 : i32 to index
            %get3A_365 = tpu.vector_load %arg5[%get3A_364] {strides = array<i32>} : memref<49152xf32, #tpu.memory_space<vmem>>, vector<16xf32>,
            %add3A_366 = arith.addf %while3A_291, %get3A_365 : vector<16xf32>
            %add3A_367 = arith.constant 160 : i32
            %add3A_368 = arith.addi %mul3A_316, %add3A_367 : i32
            %get3A_369 = arith.index_cast %add3A_368 : i32 to index
            %get3A_370 = tpu.vector_load %arg5[%get3A_369] {strides = array<i32>} : memref<49152xf32, #tpu.memory_space<vmem>>, vector<16xf32>,
            %add3A_371 = arith.addf %while3A_292, %get3A_370 : vector<16xf32>
            %add3A_372 = arith.constant 176 : i32
            %add3A_373 = arith.addi %mul3A_316, %add3A_372 : i32
            %get3A_374 = arith.index_cast %add3A_373 : i32 to index
            %get3A_375 = tpu.vector_load %arg5[%get3A_374] {strides = array<i32>} : memref<49152xf32, #tpu.memory_space<vmem>>, vector<16xf32>,
            %add3A_376 = arith.addf %while3A_293, %get3A_375 : vector<16xf32>
            %add3A_377 = arith.constant 192 : i32
            %add3A_378 = arith.addi %mul3A_316, %add3A_377 : i32
            %get3A_379 = arith.index_cast %add3A_378 : i32 to index
            %get3A_380 = tpu.vector_load %arg5[%get3A_379] {strides = array<i32>} : memref<49152xf32, #tpu.memory_space<vmem>>, vector<16xf32>,
            %add3A_381 = arith.addf %while3A_294, %get3A_380 : vector<16xf32>
            %add3A_382 = arith.constant 208 : i32
            %add3A_383 = arith.addi %mul3A_316, %add3A_382 : i32
            %get3A_384 = arith.index_cast %add3A_383 : i32 to index
            %get3A_385 = tpu.vector_load %arg5[%get3A_384] {strides = array<i32>} : memref<49152xf32, #tpu.memory_space<vmem>>, vector<16xf32>,
            %add3A_386 = arith.addf %while3A_295, %get3A_385 : vector<16xf32>
            %add3A_387 = arith.constant 224 : i32
            %add3A_388 = arith.addi %mul3A_316, %add3A_387 : i32
            %get3A_389 = arith.index_cast %add3A_388 : i32 to index
            %get3A_390 = tpu.vector_load %arg5[%get3A_389] {strides = array<i32>} : memref<49152xf32, #tpu.memory_space<vmem>>, vector<16xf32>,
            %add3A_391 = arith.addf %while3A_296, %get3A_390 : vector<16xf32>
            %add3A_392 = arith.constant 240 : i32
            %add3A_393 = arith.addi %mul3A_316, %add3A_392 : i32
            %get3A_394 = arith.index_cast %add3A_393 : i32 to index
            %get3A_395 = tpu.vector_load %arg5[%get3A_394] {strides = array<i32>} : memref<49152xf32, #tpu.memory_space<vmem>>, vector<16xf32>,
            %add3A_396 = arith.addf %while3A_297, %get3A_395 : vector<16xf32>
            %add3A_397 = arith.constant 256 : i32
            %add3A_398 = arith.addi %mul3A_316, %add3A_397 : i32
            %get3A_399 = arith.index_cast %add3A_398 : i32 to index
            %get3A_400 = tpu.vector_load %arg5[%get3A_399] {strides = array<i32>} : memref<49152xf32, #tpu.memory_space<vmem>>, vector<16xf32>,
            %add3A_401 = arith.addf %while3A_298, %get3A_400 : vector<16xf32>
            %add3A_402 = arith.constant 272 : i32
            %add3A_403 = arith.addi %mul3A_316, %add3A_402 : i32
            %get3A_404 = arith.index_cast %add3A_403 : i32 to index
            %get3A_405 = tpu.vector_load %arg5[%get3A_404] {strides = array<i32>} : memref<49152xf32, #tpu.memory_space<vmem>>, vector<16xf32>,
            %add3A_406 = arith.addf %while3A_299, %get3A_405 : vector<16xf32>
            %add3A_407 = arith.constant 288 : i32
            %add3A_408 = arith.addi %mul3A_316, %add3A_407 : i32
            %get3A_409 = arith.index_cast %add3A_408 : i32 to index
            %get3A_410 = tpu.vector_load %arg5[%get3A_409] {strides = array<i32>} : memref<49152xf32, #tpu.memory_space<vmem>>, vector<16xf32>,
            %add3A_411 = arith.addf %while3A_300, %get3A_410 : vector<16xf32>
            %add3A_412 = arith.constant 304 : i32
            %add3A_413 = arith.addi %mul3A_316, %add3A_412 : i32
            %get3A_414 = arith.index_cast %add3A_413 : i32 to index
            %get3A_415 = tpu.vector_load %arg5[%get3A_414] {strides = array<i32>} : memref<49152xf32, #tpu.memory_space<vmem>>, vector<16xf32>,
            %add3A_416 = arith.addf %while3A_301, %get3A_415 : vector<16xf32>
            %add3A_417 = arith.constant 320 : i32
            %add3A_418 = arith.addi %mul3A_316, %add3A_417 : i32
            %get3A_419 = arith.index_cast %add3A_418 : i32 to index
            %get3A_420 = tpu.vector_load %arg5[%get3A_419] {strides = array<i32>} : memref<49152xf32, #tpu.memory_space<vmem>>, vector<16xf32>,
            %add3A_421 = arith.addf %while3A_302, %get3A_420 : vector<16xf32>
            %add3A_422 = arith.constant 336 : i32
            %add3A_423 = arith.addi %mul3A_316, %add3A_422 : i32
            %get3A_424 = arith.index_cast %add3A_423 : i32 to index
            %get3A_425 = tpu.vector_load %arg5[%get3A_424] {strides = array<i32>} : memref<49152xf32, #tpu.memory_space<vmem>>, vector<16xf32>,
            %add3A_426 = arith.addf %while3A_303, %get3A_425 : vector<16xf32>
            %add3A_427 = arith.constant 352 : i32
            %add3A_428 = arith.addi %mul3A_316, %add3A_427 : i32
            %get3A_429 = arith.index_cast %add3A_428 : i32 to index
            %get3A_430 = tpu.vector_load %arg5[%get3A_429] {strides = array<i32>} : memref<49152xf32, #tpu.memory_space<vmem>>, vector<16xf32>,
            %add3A_431 = arith.addf %while3A_304, %get3A_430 : vector<16xf32>
            %add3A_432 = arith.constant 368 : i32
            %add3A_433 = arith.addi %mul3A_316, %add3A_432 : i32
            %get3A_434 = arith.index_cast %add3A_433 : i32 to index
            %get3A_435 = tpu.vector_load %arg5[%get3A_434] {strides = array<i32>} : memref<49152xf32, #tpu.memory_space<vmem>>, vector<16xf32>,
            %add3A_436 = arith.addf %while3A_305, %get3A_435 : vector<16xf32>
            %add3A_437 = arith.constant 384 : i32
            %add3A_438 = arith.addi %mul3A_316, %add3A_437 : i32
            %get3A_439 = arith.index_cast %add3A_438 : i32 to index
            %get3A_440 = tpu.vector_load %arg5[%get3A_439] {strides = array<i32>} : memref<49152xf32, #tpu.memory_space<vmem>>, vector<16xf32>,
            %add3A_441 = arith.addf %while3A_306, %get3A_440 : vector<16xf32>
            %add3A_442 = arith.constant 400 : i32
            %add3A_443 = arith.addi %mul3A_316, %add3A_442 : i32
            %get3A_444 = arith.index_cast %add3A_443 : i32 to index
            %get3A_445 = tpu.vector_load %arg5[%get3A_444] {strides = array<i32>} : memref<49152xf32, #tpu.memory_space<vmem>>, vector<16xf32>,
            %add3A_446 = arith.addf %while3A_307, %get3A_445 : vector<16xf32>
            %add3A_447 = arith.constant 416 : i32
            %add3A_448 = arith.addi %mul3A_316, %add3A_447 : i32
            %get3A_449 = arith.index_cast %add3A_448 : i32 to index
            %get3A_450 = tpu.vector_load %arg5[%get3A_449] {strides = array<i32>} : memref<49152xf32, #tpu.memory_space<vmem>>, vector<16xf32>,
            %add3A_451 = arith.addf %while3A_308, %get3A_450 : vector<16xf32>
            %add3A_452 = arith.constant 432 : i32
            %add3A_453 = arith.addi %mul3A_316, %add3A_452 : i32
            %get3A_454 = arith.index_cast %add3A_453 : i32 to index
            %get3A_455 = tpu.vector_load %arg5[%get3A_454] {strides = array<i32>} : memref<49152xf32, #tpu.memory_space<vmem>>, vector<16xf32>,
            %add3A_456 = arith.addf %while3A_309, %get3A_455 : vector<16xf32>
            %add3A_457 = arith.constant 448 : i32
            %add3A_458 = arith.addi %mul3A_316, %add3A_457 : i32
            %get3A_459 = arith.index_cast %add3A_458 : i32 to index
            %get3A_460 = tpu.vector_load %arg5[%get3A_459] {strides = array<i32>} : memref<49152xf32, #tpu.memory_space<vmem>>, vector<16xf32>,
            %add3A_461 = arith.addf %while3A_310, %get3A_460 : vector<16xf32>
            %add3A_462 = arith.constant 464 : i32
            %add3A_463 = arith.addi %mul3A_316, %add3A_462 : i32
            %get3A_464 = arith.index_cast %add3A_463 : i32 to index
            %get3A_465 = tpu.vector_load %arg5[%get3A_464] {strides = array<i32>} : memref<49152xf32, #tpu.memory_space<vmem>>, vector<16xf32>,
            %add3A_466 = arith.addf %while3A_311, %get3A_465 : vector<16xf32>
            %add3A_467 = arith.constant 480 : i32
            %add3A_468 = arith.addi %mul3A_316, %add3A_467 : i32
            %get3A_469 = arith.index_cast %add3A_468 : i32 to index
            %get3A_470 = tpu.vector_load %arg5[%get3A_469] {strides = array<i32>} : memref<49152xf32, #tpu.memory_space<vmem>>, vector<16xf32>,
            %add3A_471 = arith.addf %while3A_312, %get3A_470 : vector<16xf32>
            %add3A_472 = arith.constant 496 : i32
            %add3A_473 = arith.addi %mul3A_316, %add3A_472 : i32
            %get3A_474 = arith.index_cast %add3A_473 : i32 to index
            %get3A_475 = tpu.vector_load %arg5[%get3A_474] {strides = array<i32>} : memref<49152xf32, #tpu.memory_space<vmem>>, vector<16xf32>,
            %add3A_476 = arith.addf %while3A_313, %get3A_475 : vector<16xf32>
            scf.yield %add3A_321, %add3A_326, %add3A_331, %add3A_336, %add3A_341, %add3A_346, %add3A_351, %add3A_356, %add3A_361, %add3A_366, %add3A_371, %add3A_376, %add3A_381, %add3A_386, %add3A_391, %add3A_396, %add3A_401, %add3A_406, %add3A_411, %add3A_416, %add3A_421, %add3A_426, %add3A_431, %add3A_436, %add3A_441, %add3A_446, %add3A_451, %add3A_456, %add3A_461, %add3A_466, %add3A_471, %add3A_476 : vector<16xf32>, vector<16xf32>, vector<16xf32>, vector<16xf32>, vector<16xf32>, vector<16xf32>, vector<16xf32>, vector<16xf32>, vector<16xf32>, vector<16xf32>, vector<16xf32>, vector<16xf32>, vector<16xf32>, vector<16xf32>, vector<16xf32>, vector<16xf32>, vector<16xf32>, vector<16xf32>, vector<16xf32>, vector<16xf32>, vector<16xf32>, vector<16xf32>, vector<16xf32>, vector<16xf32>, vector<16xf32>, vector<16xf32>, vector<16xf32>, vector<16xf32>, vector<16xf32>, vector<16xf32>, vector<16xf32>, vector<16xf32>
          }
          %while3A_275 = arith.constant 1 : i32
          %while3A_276:32 = scf.for %while3A_281 = %while3A_272 to %while3A_268 step %while3A_275 iter_args(%while3A_282 = %while3A_274#0, %while3A_283 = %while3A_274#1, %while3A_284 = %while3A_274#2, %while3A_285 = %while3A_274#3, %while3A_286 = %while3A_274#4, %while3A_287 = %while3A_274#5, %while3A_288 = %while3A_274#6, %while3A_289 = %while3A_274#7, %while3A_290 = %while3A_274#8, %while3A_291 = %while3A_274#9, %while3A_292 = %while3A_274#10, %while3A_293 = %while3A_274#11, %while3A_294 = %while3A_274#12, %while3A_295 = %while3A_274#13, %while3A_296 = %while3A_274#14, %while3A_297 = %while3A_274#15, %while3A_298 = %while3A_274#16, %while3A_299 = %while3A_274#17, %while3A_300 = %while3A_274#18, %while3A_301 = %while3A_274#19, %while3A_302 = %while3A_274#20, %while3A_303 = %while3A_274#21, %while3A_304 = %while3A_274#22, %while3A_305 = %while3A_274#23, %while3A_306 = %while3A_274#24, %while3A_307 = %while3A_274#25, %while3A_308 = %while3A_274#26, %while3A_309 = %while3A_274#27, %while3A_310 = %while3A_274#28, %while3A_311 = %while3A_274#29, %while3A_312 = %while3A_274#30, %while3A_313 = %while3A_274#31) -> (vector<16xf32>, vector<16xf32>, vector<16xf32>, vector<16xf32>, vector<16xf32>, vector<16xf32>, vector<16xf32>, vector<16xf32>, vector<16xf32>, vector<16xf32>, vector<16xf32>, vector<16xf32>, vector<16xf32>, vector<16xf32>, vector<16xf32>, vector<16xf32>, vector<16xf32>, vector<16xf32>, vector<16xf32>, vector<16xf32>, vector<16xf32>, vector<16xf32>, vector<16xf32>, vector<16xf32>, vector<16xf32>, vector<16xf32>, vector<16xf32>, vector<16xf32>, vector<16xf32>, vector<16xf32>, vector<16xf32>, vector<16xf32>)  : i32 {
            %add3A_314 = arith.addi %sub3A_264, %while3A_281 : i32
            %mul3A_315 = arith.constant 512 : i32
            %mul3A_316 = arith.muli %add3A_314, %mul3A_315 : i32
            %add3A_317 = arith.constant 0 : i32
            %add3A_318 = arith.addi %mul3A_316, %add3A_317 : i32
            %get3A_319 = arith.index_cast %add3A_318 : i32 to index
            %get3A_320 = tpu.vector_load %arg5[%get3A_319] {strides = array<i32>} : memref<49152xf32, #tpu.memory_space<vmem>>, vector<16xf32>,
            %add3A_321 = arith.addf %while3A_282, %get3A_320 : vector<16xf32>
            %add3A_322 = arith.constant 16 : i32
            %add3A_323 = arith.addi %mul3A_316, %add3A_322 : i32
            %get3A_324 = arith.index_cast %add3A_323 : i32 to index
            %get3A_325 = tpu.vector_load %arg5[%get3A_324] {strides = array<i32>} : memref<49152xf32, #tpu.memory_space<vmem>>, vector<16xf32>,
            %add3A_326 = arith.addf %while3A_283, %get3A_325 : vector<16xf32>
            %add3A_327 = arith.constant 32 : i32
            %add3A_328 = arith.addi %mul3A_316, %add3A_327 : i32
            %get3A_329 = arith.index_cast %add3A_328 : i32 to index
            %get3A_330 = tpu.vector_load %arg5[%get3A_329] {strides = array<i32>} : memref<49152xf32, #tpu.memory_space<vmem>>, vector<16xf32>,
            %add3A_331 = arith.addf %while3A_284, %get3A_330 : vector<16xf32>
            %add3A_332 = arith.constant 48 : i32
            %add3A_333 = arith.addi %mul3A_316, %add3A_332 : i32
            %get3A_334 = arith.index_cast %add3A_333 : i32 to index
            %get3A_335 = tpu.vector_load %arg5[%get3A_334] {strides = array<i32>} : memref<49152xf32, #tpu.memory_space<vmem>>, vector<16xf32>,
            %add3A_336 = arith.addf %while3A_285, %get3A_335 : vector<16xf32>
            %add3A_337 = arith.constant 64 : i32
            %add3A_338 = arith.addi %mul3A_316, %add3A_337 : i32
            %get3A_339 = arith.index_cast %add3A_338 : i32 to index
            %get3A_340 = tpu.vector_load %arg5[%get3A_339] {strides = array<i32>} : memref<49152xf32, #tpu.memory_space<vmem>>, vector<16xf32>,
            %add3A_341 = arith.addf %while3A_286, %get3A_340 : vector<16xf32>
            %add3A_342 = arith.constant 80 : i32
            %add3A_343 = arith.addi %mul3A_316, %add3A_342 : i32
            %get3A_344 = arith.index_cast %add3A_343 : i32 to index
            %get3A_345 = tpu.vector_load %arg5[%get3A_344] {strides = array<i32>} : memref<49152xf32, #tpu.memory_space<vmem>>, vector<16xf32>,
            %add3A_346 = arith.addf %while3A_287, %get3A_345 : vector<16xf32>
            %add3A_347 = arith.constant 96 : i32
            %add3A_348 = arith.addi %mul3A_316, %add3A_347 : i32
            %get3A_349 = arith.index_cast %add3A_348 : i32 to index
            %get3A_350 = tpu.vector_load %arg5[%get3A_349] {strides = array<i32>} : memref<49152xf32, #tpu.memory_space<vmem>>, vector<16xf32>,
            %add3A_351 = arith.addf %while3A_288, %get3A_350 : vector<16xf32>
            %add3A_352 = arith.constant 112 : i32
            %add3A_353 = arith.addi %mul3A_316, %add3A_352 : i32
            %get3A_354 = arith.index_cast %add3A_353 : i32 to index
            %get3A_355 = tpu.vector_load %arg5[%get3A_354] {strides = array<i32>} : memref<49152xf32, #tpu.memory_space<vmem>>, vector<16xf32>,
            %add3A_356 = arith.addf %while3A_289, %get3A_355 : vector<16xf32>
            %add3A_357 = arith.constant 128 : i32
            %add3A_358 = arith.addi %mul3A_316, %add3A_357 : i32
            %get3A_359 = arith.index_cast %add3A_358 : i32 to index
            %get3A_360 = tpu.vector_load %arg5[%get3A_359] {strides = array<i32>} : memref<49152xf32, #tpu.memory_space<vmem>>, vector<16xf32>,
            %add3A_361 = arith.addf %while3A_290, %get3A_360 : vector<16xf32>
            %add3A_362 = arith.constant 144 : i32
            %add3A_363 = arith.addi %mul3A_316, %add3A_362 : i32
            %get3A_364 = arith.index_cast %add3A_363 : i32 to index
            %get3A_365 = tpu.vector_load %arg5[%get3A_364] {strides = array<i32>} : memref<49152xf32, #tpu.memory_space<vmem>>, vector<16xf32>,
            %add3A_366 = arith.addf %while3A_291, %get3A_365 : vector<16xf32>
            %add3A_367 = arith.constant 160 : i32
            %add3A_368 = arith.addi %mul3A_316, %add3A_367 : i32
            %get3A_369 = arith.index_cast %add3A_368 : i32 to index
            %get3A_370 = tpu.vector_load %arg5[%get3A_369] {strides = array<i32>} : memref<49152xf32, #tpu.memory_space<vmem>>, vector<16xf32>,
            %add3A_371 = arith.addf %while3A_292, %get3A_370 : vector<16xf32>
            %add3A_372 = arith.constant 176 : i32
            %add3A_373 = arith.addi %mul3A_316, %add3A_372 : i32
            %get3A_374 = arith.index_cast %add3A_373 : i32 to index
            %get3A_375 = tpu.vector_load %arg5[%get3A_374] {strides = array<i32>} : memref<49152xf32, #tpu.memory_space<vmem>>, vector<16xf32>,
            %add3A_376 = arith.addf %while3A_293, %get3A_375 : vector<16xf32>
            %add3A_377 = arith.constant 192 : i32
            %add3A_378 = arith.addi %mul3A_316, %add3A_377 : i32
            %get3A_379 = arith.index_cast %add3A_378 : i32 to index
            %get3A_380 = tpu.vector_load %arg5[%get3A_379] {strides = array<i32>} : memref<49152xf32, #tpu.memory_space<vmem>>, vector<16xf32>,
            %add3A_381 = arith.addf %while3A_294, %get3A_380 : vector<16xf32>
            %add3A_382 = arith.constant 208 : i32
            %add3A_383 = arith.addi %mul3A_316, %add3A_382 : i32
            %get3A_384 = arith.index_cast %add3A_383 : i32 to index
            %get3A_385 = tpu.vector_load %arg5[%get3A_384] {strides = array<i32>} : memref<49152xf32, #tpu.memory_space<vmem>>, vector<16xf32>,
            %add3A_386 = arith.addf %while3A_295, %get3A_385 : vector<16xf32>
            %add3A_387 = arith.constant 224 : i32
            %add3A_388 = arith.addi %mul3A_316, %add3A_387 : i32
            %get3A_389 = arith.index_cast %add3A_388 : i32 to index
            %get3A_390 = tpu.vector_load %arg5[%get3A_389] {strides = array<i32>} : memref<49152xf32, #tpu.memory_space<vmem>>, vector<16xf32>,
            %add3A_391 = arith.addf %while3A_296, %get3A_390 : vector<16xf32>
            %add3A_392 = arith.constant 240 : i32
            %add3A_393 = arith.addi %mul3A_316, %add3A_392 : i32
            %get3A_394 = arith.index_cast %add3A_393 : i32 to index
            %get3A_395 = tpu.vector_load %arg5[%get3A_394] {strides = array<i32>} : memref<49152xf32, #tpu.memory_space<vmem>>, vector<16xf32>,
            %add3A_396 = arith.addf %while3A_297, %get3A_395 : vector<16xf32>
            %add3A_397 = arith.constant 256 : i32
            %add3A_398 = arith.addi %mul3A_316, %add3A_397 : i32
            %get3A_399 = arith.index_cast %add3A_398 : i32 to index
            %get3A_400 = tpu.vector_load %arg5[%get3A_399] {strides = array<i32>} : memref<49152xf32, #tpu.memory_space<vmem>>, vector<16xf32>,
            %add3A_401 = arith.addf %while3A_298, %get3A_400 : vector<16xf32>
            %add3A_402 = arith.constant 272 : i32
            %add3A_403 = arith.addi %mul3A_316, %add3A_402 : i32
            %get3A_404 = arith.index_cast %add3A_403 : i32 to index
            %get3A_405 = tpu.vector_load %arg5[%get3A_404] {strides = array<i32>} : memref<49152xf32, #tpu.memory_space<vmem>>, vector<16xf32>,
            %add3A_406 = arith.addf %while3A_299, %get3A_405 : vector<16xf32>
            %add3A_407 = arith.constant 288 : i32
            %add3A_408 = arith.addi %mul3A_316, %add3A_407 : i32
            %get3A_409 = arith.index_cast %add3A_408 : i32 to index
            %get3A_410 = tpu.vector_load %arg5[%get3A_409] {strides = array<i32>} : memref<49152xf32, #tpu.memory_space<vmem>>, vector<16xf32>,
            %add3A_411 = arith.addf %while3A_300, %get3A_410 : vector<16xf32>
            %add3A_412 = arith.constant 304 : i32
            %add3A_413 = arith.addi %mul3A_316, %add3A_412 : i32
            %get3A_414 = arith.index_cast %add3A_413 : i32 to index
            %get3A_415 = tpu.vector_load %arg5[%get3A_414] {strides = array<i32>} : memref<49152xf32, #tpu.memory_space<vmem>>, vector<16xf32>,
            %add3A_416 = arith.addf %while3A_301, %get3A_415 : vector<16xf32>
            %add3A_417 = arith.constant 320 : i32
            %add3A_418 = arith.addi %mul3A_316, %add3A_417 : i32
            %get3A_419 = arith.index_cast %add3A_418 : i32 to index
            %get3A_420 = tpu.vector_load %arg5[%get3A_419] {strides = array<i32>} : memref<49152xf32, #tpu.memory_space<vmem>>, vector<16xf32>,
            %add3A_421 = arith.addf %while3A_302, %get3A_420 : vector<16xf32>
            %add3A_422 = arith.constant 336 : i32
            %add3A_423 = arith.addi %mul3A_316, %add3A_422 : i32
            %get3A_424 = arith.index_cast %add3A_423 : i32 to index
            %get3A_425 = tpu.vector_load %arg5[%get3A_424] {strides = array<i32>} : memref<49152xf32, #tpu.memory_space<vmem>>, vector<16xf32>,
            %add3A_426 = arith.addf %while3A_303, %get3A_425 : vector<16xf32>
            %add3A_427 = arith.constant 352 : i32
            %add3A_428 = arith.addi %mul3A_316, %add3A_427 : i32
            %get3A_429 = arith.index_cast %add3A_428 : i32 to index
            %get3A_430 = tpu.vector_load %arg5[%get3A_429] {strides = array<i32>} : memref<49152xf32, #tpu.memory_space<vmem>>, vector<16xf32>,
            %add3A_431 = arith.addf %while3A_304, %get3A_430 : vector<16xf32>
            %add3A_432 = arith.constant 368 : i32
            %add3A_433 = arith.addi %mul3A_316, %add3A_432 : i32
            %get3A_434 = arith.index_cast %add3A_433 : i32 to index
            %get3A_435 = tpu.vector_load %arg5[%get3A_434] {strides = array<i32>} : memref<49152xf32, #tpu.memory_space<vmem>>, vector<16xf32>,
            %add3A_436 = arith.addf %while3A_305, %get3A_435 : vector<16xf32>
            %add3A_437 = arith.constant 384 : i32
            %add3A_438 = arith.addi %mul3A_316, %add3A_437 : i32
            %get3A_439 = arith.index_cast %add3A_438 : i32 to index
            %get3A_440 = tpu.vector_load %arg5[%get3A_439] {strides = array<i32>} : memref<49152xf32, #tpu.memory_space<vmem>>, vector<16xf32>,
            %add3A_441 = arith.addf %while3A_306, %get3A_440 : vector<16xf32>
            %add3A_442 = arith.constant 400 : i32
            %add3A_443 = arith.addi %mul3A_316, %add3A_442 : i32
            %get3A_444 = arith.index_cast %add3A_443 : i32 to index
            %get3A_445 = tpu.vector_load %arg5[%get3A_444] {strides = array<i32>} : memref<49152xf32, #tpu.memory_space<vmem>>, vector<16xf32>,
            %add3A_446 = arith.addf %while3A_307, %get3A_445 : vector<16xf32>
            %add3A_447 = arith.constant 416 : i32
            %add3A_448 = arith.addi %mul3A_316, %add3A_447 : i32
            %get3A_449 = arith.index_cast %add3A_448 : i32 to index
            %get3A_450 = tpu.vector_load %arg5[%get3A_449] {strides = array<i32>} : memref<49152xf32, #tpu.memory_space<vmem>>, vector<16xf32>,
            %add3A_451 = arith.addf %while3A_308, %get3A_450 : vector<16xf32>
            %add3A_452 = arith.constant 432 : i32
            %add3A_453 = arith.addi %mul3A_316, %add3A_452 : i32
            %get3A_454 = arith.index_cast %add3A_453 : i32 to index
            %get3A_455 = tpu.vector_load %arg5[%get3A_454] {strides = array<i32>} : memref<49152xf32, #tpu.memory_space<vmem>>, vector<16xf32>,
            %add3A_456 = arith.addf %while3A_309, %get3A_455 : vector<16xf32>
            %add3A_457 = arith.constant 448 : i32
            %add3A_458 = arith.addi %mul3A_316, %add3A_457 : i32
            %get3A_459 = arith.index_cast %add3A_458 : i32 to index
            %get3A_460 = tpu.vector_load %arg5[%get3A_459] {strides = array<i32>} : memref<49152xf32, #tpu.memory_space<vmem>>, vector<16xf32>,
            %add3A_461 = arith.addf %while3A_310, %get3A_460 : vector<16xf32>
            %add3A_462 = arith.constant 464 : i32
            %add3A_463 = arith.addi %mul3A_316, %add3A_462 : i32
            %get3A_464 = arith.index_cast %add3A_463 : i32 to index
            %get3A_465 = tpu.vector_load %arg5[%get3A_464] {strides = array<i32>} : memref<49152xf32, #tpu.memory_space<vmem>>, vector<16xf32>,
            %add3A_466 = arith.addf %while3A_311, %get3A_465 : vector<16xf32>
            %add3A_467 = arith.constant 480 : i32
            %add3A_468 = arith.addi %mul3A_316, %add3A_467 : i32
            %get3A_469 = arith.index_cast %add3A_468 : i32 to index
            %get3A_470 = tpu.vector_load %arg5[%get3A_469] {strides = array<i32>} : memref<49152xf32, #tpu.memory_space<vmem>>, vector<16xf32>,
            %add3A_471 = arith.addf %while3A_312, %get3A_470 : vector<16xf32>
            %add3A_472 = arith.constant 496 : i32
            %add3A_473 = arith.addi %mul3A_316, %add3A_472 : i32
            %get3A_474 = arith.index_cast %add3A_473 : i32 to index
            %get3A_475 = tpu.vector_load %arg5[%get3A_474] {strides = array<i32>} : memref<49152xf32, #tpu.memory_space<vmem>>, vector<16xf32>,
            %add3A_476 = arith.addf %while3A_313, %get3A_475 : vector<16xf32>
            scf.yield %add3A_321, %add3A_326, %add3A_331, %add3A_336, %add3A_341, %add3A_346, %add3A_351, %add3A_356, %add3A_361, %add3A_366, %add3A_371, %add3A_376, %add3A_381, %add3A_386, %add3A_391, %add3A_396, %add3A_401, %add3A_406, %add3A_411, %add3A_416, %add3A_421, %add3A_426, %add3A_431, %add3A_436, %add3A_441, %add3A_446, %add3A_451, %add3A_456, %add3A_461, %add3A_466, %add3A_471, %add3A_476 : vector<16xf32>, vector<16xf32>, vector<16xf32>, vector<16xf32>, vector<16xf32>, vector<16xf32>, vector<16xf32>, vector<16xf32>, vector<16xf32>, vector<16xf32>, vector<16xf32>, vector<16xf32>, vector<16xf32>, vector<16xf32>, vector<16xf32>, vector<16xf32>, vector<16xf32>, vector<16xf32>, vector<16xf32>, vector<16xf32>, vector<16xf32>, vector<16xf32>, vector<16xf32>, vector<16xf32>, vector<16xf32>, vector<16xf32>, vector<16xf32>, vector<16xf32>, vector<16xf32>, vector<16xf32>, vector<16xf32>, vector<16xf32>
          }
          %le3A = arith.cmpi sle, %reduce_max3A_262, %min3A_175 : i32
          %convert_element_type3A_277 = arith.extui %le3A : i1 to i32
          %cond3A_278 = arith.constant 0 : i32
          %cond3A_279 = arith.cmpi ne, %convert_element_type3A_277, %cond3A_278 : i32
          %cond3A_280:33 = scf.if %cond3A_279 -> (i32, vector<16xf32>, vector<16xf32>, vector<16xf32>, vector<16xf32>, vector<16xf32>, vector<16xf32>, vector<16xf32>, vector<16xf32>, vector<16xf32>, vector<16xf32>, vector<16xf32>, vector<16xf32>, vector<16xf32>, vector<16xf32>, vector<16xf32>, vector<16xf32>, vector<16xf32>, vector<16xf32>, vector<16xf32>, vector<16xf32>, vector<16xf32>, vector<16xf32>, vector<16xf32>, vector<16xf32>, vector<16xf32>, vector<16xf32>, vector<16xf32>, vector<16xf32>, vector<16xf32>, vector<16xf32>, vector<16xf32>, vector<16xf32>) {
            %sub3A_281 = arith.subi %while3A_184, %mul3A_2 : i32
            %mul3A_282 = arith.constant 512 : i32
            %mul3A_283 = arith.muli %sub3A_281, %mul3A_282 : i32
            %add3A_284 = arith.constant 0 : i32
            %add3A_285 = arith.addi %mul3A_283, %add3A_284 : i32
            %swap3A = arith.index_cast %add3A_285 : i32 to index
            %swap3A_286 = tpu.vector_load %arg8[%swap3A] {strides = array<i32>} : memref<16384xf32, #tpu.memory_space<vmem>>, vector<16xf32>,
            tpu.vector_store %arg8[%swap3A], %while3A_276#0 {strides = array<i32>} : memref<16384xf32, #tpu.memory_space<vmem>>, vector<16xf32>,
            %add3A_287 = arith.constant 16 : i32
            %add3A_288 = arith.addi %mul3A_283, %add3A_287 : i32
            %swap3A_289 = arith.index_cast %add3A_288 : i32 to index
            %swap3A_290 = tpu.vector_load %arg8[%swap3A_289] {strides = array<i32>} : memref<16384xf32, #tpu.memory_space<vmem>>, vector<16xf32>,
            tpu.vector_store %arg8[%swap3A_289], %while3A_276#1 {strides = array<i32>} : memref<16384xf32, #tpu.memory_space<vmem>>, vector<16xf32>,
            %add3A_291 = arith.constant 32 : i32
            %add3A_292 = arith.addi %mul3A_283, %add3A_291 : i32
            %swap3A_293 = arith.index_cast %add3A_292 : i32 to index
            %swap3A_294 = tpu.vector_load %arg8[%swap3A_293] {strides = array<i32>} : memref<16384xf32, #tpu.memory_space<vmem>>, vector<16xf32>,
            tpu.vector_store %arg8[%swap3A_293], %while3A_276#2 {strides = array<i32>} : memref<16384xf32, #tpu.memory_space<vmem>>, vector<16xf32>,
            %add3A_295 = arith.constant 48 : i32
            %add3A_296 = arith.addi %mul3A_283, %add3A_295 : i32
            %swap3A_297 = arith.index_cast %add3A_296 : i32 to index
            %swap3A_298 = tpu.vector_load %arg8[%swap3A_297] {strides = array<i32>} : memref<16384xf32, #tpu.memory_space<vmem>>, vector<16xf32>,
            tpu.vector_store %arg8[%swap3A_297], %while3A_276#3 {strides = array<i32>} : memref<16384xf32, #tpu.memory_space<vmem>>, vector<16xf32>,
            %add3A_299 = arith.constant 64 : i32
            %add3A_300 = arith.addi %mul3A_283, %add3A_299 : i32
            %swap3A_301 = arith.index_cast %add3A_300 : i32 to index
            %swap3A_302 = tpu.vector_load %arg8[%swap3A_301] {strides = array<i32>} : memref<16384xf32, #tpu.memory_space<vmem>>, vector<16xf32>,
            tpu.vector_store %arg8[%swap3A_301], %while3A_276#4 {strides = array<i32>} : memref<16384xf32, #tpu.memory_space<vmem>>, vector<16xf32>,
            %add3A_303 = arith.constant 80 : i32
            %add3A_304 = arith.addi %mul3A_283, %add3A_303 : i32
            %swap3A_305 = arith.index_cast %add3A_304 : i32 to index
            %swap3A_306 = tpu.vector_load %arg8[%swap3A_305] {strides = array<i32>} : memref<16384xf32, #tpu.memory_space<vmem>>, vector<16xf32>,
            tpu.vector_store %arg8[%swap3A_305], %while3A_276#5 {strides = array<i32>} : memref<16384xf32, #tpu.memory_space<vmem>>, vector<16xf32>,
            %add3A_307 = arith.constant 96 : i32
            %add3A_308 = arith.addi %mul3A_283, %add3A_307 : i32
            %swap3A_309 = arith.index_cast %add3A_308 : i32 to index
            %swap3A_310 = tpu.vector_load %arg8[%swap3A_309] {strides = array<i32>} : memref<16384xf32, #tpu.memory_space<vmem>>, vector<16xf32>,
            tpu.vector_store %arg8[%swap3A_309], %while3A_276#6 {strides = array<i32>} : memref<16384xf32, #tpu.memory_space<vmem>>, vector<16xf32>,
            %add3A_311 = arith.constant 112 : i32
            %add3A_312 = arith.addi %mul3A_283, %add3A_311 : i32
            %swap3A_313 = arith.index_cast %add3A_312 : i32 to index
            %swap3A_314 = tpu.vector_load %arg8[%swap3A_313] {strides = array<i32>} : memref<16384xf32, #tpu.memory_space<vmem>>, vector<16xf32>,
            tpu.vector_store %arg8[%swap3A_313], %while3A_276#7 {strides = array<i32>} : memref<16384xf32, #tpu.memory_space<vmem>>, vector<16xf32>,
            %add3A_315 = arith.constant 128 : i32
            %add3A_316 = arith.addi %mul3A_283, %add3A_315 : i32
            %swap3A_317 = arith.index_cast %add3A_316 : i32 to index
            %swap3A_318 = tpu.vector_load %arg8[%swap3A_317] {strides = array<i32>} : memref<16384xf32, #tpu.memory_space<vmem>>, vector<16xf32>,
            tpu.vector_store %arg8[%swap3A_317], %while3A_276#8 {strides = array<i32>} : memref<16384xf32, #tpu.memory_space<vmem>>, vector<16xf32>,
            %add3A_319 = arith.constant 144 : i32
            %add3A_320 = arith.addi %mul3A_283, %add3A_319 : i32
            %swap3A_321 = arith.index_cast %add3A_320 : i32 to index
            %swap3A_322 = tpu.vector_load %arg8[%swap3A_321] {strides = array<i32>} : memref<16384xf32, #tpu.memory_space<vmem>>, vector<16xf32>,
            tpu.vector_store %arg8[%swap3A_321], %while3A_276#9 {strides = array<i32>} : memref<16384xf32, #tpu.memory_space<vmem>>, vector<16xf32>,
            %add3A_323 = arith.constant 160 : i32
            %add3A_324 = arith.addi %mul3A_283, %add3A_323 : i32
            %swap3A_325 = arith.index_cast %add3A_324 : i32 to index
            %swap3A_326 = tpu.vector_load %arg8[%swap3A_325] {strides = array<i32>} : memref<16384xf32, #tpu.memory_space<vmem>>, vector<16xf32>,
            tpu.vector_store %arg8[%swap3A_325], %while3A_276#10 {strides = array<i32>} : memref<16384xf32, #tpu.memory_space<vmem>>, vector<16xf32>,
            %add3A_327 = arith.constant 176 : i32
            %add3A_328 = arith.addi %mul3A_283, %add3A_327 : i32
            %swap3A_329 = arith.index_cast %add3A_328 : i32 to index
            %swap3A_330 = tpu.vector_load %arg8[%swap3A_329] {strides = array<i32>} : memref<16384xf32, #tpu.memory_space<vmem>>, vector<16xf32>,
            tpu.vector_store %arg8[%swap3A_329], %while3A_276#11 {strides = array<i32>} : memref<16384xf32, #tpu.memory_space<vmem>>, vector<16xf32>,
            %add3A_331 = arith.constant 192 : i32
            %add3A_332 = arith.addi %mul3A_283, %add3A_331 : i32
            %swap3A_333 = arith.index_cast %add3A_332 : i32 to index
            %swap3A_334 = tpu.vector_load %arg8[%swap3A_333] {strides = array<i32>} : memref<16384xf32, #tpu.memory_space<vmem>>, vector<16xf32>,
            tpu.vector_store %arg8[%swap3A_333], %while3A_276#12 {strides = array<i32>} : memref<16384xf32, #tpu.memory_space<vmem>>, vector<16xf32>,
            %add3A_335 = arith.constant 208 : i32
            %add3A_336 = arith.addi %mul3A_283, %add3A_335 : i32
            %swap3A_337 = arith.index_cast %add3A_336 : i32 to index
            %swap3A_338 = tpu.vector_load %arg8[%swap3A_337] {strides = array<i32>} : memref<16384xf32, #tpu.memory_space<vmem>>, vector<16xf32>,
            tpu.vector_store %arg8[%swap3A_337], %while3A_276#13 {strides = array<i32>} : memref<16384xf32, #tpu.memory_space<vmem>>, vector<16xf32>,
            %add3A_339 = arith.constant 224 : i32
            %add3A_340 = arith.addi %mul3A_283, %add3A_339 : i32
            %swap3A_341 = arith.index_cast %add3A_340 : i32 to index
            %swap3A_342 = tpu.vector_load %arg8[%swap3A_341] {strides = array<i32>} : memref<16384xf32, #tpu.memory_space<vmem>>, vector<16xf32>,
            tpu.vector_store %arg8[%swap3A_341], %while3A_276#14 {strides = array<i32>} : memref<16384xf32, #tpu.memory_space<vmem>>, vector<16xf32>,
            %add3A_343 = arith.constant 240 : i32
            %add3A_344 = arith.addi %mul3A_283, %add3A_343 : i32
            %swap3A_345 = arith.index_cast %add3A_344 : i32 to index
            %swap3A_346 = tpu.vector_load %arg8[%swap3A_345] {strides = array<i32>} : memref<16384xf32, #tpu.memory_space<vmem>>, vector<16xf32>,
            tpu.vector_store %arg8[%swap3A_345], %while3A_276#15 {strides = array<i32>} : memref<16384xf32, #tpu.memory_space<vmem>>, vector<16xf32>,
            %add3A_347 = arith.constant 256 : i32
            %add3A_348 = arith.addi %mul3A_283, %add3A_347 : i32
            %swap3A_349 = arith.index_cast %add3A_348 : i32 to index
            %swap3A_350 = tpu.vector_load %arg8[%swap3A_349] {strides = array<i32>} : memref<16384xf32, #tpu.memory_space<vmem>>, vector<16xf32>,
            tpu.vector_store %arg8[%swap3A_349], %while3A_276#16 {strides = array<i32>} : memref<16384xf32, #tpu.memory_space<vmem>>, vector<16xf32>,
            %add3A_351 = arith.constant 272 : i32
            %add3A_352 = arith.addi %mul3A_283, %add3A_351 : i32
            %swap3A_353 = arith.index_cast %add3A_352 : i32 to index
            %swap3A_354 = tpu.vector_load %arg8[%swap3A_353] {strides = array<i32>} : memref<16384xf32, #tpu.memory_space<vmem>>, vector<16xf32>,
            tpu.vector_store %arg8[%swap3A_353], %while3A_276#17 {strides = array<i32>} : memref<16384xf32, #tpu.memory_space<vmem>>, vector<16xf32>,
            %add3A_355 = arith.constant 288 : i32
            %add3A_356 = arith.addi %mul3A_283, %add3A_355 : i32
            %swap3A_357 = arith.index_cast %add3A_356 : i32 to index
            %swap3A_358 = tpu.vector_load %arg8[%swap3A_357] {strides = array<i32>} : memref<16384xf32, #tpu.memory_space<vmem>>, vector<16xf32>,
            tpu.vector_store %arg8[%swap3A_357], %while3A_276#18 {strides = array<i32>} : memref<16384xf32, #tpu.memory_space<vmem>>, vector<16xf32>,
            %add3A_359 = arith.constant 304 : i32
            %add3A_360 = arith.addi %mul3A_283, %add3A_359 : i32
            %swap3A_361 = arith.index_cast %add3A_360 : i32 to index
            %swap3A_362 = tpu.vector_load %arg8[%swap3A_361] {strides = array<i32>} : memref<16384xf32, #tpu.memory_space<vmem>>, vector<16xf32>,
            tpu.vector_store %arg8[%swap3A_361], %while3A_276#19 {strides = array<i32>} : memref<16384xf32, #tpu.memory_space<vmem>>, vector<16xf32>,
            %add3A_363 = arith.constant 320 : i32
            %add3A_364 = arith.addi %mul3A_283, %add3A_363 : i32
            %swap3A_365 = arith.index_cast %add3A_364 : i32 to index
            %swap3A_366 = tpu.vector_load %arg8[%swap3A_365] {strides = array<i32>} : memref<16384xf32, #tpu.memory_space<vmem>>, vector<16xf32>,
            tpu.vector_store %arg8[%swap3A_365], %while3A_276#20 {strides = array<i32>} : memref<16384xf32, #tpu.memory_space<vmem>>, vector<16xf32>,
            %add3A_367 = arith.constant 336 : i32
            %add3A_368 = arith.addi %mul3A_283, %add3A_367 : i32
            %swap3A_369 = arith.index_cast %add3A_368 : i32 to index
            %swap3A_370 = tpu.vector_load %arg8[%swap3A_369] {strides = array<i32>} : memref<16384xf32, #tpu.memory_space<vmem>>, vector<16xf32>,
            tpu.vector_store %arg8[%swap3A_369], %while3A_276#21 {strides = array<i32>} : memref<16384xf32, #tpu.memory_space<vmem>>, vector<16xf32>,
            %add3A_371 = arith.constant 352 : i32
            %add3A_372 = arith.addi %mul3A_283, %add3A_371 : i32
            %swap3A_373 = arith.index_cast %add3A_372 : i32 to index
            %swap3A_374 = tpu.vector_load %arg8[%swap3A_373] {strides = array<i32>} : memref<16384xf32, #tpu.memory_space<vmem>>, vector<16xf32>,
            tpu.vector_store %arg8[%swap3A_373], %while3A_276#22 {strides = array<i32>} : memref<16384xf32, #tpu.memory_space<vmem>>, vector<16xf32>,
            %add3A_375 = arith.constant 368 : i32
            %add3A_376 = arith.addi %mul3A_283, %add3A_375 : i32
            %swap3A_377 = arith.index_cast %add3A_376 : i32 to index
            %swap3A_378 = tpu.vector_load %arg8[%swap3A_377] {strides = array<i32>} : memref<16384xf32, #tpu.memory_space<vmem>>, vector<16xf32>,
            tpu.vector_store %arg8[%swap3A_377], %while3A_276#23 {strides = array<i32>} : memref<16384xf32, #tpu.memory_space<vmem>>, vector<16xf32>,
            %add3A_379 = arith.constant 384 : i32
            %add3A_380 = arith.addi %mul3A_283, %add3A_379 : i32
            %swap3A_381 = arith.index_cast %add3A_380 : i32 to index
            %swap3A_382 = tpu.vector_load %arg8[%swap3A_381] {strides = array<i32>} : memref<16384xf32, #tpu.memory_space<vmem>>, vector<16xf32>,
            tpu.vector_store %arg8[%swap3A_381], %while3A_276#24 {strides = array<i32>} : memref<16384xf32, #tpu.memory_space<vmem>>, vector<16xf32>,
            %add3A_383 = arith.constant 400 : i32
            %add3A_384 = arith.addi %mul3A_283, %add3A_383 : i32
            %swap3A_385 = arith.index_cast %add3A_384 : i32 to index
            %swap3A_386 = tpu.vector_load %arg8[%swap3A_385] {strides = array<i32>} : memref<16384xf32, #tpu.memory_space<vmem>>, vector<16xf32>,
            tpu.vector_store %arg8[%swap3A_385], %while3A_276#25 {strides = array<i32>} : memref<16384xf32, #tpu.memory_space<vmem>>, vector<16xf32>,
            %add3A_387 = arith.constant 416 : i32
            %add3A_388 = arith.addi %mul3A_283, %add3A_387 : i32
            %swap3A_389 = arith.index_cast %add3A_388 : i32 to index
            %swap3A_390 = tpu.vector_load %arg8[%swap3A_389] {strides = array<i32>} : memref<16384xf32, #tpu.memory_space<vmem>>, vector<16xf32>,
            tpu.vector_store %arg8[%swap3A_389], %while3A_276#26 {strides = array<i32>} : memref<16384xf32, #tpu.memory_space<vmem>>, vector<16xf32>,
            %add3A_391 = arith.constant 432 : i32
            %add3A_392 = arith.addi %mul3A_283, %add3A_391 : i32
            %swap3A_393 = arith.index_cast %add3A_392 : i32 to index
            %swap3A_394 = tpu.vector_load %arg8[%swap3A_393] {strides = array<i32>} : memref<16384xf32, #tpu.memory_space<vmem>>, vector<16xf32>,
            tpu.vector_store %arg8[%swap3A_393], %while3A_276#27 {strides = array<i32>} : memref<16384xf32, #tpu.memory_space<vmem>>, vector<16xf32>,
            %add3A_395 = arith.constant 448 : i32
            %add3A_396 = arith.addi %mul3A_283, %add3A_395 : i32
            %swap3A_397 = arith.index_cast %add3A_396 : i32 to index
            %swap3A_398 = tpu.vector_load %arg8[%swap3A_397] {strides = array<i32>} : memref<16384xf32, #tpu.memory_space<vmem>>, vector<16xf32>,
            tpu.vector_store %arg8[%swap3A_397], %while3A_276#28 {strides = array<i32>} : memref<16384xf32, #tpu.memory_space<vmem>>, vector<16xf32>,
            %add3A_399 = arith.constant 464 : i32
            %add3A_400 = arith.addi %mul3A_283, %add3A_399 : i32
            %swap3A_401 = arith.index_cast %add3A_400 : i32 to index
            %swap3A_402 = tpu.vector_load %arg8[%swap3A_401] {strides = array<i32>} : memref<16384xf32, #tpu.memory_space<vmem>>, vector<16xf32>,
            tpu.vector_store %arg8[%swap3A_401], %while3A_276#29 {strides = array<i32>} : memref<16384xf32, #tpu.memory_space<vmem>>, vector<16xf32>,
            %add3A_403 = arith.constant 480 : i32
            %add3A_404 = arith.addi %mul3A_283, %add3A_403 : i32
            %swap3A_405 = arith.index_cast %add3A_404 : i32 to index
            %swap3A_406 = tpu.vector_load %arg8[%swap3A_405] {strides = array<i32>} : memref<16384xf32, #tpu.memory_space<vmem>>, vector<16xf32>,
            tpu.vector_store %arg8[%swap3A_405], %while3A_276#30 {strides = array<i32>} : memref<16384xf32, #tpu.memory_space<vmem>>, vector<16xf32>,
            %add3A_407 = arith.constant 496 : i32
            %add3A_408 = arith.addi %mul3A_283, %add3A_407 : i32
            %swap3A_409 = arith.index_cast %add3A_408 : i32 to index
            %swap3A_410 = tpu.vector_load %arg8[%swap3A_409] {strides = array<i32>} : memref<16384xf32, #tpu.memory_space<vmem>>, vector<16xf32>,
            tpu.vector_store %arg8[%swap3A_409], %while3A_276#31 {strides = array<i32>} : memref<16384xf32, #tpu.memory_space<vmem>>, vector<16xf32>,
            %add3A_411 = arith.constant 1 : i32
            %add3A_412 = arith.addi %while3A_184, %add3A_411 : i32
            scf.yield %add3A_412, %broadcast_in_dim3A_3, %broadcast_in_dim3A_3, %broadcast_in_dim3A_3, %broadcast_in_dim3A_3, %broadcast_in_dim3A_3, %broadcast_in_dim3A_3, %broadcast_in_dim3A_3, %broadcast_in_dim3A_3, %broadcast_in_dim3A_3, %broadcast_in_dim3A_3, %broadcast_in_dim3A_3, %broadcast_in_dim3A_3, %broadcast_in_dim3A_3, %broadcast_in_dim3A_3, %broadcast_in_dim3A_3, %broadcast_in_dim3A_3, %broadcast_in_dim3A_3, %broadcast_in_dim3A_3, %broadcast_in_dim3A_3, %broadcast_in_dim3A_3, %broadcast_in_dim3A_3, %broadcast_in_dim3A_3, %broadcast_in_dim3A_3, %broadcast_in_dim3A_3, %broadcast_in_dim3A_3, %broadcast_in_dim3A_3, %broadcast_in_dim3A_3, %broadcast_in_dim3A_3, %broadcast_in_dim3A_3, %broadcast_in_dim3A_3, %broadcast_in_dim3A_3, %broadcast_in_dim3A_3 : i32, vector<16xf32>, vector<16xf32>, vector<16xf32>, vector<16xf32>, vector<16xf32>, vector<16xf32>, vector<16xf32>, vector<16xf32>, vector<16xf32>, vector<16xf32>, vector<16xf32>, vector<16xf32>, vector<16xf32>, vector<16xf32>, vector<16xf32>, vector<16xf32>, vector<16xf32>, vector<16xf32>, vector<16xf32>, vector<16xf32>, vector<16xf32>, vector<16xf32>, vector<16xf32>, vector<16xf32>, vector<16xf32>, vector<16xf32>, vector<16xf32>, vector<16xf32>, vector<16xf32>, vector<16xf32>, vector<16xf32>, vector<16xf32>
          } else {
            scf.yield %while3A_184, %while3A_276#0, %while3A_276#1, %while3A_276#2, %while3A_276#3, %while3A_276#4, %while3A_276#5, %while3A_276#6, %while3A_276#7, %while3A_276#8, %while3A_276#9, %while3A_276#10, %while3A_276#11, %while3A_276#12, %while3A_276#13, %while3A_276#14, %while3A_276#15, %while3A_276#16, %while3A_276#17, %while3A_276#18, %while3A_276#19, %while3A_276#20, %while3A_276#21, %while3A_276#22, %while3A_276#23, %while3A_276#24, %while3A_276#25, %while3A_276#26, %while3A_276#27, %while3A_276#28, %while3A_276#29, %while3A_276#30, %while3A_276#31 : i32, vector<16xf32>, vector<16xf32>, vector<16xf32>, vector<16xf32>, vector<16xf32>, vector<16xf32>, vector<16xf32>, vector<16xf32>, vector<16xf32>, vector<16xf32>, vector<16xf32>, vector<16xf32>, vector<16xf32>, vector<16xf32>, vector<16xf32>, vector<16xf32>, vector<16xf32>, vector<16xf32>, vector<16xf32>, vector<16xf32>, vector<16xf32>, vector<16xf32>, vector<16xf32>, vector<16xf32>, vector<16xf32>, vector<16xf32>, vector<16xf32>, vector<16xf32>, vector<16xf32>, vector<16xf32>, vector<16xf32>, vector<16xf32>
          }
          scf.yield %min3A_263, %cond3A_280#0, %cond3A_280#1, %cond3A_280#2, %cond3A_280#3, %cond3A_280#4, %cond3A_280#5, %cond3A_280#6, %cond3A_280#7, %cond3A_280#8, %cond3A_280#9, %cond3A_280#10, %cond3A_280#11, %cond3A_280#12, %cond3A_280#13, %cond3A_280#14, %cond3A_280#15, %cond3A_280#16, %cond3A_280#17, %cond3A_280#18, %cond3A_280#19, %cond3A_280#20, %cond3A_280#21, %cond3A_280#22, %cond3A_280#23, %cond3A_280#24, %cond3A_280#25, %cond3A_280#26, %cond3A_280#27, %cond3A_280#28, %cond3A_280#29, %cond3A_280#30, %cond3A_280#31, %cond3A_280#32 : i32, i32, vector<16xf32>, vector<16xf32>, vector<16xf32>, vector<16xf32>, vector<16xf32>, vector<16xf32>, vector<16xf32>, vector<16xf32>, vector<16xf32>, vector<16xf32>, vector<16xf32>, vector<16xf32>, vector<16xf32>, vector<16xf32>, vector<16xf32>, vector<16xf32>, vector<16xf32>, vector<16xf32>, vector<16xf32>, vector<16xf32>, vector<16xf32>, vector<16xf32>, vector<16xf32>, vector<16xf32>, vector<16xf32>, vector<16xf32>, vector<16xf32>, vector<16xf32>, vector<16xf32>, vector<16xf32>, vector<16xf32>, vector<16xf32>
        }
        %add3A_177 = arith.constant 2 : i32
        %add3A_178 = arith.addi %add3A_151, %add3A_177 : i32
        %lt3A_179 = arith.cmpi slt, %add3A_178, %select_n3A_62 : i32
        %convert_element_type3A_180 = arith.extui %lt3A_179 : i1 to i32
        %cond3A_181 = arith.constant 0 : i32
        %cond3A_182 = arith.cmpi ne, %convert_element_type3A_180, %cond3A_181 : i32
        scf.if %cond3A_182 {
          %add3A_183 = arith.constant 2 : i32
          %add3A_184 = arith.addi %add3A_151, %add3A_183 : i32
          %mul3A_185 = arith.constant 96 : i32
          %mul3A_186 = arith.muli %add3A_184, %mul3A_185 : i32
          %add3A_187 = arith.addi %reduce_max3A_21, %mul3A_186 : i32
          %min3A_188 = arith.constant 99904 : i32
          %min3A_189 = arith.minsi %add3A_187, %min3A_188 : i32
          %mul3A_190 = arith.constant 512 : i32
          %mul3A_191 = arith.muli %min3A_189, %mul3A_190 : i32
          %multiple_of3A_192 = tpu.assume_multiple %mul3A_191, 512 : i32
          %dma_start3A = tpu.memref_slice %arg2[%multiple_of3A_192] : memref<51200000xf32, #tpu.memory_space<hbm>> -> memref<49152xf32, #tpu.memory_space<hbm>>
          %dma_start3A_193 = tpu.memref_slice %arg2[%multiple_of3A_192] : memref<51200000xf32, #tpu.memory_space<hbm>> -> memref<49152xf32, #tpu.memory_space<hbm>>
          tpu.enqueue_dma source(%dma_start3A_193 : memref<49152xf32, #tpu.memory_space<hbm>>) target(%arg5 : memref<49152xf32, #tpu.memory_space<vmem>>) target_semaphore(%arg9 : memref<!tpu.dma_semaphore, #tpu.memory_space<semaphore_mem>>)
        } else {
        }
        scf.yield %while3A_176#1, %while3A_176#2, %while3A_176#3, %while3A_176#4, %while3A_176#5, %while3A_176#6, %while3A_176#7, %while3A_176#8, %while3A_176#9, %while3A_176#10, %while3A_176#11, %while3A_176#12, %while3A_176#13, %while3A_176#14, %while3A_176#15, %while3A_176#16, %while3A_176#17, %while3A_176#18, %while3A_176#19, %while3A_176#20, %while3A_176#21, %while3A_176#22, %while3A_176#23, %while3A_176#24, %while3A_176#25, %while3A_176#26, %while3A_176#27, %while3A_176#28, %while3A_176#29, %while3A_176#30, %while3A_176#31, %while3A_176#32, %while3A_176#33 : i32, vector<16xf32>, vector<16xf32>, vector<16xf32>, vector<16xf32>, vector<16xf32>, vector<16xf32>, vector<16xf32>, vector<16xf32>, vector<16xf32>, vector<16xf32>, vector<16xf32>, vector<16xf32>, vector<16xf32>, vector<16xf32>, vector<16xf32>, vector<16xf32>, vector<16xf32>, vector<16xf32>, vector<16xf32>, vector<16xf32>, vector<16xf32>, vector<16xf32>, vector<16xf32>, vector<16xf32>, vector<16xf32>, vector<16xf32>, vector<16xf32>, vector<16xf32>, vector<16xf32>, vector<16xf32>, vector<16xf32>, vector<16xf32>
      } else {
        scf.yield %while3A_115, %while3A_116, %while3A_117, %while3A_118, %while3A_119, %while3A_120, %while3A_121, %while3A_122, %while3A_123, %while3A_124, %while3A_125, %while3A_126, %while3A_127, %while3A_128, %while3A_129, %while3A_130, %while3A_131, %while3A_132, %while3A_133, %while3A_134, %while3A_135, %while3A_136, %while3A_137, %while3A_138, %while3A_139, %while3A_140, %while3A_141, %while3A_142, %while3A_143, %while3A_144, %while3A_145, %while3A_146, %while3A_147 : i32, vector<16xf32>, vector<16xf32>, vector<16xf32>, vector<16xf32>, vector<16xf32>, vector<16xf32>, vector<16xf32>, vector<16xf32>, vector<16xf32>, vector<16xf32>, vector<16xf32>, vector<16xf32>, vector<16xf32>, vector<16xf32>, vector<16xf32>, vector<16xf32>, vector<16xf32>, vector<16xf32>, vector<16xf32>, vector<16xf32>, vector<16xf32>, vector<16xf32>, vector<16xf32>, vector<16xf32>, vector<16xf32>, vector<16xf32>, vector<16xf32>, vector<16xf32>, vector<16xf32>, vector<16xf32>, vector<16xf32>, vector<16xf32>
      }
      %mul3A_157 = arith.constant 2 : i32
      %mul3A_158 = arith.muli %while3A_114, %mul3A_157 : i32
      %add3A_159 = arith.constant 1 : i32
      %add3A_160 = arith.addi %mul3A_158, %add3A_159 : i32
      %lt3A_161 = arith.cmpi slt, %add3A_160, %select_n3A_62 : i32
      %convert_element_type3A_162 = arith.extui %lt3A_161 : i1 to i32
      %cond3A_163 = arith.constant 0 : i32
      %cond3A_164 = arith.cmpi ne, %convert_element_type3A_162, %cond3A_163 : i32
      %cond3A_165:33 = scf.if %cond3A_164 -> (i32, vector<16xf32>, vector<16xf32>, vector<16xf32>, vector<16xf32>, vector<16xf32>, vector<16xf32>, vector<16xf32>, vector<16xf32>, vector<16xf32>, vector<16xf32>, vector<16xf32>, vector<16xf32>, vector<16xf32>, vector<16xf32>, vector<16xf32>, vector<16xf32>, vector<16xf32>, vector<16xf32>, vector<16xf32>, vector<16xf32>, vector<16xf32>, vector<16xf32>, vector<16xf32>, vector<16xf32>, vector<16xf32>, vector<16xf32>, vector<16xf32>, vector<16xf32>, vector<16xf32>, vector<16xf32>, vector<16xf32>, vector<16xf32>) {
        %dma_wait3A = arith.constant 0 : i32
        %dma_wait3A_166 = tpu.memref_slice %arg2[%dma_wait3A] : memref<51200000xf32, #tpu.memory_space<hbm>> -> memref<49152xf32, #tpu.memory_space<hbm>>
        %dma_wait3A_167 = arith.constant 0 : i32
        %dma_wait3A_168 = tpu.memref_slice %arg2[%dma_wait3A_167] : memref<51200000xf32, #tpu.memory_space<hbm>> -> memref<49152xf32, #tpu.memory_space<hbm>>
        tpu.wait_dma2 semaphore(%arg10 : memref<!tpu.dma_semaphore, #tpu.memory_space<semaphore_mem>>) src(%dma_wait3A_168 : memref<49152xf32, #tpu.memory_space<hbm>>) dst(%arg6 : memref<49152xf32, #tpu.memory_space<vmem>>)
        %mul3A_169 = arith.constant 96 : i32
        %mul3A_170 = arith.muli %add3A_160, %mul3A_169 : i32
        %add3A_171 = arith.addi %reduce_max3A_21, %mul3A_170 : i32
        %min3A = arith.constant 99904 : i32
        %min3A_172 = arith.minsi %add3A_171, %min3A : i32
        %add3A_173 = arith.constant 96 : i32
        %add3A_174 = arith.addi %add3A_171, %add3A_173 : i32
        %min3A_175 = arith.minsi %add3A_174, %reduce_max3A_39 : i32
        %while3A_176:34 = scf.while (%while3A_183 = %add3A_171, %while3A_184 = %cond3A_156#0, %while3A_185 = %cond3A_156#1, %while3A_186 = %cond3A_156#2, %while3A_187 = %cond3A_156#3, %while3A_188 = %cond3A_156#4, %while3A_189 = %cond3A_156#5, %while3A_190 = %cond3A_156#6, %while3A_191 = %cond3A_156#7, %while3A_192 = %cond3A_156#8, %while3A_193 = %cond3A_156#9, %while3A_194 = %cond3A_156#10, %while3A_195 = %cond3A_156#11, %while3A_196 = %cond3A_156#12, %while3A_197 = %cond3A_156#13, %while3A_198 = %cond3A_156#14, %while3A_199 = %cond3A_156#15, %while3A_200 = %cond3A_156#16, %while3A_201 = %cond3A_156#17, %while3A_202 = %cond3A_156#18, %while3A_203 = %cond3A_156#19, %while3A_204 = %cond3A_156#20, %while3A_205 = %cond3A_156#21, %while3A_206 = %cond3A_156#22, %while3A_207 = %cond3A_156#23, %while3A_208 = %cond3A_156#24, %while3A_209 = %cond3A_156#25, %while3A_210 = %cond3A_156#26, %while3A_211 = %cond3A_156#27, %while3A_212 = %cond3A_156#28, %while3A_213 = %cond3A_156#29, %while3A_214 = %cond3A_156#30, %while3A_215 = %cond3A_156#31, %while3A_216 = %cond3A_156#32) : (i32, i32, vector<16xf32>, vector<16xf32>, vector<16xf32>, vector<16xf32>, vector<16xf32>, vector<16xf32>, vector<16xf32>, vector<16xf32>, vector<16xf32>, vector<16xf32>, vector<16xf32>, vector<16xf32>, vector<16xf32>, vector<16xf32>, vector<16xf32>, vector<16xf32>, vector<16xf32>, vector<16xf32>, vector<16xf32>, vector<16xf32>, vector<16xf32>, vector<16xf32>, vector<16xf32>, vector<16xf32>, vector<16xf32>, vector<16xf32>, vector<16xf32>, vector<16xf32>, vector<16xf32>, vector<16xf32>, vector<16xf32>, vector<16xf32>) -> (i32, i32, vector<16xf32>, vector<16xf32>, vector<16xf32>, vector<16xf32>, vector<16xf32>, vector<16xf32>, vector<16xf32>, vector<16xf32>, vector<16xf32>, vector<16xf32>, vector<16xf32>, vector<16xf32>, vector<16xf32>, vector<16xf32>, vector<16xf32>, vector<16xf32>, vector<16xf32>, vector<16xf32>, vector<16xf32>, vector<16xf32>, vector<16xf32>, vector<16xf32>, vector<16xf32>, vector<16xf32>, vector<16xf32>, vector<16xf32>, vector<16xf32>, vector<16xf32>, vector<16xf32>, vector<16xf32>, vector<16xf32>, vector<16xf32>) {
          %lt3A_217 = arith.cmpi slt, %while3A_183, %min3A_175 : i32
          scf.condition(%lt3A_217) %while3A_183, %while3A_184, %while3A_185, %while3A_186, %while3A_187, %while3A_188, %while3A_189, %while3A_190, %while3A_191, %while3A_192, %while3A_193, %while3A_194, %while3A_195, %while3A_196, %while3A_197, %while3A_198, %while3A_199, %while3A_200, %while3A_201, %while3A_202, %while3A_203, %while3A_204, %while3A_205, %while3A_206, %while3A_207, %while3A_208, %while3A_209, %while3A_210, %while3A_211, %while3A_212, %while3A_213, %while3A_214, %while3A_215, %while3A_216 : i32, i32, vector<16xf32>, vector<16xf32>, vector<16xf32>, vector<16xf32>, vector<16xf32>, vector<16xf32>, vector<16xf32>, vector<16xf32>, vector<16xf32>, vector<16xf32>, vector<16xf32>, vector<16xf32>, vector<16xf32>, vector<16xf32>, vector<16xf32>, vector<16xf32>, vector<16xf32>, vector<16xf32>, vector<16xf32>, vector<16xf32>, vector<16xf32>, vector<16xf32>, vector<16xf32>, vector<16xf32>, vector<16xf32>, vector<16xf32>, vector<16xf32>, vector<16xf32>, vector<16xf32>, vector<16xf32>, vector<16xf32>, vector<16xf32>
        } do {
        ^bb0(%while3A_183: i32, %while3A_184: i32, %while3A_185: vector<16xf32>, %while3A_186: vector<16xf32>, %while3A_187: vector<16xf32>, %while3A_188: vector<16xf32>, %while3A_189: vector<16xf32>, %while3A_190: vector<16xf32>, %while3A_191: vector<16xf32>, %while3A_192: vector<16xf32>, %while3A_193: vector<16xf32>, %while3A_194: vector<16xf32>, %while3A_195: vector<16xf32>, %while3A_196: vector<16xf32>, %while3A_197: vector<16xf32>, %while3A_198: vector<16xf32>, %while3A_199: vector<16xf32>, %while3A_200: vector<16xf32>, %while3A_201: vector<16xf32>, %while3A_202: vector<16xf32>, %while3A_203: vector<16xf32>, %while3A_204: vector<16xf32>, %while3A_205: vector<16xf32>, %while3A_206: vector<16xf32>, %while3A_207: vector<16xf32>, %while3A_208: vector<16xf32>, %while3A_209: vector<16xf32>, %while3A_210: vector<16xf32>, %while3A_211: vector<16xf32>, %while3A_212: vector<16xf32>, %while3A_213: vector<16xf32>, %while3A_214: vector<16xf32>, %while3A_215: vector<16xf32>, %while3A_216: vector<16xf32>):
          %sub3A_217 = arith.subi %while3A_184, %mul3A_2 : i32
          %add3A_218 = arith.constant 1 : i32
          %add3A_219 = arith.addi %sub3A_217, %add3A_218 : i32
          %jit3A_220 = arith.constant 16 : i32
          %div3A_221 = arith.divsi %add3A_219, %jit3A_220 : i32
          %sign3A_222 = arith.constant 0 : i32
          %sign3A_223 = arith.cmpi sgt, %add3A_219, %sign3A_222 : i32
          %sign3A_224 = arith.extui %sign3A_223 : i1 to i32
          %sign3A_225 = arith.constant 0 : i32
          %sign3A_226 = arith.cmpi slt, %add3A_219, %sign3A_225 : i32
          %sign3A_227 = arith.extui %sign3A_226 : i1 to i32
          %sign3A_228 = arith.subi %sign3A_224, %sign3A_227 : i32
          %sign3A_229 = arith.constant 0 : i32
          %sign3A_230 = arith.cmpi sgt, %jit3A_220, %sign3A_229 : i32
          %sign3A_231 = arith.extui %sign3A_230 : i1 to i32
          %sign3A_232 = arith.constant 0 : i32
          %sign3A_233 = arith.cmpi slt, %jit3A_220, %sign3A_232 : i32
          %sign3A_234 = arith.extui %sign3A_233 : i1 to i32
          %sign3A_235 = arith.subi %sign3A_231, %sign3A_234 : i32
          %ne3A_236 = arith.cmpi ne, %sign3A_228, %sign3A_235 : i32
          %rem3A_237 = arith.remsi %add3A_219, %jit3A_220 : i32
          %ne3A_238 = arith.constant 0 : i32
          %ne3A_239 = arith.cmpi ne, %rem3A_237, %ne3A_238 : i32
          %and3A_240 = arith.andi %ne3A_236, %ne3A_239 : i1
          %sub3A_241 = arith.constant 1 : i32
          %sub3A_242 = arith.subi %div3A_221, %sub3A_241 : i32
          %select_n3A_243 = arith.select %and3A_240, %sub3A_242, %div3A_221 : i32
          %mul3A_244 = arith.constant 16 : i32
          %mul3A_245 = arith.muli %select_n3A_243, %mul3A_244 : i32
          %multiple_of3A_246 = tpu.assume_multiple %mul3A_245, 16 : i32
          %get3A_247 = arith.index_cast %multiple_of3A_246 : i32 to index
          %get3A_248 = tpu.vector_load %arg7[%get3A_247] {strides = array<i32>} : memref<48xi32, #tpu.memory_space<vmem>>, vector<16xi32>,
          %sub3A_249 = arith.subi %add3A_219, %mul3A_245 : i32
          %eq3A_250 = vector.broadcast %sub3A_249 : i32 to vector<16xi32>
          %eq3A_251 = arith.cmpi eq, %iota3A, %eq3A_250 : vector<16xi32>
          %jit3A_252 = arith.constant -2147483648 : i32
          %broadcast_in_dim3A_253 = vector.broadcast %jit3A_252 : i32 to vector<16xi32>
          %select_n3A_254 = arith.select %eq3A_251, %get3A_248, %broadcast_in_dim3A_253 : vector<16xi1>, vector<16xi32>
          %reduce_max3A_255 = arith.constant true
          %reduce_max3A_256 = vector.broadcast %reduce_max3A_255 : i1 to vector<16xi1>
          %reduce_max3A_257 = arith.constant -2147483648 : i32
          %reduce_max3A_258 = vector.broadcast %reduce_max3A_257 : i32 to vector<16xi32>
          %reduce_max3A_259 = arith.xori %select_n3A_254, %reduce_max3A_258 : vector<16xi32>
          %reduce_max3A_260 = tpu.scan <max>, %reduce_max3A_259 masked %reduce_max3A_256 : vector<16xi32>, vector<16xi1> -> vector<16xi32>
          %reduce_max3A_261 = arith.xori %reduce_max3A_260, %reduce_max3A_258 : vector<16xi32>
          %reduce_max3A_262 = vector.extract %reduce_max3A_261[15] : i32 from vector<16xi32>
          %min3A_263 = arith.minsi %reduce_max3A_262, %min3A_175 : i32
          %sub3A_264 = arith.subi %while3A_183, %min3A_172 : i32
          %sub3A_265 = arith.subi %min3A_263, %while3A_183 : i32
          %while3A_266 = arith.constant 0 : i32
          %while3A_267 = arith.subi %sub3A_265, %while3A_266 : i32
          %while3A_268 = arith.addi %while3A_266, %while3A_267 : i32
          %while3A_269 = arith.constant 1 : i32
          %while3A_270 = arith.divsi %while3A_267, %while3A_269 : i32
          %while3A_271 = arith.muli %while3A_270, %while3A_269 : i32
          %while3A_272 = arith.addi %while3A_266, %while3A_271 : i32
          %while3A_273 = arith.constant 1 : i32
          %while3A_274:32 = scf.for %while3A_281 = %while3A_266 to %while3A_272 step %while3A_273 iter_args(%while3A_282 = %while3A_185, %while3A_283 = %while3A_186, %while3A_284 = %while3A_187, %while3A_285 = %while3A_188, %while3A_286 = %while3A_189, %while3A_287 = %while3A_190, %while3A_288 = %while3A_191, %while3A_289 = %while3A_192, %while3A_290 = %while3A_193, %while3A_291 = %while3A_194, %while3A_292 = %while3A_195, %while3A_293 = %while3A_196, %while3A_294 = %while3A_197, %while3A_295 = %while3A_198, %while3A_296 = %while3A_199, %while3A_297 = %while3A_200, %while3A_298 = %while3A_201, %while3A_299 = %while3A_202, %while3A_300 = %while3A_203, %while3A_301 = %while3A_204, %while3A_302 = %while3A_205, %while3A_303 = %while3A_206, %while3A_304 = %while3A_207, %while3A_305 = %while3A_208, %while3A_306 = %while3A_209, %while3A_307 = %while3A_210, %while3A_308 = %while3A_211, %while3A_309 = %while3A_212, %while3A_310 = %while3A_213, %while3A_311 = %while3A_214, %while3A_312 = %while3A_215, %while3A_313 = %while3A_216) -> (vector<16xf32>, vector<16xf32>, vector<16xf32>, vector<16xf32>, vector<16xf32>, vector<16xf32>, vector<16xf32>, vector<16xf32>, vector<16xf32>, vector<16xf32>, vector<16xf32>, vector<16xf32>, vector<16xf32>, vector<16xf32>, vector<16xf32>, vector<16xf32>, vector<16xf32>, vector<16xf32>, vector<16xf32>, vector<16xf32>, vector<16xf32>, vector<16xf32>, vector<16xf32>, vector<16xf32>, vector<16xf32>, vector<16xf32>, vector<16xf32>, vector<16xf32>, vector<16xf32>, vector<16xf32>, vector<16xf32>, vector<16xf32>)  : i32 {
            %add3A_314 = arith.addi %sub3A_264, %while3A_281 : i32
            %mul3A_315 = arith.constant 512 : i32
            %mul3A_316 = arith.muli %add3A_314, %mul3A_315 : i32
            %add3A_317 = arith.constant 0 : i32
            %add3A_318 = arith.addi %mul3A_316, %add3A_317 : i32
            %get3A_319 = arith.index_cast %add3A_318 : i32 to index
            %get3A_320 = tpu.vector_load %arg6[%get3A_319] {strides = array<i32>} : memref<49152xf32, #tpu.memory_space<vmem>>, vector<16xf32>,
            %add3A_321 = arith.addf %while3A_282, %get3A_320 : vector<16xf32>
            %add3A_322 = arith.constant 16 : i32
            %add3A_323 = arith.addi %mul3A_316, %add3A_322 : i32
            %get3A_324 = arith.index_cast %add3A_323 : i32 to index
            %get3A_325 = tpu.vector_load %arg6[%get3A_324] {strides = array<i32>} : memref<49152xf32, #tpu.memory_space<vmem>>, vector<16xf32>,
            %add3A_326 = arith.addf %while3A_283, %get3A_325 : vector<16xf32>
            %add3A_327 = arith.constant 32 : i32
            %add3A_328 = arith.addi %mul3A_316, %add3A_327 : i32
            %get3A_329 = arith.index_cast %add3A_328 : i32 to index
            %get3A_330 = tpu.vector_load %arg6[%get3A_329] {strides = array<i32>} : memref<49152xf32, #tpu.memory_space<vmem>>, vector<16xf32>,
            %add3A_331 = arith.addf %while3A_284, %get3A_330 : vector<16xf32>
            %add3A_332 = arith.constant 48 : i32
            %add3A_333 = arith.addi %mul3A_316, %add3A_332 : i32
            %get3A_334 = arith.index_cast %add3A_333 : i32 to index
            %get3A_335 = tpu.vector_load %arg6[%get3A_334] {strides = array<i32>} : memref<49152xf32, #tpu.memory_space<vmem>>, vector<16xf32>,
            %add3A_336 = arith.addf %while3A_285, %get3A_335 : vector<16xf32>
            %add3A_337 = arith.constant 64 : i32
            %add3A_338 = arith.addi %mul3A_316, %add3A_337 : i32
            %get3A_339 = arith.index_cast %add3A_338 : i32 to index
            %get3A_340 = tpu.vector_load %arg6[%get3A_339] {strides = array<i32>} : memref<49152xf32, #tpu.memory_space<vmem>>, vector<16xf32>,
            %add3A_341 = arith.addf %while3A_286, %get3A_340 : vector<16xf32>
            %add3A_342 = arith.constant 80 : i32
            %add3A_343 = arith.addi %mul3A_316, %add3A_342 : i32
            %get3A_344 = arith.index_cast %add3A_343 : i32 to index
            %get3A_345 = tpu.vector_load %arg6[%get3A_344] {strides = array<i32>} : memref<49152xf32, #tpu.memory_space<vmem>>, vector<16xf32>,
            %add3A_346 = arith.addf %while3A_287, %get3A_345 : vector<16xf32>
            %add3A_347 = arith.constant 96 : i32
            %add3A_348 = arith.addi %mul3A_316, %add3A_347 : i32
            %get3A_349 = arith.index_cast %add3A_348 : i32 to index
            %get3A_350 = tpu.vector_load %arg6[%get3A_349] {strides = array<i32>} : memref<49152xf32, #tpu.memory_space<vmem>>, vector<16xf32>,
            %add3A_351 = arith.addf %while3A_288, %get3A_350 : vector<16xf32>
            %add3A_352 = arith.constant 112 : i32
            %add3A_353 = arith.addi %mul3A_316, %add3A_352 : i32
            %get3A_354 = arith.index_cast %add3A_353 : i32 to index
            %get3A_355 = tpu.vector_load %arg6[%get3A_354] {strides = array<i32>} : memref<49152xf32, #tpu.memory_space<vmem>>, vector<16xf32>,
            %add3A_356 = arith.addf %while3A_289, %get3A_355 : vector<16xf32>
            %add3A_357 = arith.constant 128 : i32
            %add3A_358 = arith.addi %mul3A_316, %add3A_357 : i32
            %get3A_359 = arith.index_cast %add3A_358 : i32 to index
            %get3A_360 = tpu.vector_load %arg6[%get3A_359] {strides = array<i32>} : memref<49152xf32, #tpu.memory_space<vmem>>, vector<16xf32>,
            %add3A_361 = arith.addf %while3A_290, %get3A_360 : vector<16xf32>
            %add3A_362 = arith.constant 144 : i32
            %add3A_363 = arith.addi %mul3A_316, %add3A_362 : i32
            %get3A_364 = arith.index_cast %add3A_363 : i32 to index
            %get3A_365 = tpu.vector_load %arg6[%get3A_364] {strides = array<i32>} : memref<49152xf32, #tpu.memory_space<vmem>>, vector<16xf32>,
            %add3A_366 = arith.addf %while3A_291, %get3A_365 : vector<16xf32>
            %add3A_367 = arith.constant 160 : i32
            %add3A_368 = arith.addi %mul3A_316, %add3A_367 : i32
            %get3A_369 = arith.index_cast %add3A_368 : i32 to index
            %get3A_370 = tpu.vector_load %arg6[%get3A_369] {strides = array<i32>} : memref<49152xf32, #tpu.memory_space<vmem>>, vector<16xf32>,
            %add3A_371 = arith.addf %while3A_292, %get3A_370 : vector<16xf32>
            %add3A_372 = arith.constant 176 : i32
            %add3A_373 = arith.addi %mul3A_316, %add3A_372 : i32
            %get3A_374 = arith.index_cast %add3A_373 : i32 to index
            %get3A_375 = tpu.vector_load %arg6[%get3A_374] {strides = array<i32>} : memref<49152xf32, #tpu.memory_space<vmem>>, vector<16xf32>,
            %add3A_376 = arith.addf %while3A_293, %get3A_375 : vector<16xf32>
            %add3A_377 = arith.constant 192 : i32
            %add3A_378 = arith.addi %mul3A_316, %add3A_377 : i32
            %get3A_379 = arith.index_cast %add3A_378 : i32 to index
            %get3A_380 = tpu.vector_load %arg6[%get3A_379] {strides = array<i32>} : memref<49152xf32, #tpu.memory_space<vmem>>, vector<16xf32>,
            %add3A_381 = arith.addf %while3A_294, %get3A_380 : vector<16xf32>
            %add3A_382 = arith.constant 208 : i32
            %add3A_383 = arith.addi %mul3A_316, %add3A_382 : i32
            %get3A_384 = arith.index_cast %add3A_383 : i32 to index
            %get3A_385 = tpu.vector_load %arg6[%get3A_384] {strides = array<i32>} : memref<49152xf32, #tpu.memory_space<vmem>>, vector<16xf32>,
            %add3A_386 = arith.addf %while3A_295, %get3A_385 : vector<16xf32>
            %add3A_387 = arith.constant 224 : i32
            %add3A_388 = arith.addi %mul3A_316, %add3A_387 : i32
            %get3A_389 = arith.index_cast %add3A_388 : i32 to index
            %get3A_390 = tpu.vector_load %arg6[%get3A_389] {strides = array<i32>} : memref<49152xf32, #tpu.memory_space<vmem>>, vector<16xf32>,
            %add3A_391 = arith.addf %while3A_296, %get3A_390 : vector<16xf32>
            %add3A_392 = arith.constant 240 : i32
            %add3A_393 = arith.addi %mul3A_316, %add3A_392 : i32
            %get3A_394 = arith.index_cast %add3A_393 : i32 to index
            %get3A_395 = tpu.vector_load %arg6[%get3A_394] {strides = array<i32>} : memref<49152xf32, #tpu.memory_space<vmem>>, vector<16xf32>,
            %add3A_396 = arith.addf %while3A_297, %get3A_395 : vector<16xf32>
            %add3A_397 = arith.constant 256 : i32
            %add3A_398 = arith.addi %mul3A_316, %add3A_397 : i32
            %get3A_399 = arith.index_cast %add3A_398 : i32 to index
            %get3A_400 = tpu.vector_load %arg6[%get3A_399] {strides = array<i32>} : memref<49152xf32, #tpu.memory_space<vmem>>, vector<16xf32>,
            %add3A_401 = arith.addf %while3A_298, %get3A_400 : vector<16xf32>
            %add3A_402 = arith.constant 272 : i32
            %add3A_403 = arith.addi %mul3A_316, %add3A_402 : i32
            %get3A_404 = arith.index_cast %add3A_403 : i32 to index
            %get3A_405 = tpu.vector_load %arg6[%get3A_404] {strides = array<i32>} : memref<49152xf32, #tpu.memory_space<vmem>>, vector<16xf32>,
            %add3A_406 = arith.addf %while3A_299, %get3A_405 : vector<16xf32>
            %add3A_407 = arith.constant 288 : i32
            %add3A_408 = arith.addi %mul3A_316, %add3A_407 : i32
            %get3A_409 = arith.index_cast %add3A_408 : i32 to index
            %get3A_410 = tpu.vector_load %arg6[%get3A_409] {strides = array<i32>} : memref<49152xf32, #tpu.memory_space<vmem>>, vector<16xf32>,
            %add3A_411 = arith.addf %while3A_300, %get3A_410 : vector<16xf32>
            %add3A_412 = arith.constant 304 : i32
            %add3A_413 = arith.addi %mul3A_316, %add3A_412 : i32
            %get3A_414 = arith.index_cast %add3A_413 : i32 to index
            %get3A_415 = tpu.vector_load %arg6[%get3A_414] {strides = array<i32>} : memref<49152xf32, #tpu.memory_space<vmem>>, vector<16xf32>,
            %add3A_416 = arith.addf %while3A_301, %get3A_415 : vector<16xf32>
            %add3A_417 = arith.constant 320 : i32
            %add3A_418 = arith.addi %mul3A_316, %add3A_417 : i32
            %get3A_419 = arith.index_cast %add3A_418 : i32 to index
            %get3A_420 = tpu.vector_load %arg6[%get3A_419] {strides = array<i32>} : memref<49152xf32, #tpu.memory_space<vmem>>, vector<16xf32>,
            %add3A_421 = arith.addf %while3A_302, %get3A_420 : vector<16xf32>
            %add3A_422 = arith.constant 336 : i32
            %add3A_423 = arith.addi %mul3A_316, %add3A_422 : i32
            %get3A_424 = arith.index_cast %add3A_423 : i32 to index
            %get3A_425 = tpu.vector_load %arg6[%get3A_424] {strides = array<i32>} : memref<49152xf32, #tpu.memory_space<vmem>>, vector<16xf32>,
            %add3A_426 = arith.addf %while3A_303, %get3A_425 : vector<16xf32>
            %add3A_427 = arith.constant 352 : i32
            %add3A_428 = arith.addi %mul3A_316, %add3A_427 : i32
            %get3A_429 = arith.index_cast %add3A_428 : i32 to index
            %get3A_430 = tpu.vector_load %arg6[%get3A_429] {strides = array<i32>} : memref<49152xf32, #tpu.memory_space<vmem>>, vector<16xf32>,
            %add3A_431 = arith.addf %while3A_304, %get3A_430 : vector<16xf32>
            %add3A_432 = arith.constant 368 : i32
            %add3A_433 = arith.addi %mul3A_316, %add3A_432 : i32
            %get3A_434 = arith.index_cast %add3A_433 : i32 to index
            %get3A_435 = tpu.vector_load %arg6[%get3A_434] {strides = array<i32>} : memref<49152xf32, #tpu.memory_space<vmem>>, vector<16xf32>,
            %add3A_436 = arith.addf %while3A_305, %get3A_435 : vector<16xf32>
            %add3A_437 = arith.constant 384 : i32
            %add3A_438 = arith.addi %mul3A_316, %add3A_437 : i32
            %get3A_439 = arith.index_cast %add3A_438 : i32 to index
            %get3A_440 = tpu.vector_load %arg6[%get3A_439] {strides = array<i32>} : memref<49152xf32, #tpu.memory_space<vmem>>, vector<16xf32>,
            %add3A_441 = arith.addf %while3A_306, %get3A_440 : vector<16xf32>
            %add3A_442 = arith.constant 400 : i32
            %add3A_443 = arith.addi %mul3A_316, %add3A_442 : i32
            %get3A_444 = arith.index_cast %add3A_443 : i32 to index
            %get3A_445 = tpu.vector_load %arg6[%get3A_444] {strides = array<i32>} : memref<49152xf32, #tpu.memory_space<vmem>>, vector<16xf32>,
            %add3A_446 = arith.addf %while3A_307, %get3A_445 : vector<16xf32>
            %add3A_447 = arith.constant 416 : i32
            %add3A_448 = arith.addi %mul3A_316, %add3A_447 : i32
            %get3A_449 = arith.index_cast %add3A_448 : i32 to index
            %get3A_450 = tpu.vector_load %arg6[%get3A_449] {strides = array<i32>} : memref<49152xf32, #tpu.memory_space<vmem>>, vector<16xf32>,
            %add3A_451 = arith.addf %while3A_308, %get3A_450 : vector<16xf32>
            %add3A_452 = arith.constant 432 : i32
            %add3A_453 = arith.addi %mul3A_316, %add3A_452 : i32
            %get3A_454 = arith.index_cast %add3A_453 : i32 to index
            %get3A_455 = tpu.vector_load %arg6[%get3A_454] {strides = array<i32>} : memref<49152xf32, #tpu.memory_space<vmem>>, vector<16xf32>,
            %add3A_456 = arith.addf %while3A_309, %get3A_455 : vector<16xf32>
            %add3A_457 = arith.constant 448 : i32
            %add3A_458 = arith.addi %mul3A_316, %add3A_457 : i32
            %get3A_459 = arith.index_cast %add3A_458 : i32 to index
            %get3A_460 = tpu.vector_load %arg6[%get3A_459] {strides = array<i32>} : memref<49152xf32, #tpu.memory_space<vmem>>, vector<16xf32>,
            %add3A_461 = arith.addf %while3A_310, %get3A_460 : vector<16xf32>
            %add3A_462 = arith.constant 464 : i32
            %add3A_463 = arith.addi %mul3A_316, %add3A_462 : i32
            %get3A_464 = arith.index_cast %add3A_463 : i32 to index
            %get3A_465 = tpu.vector_load %arg6[%get3A_464] {strides = array<i32>} : memref<49152xf32, #tpu.memory_space<vmem>>, vector<16xf32>,
            %add3A_466 = arith.addf %while3A_311, %get3A_465 : vector<16xf32>
            %add3A_467 = arith.constant 480 : i32
            %add3A_468 = arith.addi %mul3A_316, %add3A_467 : i32
            %get3A_469 = arith.index_cast %add3A_468 : i32 to index
            %get3A_470 = tpu.vector_load %arg6[%get3A_469] {strides = array<i32>} : memref<49152xf32, #tpu.memory_space<vmem>>, vector<16xf32>,
            %add3A_471 = arith.addf %while3A_312, %get3A_470 : vector<16xf32>
            %add3A_472 = arith.constant 496 : i32
            %add3A_473 = arith.addi %mul3A_316, %add3A_472 : i32
            %get3A_474 = arith.index_cast %add3A_473 : i32 to index
            %get3A_475 = tpu.vector_load %arg6[%get3A_474] {strides = array<i32>} : memref<49152xf32, #tpu.memory_space<vmem>>, vector<16xf32>,
            %add3A_476 = arith.addf %while3A_313, %get3A_475 : vector<16xf32>
            scf.yield %add3A_321, %add3A_326, %add3A_331, %add3A_336, %add3A_341, %add3A_346, %add3A_351, %add3A_356, %add3A_361, %add3A_366, %add3A_371, %add3A_376, %add3A_381, %add3A_386, %add3A_391, %add3A_396, %add3A_401, %add3A_406, %add3A_411, %add3A_416, %add3A_421, %add3A_426, %add3A_431, %add3A_436, %add3A_441, %add3A_446, %add3A_451, %add3A_456, %add3A_461, %add3A_466, %add3A_471, %add3A_476 : vector<16xf32>, vector<16xf32>, vector<16xf32>, vector<16xf32>, vector<16xf32>, vector<16xf32>, vector<16xf32>, vector<16xf32>, vector<16xf32>, vector<16xf32>, vector<16xf32>, vector<16xf32>, vector<16xf32>, vector<16xf32>, vector<16xf32>, vector<16xf32>, vector<16xf32>, vector<16xf32>, vector<16xf32>, vector<16xf32>, vector<16xf32>, vector<16xf32>, vector<16xf32>, vector<16xf32>, vector<16xf32>, vector<16xf32>, vector<16xf32>, vector<16xf32>, vector<16xf32>, vector<16xf32>, vector<16xf32>, vector<16xf32>
          }
          %while3A_275 = arith.constant 1 : i32
          %while3A_276:32 = scf.for %while3A_281 = %while3A_272 to %while3A_268 step %while3A_275 iter_args(%while3A_282 = %while3A_274#0, %while3A_283 = %while3A_274#1, %while3A_284 = %while3A_274#2, %while3A_285 = %while3A_274#3, %while3A_286 = %while3A_274#4, %while3A_287 = %while3A_274#5, %while3A_288 = %while3A_274#6, %while3A_289 = %while3A_274#7, %while3A_290 = %while3A_274#8, %while3A_291 = %while3A_274#9, %while3A_292 = %while3A_274#10, %while3A_293 = %while3A_274#11, %while3A_294 = %while3A_274#12, %while3A_295 = %while3A_274#13, %while3A_296 = %while3A_274#14, %while3A_297 = %while3A_274#15, %while3A_298 = %while3A_274#16, %while3A_299 = %while3A_274#17, %while3A_300 = %while3A_274#18, %while3A_301 = %while3A_274#19, %while3A_302 = %while3A_274#20, %while3A_303 = %while3A_274#21, %while3A_304 = %while3A_274#22, %while3A_305 = %while3A_274#23, %while3A_306 = %while3A_274#24, %while3A_307 = %while3A_274#25, %while3A_308 = %while3A_274#26, %while3A_309 = %while3A_274#27, %while3A_310 = %while3A_274#28, %while3A_311 = %while3A_274#29, %while3A_312 = %while3A_274#30, %while3A_313 = %while3A_274#31) -> (vector<16xf32>, vector<16xf32>, vector<16xf32>, vector<16xf32>, vector<16xf32>, vector<16xf32>, vector<16xf32>, vector<16xf32>, vector<16xf32>, vector<16xf32>, vector<16xf32>, vector<16xf32>, vector<16xf32>, vector<16xf32>, vector<16xf32>, vector<16xf32>, vector<16xf32>, vector<16xf32>, vector<16xf32>, vector<16xf32>, vector<16xf32>, vector<16xf32>, vector<16xf32>, vector<16xf32>, vector<16xf32>, vector<16xf32>, vector<16xf32>, vector<16xf32>, vector<16xf32>, vector<16xf32>, vector<16xf32>, vector<16xf32>)  : i32 {
            %add3A_314 = arith.addi %sub3A_264, %while3A_281 : i32
            %mul3A_315 = arith.constant 512 : i32
            %mul3A_316 = arith.muli %add3A_314, %mul3A_315 : i32
            %add3A_317 = arith.constant 0 : i32
            %add3A_318 = arith.addi %mul3A_316, %add3A_317 : i32
            %get3A_319 = arith.index_cast %add3A_318 : i32 to index
            %get3A_320 = tpu.vector_load %arg6[%get3A_319] {strides = array<i32>} : memref<49152xf32, #tpu.memory_space<vmem>>, vector<16xf32>,
            %add3A_321 = arith.addf %while3A_282, %get3A_320 : vector<16xf32>
            %add3A_322 = arith.constant 16 : i32
            %add3A_323 = arith.addi %mul3A_316, %add3A_322 : i32
            %get3A_324 = arith.index_cast %add3A_323 : i32 to index
            %get3A_325 = tpu.vector_load %arg6[%get3A_324] {strides = array<i32>} : memref<49152xf32, #tpu.memory_space<vmem>>, vector<16xf32>,
            %add3A_326 = arith.addf %while3A_283, %get3A_325 : vector<16xf32>
            %add3A_327 = arith.constant 32 : i32
            %add3A_328 = arith.addi %mul3A_316, %add3A_327 : i32
            %get3A_329 = arith.index_cast %add3A_328 : i32 to index
            %get3A_330 = tpu.vector_load %arg6[%get3A_329] {strides = array<i32>} : memref<49152xf32, #tpu.memory_space<vmem>>, vector<16xf32>,
            %add3A_331 = arith.addf %while3A_284, %get3A_330 : vector<16xf32>
            %add3A_332 = arith.constant 48 : i32
            %add3A_333 = arith.addi %mul3A_316, %add3A_332 : i32
            %get3A_334 = arith.index_cast %add3A_333 : i32 to index
            %get3A_335 = tpu.vector_load %arg6[%get3A_334] {strides = array<i32>} : memref<49152xf32, #tpu.memory_space<vmem>>, vector<16xf32>,
            %add3A_336 = arith.addf %while3A_285, %get3A_335 : vector<16xf32>
            %add3A_337 = arith.constant 64 : i32
            %add3A_338 = arith.addi %mul3A_316, %add3A_337 : i32
            %get3A_339 = arith.index_cast %add3A_338 : i32 to index
            %get3A_340 = tpu.vector_load %arg6[%get3A_339] {strides = array<i32>} : memref<49152xf32, #tpu.memory_space<vmem>>, vector<16xf32>,
            %add3A_341 = arith.addf %while3A_286, %get3A_340 : vector<16xf32>
            %add3A_342 = arith.constant 80 : i32
            %add3A_343 = arith.addi %mul3A_316, %add3A_342 : i32
            %get3A_344 = arith.index_cast %add3A_343 : i32 to index
            %get3A_345 = tpu.vector_load %arg6[%get3A_344] {strides = array<i32>} : memref<49152xf32, #tpu.memory_space<vmem>>, vector<16xf32>,
            %add3A_346 = arith.addf %while3A_287, %get3A_345 : vector<16xf32>
            %add3A_347 = arith.constant 96 : i32
            %add3A_348 = arith.addi %mul3A_316, %add3A_347 : i32
            %get3A_349 = arith.index_cast %add3A_348 : i32 to index
            %get3A_350 = tpu.vector_load %arg6[%get3A_349] {strides = array<i32>} : memref<49152xf32, #tpu.memory_space<vmem>>, vector<16xf32>,
            %add3A_351 = arith.addf %while3A_288, %get3A_350 : vector<16xf32>
            %add3A_352 = arith.constant 112 : i32
            %add3A_353 = arith.addi %mul3A_316, %add3A_352 : i32
            %get3A_354 = arith.index_cast %add3A_353 : i32 to index
            %get3A_355 = tpu.vector_load %arg6[%get3A_354] {strides = array<i32>} : memref<49152xf32, #tpu.memory_space<vmem>>, vector<16xf32>,
            %add3A_356 = arith.addf %while3A_289, %get3A_355 : vector<16xf32>
            %add3A_357 = arith.constant 128 : i32
            %add3A_358 = arith.addi %mul3A_316, %add3A_357 : i32
            %get3A_359 = arith.index_cast %add3A_358 : i32 to index
            %get3A_360 = tpu.vector_load %arg6[%get3A_359] {strides = array<i32>} : memref<49152xf32, #tpu.memory_space<vmem>>, vector<16xf32>,
            %add3A_361 = arith.addf %while3A_290, %get3A_360 : vector<16xf32>
            %add3A_362 = arith.constant 144 : i32
            %add3A_363 = arith.addi %mul3A_316, %add3A_362 : i32
            %get3A_364 = arith.index_cast %add3A_363 : i32 to index
            %get3A_365 = tpu.vector_load %arg6[%get3A_364] {strides = array<i32>} : memref<49152xf32, #tpu.memory_space<vmem>>, vector<16xf32>,
            %add3A_366 = arith.addf %while3A_291, %get3A_365 : vector<16xf32>
            %add3A_367 = arith.constant 160 : i32
            %add3A_368 = arith.addi %mul3A_316, %add3A_367 : i32
            %get3A_369 = arith.index_cast %add3A_368 : i32 to index
            %get3A_370 = tpu.vector_load %arg6[%get3A_369] {strides = array<i32>} : memref<49152xf32, #tpu.memory_space<vmem>>, vector<16xf32>,
            %add3A_371 = arith.addf %while3A_292, %get3A_370 : vector<16xf32>
            %add3A_372 = arith.constant 176 : i32
            %add3A_373 = arith.addi %mul3A_316, %add3A_372 : i32
            %get3A_374 = arith.index_cast %add3A_373 : i32 to index
            %get3A_375 = tpu.vector_load %arg6[%get3A_374] {strides = array<i32>} : memref<49152xf32, #tpu.memory_space<vmem>>, vector<16xf32>,
            %add3A_376 = arith.addf %while3A_293, %get3A_375 : vector<16xf32>
            %add3A_377 = arith.constant 192 : i32
            %add3A_378 = arith.addi %mul3A_316, %add3A_377 : i32
            %get3A_379 = arith.index_cast %add3A_378 : i32 to index
            %get3A_380 = tpu.vector_load %arg6[%get3A_379] {strides = array<i32>} : memref<49152xf32, #tpu.memory_space<vmem>>, vector<16xf32>,
            %add3A_381 = arith.addf %while3A_294, %get3A_380 : vector<16xf32>
            %add3A_382 = arith.constant 208 : i32
            %add3A_383 = arith.addi %mul3A_316, %add3A_382 : i32
            %get3A_384 = arith.index_cast %add3A_383 : i32 to index
            %get3A_385 = tpu.vector_load %arg6[%get3A_384] {strides = array<i32>} : memref<49152xf32, #tpu.memory_space<vmem>>, vector<16xf32>,
            %add3A_386 = arith.addf %while3A_295, %get3A_385 : vector<16xf32>
            %add3A_387 = arith.constant 224 : i32
            %add3A_388 = arith.addi %mul3A_316, %add3A_387 : i32
            %get3A_389 = arith.index_cast %add3A_388 : i32 to index
            %get3A_390 = tpu.vector_load %arg6[%get3A_389] {strides = array<i32>} : memref<49152xf32, #tpu.memory_space<vmem>>, vector<16xf32>,
            %add3A_391 = arith.addf %while3A_296, %get3A_390 : vector<16xf32>
            %add3A_392 = arith.constant 240 : i32
            %add3A_393 = arith.addi %mul3A_316, %add3A_392 : i32
            %get3A_394 = arith.index_cast %add3A_393 : i32 to index
            %get3A_395 = tpu.vector_load %arg6[%get3A_394] {strides = array<i32>} : memref<49152xf32, #tpu.memory_space<vmem>>, vector<16xf32>,
            %add3A_396 = arith.addf %while3A_297, %get3A_395 : vector<16xf32>
            %add3A_397 = arith.constant 256 : i32
            %add3A_398 = arith.addi %mul3A_316, %add3A_397 : i32
            %get3A_399 = arith.index_cast %add3A_398 : i32 to index
            %get3A_400 = tpu.vector_load %arg6[%get3A_399] {strides = array<i32>} : memref<49152xf32, #tpu.memory_space<vmem>>, vector<16xf32>,
            %add3A_401 = arith.addf %while3A_298, %get3A_400 : vector<16xf32>
            %add3A_402 = arith.constant 272 : i32
            %add3A_403 = arith.addi %mul3A_316, %add3A_402 : i32
            %get3A_404 = arith.index_cast %add3A_403 : i32 to index
            %get3A_405 = tpu.vector_load %arg6[%get3A_404] {strides = array<i32>} : memref<49152xf32, #tpu.memory_space<vmem>>, vector<16xf32>,
            %add3A_406 = arith.addf %while3A_299, %get3A_405 : vector<16xf32>
            %add3A_407 = arith.constant 288 : i32
            %add3A_408 = arith.addi %mul3A_316, %add3A_407 : i32
            %get3A_409 = arith.index_cast %add3A_408 : i32 to index
            %get3A_410 = tpu.vector_load %arg6[%get3A_409] {strides = array<i32>} : memref<49152xf32, #tpu.memory_space<vmem>>, vector<16xf32>,
            %add3A_411 = arith.addf %while3A_300, %get3A_410 : vector<16xf32>
            %add3A_412 = arith.constant 304 : i32
            %add3A_413 = arith.addi %mul3A_316, %add3A_412 : i32
            %get3A_414 = arith.index_cast %add3A_413 : i32 to index
            %get3A_415 = tpu.vector_load %arg6[%get3A_414] {strides = array<i32>} : memref<49152xf32, #tpu.memory_space<vmem>>, vector<16xf32>,
            %add3A_416 = arith.addf %while3A_301, %get3A_415 : vector<16xf32>
            %add3A_417 = arith.constant 320 : i32
            %add3A_418 = arith.addi %mul3A_316, %add3A_417 : i32
            %get3A_419 = arith.index_cast %add3A_418 : i32 to index
            %get3A_420 = tpu.vector_load %arg6[%get3A_419] {strides = array<i32>} : memref<49152xf32, #tpu.memory_space<vmem>>, vector<16xf32>,
            %add3A_421 = arith.addf %while3A_302, %get3A_420 : vector<16xf32>
            %add3A_422 = arith.constant 336 : i32
            %add3A_423 = arith.addi %mul3A_316, %add3A_422 : i32
            %get3A_424 = arith.index_cast %add3A_423 : i32 to index
            %get3A_425 = tpu.vector_load %arg6[%get3A_424] {strides = array<i32>} : memref<49152xf32, #tpu.memory_space<vmem>>, vector<16xf32>,
            %add3A_426 = arith.addf %while3A_303, %get3A_425 : vector<16xf32>
            %add3A_427 = arith.constant 352 : i32
            %add3A_428 = arith.addi %mul3A_316, %add3A_427 : i32
            %get3A_429 = arith.index_cast %add3A_428 : i32 to index
            %get3A_430 = tpu.vector_load %arg6[%get3A_429] {strides = array<i32>} : memref<49152xf32, #tpu.memory_space<vmem>>, vector<16xf32>,
            %add3A_431 = arith.addf %while3A_304, %get3A_430 : vector<16xf32>
            %add3A_432 = arith.constant 368 : i32
            %add3A_433 = arith.addi %mul3A_316, %add3A_432 : i32
            %get3A_434 = arith.index_cast %add3A_433 : i32 to index
            %get3A_435 = tpu.vector_load %arg6[%get3A_434] {strides = array<i32>} : memref<49152xf32, #tpu.memory_space<vmem>>, vector<16xf32>,
            %add3A_436 = arith.addf %while3A_305, %get3A_435 : vector<16xf32>
            %add3A_437 = arith.constant 384 : i32
            %add3A_438 = arith.addi %mul3A_316, %add3A_437 : i32
            %get3A_439 = arith.index_cast %add3A_438 : i32 to index
            %get3A_440 = tpu.vector_load %arg6[%get3A_439] {strides = array<i32>} : memref<49152xf32, #tpu.memory_space<vmem>>, vector<16xf32>,
            %add3A_441 = arith.addf %while3A_306, %get3A_440 : vector<16xf32>
            %add3A_442 = arith.constant 400 : i32
            %add3A_443 = arith.addi %mul3A_316, %add3A_442 : i32
            %get3A_444 = arith.index_cast %add3A_443 : i32 to index
            %get3A_445 = tpu.vector_load %arg6[%get3A_444] {strides = array<i32>} : memref<49152xf32, #tpu.memory_space<vmem>>, vector<16xf32>,
            %add3A_446 = arith.addf %while3A_307, %get3A_445 : vector<16xf32>
            %add3A_447 = arith.constant 416 : i32
            %add3A_448 = arith.addi %mul3A_316, %add3A_447 : i32
            %get3A_449 = arith.index_cast %add3A_448 : i32 to index
            %get3A_450 = tpu.vector_load %arg6[%get3A_449] {strides = array<i32>} : memref<49152xf32, #tpu.memory_space<vmem>>, vector<16xf32>,
            %add3A_451 = arith.addf %while3A_308, %get3A_450 : vector<16xf32>
            %add3A_452 = arith.constant 432 : i32
            %add3A_453 = arith.addi %mul3A_316, %add3A_452 : i32
            %get3A_454 = arith.index_cast %add3A_453 : i32 to index
            %get3A_455 = tpu.vector_load %arg6[%get3A_454] {strides = array<i32>} : memref<49152xf32, #tpu.memory_space<vmem>>, vector<16xf32>,
            %add3A_456 = arith.addf %while3A_309, %get3A_455 : vector<16xf32>
            %add3A_457 = arith.constant 448 : i32
            %add3A_458 = arith.addi %mul3A_316, %add3A_457 : i32
            %get3A_459 = arith.index_cast %add3A_458 : i32 to index
            %get3A_460 = tpu.vector_load %arg6[%get3A_459] {strides = array<i32>} : memref<49152xf32, #tpu.memory_space<vmem>>, vector<16xf32>,
            %add3A_461 = arith.addf %while3A_310, %get3A_460 : vector<16xf32>
            %add3A_462 = arith.constant 464 : i32
            %add3A_463 = arith.addi %mul3A_316, %add3A_462 : i32
            %get3A_464 = arith.index_cast %add3A_463 : i32 to index
            %get3A_465 = tpu.vector_load %arg6[%get3A_464] {strides = array<i32>} : memref<49152xf32, #tpu.memory_space<vmem>>, vector<16xf32>,
            %add3A_466 = arith.addf %while3A_311, %get3A_465 : vector<16xf32>
            %add3A_467 = arith.constant 480 : i32
            %add3A_468 = arith.addi %mul3A_316, %add3A_467 : i32
            %get3A_469 = arith.index_cast %add3A_468 : i32 to index
            %get3A_470 = tpu.vector_load %arg6[%get3A_469] {strides = array<i32>} : memref<49152xf32, #tpu.memory_space<vmem>>, vector<16xf32>,
            %add3A_471 = arith.addf %while3A_312, %get3A_470 : vector<16xf32>
            %add3A_472 = arith.constant 496 : i32
            %add3A_473 = arith.addi %mul3A_316, %add3A_472 : i32
            %get3A_474 = arith.index_cast %add3A_473 : i32 to index
            %get3A_475 = tpu.vector_load %arg6[%get3A_474] {strides = array<i32>} : memref<49152xf32, #tpu.memory_space<vmem>>, vector<16xf32>,
            %add3A_476 = arith.addf %while3A_313, %get3A_475 : vector<16xf32>
            scf.yield %add3A_321, %add3A_326, %add3A_331, %add3A_336, %add3A_341, %add3A_346, %add3A_351, %add3A_356, %add3A_361, %add3A_366, %add3A_371, %add3A_376, %add3A_381, %add3A_386, %add3A_391, %add3A_396, %add3A_401, %add3A_406, %add3A_411, %add3A_416, %add3A_421, %add3A_426, %add3A_431, %add3A_436, %add3A_441, %add3A_446, %add3A_451, %add3A_456, %add3A_461, %add3A_466, %add3A_471, %add3A_476 : vector<16xf32>, vector<16xf32>, vector<16xf32>, vector<16xf32>, vector<16xf32>, vector<16xf32>, vector<16xf32>, vector<16xf32>, vector<16xf32>, vector<16xf32>, vector<16xf32>, vector<16xf32>, vector<16xf32>, vector<16xf32>, vector<16xf32>, vector<16xf32>, vector<16xf32>, vector<16xf32>, vector<16xf32>, vector<16xf32>, vector<16xf32>, vector<16xf32>, vector<16xf32>, vector<16xf32>, vector<16xf32>, vector<16xf32>, vector<16xf32>, vector<16xf32>, vector<16xf32>, vector<16xf32>, vector<16xf32>, vector<16xf32>
          }
          %le3A = arith.cmpi sle, %reduce_max3A_262, %min3A_175 : i32
          %convert_element_type3A_277 = arith.extui %le3A : i1 to i32
          %cond3A_278 = arith.constant 0 : i32
          %cond3A_279 = arith.cmpi ne, %convert_element_type3A_277, %cond3A_278 : i32
          %cond3A_280:33 = scf.if %cond3A_279 -> (i32, vector<16xf32>, vector<16xf32>, vector<16xf32>, vector<16xf32>, vector<16xf32>, vector<16xf32>, vector<16xf32>, vector<16xf32>, vector<16xf32>, vector<16xf32>, vector<16xf32>, vector<16xf32>, vector<16xf32>, vector<16xf32>, vector<16xf32>, vector<16xf32>, vector<16xf32>, vector<16xf32>, vector<16xf32>, vector<16xf32>, vector<16xf32>, vector<16xf32>, vector<16xf32>, vector<16xf32>, vector<16xf32>, vector<16xf32>, vector<16xf32>, vector<16xf32>, vector<16xf32>, vector<16xf32>, vector<16xf32>, vector<16xf32>) {
            %sub3A_281 = arith.subi %while3A_184, %mul3A_2 : i32
            %mul3A_282 = arith.constant 512 : i32
            %mul3A_283 = arith.muli %sub3A_281, %mul3A_282 : i32
            %add3A_284 = arith.constant 0 : i32
            %add3A_285 = arith.addi %mul3A_283, %add3A_284 : i32
            %swap3A = arith.index_cast %add3A_285 : i32 to index
            %swap3A_286 = tpu.vector_load %arg8[%swap3A] {strides = array<i32>} : memref<16384xf32, #tpu.memory_space<vmem>>, vector<16xf32>,
            tpu.vector_store %arg8[%swap3A], %while3A_276#0 {strides = array<i32>} : memref<16384xf32, #tpu.memory_space<vmem>>, vector<16xf32>,
            %add3A_287 = arith.constant 16 : i32
            %add3A_288 = arith.addi %mul3A_283, %add3A_287 : i32
            %swap3A_289 = arith.index_cast %add3A_288 : i32 to index
            %swap3A_290 = tpu.vector_load %arg8[%swap3A_289] {strides = array<i32>} : memref<16384xf32, #tpu.memory_space<vmem>>, vector<16xf32>,
            tpu.vector_store %arg8[%swap3A_289], %while3A_276#1 {strides = array<i32>} : memref<16384xf32, #tpu.memory_space<vmem>>, vector<16xf32>,
            %add3A_291 = arith.constant 32 : i32
            %add3A_292 = arith.addi %mul3A_283, %add3A_291 : i32
            %swap3A_293 = arith.index_cast %add3A_292 : i32 to index
            %swap3A_294 = tpu.vector_load %arg8[%swap3A_293] {strides = array<i32>} : memref<16384xf32, #tpu.memory_space<vmem>>, vector<16xf32>,
            tpu.vector_store %arg8[%swap3A_293], %while3A_276#2 {strides = array<i32>} : memref<16384xf32, #tpu.memory_space<vmem>>, vector<16xf32>,
            %add3A_295 = arith.constant 48 : i32
            %add3A_296 = arith.addi %mul3A_283, %add3A_295 : i32
            %swap3A_297 = arith.index_cast %add3A_296 : i32 to index
            %swap3A_298 = tpu.vector_load %arg8[%swap3A_297] {strides = array<i32>} : memref<16384xf32, #tpu.memory_space<vmem>>, vector<16xf32>,
            tpu.vector_store %arg8[%swap3A_297], %while3A_276#3 {strides = array<i32>} : memref<16384xf32, #tpu.memory_space<vmem>>, vector<16xf32>,
            %add3A_299 = arith.constant 64 : i32
            %add3A_300 = arith.addi %mul3A_283, %add3A_299 : i32
            %swap3A_301 = arith.index_cast %add3A_300 : i32 to index
            %swap3A_302 = tpu.vector_load %arg8[%swap3A_301] {strides = array<i32>} : memref<16384xf32, #tpu.memory_space<vmem>>, vector<16xf32>,
            tpu.vector_store %arg8[%swap3A_301], %while3A_276#4 {strides = array<i32>} : memref<16384xf32, #tpu.memory_space<vmem>>, vector<16xf32>,
            %add3A_303 = arith.constant 80 : i32
            %add3A_304 = arith.addi %mul3A_283, %add3A_303 : i32
            %swap3A_305 = arith.index_cast %add3A_304 : i32 to index
            %swap3A_306 = tpu.vector_load %arg8[%swap3A_305] {strides = array<i32>} : memref<16384xf32, #tpu.memory_space<vmem>>, vector<16xf32>,
            tpu.vector_store %arg8[%swap3A_305], %while3A_276#5 {strides = array<i32>} : memref<16384xf32, #tpu.memory_space<vmem>>, vector<16xf32>,
            %add3A_307 = arith.constant 96 : i32
            %add3A_308 = arith.addi %mul3A_283, %add3A_307 : i32
            %swap3A_309 = arith.index_cast %add3A_308 : i32 to index
            %swap3A_310 = tpu.vector_load %arg8[%swap3A_309] {strides = array<i32>} : memref<16384xf32, #tpu.memory_space<vmem>>, vector<16xf32>,
            tpu.vector_store %arg8[%swap3A_309], %while3A_276#6 {strides = array<i32>} : memref<16384xf32, #tpu.memory_space<vmem>>, vector<16xf32>,
            %add3A_311 = arith.constant 112 : i32
            %add3A_312 = arith.addi %mul3A_283, %add3A_311 : i32
            %swap3A_313 = arith.index_cast %add3A_312 : i32 to index
            %swap3A_314 = tpu.vector_load %arg8[%swap3A_313] {strides = array<i32>} : memref<16384xf32, #tpu.memory_space<vmem>>, vector<16xf32>,
            tpu.vector_store %arg8[%swap3A_313], %while3A_276#7 {strides = array<i32>} : memref<16384xf32, #tpu.memory_space<vmem>>, vector<16xf32>,
            %add3A_315 = arith.constant 128 : i32
            %add3A_316 = arith.addi %mul3A_283, %add3A_315 : i32
            %swap3A_317 = arith.index_cast %add3A_316 : i32 to index
            %swap3A_318 = tpu.vector_load %arg8[%swap3A_317] {strides = array<i32>} : memref<16384xf32, #tpu.memory_space<vmem>>, vector<16xf32>,
            tpu.vector_store %arg8[%swap3A_317], %while3A_276#8 {strides = array<i32>} : memref<16384xf32, #tpu.memory_space<vmem>>, vector<16xf32>,
            %add3A_319 = arith.constant 144 : i32
            %add3A_320 = arith.addi %mul3A_283, %add3A_319 : i32
            %swap3A_321 = arith.index_cast %add3A_320 : i32 to index
            %swap3A_322 = tpu.vector_load %arg8[%swap3A_321] {strides = array<i32>} : memref<16384xf32, #tpu.memory_space<vmem>>, vector<16xf32>,
            tpu.vector_store %arg8[%swap3A_321], %while3A_276#9 {strides = array<i32>} : memref<16384xf32, #tpu.memory_space<vmem>>, vector<16xf32>,
            %add3A_323 = arith.constant 160 : i32
            %add3A_324 = arith.addi %mul3A_283, %add3A_323 : i32
            %swap3A_325 = arith.index_cast %add3A_324 : i32 to index
            %swap3A_326 = tpu.vector_load %arg8[%swap3A_325] {strides = array<i32>} : memref<16384xf32, #tpu.memory_space<vmem>>, vector<16xf32>,
            tpu.vector_store %arg8[%swap3A_325], %while3A_276#10 {strides = array<i32>} : memref<16384xf32, #tpu.memory_space<vmem>>, vector<16xf32>,
            %add3A_327 = arith.constant 176 : i32
            %add3A_328 = arith.addi %mul3A_283, %add3A_327 : i32
            %swap3A_329 = arith.index_cast %add3A_328 : i32 to index
            %swap3A_330 = tpu.vector_load %arg8[%swap3A_329] {strides = array<i32>} : memref<16384xf32, #tpu.memory_space<vmem>>, vector<16xf32>,
            tpu.vector_store %arg8[%swap3A_329], %while3A_276#11 {strides = array<i32>} : memref<16384xf32, #tpu.memory_space<vmem>>, vector<16xf32>,
            %add3A_331 = arith.constant 192 : i32
            %add3A_332 = arith.addi %mul3A_283, %add3A_331 : i32
            %swap3A_333 = arith.index_cast %add3A_332 : i32 to index
            %swap3A_334 = tpu.vector_load %arg8[%swap3A_333] {strides = array<i32>} : memref<16384xf32, #tpu.memory_space<vmem>>, vector<16xf32>,
            tpu.vector_store %arg8[%swap3A_333], %while3A_276#12 {strides = array<i32>} : memref<16384xf32, #tpu.memory_space<vmem>>, vector<16xf32>,
            %add3A_335 = arith.constant 208 : i32
            %add3A_336 = arith.addi %mul3A_283, %add3A_335 : i32
            %swap3A_337 = arith.index_cast %add3A_336 : i32 to index
            %swap3A_338 = tpu.vector_load %arg8[%swap3A_337] {strides = array<i32>} : memref<16384xf32, #tpu.memory_space<vmem>>, vector<16xf32>,
            tpu.vector_store %arg8[%swap3A_337], %while3A_276#13 {strides = array<i32>} : memref<16384xf32, #tpu.memory_space<vmem>>, vector<16xf32>,
            %add3A_339 = arith.constant 224 : i32
            %add3A_340 = arith.addi %mul3A_283, %add3A_339 : i32
            %swap3A_341 = arith.index_cast %add3A_340 : i32 to index
            %swap3A_342 = tpu.vector_load %arg8[%swap3A_341] {strides = array<i32>} : memref<16384xf32, #tpu.memory_space<vmem>>, vector<16xf32>,
            tpu.vector_store %arg8[%swap3A_341], %while3A_276#14 {strides = array<i32>} : memref<16384xf32, #tpu.memory_space<vmem>>, vector<16xf32>,
            %add3A_343 = arith.constant 240 : i32
            %add3A_344 = arith.addi %mul3A_283, %add3A_343 : i32
            %swap3A_345 = arith.index_cast %add3A_344 : i32 to index
            %swap3A_346 = tpu.vector_load %arg8[%swap3A_345] {strides = array<i32>} : memref<16384xf32, #tpu.memory_space<vmem>>, vector<16xf32>,
            tpu.vector_store %arg8[%swap3A_345], %while3A_276#15 {strides = array<i32>} : memref<16384xf32, #tpu.memory_space<vmem>>, vector<16xf32>,
            %add3A_347 = arith.constant 256 : i32
            %add3A_348 = arith.addi %mul3A_283, %add3A_347 : i32
            %swap3A_349 = arith.index_cast %add3A_348 : i32 to index
            %swap3A_350 = tpu.vector_load %arg8[%swap3A_349] {strides = array<i32>} : memref<16384xf32, #tpu.memory_space<vmem>>, vector<16xf32>,
            tpu.vector_store %arg8[%swap3A_349], %while3A_276#16 {strides = array<i32>} : memref<16384xf32, #tpu.memory_space<vmem>>, vector<16xf32>,
            %add3A_351 = arith.constant 272 : i32
            %add3A_352 = arith.addi %mul3A_283, %add3A_351 : i32
            %swap3A_353 = arith.index_cast %add3A_352 : i32 to index
            %swap3A_354 = tpu.vector_load %arg8[%swap3A_353] {strides = array<i32>} : memref<16384xf32, #tpu.memory_space<vmem>>, vector<16xf32>,
            tpu.vector_store %arg8[%swap3A_353], %while3A_276#17 {strides = array<i32>} : memref<16384xf32, #tpu.memory_space<vmem>>, vector<16xf32>,
            %add3A_355 = arith.constant 288 : i32
            %add3A_356 = arith.addi %mul3A_283, %add3A_355 : i32
            %swap3A_357 = arith.index_cast %add3A_356 : i32 to index
            %swap3A_358 = tpu.vector_load %arg8[%swap3A_357] {strides = array<i32>} : memref<16384xf32, #tpu.memory_space<vmem>>, vector<16xf32>,
            tpu.vector_store %arg8[%swap3A_357], %while3A_276#18 {strides = array<i32>} : memref<16384xf32, #tpu.memory_space<vmem>>, vector<16xf32>,
            %add3A_359 = arith.constant 304 : i32
            %add3A_360 = arith.addi %mul3A_283, %add3A_359 : i32
            %swap3A_361 = arith.index_cast %add3A_360 : i32 to index
            %swap3A_362 = tpu.vector_load %arg8[%swap3A_361] {strides = array<i32>} : memref<16384xf32, #tpu.memory_space<vmem>>, vector<16xf32>,
            tpu.vector_store %arg8[%swap3A_361], %while3A_276#19 {strides = array<i32>} : memref<16384xf32, #tpu.memory_space<vmem>>, vector<16xf32>,
            %add3A_363 = arith.constant 320 : i32
            %add3A_364 = arith.addi %mul3A_283, %add3A_363 : i32
            %swap3A_365 = arith.index_cast %add3A_364 : i32 to index
            %swap3A_366 = tpu.vector_load %arg8[%swap3A_365] {strides = array<i32>} : memref<16384xf32, #tpu.memory_space<vmem>>, vector<16xf32>,
            tpu.vector_store %arg8[%swap3A_365], %while3A_276#20 {strides = array<i32>} : memref<16384xf32, #tpu.memory_space<vmem>>, vector<16xf32>,
            %add3A_367 = arith.constant 336 : i32
            %add3A_368 = arith.addi %mul3A_283, %add3A_367 : i32
            %swap3A_369 = arith.index_cast %add3A_368 : i32 to index
            %swap3A_370 = tpu.vector_load %arg8[%swap3A_369] {strides = array<i32>} : memref<16384xf32, #tpu.memory_space<vmem>>, vector<16xf32>,
            tpu.vector_store %arg8[%swap3A_369], %while3A_276#21 {strides = array<i32>} : memref<16384xf32, #tpu.memory_space<vmem>>, vector<16xf32>,
            %add3A_371 = arith.constant 352 : i32
            %add3A_372 = arith.addi %mul3A_283, %add3A_371 : i32
            %swap3A_373 = arith.index_cast %add3A_372 : i32 to index
            %swap3A_374 = tpu.vector_load %arg8[%swap3A_373] {strides = array<i32>} : memref<16384xf32, #tpu.memory_space<vmem>>, vector<16xf32>,
            tpu.vector_store %arg8[%swap3A_373], %while3A_276#22 {strides = array<i32>} : memref<16384xf32, #tpu.memory_space<vmem>>, vector<16xf32>,
            %add3A_375 = arith.constant 368 : i32
            %add3A_376 = arith.addi %mul3A_283, %add3A_375 : i32
            %swap3A_377 = arith.index_cast %add3A_376 : i32 to index
            %swap3A_378 = tpu.vector_load %arg8[%swap3A_377] {strides = array<i32>} : memref<16384xf32, #tpu.memory_space<vmem>>, vector<16xf32>,
            tpu.vector_store %arg8[%swap3A_377], %while3A_276#23 {strides = array<i32>} : memref<16384xf32, #tpu.memory_space<vmem>>, vector<16xf32>,
            %add3A_379 = arith.constant 384 : i32
            %add3A_380 = arith.addi %mul3A_283, %add3A_379 : i32
            %swap3A_381 = arith.index_cast %add3A_380 : i32 to index
            %swap3A_382 = tpu.vector_load %arg8[%swap3A_381] {strides = array<i32>} : memref<16384xf32, #tpu.memory_space<vmem>>, vector<16xf32>,
            tpu.vector_store %arg8[%swap3A_381], %while3A_276#24 {strides = array<i32>} : memref<16384xf32, #tpu.memory_space<vmem>>, vector<16xf32>,
            %add3A_383 = arith.constant 400 : i32
            %add3A_384 = arith.addi %mul3A_283, %add3A_383 : i32
            %swap3A_385 = arith.index_cast %add3A_384 : i32 to index
            %swap3A_386 = tpu.vector_load %arg8[%swap3A_385] {strides = array<i32>} : memref<16384xf32, #tpu.memory_space<vmem>>, vector<16xf32>,
            tpu.vector_store %arg8[%swap3A_385], %while3A_276#25 {strides = array<i32>} : memref<16384xf32, #tpu.memory_space<vmem>>, vector<16xf32>,
            %add3A_387 = arith.constant 416 : i32
            %add3A_388 = arith.addi %mul3A_283, %add3A_387 : i32
            %swap3A_389 = arith.index_cast %add3A_388 : i32 to index
            %swap3A_390 = tpu.vector_load %arg8[%swap3A_389] {strides = array<i32>} : memref<16384xf32, #tpu.memory_space<vmem>>, vector<16xf32>,
            tpu.vector_store %arg8[%swap3A_389], %while3A_276#26 {strides = array<i32>} : memref<16384xf32, #tpu.memory_space<vmem>>, vector<16xf32>,
            %add3A_391 = arith.constant 432 : i32
            %add3A_392 = arith.addi %mul3A_283, %add3A_391 : i32
            %swap3A_393 = arith.index_cast %add3A_392 : i32 to index
            %swap3A_394 = tpu.vector_load %arg8[%swap3A_393] {strides = array<i32>} : memref<16384xf32, #tpu.memory_space<vmem>>, vector<16xf32>,
            tpu.vector_store %arg8[%swap3A_393], %while3A_276#27 {strides = array<i32>} : memref<16384xf32, #tpu.memory_space<vmem>>, vector<16xf32>,
            %add3A_395 = arith.constant 448 : i32
            %add3A_396 = arith.addi %mul3A_283, %add3A_395 : i32
            %swap3A_397 = arith.index_cast %add3A_396 : i32 to index
            %swap3A_398 = tpu.vector_load %arg8[%swap3A_397] {strides = array<i32>} : memref<16384xf32, #tpu.memory_space<vmem>>, vector<16xf32>,
            tpu.vector_store %arg8[%swap3A_397], %while3A_276#28 {strides = array<i32>} : memref<16384xf32, #tpu.memory_space<vmem>>, vector<16xf32>,
            %add3A_399 = arith.constant 464 : i32
            %add3A_400 = arith.addi %mul3A_283, %add3A_399 : i32
            %swap3A_401 = arith.index_cast %add3A_400 : i32 to index
            %swap3A_402 = tpu.vector_load %arg8[%swap3A_401] {strides = array<i32>} : memref<16384xf32, #tpu.memory_space<vmem>>, vector<16xf32>,
            tpu.vector_store %arg8[%swap3A_401], %while3A_276#29 {strides = array<i32>} : memref<16384xf32, #tpu.memory_space<vmem>>, vector<16xf32>,
            %add3A_403 = arith.constant 480 : i32
            %add3A_404 = arith.addi %mul3A_283, %add3A_403 : i32
            %swap3A_405 = arith.index_cast %add3A_404 : i32 to index
            %swap3A_406 = tpu.vector_load %arg8[%swap3A_405] {strides = array<i32>} : memref<16384xf32, #tpu.memory_space<vmem>>, vector<16xf32>,
            tpu.vector_store %arg8[%swap3A_405], %while3A_276#30 {strides = array<i32>} : memref<16384xf32, #tpu.memory_space<vmem>>, vector<16xf32>,
            %add3A_407 = arith.constant 496 : i32
            %add3A_408 = arith.addi %mul3A_283, %add3A_407 : i32
            %swap3A_409 = arith.index_cast %add3A_408 : i32 to index
            %swap3A_410 = tpu.vector_load %arg8[%swap3A_409] {strides = array<i32>} : memref<16384xf32, #tpu.memory_space<vmem>>, vector<16xf32>,
            tpu.vector_store %arg8[%swap3A_409], %while3A_276#31 {strides = array<i32>} : memref<16384xf32, #tpu.memory_space<vmem>>, vector<16xf32>,
            %add3A_411 = arith.constant 1 : i32
            %add3A_412 = arith.addi %while3A_184, %add3A_411 : i32
            scf.yield %add3A_412, %broadcast_in_dim3A_3, %broadcast_in_dim3A_3, %broadcast_in_dim3A_3, %broadcast_in_dim3A_3, %broadcast_in_dim3A_3, %broadcast_in_dim3A_3, %broadcast_in_dim3A_3, %broadcast_in_dim3A_3, %broadcast_in_dim3A_3, %broadcast_in_dim3A_3, %broadcast_in_dim3A_3, %broadcast_in_dim3A_3, %broadcast_in_dim3A_3, %broadcast_in_dim3A_3, %broadcast_in_dim3A_3, %broadcast_in_dim3A_3, %broadcast_in_dim3A_3, %broadcast_in_dim3A_3, %broadcast_in_dim3A_3, %broadcast_in_dim3A_3, %broadcast_in_dim3A_3, %broadcast_in_dim3A_3, %broadcast_in_dim3A_3, %broadcast_in_dim3A_3, %broadcast_in_dim3A_3, %broadcast_in_dim3A_3, %broadcast_in_dim3A_3, %broadcast_in_dim3A_3, %broadcast_in_dim3A_3, %broadcast_in_dim3A_3, %broadcast_in_dim3A_3, %broadcast_in_dim3A_3 : i32, vector<16xf32>, vector<16xf32>, vector<16xf32>, vector<16xf32>, vector<16xf32>, vector<16xf32>, vector<16xf32>, vector<16xf32>, vector<16xf32>, vector<16xf32>, vector<16xf32>, vector<16xf32>, vector<16xf32>, vector<16xf32>, vector<16xf32>, vector<16xf32>, vector<16xf32>, vector<16xf32>, vector<16xf32>, vector<16xf32>, vector<16xf32>, vector<16xf32>, vector<16xf32>, vector<16xf32>, vector<16xf32>, vector<16xf32>, vector<16xf32>, vector<16xf32>, vector<16xf32>, vector<16xf32>, vector<16xf32>, vector<16xf32>
          } else {
            scf.yield %while3A_184, %while3A_276#0, %while3A_276#1, %while3A_276#2, %while3A_276#3, %while3A_276#4, %while3A_276#5, %while3A_276#6, %while3A_276#7, %while3A_276#8, %while3A_276#9, %while3A_276#10, %while3A_276#11, %while3A_276#12, %while3A_276#13, %while3A_276#14, %while3A_276#15, %while3A_276#16, %while3A_276#17, %while3A_276#18, %while3A_276#19, %while3A_276#20, %while3A_276#21, %while3A_276#22, %while3A_276#23, %while3A_276#24, %while3A_276#25, %while3A_276#26, %while3A_276#27, %while3A_276#28, %while3A_276#29, %while3A_276#30, %while3A_276#31 : i32, vector<16xf32>, vector<16xf32>, vector<16xf32>, vector<16xf32>, vector<16xf32>, vector<16xf32>, vector<16xf32>, vector<16xf32>, vector<16xf32>, vector<16xf32>, vector<16xf32>, vector<16xf32>, vector<16xf32>, vector<16xf32>, vector<16xf32>, vector<16xf32>, vector<16xf32>, vector<16xf32>, vector<16xf32>, vector<16xf32>, vector<16xf32>, vector<16xf32>, vector<16xf32>, vector<16xf32>, vector<16xf32>, vector<16xf32>, vector<16xf32>, vector<16xf32>, vector<16xf32>, vector<16xf32>, vector<16xf32>, vector<16xf32>
          }
          scf.yield %min3A_263, %cond3A_280#0, %cond3A_280#1, %cond3A_280#2, %cond3A_280#3, %cond3A_280#4, %cond3A_280#5, %cond3A_280#6, %cond3A_280#7, %cond3A_280#8, %cond3A_280#9, %cond3A_280#10, %cond3A_280#11, %cond3A_280#12, %cond3A_280#13, %cond3A_280#14, %cond3A_280#15, %cond3A_280#16, %cond3A_280#17, %cond3A_280#18, %cond3A_280#19, %cond3A_280#20, %cond3A_280#21, %cond3A_280#22, %cond3A_280#23, %cond3A_280#24, %cond3A_280#25, %cond3A_280#26, %cond3A_280#27, %cond3A_280#28, %cond3A_280#29, %cond3A_280#30, %cond3A_280#31, %cond3A_280#32 : i32, i32, vector<16xf32>, vector<16xf32>, vector<16xf32>, vector<16xf32>, vector<16xf32>, vector<16xf32>, vector<16xf32>, vector<16xf32>, vector<16xf32>, vector<16xf32>, vector<16xf32>, vector<16xf32>, vector<16xf32>, vector<16xf32>, vector<16xf32>, vector<16xf32>, vector<16xf32>, vector<16xf32>, vector<16xf32>, vector<16xf32>, vector<16xf32>, vector<16xf32>, vector<16xf32>, vector<16xf32>, vector<16xf32>, vector<16xf32>, vector<16xf32>, vector<16xf32>, vector<16xf32>, vector<16xf32>, vector<16xf32>, vector<16xf32>
        }
        %add3A_177 = arith.constant 2 : i32
        %add3A_178 = arith.addi %add3A_160, %add3A_177 : i32
        %lt3A_179 = arith.cmpi slt, %add3A_178, %select_n3A_62 : i32
        %convert_element_type3A_180 = arith.extui %lt3A_179 : i1 to i32
        %cond3A_181 = arith.constant 0 : i32
        %cond3A_182 = arith.cmpi ne, %convert_element_type3A_180, %cond3A_181 : i32
        scf.if %cond3A_182 {
          %add3A_183 = arith.constant 2 : i32
          %add3A_184 = arith.addi %add3A_160, %add3A_183 : i32
          %mul3A_185 = arith.constant 96 : i32
          %mul3A_186 = arith.muli %add3A_184, %mul3A_185 : i32
          %add3A_187 = arith.addi %reduce_max3A_21, %mul3A_186 : i32
          %min3A_188 = arith.constant 99904 : i32
          %min3A_189 = arith.minsi %add3A_187, %min3A_188 : i32
          %mul3A_190 = arith.constant 512 : i32
          %mul3A_191 = arith.muli %min3A_189, %mul3A_190 : i32
          %multiple_of3A_192 = tpu.assume_multiple %mul3A_191, 512 : i32
          %dma_start3A = tpu.memref_slice %arg2[%multiple_of3A_192] : memref<51200000xf32, #tpu.memory_space<hbm>> -> memref<49152xf32, #tpu.memory_space<hbm>>
          %dma_start3A_193 = tpu.memref_slice %arg2[%multiple_of3A_192] : memref<51200000xf32, #tpu.memory_space<hbm>> -> memref<49152xf32, #tpu.memory_space<hbm>>
          tpu.enqueue_dma source(%dma_start3A_193 : memref<49152xf32, #tpu.memory_space<hbm>>) target(%arg6 : memref<49152xf32, #tpu.memory_space<vmem>>) target_semaphore(%arg10 : memref<!tpu.dma_semaphore, #tpu.memory_space<semaphore_mem>>)
        } else {
        }
        scf.yield %while3A_176#1, %while3A_176#2, %while3A_176#3, %while3A_176#4, %while3A_176#5, %while3A_176#6, %while3A_176#7, %while3A_176#8, %while3A_176#9, %while3A_176#10, %while3A_176#11, %while3A_176#12, %while3A_176#13, %while3A_176#14, %while3A_176#15, %while3A_176#16, %while3A_176#17, %while3A_176#18, %while3A_176#19, %while3A_176#20, %while3A_176#21, %while3A_176#22, %while3A_176#23, %while3A_176#24, %while3A_176#25, %while3A_176#26, %while3A_176#27, %while3A_176#28, %while3A_176#29, %while3A_176#30, %while3A_176#31, %while3A_176#32, %while3A_176#33 : i32, vector<16xf32>, vector<16xf32>, vector<16xf32>, vector<16xf32>, vector<16xf32>, vector<16xf32>, vector<16xf32>, vector<16xf32>, vector<16xf32>, vector<16xf32>, vector<16xf32>, vector<16xf32>, vector<16xf32>, vector<16xf32>, vector<16xf32>, vector<16xf32>, vector<16xf32>, vector<16xf32>, vector<16xf32>, vector<16xf32>, vector<16xf32>, vector<16xf32>, vector<16xf32>, vector<16xf32>, vector<16xf32>, vector<16xf32>, vector<16xf32>, vector<16xf32>, vector<16xf32>, vector<16xf32>, vector<16xf32>, vector<16xf32>
      } else {
        scf.yield %cond3A_156#0, %cond3A_156#1, %cond3A_156#2, %cond3A_156#3, %cond3A_156#4, %cond3A_156#5, %cond3A_156#6, %cond3A_156#7, %cond3A_156#8, %cond3A_156#9, %cond3A_156#10, %cond3A_156#11, %cond3A_156#12, %cond3A_156#13, %cond3A_156#14, %cond3A_156#15, %cond3A_156#16, %cond3A_156#17, %cond3A_156#18, %cond3A_156#19, %cond3A_156#20, %cond3A_156#21, %cond3A_156#22, %cond3A_156#23, %cond3A_156#24, %cond3A_156#25, %cond3A_156#26, %cond3A_156#27, %cond3A_156#28, %cond3A_156#29, %cond3A_156#30, %cond3A_156#31, %cond3A_156#32 : i32, vector<16xf32>, vector<16xf32>, vector<16xf32>, vector<16xf32>, vector<16xf32>, vector<16xf32>, vector<16xf32>, vector<16xf32>, vector<16xf32>, vector<16xf32>, vector<16xf32>, vector<16xf32>, vector<16xf32>, vector<16xf32>, vector<16xf32>, vector<16xf32>, vector<16xf32>, vector<16xf32>, vector<16xf32>, vector<16xf32>, vector<16xf32>, vector<16xf32>, vector<16xf32>, vector<16xf32>, vector<16xf32>, vector<16xf32>, vector<16xf32>, vector<16xf32>, vector<16xf32>, vector<16xf32>, vector<16xf32>, vector<16xf32>
      }
      scf.yield %cond3A_165#0, %cond3A_165#1, %cond3A_165#2, %cond3A_165#3, %cond3A_165#4, %cond3A_165#5, %cond3A_165#6, %cond3A_165#7, %cond3A_165#8, %cond3A_165#9, %cond3A_165#10, %cond3A_165#11, %cond3A_165#12, %cond3A_165#13, %cond3A_165#14, %cond3A_165#15, %cond3A_165#16, %cond3A_165#17, %cond3A_165#18, %cond3A_165#19, %cond3A_165#20, %cond3A_165#21, %cond3A_165#22, %cond3A_165#23, %cond3A_165#24, %cond3A_165#25, %cond3A_165#26, %cond3A_165#27, %cond3A_165#28, %cond3A_165#29, %cond3A_165#30, %cond3A_165#31, %cond3A_165#32 : i32, vector<16xf32>, vector<16xf32>, vector<16xf32>, vector<16xf32>, vector<16xf32>, vector<16xf32>, vector<16xf32>, vector<16xf32>, vector<16xf32>, vector<16xf32>, vector<16xf32>, vector<16xf32>, vector<16xf32>, vector<16xf32>, vector<16xf32>, vector<16xf32>, vector<16xf32>, vector<16xf32>, vector<16xf32>, vector<16xf32>, vector<16xf32>, vector<16xf32>, vector<16xf32>, vector<16xf32>, vector<16xf32>, vector<16xf32>, vector<16xf32>, vector<16xf32>, vector<16xf32>, vector<16xf32>, vector<16xf32>, vector<16xf32>
    }
    %while3A_104 = arith.constant 1 : i32
    %while3A_105:33 = scf.for %while3A_114 = %while3A_101 to %while3A_97 step %while3A_104 iter_args(%while3A_115 = %while3A_103#0, %while3A_116 = %while3A_103#1, %while3A_117 = %while3A_103#2, %while3A_118 = %while3A_103#3, %while3A_119 = %while3A_103#4, %while3A_120 = %while3A_103#5, %while3A_121 = %while3A_103#6, %while3A_122 = %while3A_103#7, %while3A_123 = %while3A_103#8, %while3A_124 = %while3A_103#9, %while3A_125 = %while3A_103#10, %while3A_126 = %while3A_103#11, %while3A_127 = %while3A_103#12, %while3A_128 = %while3A_103#13, %while3A_129 = %while3A_103#14, %while3A_130 = %while3A_103#15, %while3A_131 = %while3A_103#16, %while3A_132 = %while3A_103#17, %while3A_133 = %while3A_103#18, %while3A_134 = %while3A_103#19, %while3A_135 = %while3A_103#20, %while3A_136 = %while3A_103#21, %while3A_137 = %while3A_103#22, %while3A_138 = %while3A_103#23, %while3A_139 = %while3A_103#24, %while3A_140 = %while3A_103#25, %while3A_141 = %while3A_103#26, %while3A_142 = %while3A_103#27, %while3A_143 = %while3A_103#28, %while3A_144 = %while3A_103#29, %while3A_145 = %while3A_103#30, %while3A_146 = %while3A_103#31, %while3A_147 = %while3A_103#32) -> (i32, vector<16xf32>, vector<16xf32>, vector<16xf32>, vector<16xf32>, vector<16xf32>, vector<16xf32>, vector<16xf32>, vector<16xf32>, vector<16xf32>, vector<16xf32>, vector<16xf32>, vector<16xf32>, vector<16xf32>, vector<16xf32>, vector<16xf32>, vector<16xf32>, vector<16xf32>, vector<16xf32>, vector<16xf32>, vector<16xf32>, vector<16xf32>, vector<16xf32>, vector<16xf32>, vector<16xf32>, vector<16xf32>, vector<16xf32>, vector<16xf32>, vector<16xf32>, vector<16xf32>, vector<16xf32>, vector<16xf32>, vector<16xf32>)  : i32 {
      %mul3A_148 = arith.constant 2 : i32
      %mul3A_149 = arith.muli %while3A_114, %mul3A_148 : i32
      %add3A_150 = arith.constant 0 : i32
      %add3A_151 = arith.addi %mul3A_149, %add3A_150 : i32
      %lt3A_152 = arith.cmpi slt, %add3A_151, %select_n3A_62 : i32
      %convert_element_type3A_153 = arith.extui %lt3A_152 : i1 to i32
      %cond3A_154 = arith.constant 0 : i32
      %cond3A_155 = arith.cmpi ne, %convert_element_type3A_153, %cond3A_154 : i32
      %cond3A_156:33 = scf.if %cond3A_155 -> (i32, vector<16xf32>, vector<16xf32>, vector<16xf32>, vector<16xf32>, vector<16xf32>, vector<16xf32>, vector<16xf32>, vector<16xf32>, vector<16xf32>, vector<16xf32>, vector<16xf32>, vector<16xf32>, vector<16xf32>, vector<16xf32>, vector<16xf32>, vector<16xf32>, vector<16xf32>, vector<16xf32>, vector<16xf32>, vector<16xf32>, vector<16xf32>, vector<16xf32>, vector<16xf32>, vector<16xf32>, vector<16xf32>, vector<16xf32>, vector<16xf32>, vector<16xf32>, vector<16xf32>, vector<16xf32>, vector<16xf32>, vector<16xf32>) {
        %dma_wait3A = arith.constant 0 : i32
        %dma_wait3A_166 = tpu.memref_slice %arg2[%dma_wait3A] : memref<51200000xf32, #tpu.memory_space<hbm>> -> memref<49152xf32, #tpu.memory_space<hbm>>
        %dma_wait3A_167 = arith.constant 0 : i32
        %dma_wait3A_168 = tpu.memref_slice %arg2[%dma_wait3A_167] : memref<51200000xf32, #tpu.memory_space<hbm>> -> memref<49152xf32, #tpu.memory_space<hbm>>
        tpu.wait_dma2 semaphore(%arg9 : memref<!tpu.dma_semaphore, #tpu.memory_space<semaphore_mem>>) src(%dma_wait3A_168 : memref<49152xf32, #tpu.memory_space<hbm>>) dst(%arg5 : memref<49152xf32, #tpu.memory_space<vmem>>)
        %mul3A_169 = arith.constant 96 : i32
        %mul3A_170 = arith.muli %add3A_151, %mul3A_169 : i32
        %add3A_171 = arith.addi %reduce_max3A_21, %mul3A_170 : i32
        %min3A = arith.constant 99904 : i32
        %min3A_172 = arith.minsi %add3A_171, %min3A : i32
        %add3A_173 = arith.constant 96 : i32
        %add3A_174 = arith.addi %add3A_171, %add3A_173 : i32
        %min3A_175 = arith.minsi %add3A_174, %reduce_max3A_39 : i32
        %while3A_176:34 = scf.while (%while3A_183 = %add3A_171, %while3A_184 = %while3A_115, %while3A_185 = %while3A_116, %while3A_186 = %while3A_117, %while3A_187 = %while3A_118, %while3A_188 = %while3A_119, %while3A_189 = %while3A_120, %while3A_190 = %while3A_121, %while3A_191 = %while3A_122, %while3A_192 = %while3A_123, %while3A_193 = %while3A_124, %while3A_194 = %while3A_125, %while3A_195 = %while3A_126, %while3A_196 = %while3A_127, %while3A_197 = %while3A_128, %while3A_198 = %while3A_129, %while3A_199 = %while3A_130, %while3A_200 = %while3A_131, %while3A_201 = %while3A_132, %while3A_202 = %while3A_133, %while3A_203 = %while3A_134, %while3A_204 = %while3A_135, %while3A_205 = %while3A_136, %while3A_206 = %while3A_137, %while3A_207 = %while3A_138, %while3A_208 = %while3A_139, %while3A_209 = %while3A_140, %while3A_210 = %while3A_141, %while3A_211 = %while3A_142, %while3A_212 = %while3A_143, %while3A_213 = %while3A_144, %while3A_214 = %while3A_145, %while3A_215 = %while3A_146, %while3A_216 = %while3A_147) : (i32, i32, vector<16xf32>, vector<16xf32>, vector<16xf32>, vector<16xf32>, vector<16xf32>, vector<16xf32>, vector<16xf32>, vector<16xf32>, vector<16xf32>, vector<16xf32>, vector<16xf32>, vector<16xf32>, vector<16xf32>, vector<16xf32>, vector<16xf32>, vector<16xf32>, vector<16xf32>, vector<16xf32>, vector<16xf32>, vector<16xf32>, vector<16xf32>, vector<16xf32>, vector<16xf32>, vector<16xf32>, vector<16xf32>, vector<16xf32>, vector<16xf32>, vector<16xf32>, vector<16xf32>, vector<16xf32>, vector<16xf32>, vector<16xf32>) -> (i32, i32, vector<16xf32>, vector<16xf32>, vector<16xf32>, vector<16xf32>, vector<16xf32>, vector<16xf32>, vector<16xf32>, vector<16xf32>, vector<16xf32>, vector<16xf32>, vector<16xf32>, vector<16xf32>, vector<16xf32>, vector<16xf32>, vector<16xf32>, vector<16xf32>, vector<16xf32>, vector<16xf32>, vector<16xf32>, vector<16xf32>, vector<16xf32>, vector<16xf32>, vector<16xf32>, vector<16xf32>, vector<16xf32>, vector<16xf32>, vector<16xf32>, vector<16xf32>, vector<16xf32>, vector<16xf32>, vector<16xf32>, vector<16xf32>) {
          %lt3A_217 = arith.cmpi slt, %while3A_183, %min3A_175 : i32
          scf.condition(%lt3A_217) %while3A_183, %while3A_184, %while3A_185, %while3A_186, %while3A_187, %while3A_188, %while3A_189, %while3A_190, %while3A_191, %while3A_192, %while3A_193, %while3A_194, %while3A_195, %while3A_196, %while3A_197, %while3A_198, %while3A_199, %while3A_200, %while3A_201, %while3A_202, %while3A_203, %while3A_204, %while3A_205, %while3A_206, %while3A_207, %while3A_208, %while3A_209, %while3A_210, %while3A_211, %while3A_212, %while3A_213, %while3A_214, %while3A_215, %while3A_216 : i32, i32, vector<16xf32>, vector<16xf32>, vector<16xf32>, vector<16xf32>, vector<16xf32>, vector<16xf32>, vector<16xf32>, vector<16xf32>, vector<16xf32>, vector<16xf32>, vector<16xf32>, vector<16xf32>, vector<16xf32>, vector<16xf32>, vector<16xf32>, vector<16xf32>, vector<16xf32>, vector<16xf32>, vector<16xf32>, vector<16xf32>, vector<16xf32>, vector<16xf32>, vector<16xf32>, vector<16xf32>, vector<16xf32>, vector<16xf32>, vector<16xf32>, vector<16xf32>, vector<16xf32>, vector<16xf32>, vector<16xf32>, vector<16xf32>
        } do {
        ^bb0(%while3A_183: i32, %while3A_184: i32, %while3A_185: vector<16xf32>, %while3A_186: vector<16xf32>, %while3A_187: vector<16xf32>, %while3A_188: vector<16xf32>, %while3A_189: vector<16xf32>, %while3A_190: vector<16xf32>, %while3A_191: vector<16xf32>, %while3A_192: vector<16xf32>, %while3A_193: vector<16xf32>, %while3A_194: vector<16xf32>, %while3A_195: vector<16xf32>, %while3A_196: vector<16xf32>, %while3A_197: vector<16xf32>, %while3A_198: vector<16xf32>, %while3A_199: vector<16xf32>, %while3A_200: vector<16xf32>, %while3A_201: vector<16xf32>, %while3A_202: vector<16xf32>, %while3A_203: vector<16xf32>, %while3A_204: vector<16xf32>, %while3A_205: vector<16xf32>, %while3A_206: vector<16xf32>, %while3A_207: vector<16xf32>, %while3A_208: vector<16xf32>, %while3A_209: vector<16xf32>, %while3A_210: vector<16xf32>, %while3A_211: vector<16xf32>, %while3A_212: vector<16xf32>, %while3A_213: vector<16xf32>, %while3A_214: vector<16xf32>, %while3A_215: vector<16xf32>, %while3A_216: vector<16xf32>):
          %sub3A_217 = arith.subi %while3A_184, %mul3A_2 : i32
          %add3A_218 = arith.constant 1 : i32
          %add3A_219 = arith.addi %sub3A_217, %add3A_218 : i32
          %jit3A_220 = arith.constant 16 : i32
          %div3A_221 = arith.divsi %add3A_219, %jit3A_220 : i32
          %sign3A_222 = arith.constant 0 : i32
          %sign3A_223 = arith.cmpi sgt, %add3A_219, %sign3A_222 : i32
          %sign3A_224 = arith.extui %sign3A_223 : i1 to i32
          %sign3A_225 = arith.constant 0 : i32
          %sign3A_226 = arith.cmpi slt, %add3A_219, %sign3A_225 : i32
          %sign3A_227 = arith.extui %sign3A_226 : i1 to i32
          %sign3A_228 = arith.subi %sign3A_224, %sign3A_227 : i32
          %sign3A_229 = arith.constant 0 : i32
          %sign3A_230 = arith.cmpi sgt, %jit3A_220, %sign3A_229 : i32
          %sign3A_231 = arith.extui %sign3A_230 : i1 to i32
          %sign3A_232 = arith.constant 0 : i32
          %sign3A_233 = arith.cmpi slt, %jit3A_220, %sign3A_232 : i32
          %sign3A_234 = arith.extui %sign3A_233 : i1 to i32
          %sign3A_235 = arith.subi %sign3A_231, %sign3A_234 : i32
          %ne3A_236 = arith.cmpi ne, %sign3A_228, %sign3A_235 : i32
          %rem3A_237 = arith.remsi %add3A_219, %jit3A_220 : i32
          %ne3A_238 = arith.constant 0 : i32
          %ne3A_239 = arith.cmpi ne, %rem3A_237, %ne3A_238 : i32
          %and3A_240 = arith.andi %ne3A_236, %ne3A_239 : i1
          %sub3A_241 = arith.constant 1 : i32
          %sub3A_242 = arith.subi %div3A_221, %sub3A_241 : i32
          %select_n3A_243 = arith.select %and3A_240, %sub3A_242, %div3A_221 : i32
          %mul3A_244 = arith.constant 16 : i32
          %mul3A_245 = arith.muli %select_n3A_243, %mul3A_244 : i32
          %multiple_of3A_246 = tpu.assume_multiple %mul3A_245, 16 : i32
          %get3A_247 = arith.index_cast %multiple_of3A_246 : i32 to index
          %get3A_248 = tpu.vector_load %arg7[%get3A_247] {strides = array<i32>} : memref<48xi32, #tpu.memory_space<vmem>>, vector<16xi32>,
          %sub3A_249 = arith.subi %add3A_219, %mul3A_245 : i32
          %eq3A_250 = vector.broadcast %sub3A_249 : i32 to vector<16xi32>
          %eq3A_251 = arith.cmpi eq, %iota3A, %eq3A_250 : vector<16xi32>
          %jit3A_252 = arith.constant -2147483648 : i32
          %broadcast_in_dim3A_253 = vector.broadcast %jit3A_252 : i32 to vector<16xi32>
          %select_n3A_254 = arith.select %eq3A_251, %get3A_248, %broadcast_in_dim3A_253 : vector<16xi1>, vector<16xi32>
          %reduce_max3A_255 = arith.constant true
          %reduce_max3A_256 = vector.broadcast %reduce_max3A_255 : i1 to vector<16xi1>
          %reduce_max3A_257 = arith.constant -2147483648 : i32
          %reduce_max3A_258 = vector.broadcast %reduce_max3A_257 : i32 to vector<16xi32>
          %reduce_max3A_259 = arith.xori %select_n3A_254, %reduce_max3A_258 : vector<16xi32>
          %reduce_max3A_260 = tpu.scan <max>, %reduce_max3A_259 masked %reduce_max3A_256 : vector<16xi32>, vector<16xi1> -> vector<16xi32>
          %reduce_max3A_261 = arith.xori %reduce_max3A_260, %reduce_max3A_258 : vector<16xi32>
          %reduce_max3A_262 = vector.extract %reduce_max3A_261[15] : i32 from vector<16xi32>
          %min3A_263 = arith.minsi %reduce_max3A_262, %min3A_175 : i32
          %sub3A_264 = arith.subi %while3A_183, %min3A_172 : i32
          %sub3A_265 = arith.subi %min3A_263, %while3A_183 : i32
          %while3A_266 = arith.constant 0 : i32
          %while3A_267 = arith.subi %sub3A_265, %while3A_266 : i32
          %while3A_268 = arith.addi %while3A_266, %while3A_267 : i32
          %while3A_269 = arith.constant 1 : i32
          %while3A_270 = arith.divsi %while3A_267, %while3A_269 : i32
          %while3A_271 = arith.muli %while3A_270, %while3A_269 : i32
          %while3A_272 = arith.addi %while3A_266, %while3A_271 : i32
          %while3A_273 = arith.constant 1 : i32
          %while3A_274:32 = scf.for %while3A_281 = %while3A_266 to %while3A_272 step %while3A_273 iter_args(%while3A_282 = %while3A_185, %while3A_283 = %while3A_186, %while3A_284 = %while3A_187, %while3A_285 = %while3A_188, %while3A_286 = %while3A_189, %while3A_287 = %while3A_190, %while3A_288 = %while3A_191, %while3A_289 = %while3A_192, %while3A_290 = %while3A_193, %while3A_291 = %while3A_194, %while3A_292 = %while3A_195, %while3A_293 = %while3A_196, %while3A_294 = %while3A_197, %while3A_295 = %while3A_198, %while3A_296 = %while3A_199, %while3A_297 = %while3A_200, %while3A_298 = %while3A_201, %while3A_299 = %while3A_202, %while3A_300 = %while3A_203, %while3A_301 = %while3A_204, %while3A_302 = %while3A_205, %while3A_303 = %while3A_206, %while3A_304 = %while3A_207, %while3A_305 = %while3A_208, %while3A_306 = %while3A_209, %while3A_307 = %while3A_210, %while3A_308 = %while3A_211, %while3A_309 = %while3A_212, %while3A_310 = %while3A_213, %while3A_311 = %while3A_214, %while3A_312 = %while3A_215, %while3A_313 = %while3A_216) -> (vector<16xf32>, vector<16xf32>, vector<16xf32>, vector<16xf32>, vector<16xf32>, vector<16xf32>, vector<16xf32>, vector<16xf32>, vector<16xf32>, vector<16xf32>, vector<16xf32>, vector<16xf32>, vector<16xf32>, vector<16xf32>, vector<16xf32>, vector<16xf32>, vector<16xf32>, vector<16xf32>, vector<16xf32>, vector<16xf32>, vector<16xf32>, vector<16xf32>, vector<16xf32>, vector<16xf32>, vector<16xf32>, vector<16xf32>, vector<16xf32>, vector<16xf32>, vector<16xf32>, vector<16xf32>, vector<16xf32>, vector<16xf32>)  : i32 {
            %add3A_314 = arith.addi %sub3A_264, %while3A_281 : i32
            %mul3A_315 = arith.constant 512 : i32
            %mul3A_316 = arith.muli %add3A_314, %mul3A_315 : i32
            %add3A_317 = arith.constant 0 : i32
            %add3A_318 = arith.addi %mul3A_316, %add3A_317 : i32
            %get3A_319 = arith.index_cast %add3A_318 : i32 to index
            %get3A_320 = tpu.vector_load %arg5[%get3A_319] {strides = array<i32>} : memref<49152xf32, #tpu.memory_space<vmem>>, vector<16xf32>,
            %add3A_321 = arith.addf %while3A_282, %get3A_320 : vector<16xf32>
            %add3A_322 = arith.constant 16 : i32
            %add3A_323 = arith.addi %mul3A_316, %add3A_322 : i32
            %get3A_324 = arith.index_cast %add3A_323 : i32 to index
            %get3A_325 = tpu.vector_load %arg5[%get3A_324] {strides = array<i32>} : memref<49152xf32, #tpu.memory_space<vmem>>, vector<16xf32>,
            %add3A_326 = arith.addf %while3A_283, %get3A_325 : vector<16xf32>
            %add3A_327 = arith.constant 32 : i32
            %add3A_328 = arith.addi %mul3A_316, %add3A_327 : i32
            %get3A_329 = arith.index_cast %add3A_328 : i32 to index
            %get3A_330 = tpu.vector_load %arg5[%get3A_329] {strides = array<i32>} : memref<49152xf32, #tpu.memory_space<vmem>>, vector<16xf32>,
            %add3A_331 = arith.addf %while3A_284, %get3A_330 : vector<16xf32>
            %add3A_332 = arith.constant 48 : i32
            %add3A_333 = arith.addi %mul3A_316, %add3A_332 : i32
            %get3A_334 = arith.index_cast %add3A_333 : i32 to index
            %get3A_335 = tpu.vector_load %arg5[%get3A_334] {strides = array<i32>} : memref<49152xf32, #tpu.memory_space<vmem>>, vector<16xf32>,
            %add3A_336 = arith.addf %while3A_285, %get3A_335 : vector<16xf32>
            %add3A_337 = arith.constant 64 : i32
            %add3A_338 = arith.addi %mul3A_316, %add3A_337 : i32
            %get3A_339 = arith.index_cast %add3A_338 : i32 to index
            %get3A_340 = tpu.vector_load %arg5[%get3A_339] {strides = array<i32>} : memref<49152xf32, #tpu.memory_space<vmem>>, vector<16xf32>,
            %add3A_341 = arith.addf %while3A_286, %get3A_340 : vector<16xf32>
            %add3A_342 = arith.constant 80 : i32
            %add3A_343 = arith.addi %mul3A_316, %add3A_342 : i32
            %get3A_344 = arith.index_cast %add3A_343 : i32 to index
            %get3A_345 = tpu.vector_load %arg5[%get3A_344] {strides = array<i32>} : memref<49152xf32, #tpu.memory_space<vmem>>, vector<16xf32>,
            %add3A_346 = arith.addf %while3A_287, %get3A_345 : vector<16xf32>
            %add3A_347 = arith.constant 96 : i32
            %add3A_348 = arith.addi %mul3A_316, %add3A_347 : i32
            %get3A_349 = arith.index_cast %add3A_348 : i32 to index
            %get3A_350 = tpu.vector_load %arg5[%get3A_349] {strides = array<i32>} : memref<49152xf32, #tpu.memory_space<vmem>>, vector<16xf32>,
            %add3A_351 = arith.addf %while3A_288, %get3A_350 : vector<16xf32>
            %add3A_352 = arith.constant 112 : i32
            %add3A_353 = arith.addi %mul3A_316, %add3A_352 : i32
            %get3A_354 = arith.index_cast %add3A_353 : i32 to index
            %get3A_355 = tpu.vector_load %arg5[%get3A_354] {strides = array<i32>} : memref<49152xf32, #tpu.memory_space<vmem>>, vector<16xf32>,
            %add3A_356 = arith.addf %while3A_289, %get3A_355 : vector<16xf32>
            %add3A_357 = arith.constant 128 : i32
            %add3A_358 = arith.addi %mul3A_316, %add3A_357 : i32
            %get3A_359 = arith.index_cast %add3A_358 : i32 to index
            %get3A_360 = tpu.vector_load %arg5[%get3A_359] {strides = array<i32>} : memref<49152xf32, #tpu.memory_space<vmem>>, vector<16xf32>,
            %add3A_361 = arith.addf %while3A_290, %get3A_360 : vector<16xf32>
            %add3A_362 = arith.constant 144 : i32
            %add3A_363 = arith.addi %mul3A_316, %add3A_362 : i32
            %get3A_364 = arith.index_cast %add3A_363 : i32 to index
            %get3A_365 = tpu.vector_load %arg5[%get3A_364] {strides = array<i32>} : memref<49152xf32, #tpu.memory_space<vmem>>, vector<16xf32>,
            %add3A_366 = arith.addf %while3A_291, %get3A_365 : vector<16xf32>
            %add3A_367 = arith.constant 160 : i32
            %add3A_368 = arith.addi %mul3A_316, %add3A_367 : i32
            %get3A_369 = arith.index_cast %add3A_368 : i32 to index
            %get3A_370 = tpu.vector_load %arg5[%get3A_369] {strides = array<i32>} : memref<49152xf32, #tpu.memory_space<vmem>>, vector<16xf32>,
            %add3A_371 = arith.addf %while3A_292, %get3A_370 : vector<16xf32>
            %add3A_372 = arith.constant 176 : i32
            %add3A_373 = arith.addi %mul3A_316, %add3A_372 : i32
            %get3A_374 = arith.index_cast %add3A_373 : i32 to index
            %get3A_375 = tpu.vector_load %arg5[%get3A_374] {strides = array<i32>} : memref<49152xf32, #tpu.memory_space<vmem>>, vector<16xf32>,
            %add3A_376 = arith.addf %while3A_293, %get3A_375 : vector<16xf32>
            %add3A_377 = arith.constant 192 : i32
            %add3A_378 = arith.addi %mul3A_316, %add3A_377 : i32
            %get3A_379 = arith.index_cast %add3A_378 : i32 to index
            %get3A_380 = tpu.vector_load %arg5[%get3A_379] {strides = array<i32>} : memref<49152xf32, #tpu.memory_space<vmem>>, vector<16xf32>,
            %add3A_381 = arith.addf %while3A_294, %get3A_380 : vector<16xf32>
            %add3A_382 = arith.constant 208 : i32
            %add3A_383 = arith.addi %mul3A_316, %add3A_382 : i32
            %get3A_384 = arith.index_cast %add3A_383 : i32 to index
            %get3A_385 = tpu.vector_load %arg5[%get3A_384] {strides = array<i32>} : memref<49152xf32, #tpu.memory_space<vmem>>, vector<16xf32>,
            %add3A_386 = arith.addf %while3A_295, %get3A_385 : vector<16xf32>
            %add3A_387 = arith.constant 224 : i32
            %add3A_388 = arith.addi %mul3A_316, %add3A_387 : i32
            %get3A_389 = arith.index_cast %add3A_388 : i32 to index
            %get3A_390 = tpu.vector_load %arg5[%get3A_389] {strides = array<i32>} : memref<49152xf32, #tpu.memory_space<vmem>>, vector<16xf32>,
            %add3A_391 = arith.addf %while3A_296, %get3A_390 : vector<16xf32>
            %add3A_392 = arith.constant 240 : i32
            %add3A_393 = arith.addi %mul3A_316, %add3A_392 : i32
            %get3A_394 = arith.index_cast %add3A_393 : i32 to index
            %get3A_395 = tpu.vector_load %arg5[%get3A_394] {strides = array<i32>} : memref<49152xf32, #tpu.memory_space<vmem>>, vector<16xf32>,
            %add3A_396 = arith.addf %while3A_297, %get3A_395 : vector<16xf32>
            %add3A_397 = arith.constant 256 : i32
            %add3A_398 = arith.addi %mul3A_316, %add3A_397 : i32
            %get3A_399 = arith.index_cast %add3A_398 : i32 to index
            %get3A_400 = tpu.vector_load %arg5[%get3A_399] {strides = array<i32>} : memref<49152xf32, #tpu.memory_space<vmem>>, vector<16xf32>,
            %add3A_401 = arith.addf %while3A_298, %get3A_400 : vector<16xf32>
            %add3A_402 = arith.constant 272 : i32
            %add3A_403 = arith.addi %mul3A_316, %add3A_402 : i32
            %get3A_404 = arith.index_cast %add3A_403 : i32 to index
            %get3A_405 = tpu.vector_load %arg5[%get3A_404] {strides = array<i32>} : memref<49152xf32, #tpu.memory_space<vmem>>, vector<16xf32>,
            %add3A_406 = arith.addf %while3A_299, %get3A_405 : vector<16xf32>
            %add3A_407 = arith.constant 288 : i32
            %add3A_408 = arith.addi %mul3A_316, %add3A_407 : i32
            %get3A_409 = arith.index_cast %add3A_408 : i32 to index
            %get3A_410 = tpu.vector_load %arg5[%get3A_409] {strides = array<i32>} : memref<49152xf32, #tpu.memory_space<vmem>>, vector<16xf32>,
            %add3A_411 = arith.addf %while3A_300, %get3A_410 : vector<16xf32>
            %add3A_412 = arith.constant 304 : i32
            %add3A_413 = arith.addi %mul3A_316, %add3A_412 : i32
            %get3A_414 = arith.index_cast %add3A_413 : i32 to index
            %get3A_415 = tpu.vector_load %arg5[%get3A_414] {strides = array<i32>} : memref<49152xf32, #tpu.memory_space<vmem>>, vector<16xf32>,
            %add3A_416 = arith.addf %while3A_301, %get3A_415 : vector<16xf32>
            %add3A_417 = arith.constant 320 : i32
            %add3A_418 = arith.addi %mul3A_316, %add3A_417 : i32
            %get3A_419 = arith.index_cast %add3A_418 : i32 to index
            %get3A_420 = tpu.vector_load %arg5[%get3A_419] {strides = array<i32>} : memref<49152xf32, #tpu.memory_space<vmem>>, vector<16xf32>,
            %add3A_421 = arith.addf %while3A_302, %get3A_420 : vector<16xf32>
            %add3A_422 = arith.constant 336 : i32
            %add3A_423 = arith.addi %mul3A_316, %add3A_422 : i32
            %get3A_424 = arith.index_cast %add3A_423 : i32 to index
            %get3A_425 = tpu.vector_load %arg5[%get3A_424] {strides = array<i32>} : memref<49152xf32, #tpu.memory_space<vmem>>, vector<16xf32>,
            %add3A_426 = arith.addf %while3A_303, %get3A_425 : vector<16xf32>
            %add3A_427 = arith.constant 352 : i32
            %add3A_428 = arith.addi %mul3A_316, %add3A_427 : i32
            %get3A_429 = arith.index_cast %add3A_428 : i32 to index
            %get3A_430 = tpu.vector_load %arg5[%get3A_429] {strides = array<i32>} : memref<49152xf32, #tpu.memory_space<vmem>>, vector<16xf32>,
            %add3A_431 = arith.addf %while3A_304, %get3A_430 : vector<16xf32>
            %add3A_432 = arith.constant 368 : i32
            %add3A_433 = arith.addi %mul3A_316, %add3A_432 : i32
            %get3A_434 = arith.index_cast %add3A_433 : i32 to index
            %get3A_435 = tpu.vector_load %arg5[%get3A_434] {strides = array<i32>} : memref<49152xf32, #tpu.memory_space<vmem>>, vector<16xf32>,
            %add3A_436 = arith.addf %while3A_305, %get3A_435 : vector<16xf32>
            %add3A_437 = arith.constant 384 : i32
            %add3A_438 = arith.addi %mul3A_316, %add3A_437 : i32
            %get3A_439 = arith.index_cast %add3A_438 : i32 to index
            %get3A_440 = tpu.vector_load %arg5[%get3A_439] {strides = array<i32>} : memref<49152xf32, #tpu.memory_space<vmem>>, vector<16xf32>,
            %add3A_441 = arith.addf %while3A_306, %get3A_440 : vector<16xf32>
            %add3A_442 = arith.constant 400 : i32
            %add3A_443 = arith.addi %mul3A_316, %add3A_442 : i32
            %get3A_444 = arith.index_cast %add3A_443 : i32 to index
            %get3A_445 = tpu.vector_load %arg5[%get3A_444] {strides = array<i32>} : memref<49152xf32, #tpu.memory_space<vmem>>, vector<16xf32>,
            %add3A_446 = arith.addf %while3A_307, %get3A_445 : vector<16xf32>
            %add3A_447 = arith.constant 416 : i32
            %add3A_448 = arith.addi %mul3A_316, %add3A_447 : i32
            %get3A_449 = arith.index_cast %add3A_448 : i32 to index
            %get3A_450 = tpu.vector_load %arg5[%get3A_449] {strides = array<i32>} : memref<49152xf32, #tpu.memory_space<vmem>>, vector<16xf32>,
            %add3A_451 = arith.addf %while3A_308, %get3A_450 : vector<16xf32>
            %add3A_452 = arith.constant 432 : i32
            %add3A_453 = arith.addi %mul3A_316, %add3A_452 : i32
            %get3A_454 = arith.index_cast %add3A_453 : i32 to index
            %get3A_455 = tpu.vector_load %arg5[%get3A_454] {strides = array<i32>} : memref<49152xf32, #tpu.memory_space<vmem>>, vector<16xf32>,
            %add3A_456 = arith.addf %while3A_309, %get3A_455 : vector<16xf32>
            %add3A_457 = arith.constant 448 : i32
            %add3A_458 = arith.addi %mul3A_316, %add3A_457 : i32
            %get3A_459 = arith.index_cast %add3A_458 : i32 to index
            %get3A_460 = tpu.vector_load %arg5[%get3A_459] {strides = array<i32>} : memref<49152xf32, #tpu.memory_space<vmem>>, vector<16xf32>,
            %add3A_461 = arith.addf %while3A_310, %get3A_460 : vector<16xf32>
            %add3A_462 = arith.constant 464 : i32
            %add3A_463 = arith.addi %mul3A_316, %add3A_462 : i32
            %get3A_464 = arith.index_cast %add3A_463 : i32 to index
            %get3A_465 = tpu.vector_load %arg5[%get3A_464] {strides = array<i32>} : memref<49152xf32, #tpu.memory_space<vmem>>, vector<16xf32>,
            %add3A_466 = arith.addf %while3A_311, %get3A_465 : vector<16xf32>
            %add3A_467 = arith.constant 480 : i32
            %add3A_468 = arith.addi %mul3A_316, %add3A_467 : i32
            %get3A_469 = arith.index_cast %add3A_468 : i32 to index
            %get3A_470 = tpu.vector_load %arg5[%get3A_469] {strides = array<i32>} : memref<49152xf32, #tpu.memory_space<vmem>>, vector<16xf32>,
            %add3A_471 = arith.addf %while3A_312, %get3A_470 : vector<16xf32>
            %add3A_472 = arith.constant 496 : i32
            %add3A_473 = arith.addi %mul3A_316, %add3A_472 : i32
            %get3A_474 = arith.index_cast %add3A_473 : i32 to index
            %get3A_475 = tpu.vector_load %arg5[%get3A_474] {strides = array<i32>} : memref<49152xf32, #tpu.memory_space<vmem>>, vector<16xf32>,
            %add3A_476 = arith.addf %while3A_313, %get3A_475 : vector<16xf32>
            scf.yield %add3A_321, %add3A_326, %add3A_331, %add3A_336, %add3A_341, %add3A_346, %add3A_351, %add3A_356, %add3A_361, %add3A_366, %add3A_371, %add3A_376, %add3A_381, %add3A_386, %add3A_391, %add3A_396, %add3A_401, %add3A_406, %add3A_411, %add3A_416, %add3A_421, %add3A_426, %add3A_431, %add3A_436, %add3A_441, %add3A_446, %add3A_451, %add3A_456, %add3A_461, %add3A_466, %add3A_471, %add3A_476 : vector<16xf32>, vector<16xf32>, vector<16xf32>, vector<16xf32>, vector<16xf32>, vector<16xf32>, vector<16xf32>, vector<16xf32>, vector<16xf32>, vector<16xf32>, vector<16xf32>, vector<16xf32>, vector<16xf32>, vector<16xf32>, vector<16xf32>, vector<16xf32>, vector<16xf32>, vector<16xf32>, vector<16xf32>, vector<16xf32>, vector<16xf32>, vector<16xf32>, vector<16xf32>, vector<16xf32>, vector<16xf32>, vector<16xf32>, vector<16xf32>, vector<16xf32>, vector<16xf32>, vector<16xf32>, vector<16xf32>, vector<16xf32>
          }
          %while3A_275 = arith.constant 1 : i32
          %while3A_276:32 = scf.for %while3A_281 = %while3A_272 to %while3A_268 step %while3A_275 iter_args(%while3A_282 = %while3A_274#0, %while3A_283 = %while3A_274#1, %while3A_284 = %while3A_274#2, %while3A_285 = %while3A_274#3, %while3A_286 = %while3A_274#4, %while3A_287 = %while3A_274#5, %while3A_288 = %while3A_274#6, %while3A_289 = %while3A_274#7, %while3A_290 = %while3A_274#8, %while3A_291 = %while3A_274#9, %while3A_292 = %while3A_274#10, %while3A_293 = %while3A_274#11, %while3A_294 = %while3A_274#12, %while3A_295 = %while3A_274#13, %while3A_296 = %while3A_274#14, %while3A_297 = %while3A_274#15, %while3A_298 = %while3A_274#16, %while3A_299 = %while3A_274#17, %while3A_300 = %while3A_274#18, %while3A_301 = %while3A_274#19, %while3A_302 = %while3A_274#20, %while3A_303 = %while3A_274#21, %while3A_304 = %while3A_274#22, %while3A_305 = %while3A_274#23, %while3A_306 = %while3A_274#24, %while3A_307 = %while3A_274#25, %while3A_308 = %while3A_274#26, %while3A_309 = %while3A_274#27, %while3A_310 = %while3A_274#28, %while3A_311 = %while3A_274#29, %while3A_312 = %while3A_274#30, %while3A_313 = %while3A_274#31) -> (vector<16xf32>, vector<16xf32>, vector<16xf32>, vector<16xf32>, vector<16xf32>, vector<16xf32>, vector<16xf32>, vector<16xf32>, vector<16xf32>, vector<16xf32>, vector<16xf32>, vector<16xf32>, vector<16xf32>, vector<16xf32>, vector<16xf32>, vector<16xf32>, vector<16xf32>, vector<16xf32>, vector<16xf32>, vector<16xf32>, vector<16xf32>, vector<16xf32>, vector<16xf32>, vector<16xf32>, vector<16xf32>, vector<16xf32>, vector<16xf32>, vector<16xf32>, vector<16xf32>, vector<16xf32>, vector<16xf32>, vector<16xf32>)  : i32 {
            %add3A_314 = arith.addi %sub3A_264, %while3A_281 : i32
            %mul3A_315 = arith.constant 512 : i32
            %mul3A_316 = arith.muli %add3A_314, %mul3A_315 : i32
            %add3A_317 = arith.constant 0 : i32
            %add3A_318 = arith.addi %mul3A_316, %add3A_317 : i32
            %get3A_319 = arith.index_cast %add3A_318 : i32 to index
            %get3A_320 = tpu.vector_load %arg5[%get3A_319] {strides = array<i32>} : memref<49152xf32, #tpu.memory_space<vmem>>, vector<16xf32>,
            %add3A_321 = arith.addf %while3A_282, %get3A_320 : vector<16xf32>
            %add3A_322 = arith.constant 16 : i32
            %add3A_323 = arith.addi %mul3A_316, %add3A_322 : i32
            %get3A_324 = arith.index_cast %add3A_323 : i32 to index
            %get3A_325 = tpu.vector_load %arg5[%get3A_324] {strides = array<i32>} : memref<49152xf32, #tpu.memory_space<vmem>>, vector<16xf32>,
            %add3A_326 = arith.addf %while3A_283, %get3A_325 : vector<16xf32>
            %add3A_327 = arith.constant 32 : i32
            %add3A_328 = arith.addi %mul3A_316, %add3A_327 : i32
            %get3A_329 = arith.index_cast %add3A_328 : i32 to index
            %get3A_330 = tpu.vector_load %arg5[%get3A_329] {strides = array<i32>} : memref<49152xf32, #tpu.memory_space<vmem>>, vector<16xf32>,
            %add3A_331 = arith.addf %while3A_284, %get3A_330 : vector<16xf32>
            %add3A_332 = arith.constant 48 : i32
            %add3A_333 = arith.addi %mul3A_316, %add3A_332 : i32
            %get3A_334 = arith.index_cast %add3A_333 : i32 to index
            %get3A_335 = tpu.vector_load %arg5[%get3A_334] {strides = array<i32>} : memref<49152xf32, #tpu.memory_space<vmem>>, vector<16xf32>,
            %add3A_336 = arith.addf %while3A_285, %get3A_335 : vector<16xf32>
            %add3A_337 = arith.constant 64 : i32
            %add3A_338 = arith.addi %mul3A_316, %add3A_337 : i32
            %get3A_339 = arith.index_cast %add3A_338 : i32 to index
            %get3A_340 = tpu.vector_load %arg5[%get3A_339] {strides = array<i32>} : memref<49152xf32, #tpu.memory_space<vmem>>, vector<16xf32>,
            %add3A_341 = arith.addf %while3A_286, %get3A_340 : vector<16xf32>
            %add3A_342 = arith.constant 80 : i32
            %add3A_343 = arith.addi %mul3A_316, %add3A_342 : i32
            %get3A_344 = arith.index_cast %add3A_343 : i32 to index
            %get3A_345 = tpu.vector_load %arg5[%get3A_344] {strides = array<i32>} : memref<49152xf32, #tpu.memory_space<vmem>>, vector<16xf32>,
            %add3A_346 = arith.addf %while3A_287, %get3A_345 : vector<16xf32>
            %add3A_347 = arith.constant 96 : i32
            %add3A_348 = arith.addi %mul3A_316, %add3A_347 : i32
            %get3A_349 = arith.index_cast %add3A_348 : i32 to index
            %get3A_350 = tpu.vector_load %arg5[%get3A_349] {strides = array<i32>} : memref<49152xf32, #tpu.memory_space<vmem>>, vector<16xf32>,
            %add3A_351 = arith.addf %while3A_288, %get3A_350 : vector<16xf32>
            %add3A_352 = arith.constant 112 : i32
            %add3A_353 = arith.addi %mul3A_316, %add3A_352 : i32
            %get3A_354 = arith.index_cast %add3A_353 : i32 to index
            %get3A_355 = tpu.vector_load %arg5[%get3A_354] {strides = array<i32>} : memref<49152xf32, #tpu.memory_space<vmem>>, vector<16xf32>,
            %add3A_356 = arith.addf %while3A_289, %get3A_355 : vector<16xf32>
            %add3A_357 = arith.constant 128 : i32
            %add3A_358 = arith.addi %mul3A_316, %add3A_357 : i32
            %get3A_359 = arith.index_cast %add3A_358 : i32 to index
            %get3A_360 = tpu.vector_load %arg5[%get3A_359] {strides = array<i32>} : memref<49152xf32, #tpu.memory_space<vmem>>, vector<16xf32>,
            %add3A_361 = arith.addf %while3A_290, %get3A_360 : vector<16xf32>
            %add3A_362 = arith.constant 144 : i32
            %add3A_363 = arith.addi %mul3A_316, %add3A_362 : i32
            %get3A_364 = arith.index_cast %add3A_363 : i32 to index
            %get3A_365 = tpu.vector_load %arg5[%get3A_364] {strides = array<i32>} : memref<49152xf32, #tpu.memory_space<vmem>>, vector<16xf32>,
            %add3A_366 = arith.addf %while3A_291, %get3A_365 : vector<16xf32>
            %add3A_367 = arith.constant 160 : i32
            %add3A_368 = arith.addi %mul3A_316, %add3A_367 : i32
            %get3A_369 = arith.index_cast %add3A_368 : i32 to index
            %get3A_370 = tpu.vector_load %arg5[%get3A_369] {strides = array<i32>} : memref<49152xf32, #tpu.memory_space<vmem>>, vector<16xf32>,
            %add3A_371 = arith.addf %while3A_292, %get3A_370 : vector<16xf32>
            %add3A_372 = arith.constant 176 : i32
            %add3A_373 = arith.addi %mul3A_316, %add3A_372 : i32
            %get3A_374 = arith.index_cast %add3A_373 : i32 to index
            %get3A_375 = tpu.vector_load %arg5[%get3A_374] {strides = array<i32>} : memref<49152xf32, #tpu.memory_space<vmem>>, vector<16xf32>,
            %add3A_376 = arith.addf %while3A_293, %get3A_375 : vector<16xf32>
            %add3A_377 = arith.constant 192 : i32
            %add3A_378 = arith.addi %mul3A_316, %add3A_377 : i32
            %get3A_379 = arith.index_cast %add3A_378 : i32 to index
            %get3A_380 = tpu.vector_load %arg5[%get3A_379] {strides = array<i32>} : memref<49152xf32, #tpu.memory_space<vmem>>, vector<16xf32>,
            %add3A_381 = arith.addf %while3A_294, %get3A_380 : vector<16xf32>
            %add3A_382 = arith.constant 208 : i32
            %add3A_383 = arith.addi %mul3A_316, %add3A_382 : i32
            %get3A_384 = arith.index_cast %add3A_383 : i32 to index
            %get3A_385 = tpu.vector_load %arg5[%get3A_384] {strides = array<i32>} : memref<49152xf32, #tpu.memory_space<vmem>>, vector<16xf32>,
            %add3A_386 = arith.addf %while3A_295, %get3A_385 : vector<16xf32>
            %add3A_387 = arith.constant 224 : i32
            %add3A_388 = arith.addi %mul3A_316, %add3A_387 : i32
            %get3A_389 = arith.index_cast %add3A_388 : i32 to index
            %get3A_390 = tpu.vector_load %arg5[%get3A_389] {strides = array<i32>} : memref<49152xf32, #tpu.memory_space<vmem>>, vector<16xf32>,
            %add3A_391 = arith.addf %while3A_296, %get3A_390 : vector<16xf32>
            %add3A_392 = arith.constant 240 : i32
            %add3A_393 = arith.addi %mul3A_316, %add3A_392 : i32
            %get3A_394 = arith.index_cast %add3A_393 : i32 to index
            %get3A_395 = tpu.vector_load %arg5[%get3A_394] {strides = array<i32>} : memref<49152xf32, #tpu.memory_space<vmem>>, vector<16xf32>,
            %add3A_396 = arith.addf %while3A_297, %get3A_395 : vector<16xf32>
            %add3A_397 = arith.constant 256 : i32
            %add3A_398 = arith.addi %mul3A_316, %add3A_397 : i32
            %get3A_399 = arith.index_cast %add3A_398 : i32 to index
            %get3A_400 = tpu.vector_load %arg5[%get3A_399] {strides = array<i32>} : memref<49152xf32, #tpu.memory_space<vmem>>, vector<16xf32>,
            %add3A_401 = arith.addf %while3A_298, %get3A_400 : vector<16xf32>
            %add3A_402 = arith.constant 272 : i32
            %add3A_403 = arith.addi %mul3A_316, %add3A_402 : i32
            %get3A_404 = arith.index_cast %add3A_403 : i32 to index
            %get3A_405 = tpu.vector_load %arg5[%get3A_404] {strides = array<i32>} : memref<49152xf32, #tpu.memory_space<vmem>>, vector<16xf32>,
            %add3A_406 = arith.addf %while3A_299, %get3A_405 : vector<16xf32>
            %add3A_407 = arith.constant 288 : i32
            %add3A_408 = arith.addi %mul3A_316, %add3A_407 : i32
            %get3A_409 = arith.index_cast %add3A_408 : i32 to index
            %get3A_410 = tpu.vector_load %arg5[%get3A_409] {strides = array<i32>} : memref<49152xf32, #tpu.memory_space<vmem>>, vector<16xf32>,
            %add3A_411 = arith.addf %while3A_300, %get3A_410 : vector<16xf32>
            %add3A_412 = arith.constant 304 : i32
            %add3A_413 = arith.addi %mul3A_316, %add3A_412 : i32
            %get3A_414 = arith.index_cast %add3A_413 : i32 to index
            %get3A_415 = tpu.vector_load %arg5[%get3A_414] {strides = array<i32>} : memref<49152xf32, #tpu.memory_space<vmem>>, vector<16xf32>,
            %add3A_416 = arith.addf %while3A_301, %get3A_415 : vector<16xf32>
            %add3A_417 = arith.constant 320 : i32
            %add3A_418 = arith.addi %mul3A_316, %add3A_417 : i32
            %get3A_419 = arith.index_cast %add3A_418 : i32 to index
            %get3A_420 = tpu.vector_load %arg5[%get3A_419] {strides = array<i32>} : memref<49152xf32, #tpu.memory_space<vmem>>, vector<16xf32>,
            %add3A_421 = arith.addf %while3A_302, %get3A_420 : vector<16xf32>
            %add3A_422 = arith.constant 336 : i32
            %add3A_423 = arith.addi %mul3A_316, %add3A_422 : i32
            %get3A_424 = arith.index_cast %add3A_423 : i32 to index
            %get3A_425 = tpu.vector_load %arg5[%get3A_424] {strides = array<i32>} : memref<49152xf32, #tpu.memory_space<vmem>>, vector<16xf32>,
            %add3A_426 = arith.addf %while3A_303, %get3A_425 : vector<16xf32>
            %add3A_427 = arith.constant 352 : i32
            %add3A_428 = arith.addi %mul3A_316, %add3A_427 : i32
            %get3A_429 = arith.index_cast %add3A_428 : i32 to index
            %get3A_430 = tpu.vector_load %arg5[%get3A_429] {strides = array<i32>} : memref<49152xf32, #tpu.memory_space<vmem>>, vector<16xf32>,
            %add3A_431 = arith.addf %while3A_304, %get3A_430 : vector<16xf32>
            %add3A_432 = arith.constant 368 : i32
            %add3A_433 = arith.addi %mul3A_316, %add3A_432 : i32
            %get3A_434 = arith.index_cast %add3A_433 : i32 to index
            %get3A_435 = tpu.vector_load %arg5[%get3A_434] {strides = array<i32>} : memref<49152xf32, #tpu.memory_space<vmem>>, vector<16xf32>,
            %add3A_436 = arith.addf %while3A_305, %get3A_435 : vector<16xf32>
            %add3A_437 = arith.constant 384 : i32
            %add3A_438 = arith.addi %mul3A_316, %add3A_437 : i32
            %get3A_439 = arith.index_cast %add3A_438 : i32 to index
            %get3A_440 = tpu.vector_load %arg5[%get3A_439] {strides = array<i32>} : memref<49152xf32, #tpu.memory_space<vmem>>, vector<16xf32>,
            %add3A_441 = arith.addf %while3A_306, %get3A_440 : vector<16xf32>
            %add3A_442 = arith.constant 400 : i32
            %add3A_443 = arith.addi %mul3A_316, %add3A_442 : i32
            %get3A_444 = arith.index_cast %add3A_443 : i32 to index
            %get3A_445 = tpu.vector_load %arg5[%get3A_444] {strides = array<i32>} : memref<49152xf32, #tpu.memory_space<vmem>>, vector<16xf32>,
            %add3A_446 = arith.addf %while3A_307, %get3A_445 : vector<16xf32>
            %add3A_447 = arith.constant 416 : i32
            %add3A_448 = arith.addi %mul3A_316, %add3A_447 : i32
            %get3A_449 = arith.index_cast %add3A_448 : i32 to index
            %get3A_450 = tpu.vector_load %arg5[%get3A_449] {strides = array<i32>} : memref<49152xf32, #tpu.memory_space<vmem>>, vector<16xf32>,
            %add3A_451 = arith.addf %while3A_308, %get3A_450 : vector<16xf32>
            %add3A_452 = arith.constant 432 : i32
            %add3A_453 = arith.addi %mul3A_316, %add3A_452 : i32
            %get3A_454 = arith.index_cast %add3A_453 : i32 to index
            %get3A_455 = tpu.vector_load %arg5[%get3A_454] {strides = array<i32>} : memref<49152xf32, #tpu.memory_space<vmem>>, vector<16xf32>,
            %add3A_456 = arith.addf %while3A_309, %get3A_455 : vector<16xf32>
            %add3A_457 = arith.constant 448 : i32
            %add3A_458 = arith.addi %mul3A_316, %add3A_457 : i32
            %get3A_459 = arith.index_cast %add3A_458 : i32 to index
            %get3A_460 = tpu.vector_load %arg5[%get3A_459] {strides = array<i32>} : memref<49152xf32, #tpu.memory_space<vmem>>, vector<16xf32>,
            %add3A_461 = arith.addf %while3A_310, %get3A_460 : vector<16xf32>
            %add3A_462 = arith.constant 464 : i32
            %add3A_463 = arith.addi %mul3A_316, %add3A_462 : i32
            %get3A_464 = arith.index_cast %add3A_463 : i32 to index
            %get3A_465 = tpu.vector_load %arg5[%get3A_464] {strides = array<i32>} : memref<49152xf32, #tpu.memory_space<vmem>>, vector<16xf32>,
            %add3A_466 = arith.addf %while3A_311, %get3A_465 : vector<16xf32>
            %add3A_467 = arith.constant 480 : i32
            %add3A_468 = arith.addi %mul3A_316, %add3A_467 : i32
            %get3A_469 = arith.index_cast %add3A_468 : i32 to index
            %get3A_470 = tpu.vector_load %arg5[%get3A_469] {strides = array<i32>} : memref<49152xf32, #tpu.memory_space<vmem>>, vector<16xf32>,
            %add3A_471 = arith.addf %while3A_312, %get3A_470 : vector<16xf32>
            %add3A_472 = arith.constant 496 : i32
            %add3A_473 = arith.addi %mul3A_316, %add3A_472 : i32
            %get3A_474 = arith.index_cast %add3A_473 : i32 to index
            %get3A_475 = tpu.vector_load %arg5[%get3A_474] {strides = array<i32>} : memref<49152xf32, #tpu.memory_space<vmem>>, vector<16xf32>,
            %add3A_476 = arith.addf %while3A_313, %get3A_475 : vector<16xf32>
            scf.yield %add3A_321, %add3A_326, %add3A_331, %add3A_336, %add3A_341, %add3A_346, %add3A_351, %add3A_356, %add3A_361, %add3A_366, %add3A_371, %add3A_376, %add3A_381, %add3A_386, %add3A_391, %add3A_396, %add3A_401, %add3A_406, %add3A_411, %add3A_416, %add3A_421, %add3A_426, %add3A_431, %add3A_436, %add3A_441, %add3A_446, %add3A_451, %add3A_456, %add3A_461, %add3A_466, %add3A_471, %add3A_476 : vector<16xf32>, vector<16xf32>, vector<16xf32>, vector<16xf32>, vector<16xf32>, vector<16xf32>, vector<16xf32>, vector<16xf32>, vector<16xf32>, vector<16xf32>, vector<16xf32>, vector<16xf32>, vector<16xf32>, vector<16xf32>, vector<16xf32>, vector<16xf32>, vector<16xf32>, vector<16xf32>, vector<16xf32>, vector<16xf32>, vector<16xf32>, vector<16xf32>, vector<16xf32>, vector<16xf32>, vector<16xf32>, vector<16xf32>, vector<16xf32>, vector<16xf32>, vector<16xf32>, vector<16xf32>, vector<16xf32>, vector<16xf32>
          }
          %le3A = arith.cmpi sle, %reduce_max3A_262, %min3A_175 : i32
          %convert_element_type3A_277 = arith.extui %le3A : i1 to i32
          %cond3A_278 = arith.constant 0 : i32
          %cond3A_279 = arith.cmpi ne, %convert_element_type3A_277, %cond3A_278 : i32
          %cond3A_280:33 = scf.if %cond3A_279 -> (i32, vector<16xf32>, vector<16xf32>, vector<16xf32>, vector<16xf32>, vector<16xf32>, vector<16xf32>, vector<16xf32>, vector<16xf32>, vector<16xf32>, vector<16xf32>, vector<16xf32>, vector<16xf32>, vector<16xf32>, vector<16xf32>, vector<16xf32>, vector<16xf32>, vector<16xf32>, vector<16xf32>, vector<16xf32>, vector<16xf32>, vector<16xf32>, vector<16xf32>, vector<16xf32>, vector<16xf32>, vector<16xf32>, vector<16xf32>, vector<16xf32>, vector<16xf32>, vector<16xf32>, vector<16xf32>, vector<16xf32>, vector<16xf32>) {
            %sub3A_281 = arith.subi %while3A_184, %mul3A_2 : i32
            %mul3A_282 = arith.constant 512 : i32
            %mul3A_283 = arith.muli %sub3A_281, %mul3A_282 : i32
            %add3A_284 = arith.constant 0 : i32
            %add3A_285 = arith.addi %mul3A_283, %add3A_284 : i32
            %swap3A = arith.index_cast %add3A_285 : i32 to index
            %swap3A_286 = tpu.vector_load %arg8[%swap3A] {strides = array<i32>} : memref<16384xf32, #tpu.memory_space<vmem>>, vector<16xf32>,
            tpu.vector_store %arg8[%swap3A], %while3A_276#0 {strides = array<i32>} : memref<16384xf32, #tpu.memory_space<vmem>>, vector<16xf32>,
            %add3A_287 = arith.constant 16 : i32
            %add3A_288 = arith.addi %mul3A_283, %add3A_287 : i32
            %swap3A_289 = arith.index_cast %add3A_288 : i32 to index
            %swap3A_290 = tpu.vector_load %arg8[%swap3A_289] {strides = array<i32>} : memref<16384xf32, #tpu.memory_space<vmem>>, vector<16xf32>,
            tpu.vector_store %arg8[%swap3A_289], %while3A_276#1 {strides = array<i32>} : memref<16384xf32, #tpu.memory_space<vmem>>, vector<16xf32>,
            %add3A_291 = arith.constant 32 : i32
            %add3A_292 = arith.addi %mul3A_283, %add3A_291 : i32
            %swap3A_293 = arith.index_cast %add3A_292 : i32 to index
            %swap3A_294 = tpu.vector_load %arg8[%swap3A_293] {strides = array<i32>} : memref<16384xf32, #tpu.memory_space<vmem>>, vector<16xf32>,
            tpu.vector_store %arg8[%swap3A_293], %while3A_276#2 {strides = array<i32>} : memref<16384xf32, #tpu.memory_space<vmem>>, vector<16xf32>,
            %add3A_295 = arith.constant 48 : i32
            %add3A_296 = arith.addi %mul3A_283, %add3A_295 : i32
            %swap3A_297 = arith.index_cast %add3A_296 : i32 to index
            %swap3A_298 = tpu.vector_load %arg8[%swap3A_297] {strides = array<i32>} : memref<16384xf32, #tpu.memory_space<vmem>>, vector<16xf32>,
            tpu.vector_store %arg8[%swap3A_297], %while3A_276#3 {strides = array<i32>} : memref<16384xf32, #tpu.memory_space<vmem>>, vector<16xf32>,
            %add3A_299 = arith.constant 64 : i32
            %add3A_300 = arith.addi %mul3A_283, %add3A_299 : i32
            %swap3A_301 = arith.index_cast %add3A_300 : i32 to index
            %swap3A_302 = tpu.vector_load %arg8[%swap3A_301] {strides = array<i32>} : memref<16384xf32, #tpu.memory_space<vmem>>, vector<16xf32>,
            tpu.vector_store %arg8[%swap3A_301], %while3A_276#4 {strides = array<i32>} : memref<16384xf32, #tpu.memory_space<vmem>>, vector<16xf32>,
            %add3A_303 = arith.constant 80 : i32
            %add3A_304 = arith.addi %mul3A_283, %add3A_303 : i32
            %swap3A_305 = arith.index_cast %add3A_304 : i32 to index
            %swap3A_306 = tpu.vector_load %arg8[%swap3A_305] {strides = array<i32>} : memref<16384xf32, #tpu.memory_space<vmem>>, vector<16xf32>,
            tpu.vector_store %arg8[%swap3A_305], %while3A_276#5 {strides = array<i32>} : memref<16384xf32, #tpu.memory_space<vmem>>, vector<16xf32>,
            %add3A_307 = arith.constant 96 : i32
            %add3A_308 = arith.addi %mul3A_283, %add3A_307 : i32
            %swap3A_309 = arith.index_cast %add3A_308 : i32 to index
            %swap3A_310 = tpu.vector_load %arg8[%swap3A_309] {strides = array<i32>} : memref<16384xf32, #tpu.memory_space<vmem>>, vector<16xf32>,
            tpu.vector_store %arg8[%swap3A_309], %while3A_276#6 {strides = array<i32>} : memref<16384xf32, #tpu.memory_space<vmem>>, vector<16xf32>,
            %add3A_311 = arith.constant 112 : i32
            %add3A_312 = arith.addi %mul3A_283, %add3A_311 : i32
            %swap3A_313 = arith.index_cast %add3A_312 : i32 to index
            %swap3A_314 = tpu.vector_load %arg8[%swap3A_313] {strides = array<i32>} : memref<16384xf32, #tpu.memory_space<vmem>>, vector<16xf32>,
            tpu.vector_store %arg8[%swap3A_313], %while3A_276#7 {strides = array<i32>} : memref<16384xf32, #tpu.memory_space<vmem>>, vector<16xf32>,
            %add3A_315 = arith.constant 128 : i32
            %add3A_316 = arith.addi %mul3A_283, %add3A_315 : i32
            %swap3A_317 = arith.index_cast %add3A_316 : i32 to index
            %swap3A_318 = tpu.vector_load %arg8[%swap3A_317] {strides = array<i32>} : memref<16384xf32, #tpu.memory_space<vmem>>, vector<16xf32>,
            tpu.vector_store %arg8[%swap3A_317], %while3A_276#8 {strides = array<i32>} : memref<16384xf32, #tpu.memory_space<vmem>>, vector<16xf32>,
            %add3A_319 = arith.constant 144 : i32
            %add3A_320 = arith.addi %mul3A_283, %add3A_319 : i32
            %swap3A_321 = arith.index_cast %add3A_320 : i32 to index
            %swap3A_322 = tpu.vector_load %arg8[%swap3A_321] {strides = array<i32>} : memref<16384xf32, #tpu.memory_space<vmem>>, vector<16xf32>,
            tpu.vector_store %arg8[%swap3A_321], %while3A_276#9 {strides = array<i32>} : memref<16384xf32, #tpu.memory_space<vmem>>, vector<16xf32>,
            %add3A_323 = arith.constant 160 : i32
            %add3A_324 = arith.addi %mul3A_283, %add3A_323 : i32
            %swap3A_325 = arith.index_cast %add3A_324 : i32 to index
            %swap3A_326 = tpu.vector_load %arg8[%swap3A_325] {strides = array<i32>} : memref<16384xf32, #tpu.memory_space<vmem>>, vector<16xf32>,
            tpu.vector_store %arg8[%swap3A_325], %while3A_276#10 {strides = array<i32>} : memref<16384xf32, #tpu.memory_space<vmem>>, vector<16xf32>,
            %add3A_327 = arith.constant 176 : i32
            %add3A_328 = arith.addi %mul3A_283, %add3A_327 : i32
            %swap3A_329 = arith.index_cast %add3A_328 : i32 to index
            %swap3A_330 = tpu.vector_load %arg8[%swap3A_329] {strides = array<i32>} : memref<16384xf32, #tpu.memory_space<vmem>>, vector<16xf32>,
            tpu.vector_store %arg8[%swap3A_329], %while3A_276#11 {strides = array<i32>} : memref<16384xf32, #tpu.memory_space<vmem>>, vector<16xf32>,
            %add3A_331 = arith.constant 192 : i32
            %add3A_332 = arith.addi %mul3A_283, %add3A_331 : i32
            %swap3A_333 = arith.index_cast %add3A_332 : i32 to index
            %swap3A_334 = tpu.vector_load %arg8[%swap3A_333] {strides = array<i32>} : memref<16384xf32, #tpu.memory_space<vmem>>, vector<16xf32>,
            tpu.vector_store %arg8[%swap3A_333], %while3A_276#12 {strides = array<i32>} : memref<16384xf32, #tpu.memory_space<vmem>>, vector<16xf32>,
            %add3A_335 = arith.constant 208 : i32
            %add3A_336 = arith.addi %mul3A_283, %add3A_335 : i32
            %swap3A_337 = arith.index_cast %add3A_336 : i32 to index
            %swap3A_338 = tpu.vector_load %arg8[%swap3A_337] {strides = array<i32>} : memref<16384xf32, #tpu.memory_space<vmem>>, vector<16xf32>,
            tpu.vector_store %arg8[%swap3A_337], %while3A_276#13 {strides = array<i32>} : memref<16384xf32, #tpu.memory_space<vmem>>, vector<16xf32>,
            %add3A_339 = arith.constant 224 : i32
            %add3A_340 = arith.addi %mul3A_283, %add3A_339 : i32
            %swap3A_341 = arith.index_cast %add3A_340 : i32 to index
            %swap3A_342 = tpu.vector_load %arg8[%swap3A_341] {strides = array<i32>} : memref<16384xf32, #tpu.memory_space<vmem>>, vector<16xf32>,
            tpu.vector_store %arg8[%swap3A_341], %while3A_276#14 {strides = array<i32>} : memref<16384xf32, #tpu.memory_space<vmem>>, vector<16xf32>,
            %add3A_343 = arith.constant 240 : i32
            %add3A_344 = arith.addi %mul3A_283, %add3A_343 : i32
            %swap3A_345 = arith.index_cast %add3A_344 : i32 to index
            %swap3A_346 = tpu.vector_load %arg8[%swap3A_345] {strides = array<i32>} : memref<16384xf32, #tpu.memory_space<vmem>>, vector<16xf32>,
            tpu.vector_store %arg8[%swap3A_345], %while3A_276#15 {strides = array<i32>} : memref<16384xf32, #tpu.memory_space<vmem>>, vector<16xf32>,
            %add3A_347 = arith.constant 256 : i32
            %add3A_348 = arith.addi %mul3A_283, %add3A_347 : i32
            %swap3A_349 = arith.index_cast %add3A_348 : i32 to index
            %swap3A_350 = tpu.vector_load %arg8[%swap3A_349] {strides = array<i32>} : memref<16384xf32, #tpu.memory_space<vmem>>, vector<16xf32>,
            tpu.vector_store %arg8[%swap3A_349], %while3A_276#16 {strides = array<i32>} : memref<16384xf32, #tpu.memory_space<vmem>>, vector<16xf32>,
            %add3A_351 = arith.constant 272 : i32
            %add3A_352 = arith.addi %mul3A_283, %add3A_351 : i32
            %swap3A_353 = arith.index_cast %add3A_352 : i32 to index
            %swap3A_354 = tpu.vector_load %arg8[%swap3A_353] {strides = array<i32>} : memref<16384xf32, #tpu.memory_space<vmem>>, vector<16xf32>,
            tpu.vector_store %arg8[%swap3A_353], %while3A_276#17 {strides = array<i32>} : memref<16384xf32, #tpu.memory_space<vmem>>, vector<16xf32>,
            %add3A_355 = arith.constant 288 : i32
            %add3A_356 = arith.addi %mul3A_283, %add3A_355 : i32
            %swap3A_357 = arith.index_cast %add3A_356 : i32 to index
            %swap3A_358 = tpu.vector_load %arg8[%swap3A_357] {strides = array<i32>} : memref<16384xf32, #tpu.memory_space<vmem>>, vector<16xf32>,
            tpu.vector_store %arg8[%swap3A_357], %while3A_276#18 {strides = array<i32>} : memref<16384xf32, #tpu.memory_space<vmem>>, vector<16xf32>,
            %add3A_359 = arith.constant 304 : i32
            %add3A_360 = arith.addi %mul3A_283, %add3A_359 : i32
            %swap3A_361 = arith.index_cast %add3A_360 : i32 to index
            %swap3A_362 = tpu.vector_load %arg8[%swap3A_361] {strides = array<i32>} : memref<16384xf32, #tpu.memory_space<vmem>>, vector<16xf32>,
            tpu.vector_store %arg8[%swap3A_361], %while3A_276#19 {strides = array<i32>} : memref<16384xf32, #tpu.memory_space<vmem>>, vector<16xf32>,
            %add3A_363 = arith.constant 320 : i32
            %add3A_364 = arith.addi %mul3A_283, %add3A_363 : i32
            %swap3A_365 = arith.index_cast %add3A_364 : i32 to index
            %swap3A_366 = tpu.vector_load %arg8[%swap3A_365] {strides = array<i32>} : memref<16384xf32, #tpu.memory_space<vmem>>, vector<16xf32>,
            tpu.vector_store %arg8[%swap3A_365], %while3A_276#20 {strides = array<i32>} : memref<16384xf32, #tpu.memory_space<vmem>>, vector<16xf32>,
            %add3A_367 = arith.constant 336 : i32
            %add3A_368 = arith.addi %mul3A_283, %add3A_367 : i32
            %swap3A_369 = arith.index_cast %add3A_368 : i32 to index
            %swap3A_370 = tpu.vector_load %arg8[%swap3A_369] {strides = array<i32>} : memref<16384xf32, #tpu.memory_space<vmem>>, vector<16xf32>,
            tpu.vector_store %arg8[%swap3A_369], %while3A_276#21 {strides = array<i32>} : memref<16384xf32, #tpu.memory_space<vmem>>, vector<16xf32>,
            %add3A_371 = arith.constant 352 : i32
            %add3A_372 = arith.addi %mul3A_283, %add3A_371 : i32
            %swap3A_373 = arith.index_cast %add3A_372 : i32 to index
            %swap3A_374 = tpu.vector_load %arg8[%swap3A_373] {strides = array<i32>} : memref<16384xf32, #tpu.memory_space<vmem>>, vector<16xf32>,
            tpu.vector_store %arg8[%swap3A_373], %while3A_276#22 {strides = array<i32>} : memref<16384xf32, #tpu.memory_space<vmem>>, vector<16xf32>,
            %add3A_375 = arith.constant 368 : i32
            %add3A_376 = arith.addi %mul3A_283, %add3A_375 : i32
            %swap3A_377 = arith.index_cast %add3A_376 : i32 to index
            %swap3A_378 = tpu.vector_load %arg8[%swap3A_377] {strides = array<i32>} : memref<16384xf32, #tpu.memory_space<vmem>>, vector<16xf32>,
            tpu.vector_store %arg8[%swap3A_377], %while3A_276#23 {strides = array<i32>} : memref<16384xf32, #tpu.memory_space<vmem>>, vector<16xf32>,
            %add3A_379 = arith.constant 384 : i32
            %add3A_380 = arith.addi %mul3A_283, %add3A_379 : i32
            %swap3A_381 = arith.index_cast %add3A_380 : i32 to index
            %swap3A_382 = tpu.vector_load %arg8[%swap3A_381] {strides = array<i32>} : memref<16384xf32, #tpu.memory_space<vmem>>, vector<16xf32>,
            tpu.vector_store %arg8[%swap3A_381], %while3A_276#24 {strides = array<i32>} : memref<16384xf32, #tpu.memory_space<vmem>>, vector<16xf32>,
            %add3A_383 = arith.constant 400 : i32
            %add3A_384 = arith.addi %mul3A_283, %add3A_383 : i32
            %swap3A_385 = arith.index_cast %add3A_384 : i32 to index
            %swap3A_386 = tpu.vector_load %arg8[%swap3A_385] {strides = array<i32>} : memref<16384xf32, #tpu.memory_space<vmem>>, vector<16xf32>,
            tpu.vector_store %arg8[%swap3A_385], %while3A_276#25 {strides = array<i32>} : memref<16384xf32, #tpu.memory_space<vmem>>, vector<16xf32>,
            %add3A_387 = arith.constant 416 : i32
            %add3A_388 = arith.addi %mul3A_283, %add3A_387 : i32
            %swap3A_389 = arith.index_cast %add3A_388 : i32 to index
            %swap3A_390 = tpu.vector_load %arg8[%swap3A_389] {strides = array<i32>} : memref<16384xf32, #tpu.memory_space<vmem>>, vector<16xf32>,
            tpu.vector_store %arg8[%swap3A_389], %while3A_276#26 {strides = array<i32>} : memref<16384xf32, #tpu.memory_space<vmem>>, vector<16xf32>,
            %add3A_391 = arith.constant 432 : i32
            %add3A_392 = arith.addi %mul3A_283, %add3A_391 : i32
            %swap3A_393 = arith.index_cast %add3A_392 : i32 to index
            %swap3A_394 = tpu.vector_load %arg8[%swap3A_393] {strides = array<i32>} : memref<16384xf32, #tpu.memory_space<vmem>>, vector<16xf32>,
            tpu.vector_store %arg8[%swap3A_393], %while3A_276#27 {strides = array<i32>} : memref<16384xf32, #tpu.memory_space<vmem>>, vector<16xf32>,
            %add3A_395 = arith.constant 448 : i32
            %add3A_396 = arith.addi %mul3A_283, %add3A_395 : i32
            %swap3A_397 = arith.index_cast %add3A_396 : i32 to index
            %swap3A_398 = tpu.vector_load %arg8[%swap3A_397] {strides = array<i32>} : memref<16384xf32, #tpu.memory_space<vmem>>, vector<16xf32>,
            tpu.vector_store %arg8[%swap3A_397], %while3A_276#28 {strides = array<i32>} : memref<16384xf32, #tpu.memory_space<vmem>>, vector<16xf32>,
            %add3A_399 = arith.constant 464 : i32
            %add3A_400 = arith.addi %mul3A_283, %add3A_399 : i32
            %swap3A_401 = arith.index_cast %add3A_400 : i32 to index
            %swap3A_402 = tpu.vector_load %arg8[%swap3A_401] {strides = array<i32>} : memref<16384xf32, #tpu.memory_space<vmem>>, vector<16xf32>,
            tpu.vector_store %arg8[%swap3A_401], %while3A_276#29 {strides = array<i32>} : memref<16384xf32, #tpu.memory_space<vmem>>, vector<16xf32>,
            %add3A_403 = arith.constant 480 : i32
            %add3A_404 = arith.addi %mul3A_283, %add3A_403 : i32
            %swap3A_405 = arith.index_cast %add3A_404 : i32 to index
            %swap3A_406 = tpu.vector_load %arg8[%swap3A_405] {strides = array<i32>} : memref<16384xf32, #tpu.memory_space<vmem>>, vector<16xf32>,
            tpu.vector_store %arg8[%swap3A_405], %while3A_276#30 {strides = array<i32>} : memref<16384xf32, #tpu.memory_space<vmem>>, vector<16xf32>,
            %add3A_407 = arith.constant 496 : i32
            %add3A_408 = arith.addi %mul3A_283, %add3A_407 : i32
            %swap3A_409 = arith.index_cast %add3A_408 : i32 to index
            %swap3A_410 = tpu.vector_load %arg8[%swap3A_409] {strides = array<i32>} : memref<16384xf32, #tpu.memory_space<vmem>>, vector<16xf32>,
            tpu.vector_store %arg8[%swap3A_409], %while3A_276#31 {strides = array<i32>} : memref<16384xf32, #tpu.memory_space<vmem>>, vector<16xf32>,
            %add3A_411 = arith.constant 1 : i32
            %add3A_412 = arith.addi %while3A_184, %add3A_411 : i32
            scf.yield %add3A_412, %broadcast_in_dim3A_3, %broadcast_in_dim3A_3, %broadcast_in_dim3A_3, %broadcast_in_dim3A_3, %broadcast_in_dim3A_3, %broadcast_in_dim3A_3, %broadcast_in_dim3A_3, %broadcast_in_dim3A_3, %broadcast_in_dim3A_3, %broadcast_in_dim3A_3, %broadcast_in_dim3A_3, %broadcast_in_dim3A_3, %broadcast_in_dim3A_3, %broadcast_in_dim3A_3, %broadcast_in_dim3A_3, %broadcast_in_dim3A_3, %broadcast_in_dim3A_3, %broadcast_in_dim3A_3, %broadcast_in_dim3A_3, %broadcast_in_dim3A_3, %broadcast_in_dim3A_3, %broadcast_in_dim3A_3, %broadcast_in_dim3A_3, %broadcast_in_dim3A_3, %broadcast_in_dim3A_3, %broadcast_in_dim3A_3, %broadcast_in_dim3A_3, %broadcast_in_dim3A_3, %broadcast_in_dim3A_3, %broadcast_in_dim3A_3, %broadcast_in_dim3A_3, %broadcast_in_dim3A_3 : i32, vector<16xf32>, vector<16xf32>, vector<16xf32>, vector<16xf32>, vector<16xf32>, vector<16xf32>, vector<16xf32>, vector<16xf32>, vector<16xf32>, vector<16xf32>, vector<16xf32>, vector<16xf32>, vector<16xf32>, vector<16xf32>, vector<16xf32>, vector<16xf32>, vector<16xf32>, vector<16xf32>, vector<16xf32>, vector<16xf32>, vector<16xf32>, vector<16xf32>, vector<16xf32>, vector<16xf32>, vector<16xf32>, vector<16xf32>, vector<16xf32>, vector<16xf32>, vector<16xf32>, vector<16xf32>, vector<16xf32>, vector<16xf32>
          } else {
            scf.yield %while3A_184, %while3A_276#0, %while3A_276#1, %while3A_276#2, %while3A_276#3, %while3A_276#4, %while3A_276#5, %while3A_276#6, %while3A_276#7, %while3A_276#8, %while3A_276#9, %while3A_276#10, %while3A_276#11, %while3A_276#12, %while3A_276#13, %while3A_276#14, %while3A_276#15, %while3A_276#16, %while3A_276#17, %while3A_276#18, %while3A_276#19, %while3A_276#20, %while3A_276#21, %while3A_276#22, %while3A_276#23, %while3A_276#24, %while3A_276#25, %while3A_276#26, %while3A_276#27, %while3A_276#28, %while3A_276#29, %while3A_276#30, %while3A_276#31 : i32, vector<16xf32>, vector<16xf32>, vector<16xf32>, vector<16xf32>, vector<16xf32>, vector<16xf32>, vector<16xf32>, vector<16xf32>, vector<16xf32>, vector<16xf32>, vector<16xf32>, vector<16xf32>, vector<16xf32>, vector<16xf32>, vector<16xf32>, vector<16xf32>, vector<16xf32>, vector<16xf32>, vector<16xf32>, vector<16xf32>, vector<16xf32>, vector<16xf32>, vector<16xf32>, vector<16xf32>, vector<16xf32>, vector<16xf32>, vector<16xf32>, vector<16xf32>, vector<16xf32>, vector<16xf32>, vector<16xf32>, vector<16xf32>
          }
          scf.yield %min3A_263, %cond3A_280#0, %cond3A_280#1, %cond3A_280#2, %cond3A_280#3, %cond3A_280#4, %cond3A_280#5, %cond3A_280#6, %cond3A_280#7, %cond3A_280#8, %cond3A_280#9, %cond3A_280#10, %cond3A_280#11, %cond3A_280#12, %cond3A_280#13, %cond3A_280#14, %cond3A_280#15, %cond3A_280#16, %cond3A_280#17, %cond3A_280#18, %cond3A_280#19, %cond3A_280#20, %cond3A_280#21, %cond3A_280#22, %cond3A_280#23, %cond3A_280#24, %cond3A_280#25, %cond3A_280#26, %cond3A_280#27, %cond3A_280#28, %cond3A_280#29, %cond3A_280#30, %cond3A_280#31, %cond3A_280#32 : i32, i32, vector<16xf32>, vector<16xf32>, vector<16xf32>, vector<16xf32>, vector<16xf32>, vector<16xf32>, vector<16xf32>, vector<16xf32>, vector<16xf32>, vector<16xf32>, vector<16xf32>, vector<16xf32>, vector<16xf32>, vector<16xf32>, vector<16xf32>, vector<16xf32>, vector<16xf32>, vector<16xf32>, vector<16xf32>, vector<16xf32>, vector<16xf32>, vector<16xf32>, vector<16xf32>, vector<16xf32>, vector<16xf32>, vector<16xf32>, vector<16xf32>, vector<16xf32>, vector<16xf32>, vector<16xf32>, vector<16xf32>, vector<16xf32>
        }
        %add3A_177 = arith.constant 2 : i32
        %add3A_178 = arith.addi %add3A_151, %add3A_177 : i32
        %lt3A_179 = arith.cmpi slt, %add3A_178, %select_n3A_62 : i32
        %convert_element_type3A_180 = arith.extui %lt3A_179 : i1 to i32
        %cond3A_181 = arith.constant 0 : i32
        %cond3A_182 = arith.cmpi ne, %convert_element_type3A_180, %cond3A_181 : i32
        scf.if %cond3A_182 {
          %add3A_183 = arith.constant 2 : i32
          %add3A_184 = arith.addi %add3A_151, %add3A_183 : i32
          %mul3A_185 = arith.constant 96 : i32
          %mul3A_186 = arith.muli %add3A_184, %mul3A_185 : i32
          %add3A_187 = arith.addi %reduce_max3A_21, %mul3A_186 : i32
          %min3A_188 = arith.constant 99904 : i32
          %min3A_189 = arith.minsi %add3A_187, %min3A_188 : i32
          %mul3A_190 = arith.constant 512 : i32
          %mul3A_191 = arith.muli %min3A_189, %mul3A_190 : i32
          %multiple_of3A_192 = tpu.assume_multiple %mul3A_191, 512 : i32
          %dma_start3A = tpu.memref_slice %arg2[%multiple_of3A_192] : memref<51200000xf32, #tpu.memory_space<hbm>> -> memref<49152xf32, #tpu.memory_space<hbm>>
          %dma_start3A_193 = tpu.memref_slice %arg2[%multiple_of3A_192] : memref<51200000xf32, #tpu.memory_space<hbm>> -> memref<49152xf32, #tpu.memory_space<hbm>>
          tpu.enqueue_dma source(%dma_start3A_193 : memref<49152xf32, #tpu.memory_space<hbm>>) target(%arg5 : memref<49152xf32, #tpu.memory_space<vmem>>) target_semaphore(%arg9 : memref<!tpu.dma_semaphore, #tpu.memory_space<semaphore_mem>>)
        } else {
        }
        scf.yield %while3A_176#1, %while3A_176#2, %while3A_176#3, %while3A_176#4, %while3A_176#5, %while3A_176#6, %while3A_176#7, %while3A_176#8, %while3A_176#9, %while3A_176#10, %while3A_176#11, %while3A_176#12, %while3A_176#13, %while3A_176#14, %while3A_176#15, %while3A_176#16, %while3A_176#17, %while3A_176#18, %while3A_176#19, %while3A_176#20, %while3A_176#21, %while3A_176#22, %while3A_176#23, %while3A_176#24, %while3A_176#25, %while3A_176#26, %while3A_176#27, %while3A_176#28, %while3A_176#29, %while3A_176#30, %while3A_176#31, %while3A_176#32, %while3A_176#33 : i32, vector<16xf32>, vector<16xf32>, vector<16xf32>, vector<16xf32>, vector<16xf32>, vector<16xf32>, vector<16xf32>, vector<16xf32>, vector<16xf32>, vector<16xf32>, vector<16xf32>, vector<16xf32>, vector<16xf32>, vector<16xf32>, vector<16xf32>, vector<16xf32>, vector<16xf32>, vector<16xf32>, vector<16xf32>, vector<16xf32>, vector<16xf32>, vector<16xf32>, vector<16xf32>, vector<16xf32>, vector<16xf32>, vector<16xf32>, vector<16xf32>, vector<16xf32>, vector<16xf32>, vector<16xf32>, vector<16xf32>, vector<16xf32>
      } else {
        scf.yield %while3A_115, %while3A_116, %while3A_117, %while3A_118, %while3A_119, %while3A_120, %while3A_121, %while3A_122, %while3A_123, %while3A_124, %while3A_125, %while3A_126, %while3A_127, %while3A_128, %while3A_129, %while3A_130, %while3A_131, %while3A_132, %while3A_133, %while3A_134, %while3A_135, %while3A_136, %while3A_137, %while3A_138, %while3A_139, %while3A_140, %while3A_141, %while3A_142, %while3A_143, %while3A_144, %while3A_145, %while3A_146, %while3A_147 : i32, vector<16xf32>, vector<16xf32>, vector<16xf32>, vector<16xf32>, vector<16xf32>, vector<16xf32>, vector<16xf32>, vector<16xf32>, vector<16xf32>, vector<16xf32>, vector<16xf32>, vector<16xf32>, vector<16xf32>, vector<16xf32>, vector<16xf32>, vector<16xf32>, vector<16xf32>, vector<16xf32>, vector<16xf32>, vector<16xf32>, vector<16xf32>, vector<16xf32>, vector<16xf32>, vector<16xf32>, vector<16xf32>, vector<16xf32>, vector<16xf32>, vector<16xf32>, vector<16xf32>, vector<16xf32>, vector<16xf32>, vector<16xf32>
      }
      %mul3A_157 = arith.constant 2 : i32
      %mul3A_158 = arith.muli %while3A_114, %mul3A_157 : i32
      %add3A_159 = arith.constant 1 : i32
      %add3A_160 = arith.addi %mul3A_158, %add3A_159 : i32
      %lt3A_161 = arith.cmpi slt, %add3A_160, %select_n3A_62 : i32
      %convert_element_type3A_162 = arith.extui %lt3A_161 : i1 to i32
      %cond3A_163 = arith.constant 0 : i32
      %cond3A_164 = arith.cmpi ne, %convert_element_type3A_162, %cond3A_163 : i32
      %cond3A_165:33 = scf.if %cond3A_164 -> (i32, vector<16xf32>, vector<16xf32>, vector<16xf32>, vector<16xf32>, vector<16xf32>, vector<16xf32>, vector<16xf32>, vector<16xf32>, vector<16xf32>, vector<16xf32>, vector<16xf32>, vector<16xf32>, vector<16xf32>, vector<16xf32>, vector<16xf32>, vector<16xf32>, vector<16xf32>, vector<16xf32>, vector<16xf32>, vector<16xf32>, vector<16xf32>, vector<16xf32>, vector<16xf32>, vector<16xf32>, vector<16xf32>, vector<16xf32>, vector<16xf32>, vector<16xf32>, vector<16xf32>, vector<16xf32>, vector<16xf32>, vector<16xf32>) {
        %dma_wait3A = arith.constant 0 : i32
        %dma_wait3A_166 = tpu.memref_slice %arg2[%dma_wait3A] : memref<51200000xf32, #tpu.memory_space<hbm>> -> memref<49152xf32, #tpu.memory_space<hbm>>
        %dma_wait3A_167 = arith.constant 0 : i32
        %dma_wait3A_168 = tpu.memref_slice %arg2[%dma_wait3A_167] : memref<51200000xf32, #tpu.memory_space<hbm>> -> memref<49152xf32, #tpu.memory_space<hbm>>
        tpu.wait_dma2 semaphore(%arg10 : memref<!tpu.dma_semaphore, #tpu.memory_space<semaphore_mem>>) src(%dma_wait3A_168 : memref<49152xf32, #tpu.memory_space<hbm>>) dst(%arg6 : memref<49152xf32, #tpu.memory_space<vmem>>)
        %mul3A_169 = arith.constant 96 : i32
        %mul3A_170 = arith.muli %add3A_160, %mul3A_169 : i32
        %add3A_171 = arith.addi %reduce_max3A_21, %mul3A_170 : i32
        %min3A = arith.constant 99904 : i32
        %min3A_172 = arith.minsi %add3A_171, %min3A : i32
        %add3A_173 = arith.constant 96 : i32
        %add3A_174 = arith.addi %add3A_171, %add3A_173 : i32
        %min3A_175 = arith.minsi %add3A_174, %reduce_max3A_39 : i32
        %while3A_176:34 = scf.while (%while3A_183 = %add3A_171, %while3A_184 = %cond3A_156#0, %while3A_185 = %cond3A_156#1, %while3A_186 = %cond3A_156#2, %while3A_187 = %cond3A_156#3, %while3A_188 = %cond3A_156#4, %while3A_189 = %cond3A_156#5, %while3A_190 = %cond3A_156#6, %while3A_191 = %cond3A_156#7, %while3A_192 = %cond3A_156#8, %while3A_193 = %cond3A_156#9, %while3A_194 = %cond3A_156#10, %while3A_195 = %cond3A_156#11, %while3A_196 = %cond3A_156#12, %while3A_197 = %cond3A_156#13, %while3A_198 = %cond3A_156#14, %while3A_199 = %cond3A_156#15, %while3A_200 = %cond3A_156#16, %while3A_201 = %cond3A_156#17, %while3A_202 = %cond3A_156#18, %while3A_203 = %cond3A_156#19, %while3A_204 = %cond3A_156#20, %while3A_205 = %cond3A_156#21, %while3A_206 = %cond3A_156#22, %while3A_207 = %cond3A_156#23, %while3A_208 = %cond3A_156#24, %while3A_209 = %cond3A_156#25, %while3A_210 = %cond3A_156#26, %while3A_211 = %cond3A_156#27, %while3A_212 = %cond3A_156#28, %while3A_213 = %cond3A_156#29, %while3A_214 = %cond3A_156#30, %while3A_215 = %cond3A_156#31, %while3A_216 = %cond3A_156#32) : (i32, i32, vector<16xf32>, vector<16xf32>, vector<16xf32>, vector<16xf32>, vector<16xf32>, vector<16xf32>, vector<16xf32>, vector<16xf32>, vector<16xf32>, vector<16xf32>, vector<16xf32>, vector<16xf32>, vector<16xf32>, vector<16xf32>, vector<16xf32>, vector<16xf32>, vector<16xf32>, vector<16xf32>, vector<16xf32>, vector<16xf32>, vector<16xf32>, vector<16xf32>, vector<16xf32>, vector<16xf32>, vector<16xf32>, vector<16xf32>, vector<16xf32>, vector<16xf32>, vector<16xf32>, vector<16xf32>, vector<16xf32>, vector<16xf32>) -> (i32, i32, vector<16xf32>, vector<16xf32>, vector<16xf32>, vector<16xf32>, vector<16xf32>, vector<16xf32>, vector<16xf32>, vector<16xf32>, vector<16xf32>, vector<16xf32>, vector<16xf32>, vector<16xf32>, vector<16xf32>, vector<16xf32>, vector<16xf32>, vector<16xf32>, vector<16xf32>, vector<16xf32>, vector<16xf32>, vector<16xf32>, vector<16xf32>, vector<16xf32>, vector<16xf32>, vector<16xf32>, vector<16xf32>, vector<16xf32>, vector<16xf32>, vector<16xf32>, vector<16xf32>, vector<16xf32>, vector<16xf32>, vector<16xf32>) {
          %lt3A_217 = arith.cmpi slt, %while3A_183, %min3A_175 : i32
          scf.condition(%lt3A_217) %while3A_183, %while3A_184, %while3A_185, %while3A_186, %while3A_187, %while3A_188, %while3A_189, %while3A_190, %while3A_191, %while3A_192, %while3A_193, %while3A_194, %while3A_195, %while3A_196, %while3A_197, %while3A_198, %while3A_199, %while3A_200, %while3A_201, %while3A_202, %while3A_203, %while3A_204, %while3A_205, %while3A_206, %while3A_207, %while3A_208, %while3A_209, %while3A_210, %while3A_211, %while3A_212, %while3A_213, %while3A_214, %while3A_215, %while3A_216 : i32, i32, vector<16xf32>, vector<16xf32>, vector<16xf32>, vector<16xf32>, vector<16xf32>, vector<16xf32>, vector<16xf32>, vector<16xf32>, vector<16xf32>, vector<16xf32>, vector<16xf32>, vector<16xf32>, vector<16xf32>, vector<16xf32>, vector<16xf32>, vector<16xf32>, vector<16xf32>, vector<16xf32>, vector<16xf32>, vector<16xf32>, vector<16xf32>, vector<16xf32>, vector<16xf32>, vector<16xf32>, vector<16xf32>, vector<16xf32>, vector<16xf32>, vector<16xf32>, vector<16xf32>, vector<16xf32>, vector<16xf32>, vector<16xf32>
        } do {
        ^bb0(%while3A_183: i32, %while3A_184: i32, %while3A_185: vector<16xf32>, %while3A_186: vector<16xf32>, %while3A_187: vector<16xf32>, %while3A_188: vector<16xf32>, %while3A_189: vector<16xf32>, %while3A_190: vector<16xf32>, %while3A_191: vector<16xf32>, %while3A_192: vector<16xf32>, %while3A_193: vector<16xf32>, %while3A_194: vector<16xf32>, %while3A_195: vector<16xf32>, %while3A_196: vector<16xf32>, %while3A_197: vector<16xf32>, %while3A_198: vector<16xf32>, %while3A_199: vector<16xf32>, %while3A_200: vector<16xf32>, %while3A_201: vector<16xf32>, %while3A_202: vector<16xf32>, %while3A_203: vector<16xf32>, %while3A_204: vector<16xf32>, %while3A_205: vector<16xf32>, %while3A_206: vector<16xf32>, %while3A_207: vector<16xf32>, %while3A_208: vector<16xf32>, %while3A_209: vector<16xf32>, %while3A_210: vector<16xf32>, %while3A_211: vector<16xf32>, %while3A_212: vector<16xf32>, %while3A_213: vector<16xf32>, %while3A_214: vector<16xf32>, %while3A_215: vector<16xf32>, %while3A_216: vector<16xf32>):
          %sub3A_217 = arith.subi %while3A_184, %mul3A_2 : i32
          %add3A_218 = arith.constant 1 : i32
          %add3A_219 = arith.addi %sub3A_217, %add3A_218 : i32
          %jit3A_220 = arith.constant 16 : i32
          %div3A_221 = arith.divsi %add3A_219, %jit3A_220 : i32
          %sign3A_222 = arith.constant 0 : i32
          %sign3A_223 = arith.cmpi sgt, %add3A_219, %sign3A_222 : i32
          %sign3A_224 = arith.extui %sign3A_223 : i1 to i32
          %sign3A_225 = arith.constant 0 : i32
          %sign3A_226 = arith.cmpi slt, %add3A_219, %sign3A_225 : i32
          %sign3A_227 = arith.extui %sign3A_226 : i1 to i32
          %sign3A_228 = arith.subi %sign3A_224, %sign3A_227 : i32
          %sign3A_229 = arith.constant 0 : i32
          %sign3A_230 = arith.cmpi sgt, %jit3A_220, %sign3A_229 : i32
          %sign3A_231 = arith.extui %sign3A_230 : i1 to i32
          %sign3A_232 = arith.constant 0 : i32
          %sign3A_233 = arith.cmpi slt, %jit3A_220, %sign3A_232 : i32
          %sign3A_234 = arith.extui %sign3A_233 : i1 to i32
          %sign3A_235 = arith.subi %sign3A_231, %sign3A_234 : i32
          %ne3A_236 = arith.cmpi ne, %sign3A_228, %sign3A_235 : i32
          %rem3A_237 = arith.remsi %add3A_219, %jit3A_220 : i32
          %ne3A_238 = arith.constant 0 : i32
          %ne3A_239 = arith.cmpi ne, %rem3A_237, %ne3A_238 : i32
          %and3A_240 = arith.andi %ne3A_236, %ne3A_239 : i1
          %sub3A_241 = arith.constant 1 : i32
          %sub3A_242 = arith.subi %div3A_221, %sub3A_241 : i32
          %select_n3A_243 = arith.select %and3A_240, %sub3A_242, %div3A_221 : i32
          %mul3A_244 = arith.constant 16 : i32
          %mul3A_245 = arith.muli %select_n3A_243, %mul3A_244 : i32
          %multiple_of3A_246 = tpu.assume_multiple %mul3A_245, 16 : i32
          %get3A_247 = arith.index_cast %multiple_of3A_246 : i32 to index
          %get3A_248 = tpu.vector_load %arg7[%get3A_247] {strides = array<i32>} : memref<48xi32, #tpu.memory_space<vmem>>, vector<16xi32>,
          %sub3A_249 = arith.subi %add3A_219, %mul3A_245 : i32
          %eq3A_250 = vector.broadcast %sub3A_249 : i32 to vector<16xi32>
          %eq3A_251 = arith.cmpi eq, %iota3A, %eq3A_250 : vector<16xi32>
          %jit3A_252 = arith.constant -2147483648 : i32
          %broadcast_in_dim3A_253 = vector.broadcast %jit3A_252 : i32 to vector<16xi32>
          %select_n3A_254 = arith.select %eq3A_251, %get3A_248, %broadcast_in_dim3A_253 : vector<16xi1>, vector<16xi32>
          %reduce_max3A_255 = arith.constant true
          %reduce_max3A_256 = vector.broadcast %reduce_max3A_255 : i1 to vector<16xi1>
          %reduce_max3A_257 = arith.constant -2147483648 : i32
          %reduce_max3A_258 = vector.broadcast %reduce_max3A_257 : i32 to vector<16xi32>
          %reduce_max3A_259 = arith.xori %select_n3A_254, %reduce_max3A_258 : vector<16xi32>
          %reduce_max3A_260 = tpu.scan <max>, %reduce_max3A_259 masked %reduce_max3A_256 : vector<16xi32>, vector<16xi1> -> vector<16xi32>
          %reduce_max3A_261 = arith.xori %reduce_max3A_260, %reduce_max3A_258 : vector<16xi32>
          %reduce_max3A_262 = vector.extract %reduce_max3A_261[15] : i32 from vector<16xi32>
          %min3A_263 = arith.minsi %reduce_max3A_262, %min3A_175 : i32
          %sub3A_264 = arith.subi %while3A_183, %min3A_172 : i32
          %sub3A_265 = arith.subi %min3A_263, %while3A_183 : i32
          %while3A_266 = arith.constant 0 : i32
          %while3A_267 = arith.subi %sub3A_265, %while3A_266 : i32
          %while3A_268 = arith.addi %while3A_266, %while3A_267 : i32
          %while3A_269 = arith.constant 1 : i32
          %while3A_270 = arith.divsi %while3A_267, %while3A_269 : i32
          %while3A_271 = arith.muli %while3A_270, %while3A_269 : i32
          %while3A_272 = arith.addi %while3A_266, %while3A_271 : i32
          %while3A_273 = arith.constant 1 : i32
          %while3A_274:32 = scf.for %while3A_281 = %while3A_266 to %while3A_272 step %while3A_273 iter_args(%while3A_282 = %while3A_185, %while3A_283 = %while3A_186, %while3A_284 = %while3A_187, %while3A_285 = %while3A_188, %while3A_286 = %while3A_189, %while3A_287 = %while3A_190, %while3A_288 = %while3A_191, %while3A_289 = %while3A_192, %while3A_290 = %while3A_193, %while3A_291 = %while3A_194, %while3A_292 = %while3A_195, %while3A_293 = %while3A_196, %while3A_294 = %while3A_197, %while3A_295 = %while3A_198, %while3A_296 = %while3A_199, %while3A_297 = %while3A_200, %while3A_298 = %while3A_201, %while3A_299 = %while3A_202, %while3A_300 = %while3A_203, %while3A_301 = %while3A_204, %while3A_302 = %while3A_205, %while3A_303 = %while3A_206, %while3A_304 = %while3A_207, %while3A_305 = %while3A_208, %while3A_306 = %while3A_209, %while3A_307 = %while3A_210, %while3A_308 = %while3A_211, %while3A_309 = %while3A_212, %while3A_310 = %while3A_213, %while3A_311 = %while3A_214, %while3A_312 = %while3A_215, %while3A_313 = %while3A_216) -> (vector<16xf32>, vector<16xf32>, vector<16xf32>, vector<16xf32>, vector<16xf32>, vector<16xf32>, vector<16xf32>, vector<16xf32>, vector<16xf32>, vector<16xf32>, vector<16xf32>, vector<16xf32>, vector<16xf32>, vector<16xf32>, vector<16xf32>, vector<16xf32>, vector<16xf32>, vector<16xf32>, vector<16xf32>, vector<16xf32>, vector<16xf32>, vector<16xf32>, vector<16xf32>, vector<16xf32>, vector<16xf32>, vector<16xf32>, vector<16xf32>, vector<16xf32>, vector<16xf32>, vector<16xf32>, vector<16xf32>, vector<16xf32>)  : i32 {
            %add3A_314 = arith.addi %sub3A_264, %while3A_281 : i32
            %mul3A_315 = arith.constant 512 : i32
            %mul3A_316 = arith.muli %add3A_314, %mul3A_315 : i32
            %add3A_317 = arith.constant 0 : i32
            %add3A_318 = arith.addi %mul3A_316, %add3A_317 : i32
            %get3A_319 = arith.index_cast %add3A_318 : i32 to index
            %get3A_320 = tpu.vector_load %arg6[%get3A_319] {strides = array<i32>} : memref<49152xf32, #tpu.memory_space<vmem>>, vector<16xf32>,
            %add3A_321 = arith.addf %while3A_282, %get3A_320 : vector<16xf32>
            %add3A_322 = arith.constant 16 : i32
            %add3A_323 = arith.addi %mul3A_316, %add3A_322 : i32
            %get3A_324 = arith.index_cast %add3A_323 : i32 to index
            %get3A_325 = tpu.vector_load %arg6[%get3A_324] {strides = array<i32>} : memref<49152xf32, #tpu.memory_space<vmem>>, vector<16xf32>,
            %add3A_326 = arith.addf %while3A_283, %get3A_325 : vector<16xf32>
            %add3A_327 = arith.constant 32 : i32
            %add3A_328 = arith.addi %mul3A_316, %add3A_327 : i32
            %get3A_329 = arith.index_cast %add3A_328 : i32 to index
            %get3A_330 = tpu.vector_load %arg6[%get3A_329] {strides = array<i32>} : memref<49152xf32, #tpu.memory_space<vmem>>, vector<16xf32>,
            %add3A_331 = arith.addf %while3A_284, %get3A_330 : vector<16xf32>
            %add3A_332 = arith.constant 48 : i32
            %add3A_333 = arith.addi %mul3A_316, %add3A_332 : i32
            %get3A_334 = arith.index_cast %add3A_333 : i32 to index
            %get3A_335 = tpu.vector_load %arg6[%get3A_334] {strides = array<i32>} : memref<49152xf32, #tpu.memory_space<vmem>>, vector<16xf32>,
            %add3A_336 = arith.addf %while3A_285, %get3A_335 : vector<16xf32>
            %add3A_337 = arith.constant 64 : i32
            %add3A_338 = arith.addi %mul3A_316, %add3A_337 : i32
            %get3A_339 = arith.index_cast %add3A_338 : i32 to index
            %get3A_340 = tpu.vector_load %arg6[%get3A_339] {strides = array<i32>} : memref<49152xf32, #tpu.memory_space<vmem>>, vector<16xf32>,
            %add3A_341 = arith.addf %while3A_286, %get3A_340 : vector<16xf32>
            %add3A_342 = arith.constant 80 : i32
            %add3A_343 = arith.addi %mul3A_316, %add3A_342 : i32
            %get3A_344 = arith.index_cast %add3A_343 : i32 to index
            %get3A_345 = tpu.vector_load %arg6[%get3A_344] {strides = array<i32>} : memref<49152xf32, #tpu.memory_space<vmem>>, vector<16xf32>,
            %add3A_346 = arith.addf %while3A_287, %get3A_345 : vector<16xf32>
            %add3A_347 = arith.constant 96 : i32
            %add3A_348 = arith.addi %mul3A_316, %add3A_347 : i32
            %get3A_349 = arith.index_cast %add3A_348 : i32 to index
            %get3A_350 = tpu.vector_load %arg6[%get3A_349] {strides = array<i32>} : memref<49152xf32, #tpu.memory_space<vmem>>, vector<16xf32>,
            %add3A_351 = arith.addf %while3A_288, %get3A_350 : vector<16xf32>
            %add3A_352 = arith.constant 112 : i32
            %add3A_353 = arith.addi %mul3A_316, %add3A_352 : i32
            %get3A_354 = arith.index_cast %add3A_353 : i32 to index
            %get3A_355 = tpu.vector_load %arg6[%get3A_354] {strides = array<i32>} : memref<49152xf32, #tpu.memory_space<vmem>>, vector<16xf32>,
            %add3A_356 = arith.addf %while3A_289, %get3A_355 : vector<16xf32>
            %add3A_357 = arith.constant 128 : i32
            %add3A_358 = arith.addi %mul3A_316, %add3A_357 : i32
            %get3A_359 = arith.index_cast %add3A_358 : i32 to index
            %get3A_360 = tpu.vector_load %arg6[%get3A_359] {strides = array<i32>} : memref<49152xf32, #tpu.memory_space<vmem>>, vector<16xf32>,
            %add3A_361 = arith.addf %while3A_290, %get3A_360 : vector<16xf32>
            %add3A_362 = arith.constant 144 : i32
            %add3A_363 = arith.addi %mul3A_316, %add3A_362 : i32
            %get3A_364 = arith.index_cast %add3A_363 : i32 to index
            %get3A_365 = tpu.vector_load %arg6[%get3A_364] {strides = array<i32>} : memref<49152xf32, #tpu.memory_space<vmem>>, vector<16xf32>,
            %add3A_366 = arith.addf %while3A_291, %get3A_365 : vector<16xf32>
            %add3A_367 = arith.constant 160 : i32
            %add3A_368 = arith.addi %mul3A_316, %add3A_367 : i32
            %get3A_369 = arith.index_cast %add3A_368 : i32 to index
            %get3A_370 = tpu.vector_load %arg6[%get3A_369] {strides = array<i32>} : memref<49152xf32, #tpu.memory_space<vmem>>, vector<16xf32>,
            %add3A_371 = arith.addf %while3A_292, %get3A_370 : vector<16xf32>
            %add3A_372 = arith.constant 176 : i32
            %add3A_373 = arith.addi %mul3A_316, %add3A_372 : i32
            %get3A_374 = arith.index_cast %add3A_373 : i32 to index
            %get3A_375 = tpu.vector_load %arg6[%get3A_374] {strides = array<i32>} : memref<49152xf32, #tpu.memory_space<vmem>>, vector<16xf32>,
            %add3A_376 = arith.addf %while3A_293, %get3A_375 : vector<16xf32>
            %add3A_377 = arith.constant 192 : i32
            %add3A_378 = arith.addi %mul3A_316, %add3A_377 : i32
            %get3A_379 = arith.index_cast %add3A_378 : i32 to index
            %get3A_380 = tpu.vector_load %arg6[%get3A_379] {strides = array<i32>} : memref<49152xf32, #tpu.memory_space<vmem>>, vector<16xf32>,
            %add3A_381 = arith.addf %while3A_294, %get3A_380 : vector<16xf32>
            %add3A_382 = arith.constant 208 : i32
            %add3A_383 = arith.addi %mul3A_316, %add3A_382 : i32
            %get3A_384 = arith.index_cast %add3A_383 : i32 to index
            %get3A_385 = tpu.vector_load %arg6[%get3A_384] {strides = array<i32>} : memref<49152xf32, #tpu.memory_space<vmem>>, vector<16xf32>,
            %add3A_386 = arith.addf %while3A_295, %get3A_385 : vector<16xf32>
            %add3A_387 = arith.constant 224 : i32
            %add3A_388 = arith.addi %mul3A_316, %add3A_387 : i32
            %get3A_389 = arith.index_cast %add3A_388 : i32 to index
            %get3A_390 = tpu.vector_load %arg6[%get3A_389] {strides = array<i32>} : memref<49152xf32, #tpu.memory_space<vmem>>, vector<16xf32>,
            %add3A_391 = arith.addf %while3A_296, %get3A_390 : vector<16xf32>
            %add3A_392 = arith.constant 240 : i32
            %add3A_393 = arith.addi %mul3A_316, %add3A_392 : i32
            %get3A_394 = arith.index_cast %add3A_393 : i32 to index
            %get3A_395 = tpu.vector_load %arg6[%get3A_394] {strides = array<i32>} : memref<49152xf32, #tpu.memory_space<vmem>>, vector<16xf32>,
            %add3A_396 = arith.addf %while3A_297, %get3A_395 : vector<16xf32>
            %add3A_397 = arith.constant 256 : i32
            %add3A_398 = arith.addi %mul3A_316, %add3A_397 : i32
            %get3A_399 = arith.index_cast %add3A_398 : i32 to index
            %get3A_400 = tpu.vector_load %arg6[%get3A_399] {strides = array<i32>} : memref<49152xf32, #tpu.memory_space<vmem>>, vector<16xf32>,
            %add3A_401 = arith.addf %while3A_298, %get3A_400 : vector<16xf32>
            %add3A_402 = arith.constant 272 : i32
            %add3A_403 = arith.addi %mul3A_316, %add3A_402 : i32
            %get3A_404 = arith.index_cast %add3A_403 : i32 to index
            %get3A_405 = tpu.vector_load %arg6[%get3A_404] {strides = array<i32>} : memref<49152xf32, #tpu.memory_space<vmem>>, vector<16xf32>,
            %add3A_406 = arith.addf %while3A_299, %get3A_405 : vector<16xf32>
            %add3A_407 = arith.constant 288 : i32
            %add3A_408 = arith.addi %mul3A_316, %add3A_407 : i32
            %get3A_409 = arith.index_cast %add3A_408 : i32 to index
            %get3A_410 = tpu.vector_load %arg6[%get3A_409] {strides = array<i32>} : memref<49152xf32, #tpu.memory_space<vmem>>, vector<16xf32>,
            %add3A_411 = arith.addf %while3A_300, %get3A_410 : vector<16xf32>
            %add3A_412 = arith.constant 304 : i32
            %add3A_413 = arith.addi %mul3A_316, %add3A_412 : i32
            %get3A_414 = arith.index_cast %add3A_413 : i32 to index
            %get3A_415 = tpu.vector_load %arg6[%get3A_414] {strides = array<i32>} : memref<49152xf32, #tpu.memory_space<vmem>>, vector<16xf32>,
            %add3A_416 = arith.addf %while3A_301, %get3A_415 : vector<16xf32>
            %add3A_417 = arith.constant 320 : i32
            %add3A_418 = arith.addi %mul3A_316, %add3A_417 : i32
            %get3A_419 = arith.index_cast %add3A_418 : i32 to index
            %get3A_420 = tpu.vector_load %arg6[%get3A_419] {strides = array<i32>} : memref<49152xf32, #tpu.memory_space<vmem>>, vector<16xf32>,
            %add3A_421 = arith.addf %while3A_302, %get3A_420 : vector<16xf32>
            %add3A_422 = arith.constant 336 : i32
            %add3A_423 = arith.addi %mul3A_316, %add3A_422 : i32
            %get3A_424 = arith.index_cast %add3A_423 : i32 to index
            %get3A_425 = tpu.vector_load %arg6[%get3A_424] {strides = array<i32>} : memref<49152xf32, #tpu.memory_space<vmem>>, vector<16xf32>,
            %add3A_426 = arith.addf %while3A_303, %get3A_425 : vector<16xf32>
            %add3A_427 = arith.constant 352 : i32
            %add3A_428 = arith.addi %mul3A_316, %add3A_427 : i32
            %get3A_429 = arith.index_cast %add3A_428 : i32 to index
            %get3A_430 = tpu.vector_load %arg6[%get3A_429] {strides = array<i32>} : memref<49152xf32, #tpu.memory_space<vmem>>, vector<16xf32>,
            %add3A_431 = arith.addf %while3A_304, %get3A_430 : vector<16xf32>
            %add3A_432 = arith.constant 368 : i32
            %add3A_433 = arith.addi %mul3A_316, %add3A_432 : i32
            %get3A_434 = arith.index_cast %add3A_433 : i32 to index
            %get3A_435 = tpu.vector_load %arg6[%get3A_434] {strides = array<i32>} : memref<49152xf32, #tpu.memory_space<vmem>>, vector<16xf32>,
            %add3A_436 = arith.addf %while3A_305, %get3A_435 : vector<16xf32>
            %add3A_437 = arith.constant 384 : i32
            %add3A_438 = arith.addi %mul3A_316, %add3A_437 : i32
            %get3A_439 = arith.index_cast %add3A_438 : i32 to index
            %get3A_440 = tpu.vector_load %arg6[%get3A_439] {strides = array<i32>} : memref<49152xf32, #tpu.memory_space<vmem>>, vector<16xf32>,
            %add3A_441 = arith.addf %while3A_306, %get3A_440 : vector<16xf32>
            %add3A_442 = arith.constant 400 : i32
            %add3A_443 = arith.addi %mul3A_316, %add3A_442 : i32
            %get3A_444 = arith.index_cast %add3A_443 : i32 to index
            %get3A_445 = tpu.vector_load %arg6[%get3A_444] {strides = array<i32>} : memref<49152xf32, #tpu.memory_space<vmem>>, vector<16xf32>,
            %add3A_446 = arith.addf %while3A_307, %get3A_445 : vector<16xf32>
            %add3A_447 = arith.constant 416 : i32
            %add3A_448 = arith.addi %mul3A_316, %add3A_447 : i32
            %get3A_449 = arith.index_cast %add3A_448 : i32 to index
            %get3A_450 = tpu.vector_load %arg6[%get3A_449] {strides = array<i32>} : memref<49152xf32, #tpu.memory_space<vmem>>, vector<16xf32>,
            %add3A_451 = arith.addf %while3A_308, %get3A_450 : vector<16xf32>
            %add3A_452 = arith.constant 432 : i32
            %add3A_453 = arith.addi %mul3A_316, %add3A_452 : i32
            %get3A_454 = arith.index_cast %add3A_453 : i32 to index
            %get3A_455 = tpu.vector_load %arg6[%get3A_454] {strides = array<i32>} : memref<49152xf32, #tpu.memory_space<vmem>>, vector<16xf32>,
            %add3A_456 = arith.addf %while3A_309, %get3A_455 : vector<16xf32>
            %add3A_457 = arith.constant 448 : i32
            %add3A_458 = arith.addi %mul3A_316, %add3A_457 : i32
            %get3A_459 = arith.index_cast %add3A_458 : i32 to index
            %get3A_460 = tpu.vector_load %arg6[%get3A_459] {strides = array<i32>} : memref<49152xf32, #tpu.memory_space<vmem>>, vector<16xf32>,
            %add3A_461 = arith.addf %while3A_310, %get3A_460 : vector<16xf32>
            %add3A_462 = arith.constant 464 : i32
            %add3A_463 = arith.addi %mul3A_316, %add3A_462 : i32
            %get3A_464 = arith.index_cast %add3A_463 : i32 to index
            %get3A_465 = tpu.vector_load %arg6[%get3A_464] {strides = array<i32>} : memref<49152xf32, #tpu.memory_space<vmem>>, vector<16xf32>,
            %add3A_466 = arith.addf %while3A_311, %get3A_465 : vector<16xf32>
            %add3A_467 = arith.constant 480 : i32
            %add3A_468 = arith.addi %mul3A_316, %add3A_467 : i32
            %get3A_469 = arith.index_cast %add3A_468 : i32 to index
            %get3A_470 = tpu.vector_load %arg6[%get3A_469] {strides = array<i32>} : memref<49152xf32, #tpu.memory_space<vmem>>, vector<16xf32>,
            %add3A_471 = arith.addf %while3A_312, %get3A_470 : vector<16xf32>
            %add3A_472 = arith.constant 496 : i32
            %add3A_473 = arith.addi %mul3A_316, %add3A_472 : i32
            %get3A_474 = arith.index_cast %add3A_473 : i32 to index
            %get3A_475 = tpu.vector_load %arg6[%get3A_474] {strides = array<i32>} : memref<49152xf32, #tpu.memory_space<vmem>>, vector<16xf32>,
            %add3A_476 = arith.addf %while3A_313, %get3A_475 : vector<16xf32>
            scf.yield %add3A_321, %add3A_326, %add3A_331, %add3A_336, %add3A_341, %add3A_346, %add3A_351, %add3A_356, %add3A_361, %add3A_366, %add3A_371, %add3A_376, %add3A_381, %add3A_386, %add3A_391, %add3A_396, %add3A_401, %add3A_406, %add3A_411, %add3A_416, %add3A_421, %add3A_426, %add3A_431, %add3A_436, %add3A_441, %add3A_446, %add3A_451, %add3A_456, %add3A_461, %add3A_466, %add3A_471, %add3A_476 : vector<16xf32>, vector<16xf32>, vector<16xf32>, vector<16xf32>, vector<16xf32>, vector<16xf32>, vector<16xf32>, vector<16xf32>, vector<16xf32>, vector<16xf32>, vector<16xf32>, vector<16xf32>, vector<16xf32>, vector<16xf32>, vector<16xf32>, vector<16xf32>, vector<16xf32>, vector<16xf32>, vector<16xf32>, vector<16xf32>, vector<16xf32>, vector<16xf32>, vector<16xf32>, vector<16xf32>, vector<16xf32>, vector<16xf32>, vector<16xf32>, vector<16xf32>, vector<16xf32>, vector<16xf32>, vector<16xf32>, vector<16xf32>
          }
          %while3A_275 = arith.constant 1 : i32
          %while3A_276:32 = scf.for %while3A_281 = %while3A_272 to %while3A_268 step %while3A_275 iter_args(%while3A_282 = %while3A_274#0, %while3A_283 = %while3A_274#1, %while3A_284 = %while3A_274#2, %while3A_285 = %while3A_274#3, %while3A_286 = %while3A_274#4, %while3A_287 = %while3A_274#5, %while3A_288 = %while3A_274#6, %while3A_289 = %while3A_274#7, %while3A_290 = %while3A_274#8, %while3A_291 = %while3A_274#9, %while3A_292 = %while3A_274#10, %while3A_293 = %while3A_274#11, %while3A_294 = %while3A_274#12, %while3A_295 = %while3A_274#13, %while3A_296 = %while3A_274#14, %while3A_297 = %while3A_274#15, %while3A_298 = %while3A_274#16, %while3A_299 = %while3A_274#17, %while3A_300 = %while3A_274#18, %while3A_301 = %while3A_274#19, %while3A_302 = %while3A_274#20, %while3A_303 = %while3A_274#21, %while3A_304 = %while3A_274#22, %while3A_305 = %while3A_274#23, %while3A_306 = %while3A_274#24, %while3A_307 = %while3A_274#25, %while3A_308 = %while3A_274#26, %while3A_309 = %while3A_274#27, %while3A_310 = %while3A_274#28, %while3A_311 = %while3A_274#29, %while3A_312 = %while3A_274#30, %while3A_313 = %while3A_274#31) -> (vector<16xf32>, vector<16xf32>, vector<16xf32>, vector<16xf32>, vector<16xf32>, vector<16xf32>, vector<16xf32>, vector<16xf32>, vector<16xf32>, vector<16xf32>, vector<16xf32>, vector<16xf32>, vector<16xf32>, vector<16xf32>, vector<16xf32>, vector<16xf32>, vector<16xf32>, vector<16xf32>, vector<16xf32>, vector<16xf32>, vector<16xf32>, vector<16xf32>, vector<16xf32>, vector<16xf32>, vector<16xf32>, vector<16xf32>, vector<16xf32>, vector<16xf32>, vector<16xf32>, vector<16xf32>, vector<16xf32>, vector<16xf32>)  : i32 {
            %add3A_314 = arith.addi %sub3A_264, %while3A_281 : i32
            %mul3A_315 = arith.constant 512 : i32
            %mul3A_316 = arith.muli %add3A_314, %mul3A_315 : i32
            %add3A_317 = arith.constant 0 : i32
            %add3A_318 = arith.addi %mul3A_316, %add3A_317 : i32
            %get3A_319 = arith.index_cast %add3A_318 : i32 to index
            %get3A_320 = tpu.vector_load %arg6[%get3A_319] {strides = array<i32>} : memref<49152xf32, #tpu.memory_space<vmem>>, vector<16xf32>,
            %add3A_321 = arith.addf %while3A_282, %get3A_320 : vector<16xf32>
            %add3A_322 = arith.constant 16 : i32
            %add3A_323 = arith.addi %mul3A_316, %add3A_322 : i32
            %get3A_324 = arith.index_cast %add3A_323 : i32 to index
            %get3A_325 = tpu.vector_load %arg6[%get3A_324] {strides = array<i32>} : memref<49152xf32, #tpu.memory_space<vmem>>, vector<16xf32>,
            %add3A_326 = arith.addf %while3A_283, %get3A_325 : vector<16xf32>
            %add3A_327 = arith.constant 32 : i32
            %add3A_328 = arith.addi %mul3A_316, %add3A_327 : i32
            %get3A_329 = arith.index_cast %add3A_328 : i32 to index
            %get3A_330 = tpu.vector_load %arg6[%get3A_329] {strides = array<i32>} : memref<49152xf32, #tpu.memory_space<vmem>>, vector<16xf32>,
            %add3A_331 = arith.addf %while3A_284, %get3A_330 : vector<16xf32>
            %add3A_332 = arith.constant 48 : i32
            %add3A_333 = arith.addi %mul3A_316, %add3A_332 : i32
            %get3A_334 = arith.index_cast %add3A_333 : i32 to index
            %get3A_335 = tpu.vector_load %arg6[%get3A_334] {strides = array<i32>} : memref<49152xf32, #tpu.memory_space<vmem>>, vector<16xf32>,
            %add3A_336 = arith.addf %while3A_285, %get3A_335 : vector<16xf32>
            %add3A_337 = arith.constant 64 : i32
            %add3A_338 = arith.addi %mul3A_316, %add3A_337 : i32
            %get3A_339 = arith.index_cast %add3A_338 : i32 to index
            %get3A_340 = tpu.vector_load %arg6[%get3A_339] {strides = array<i32>} : memref<49152xf32, #tpu.memory_space<vmem>>, vector<16xf32>,
            %add3A_341 = arith.addf %while3A_286, %get3A_340 : vector<16xf32>
            %add3A_342 = arith.constant 80 : i32
            %add3A_343 = arith.addi %mul3A_316, %add3A_342 : i32
            %get3A_344 = arith.index_cast %add3A_343 : i32 to index
            %get3A_345 = tpu.vector_load %arg6[%get3A_344] {strides = array<i32>} : memref<49152xf32, #tpu.memory_space<vmem>>, vector<16xf32>,
            %add3A_346 = arith.addf %while3A_287, %get3A_345 : vector<16xf32>
            %add3A_347 = arith.constant 96 : i32
            %add3A_348 = arith.addi %mul3A_316, %add3A_347 : i32
            %get3A_349 = arith.index_cast %add3A_348 : i32 to index
            %get3A_350 = tpu.vector_load %arg6[%get3A_349] {strides = array<i32>} : memref<49152xf32, #tpu.memory_space<vmem>>, vector<16xf32>,
            %add3A_351 = arith.addf %while3A_288, %get3A_350 : vector<16xf32>
            %add3A_352 = arith.constant 112 : i32
            %add3A_353 = arith.addi %mul3A_316, %add3A_352 : i32
            %get3A_354 = arith.index_cast %add3A_353 : i32 to index
            %get3A_355 = tpu.vector_load %arg6[%get3A_354] {strides = array<i32>} : memref<49152xf32, #tpu.memory_space<vmem>>, vector<16xf32>,
            %add3A_356 = arith.addf %while3A_289, %get3A_355 : vector<16xf32>
            %add3A_357 = arith.constant 128 : i32
            %add3A_358 = arith.addi %mul3A_316, %add3A_357 : i32
            %get3A_359 = arith.index_cast %add3A_358 : i32 to index
            %get3A_360 = tpu.vector_load %arg6[%get3A_359] {strides = array<i32>} : memref<49152xf32, #tpu.memory_space<vmem>>, vector<16xf32>,
            %add3A_361 = arith.addf %while3A_290, %get3A_360 : vector<16xf32>
            %add3A_362 = arith.constant 144 : i32
            %add3A_363 = arith.addi %mul3A_316, %add3A_362 : i32
            %get3A_364 = arith.index_cast %add3A_363 : i32 to index
            %get3A_365 = tpu.vector_load %arg6[%get3A_364] {strides = array<i32>} : memref<49152xf32, #tpu.memory_space<vmem>>, vector<16xf32>,
            %add3A_366 = arith.addf %while3A_291, %get3A_365 : vector<16xf32>
            %add3A_367 = arith.constant 160 : i32
            %add3A_368 = arith.addi %mul3A_316, %add3A_367 : i32
            %get3A_369 = arith.index_cast %add3A_368 : i32 to index
            %get3A_370 = tpu.vector_load %arg6[%get3A_369] {strides = array<i32>} : memref<49152xf32, #tpu.memory_space<vmem>>, vector<16xf32>,
            %add3A_371 = arith.addf %while3A_292, %get3A_370 : vector<16xf32>
            %add3A_372 = arith.constant 176 : i32
            %add3A_373 = arith.addi %mul3A_316, %add3A_372 : i32
            %get3A_374 = arith.index_cast %add3A_373 : i32 to index
            %get3A_375 = tpu.vector_load %arg6[%get3A_374] {strides = array<i32>} : memref<49152xf32, #tpu.memory_space<vmem>>, vector<16xf32>,
            %add3A_376 = arith.addf %while3A_293, %get3A_375 : vector<16xf32>
            %add3A_377 = arith.constant 192 : i32
            %add3A_378 = arith.addi %mul3A_316, %add3A_377 : i32
            %get3A_379 = arith.index_cast %add3A_378 : i32 to index
            %get3A_380 = tpu.vector_load %arg6[%get3A_379] {strides = array<i32>} : memref<49152xf32, #tpu.memory_space<vmem>>, vector<16xf32>,
            %add3A_381 = arith.addf %while3A_294, %get3A_380 : vector<16xf32>
            %add3A_382 = arith.constant 208 : i32
            %add3A_383 = arith.addi %mul3A_316, %add3A_382 : i32
            %get3A_384 = arith.index_cast %add3A_383 : i32 to index
            %get3A_385 = tpu.vector_load %arg6[%get3A_384] {strides = array<i32>} : memref<49152xf32, #tpu.memory_space<vmem>>, vector<16xf32>,
            %add3A_386 = arith.addf %while3A_295, %get3A_385 : vector<16xf32>
            %add3A_387 = arith.constant 224 : i32
            %add3A_388 = arith.addi %mul3A_316, %add3A_387 : i32
            %get3A_389 = arith.index_cast %add3A_388 : i32 to index
            %get3A_390 = tpu.vector_load %arg6[%get3A_389] {strides = array<i32>} : memref<49152xf32, #tpu.memory_space<vmem>>, vector<16xf32>,
            %add3A_391 = arith.addf %while3A_296, %get3A_390 : vector<16xf32>
            %add3A_392 = arith.constant 240 : i32
            %add3A_393 = arith.addi %mul3A_316, %add3A_392 : i32
            %get3A_394 = arith.index_cast %add3A_393 : i32 to index
            %get3A_395 = tpu.vector_load %arg6[%get3A_394] {strides = array<i32>} : memref<49152xf32, #tpu.memory_space<vmem>>, vector<16xf32>,
            %add3A_396 = arith.addf %while3A_297, %get3A_395 : vector<16xf32>
            %add3A_397 = arith.constant 256 : i32
            %add3A_398 = arith.addi %mul3A_316, %add3A_397 : i32
            %get3A_399 = arith.index_cast %add3A_398 : i32 to index
            %get3A_400 = tpu.vector_load %arg6[%get3A_399] {strides = array<i32>} : memref<49152xf32, #tpu.memory_space<vmem>>, vector<16xf32>,
            %add3A_401 = arith.addf %while3A_298, %get3A_400 : vector<16xf32>
            %add3A_402 = arith.constant 272 : i32
            %add3A_403 = arith.addi %mul3A_316, %add3A_402 : i32
            %get3A_404 = arith.index_cast %add3A_403 : i32 to index
            %get3A_405 = tpu.vector_load %arg6[%get3A_404] {strides = array<i32>} : memref<49152xf32, #tpu.memory_space<vmem>>, vector<16xf32>,
            %add3A_406 = arith.addf %while3A_299, %get3A_405 : vector<16xf32>
            %add3A_407 = arith.constant 288 : i32
            %add3A_408 = arith.addi %mul3A_316, %add3A_407 : i32
            %get3A_409 = arith.index_cast %add3A_408 : i32 to index
            %get3A_410 = tpu.vector_load %arg6[%get3A_409] {strides = array<i32>} : memref<49152xf32, #tpu.memory_space<vmem>>, vector<16xf32>,
            %add3A_411 = arith.addf %while3A_300, %get3A_410 : vector<16xf32>
            %add3A_412 = arith.constant 304 : i32
            %add3A_413 = arith.addi %mul3A_316, %add3A_412 : i32
            %get3A_414 = arith.index_cast %add3A_413 : i32 to index
            %get3A_415 = tpu.vector_load %arg6[%get3A_414] {strides = array<i32>} : memref<49152xf32, #tpu.memory_space<vmem>>, vector<16xf32>,
            %add3A_416 = arith.addf %while3A_301, %get3A_415 : vector<16xf32>
            %add3A_417 = arith.constant 320 : i32
            %add3A_418 = arith.addi %mul3A_316, %add3A_417 : i32
            %get3A_419 = arith.index_cast %add3A_418 : i32 to index
            %get3A_420 = tpu.vector_load %arg6[%get3A_419] {strides = array<i32>} : memref<49152xf32, #tpu.memory_space<vmem>>, vector<16xf32>,
            %add3A_421 = arith.addf %while3A_302, %get3A_420 : vector<16xf32>
            %add3A_422 = arith.constant 336 : i32
            %add3A_423 = arith.addi %mul3A_316, %add3A_422 : i32
            %get3A_424 = arith.index_cast %add3A_423 : i32 to index
            %get3A_425 = tpu.vector_load %arg6[%get3A_424] {strides = array<i32>} : memref<49152xf32, #tpu.memory_space<vmem>>, vector<16xf32>,
            %add3A_426 = arith.addf %while3A_303, %get3A_425 : vector<16xf32>
            %add3A_427 = arith.constant 352 : i32
            %add3A_428 = arith.addi %mul3A_316, %add3A_427 : i32
            %get3A_429 = arith.index_cast %add3A_428 : i32 to index
            %get3A_430 = tpu.vector_load %arg6[%get3A_429] {strides = array<i32>} : memref<49152xf32, #tpu.memory_space<vmem>>, vector<16xf32>,
            %add3A_431 = arith.addf %while3A_304, %get3A_430 : vector<16xf32>
            %add3A_432 = arith.constant 368 : i32
            %add3A_433 = arith.addi %mul3A_316, %add3A_432 : i32
            %get3A_434 = arith.index_cast %add3A_433 : i32 to index
            %get3A_435 = tpu.vector_load %arg6[%get3A_434] {strides = array<i32>} : memref<49152xf32, #tpu.memory_space<vmem>>, vector<16xf32>,
            %add3A_436 = arith.addf %while3A_305, %get3A_435 : vector<16xf32>
            %add3A_437 = arith.constant 384 : i32
            %add3A_438 = arith.addi %mul3A_316, %add3A_437 : i32
            %get3A_439 = arith.index_cast %add3A_438 : i32 to index
            %get3A_440 = tpu.vector_load %arg6[%get3A_439] {strides = array<i32>} : memref<49152xf32, #tpu.memory_space<vmem>>, vector<16xf32>,
            %add3A_441 = arith.addf %while3A_306, %get3A_440 : vector<16xf32>
            %add3A_442 = arith.constant 400 : i32
            %add3A_443 = arith.addi %mul3A_316, %add3A_442 : i32
            %get3A_444 = arith.index_cast %add3A_443 : i32 to index
            %get3A_445 = tpu.vector_load %arg6[%get3A_444] {strides = array<i32>} : memref<49152xf32, #tpu.memory_space<vmem>>, vector<16xf32>,
            %add3A_446 = arith.addf %while3A_307, %get3A_445 : vector<16xf32>
            %add3A_447 = arith.constant 416 : i32
            %add3A_448 = arith.addi %mul3A_316, %add3A_447 : i32
            %get3A_449 = arith.index_cast %add3A_448 : i32 to index
            %get3A_450 = tpu.vector_load %arg6[%get3A_449] {strides = array<i32>} : memref<49152xf32, #tpu.memory_space<vmem>>, vector<16xf32>,
            %add3A_451 = arith.addf %while3A_308, %get3A_450 : vector<16xf32>
            %add3A_452 = arith.constant 432 : i32
            %add3A_453 = arith.addi %mul3A_316, %add3A_452 : i32
            %get3A_454 = arith.index_cast %add3A_453 : i32 to index
            %get3A_455 = tpu.vector_load %arg6[%get3A_454] {strides = array<i32>} : memref<49152xf32, #tpu.memory_space<vmem>>, vector<16xf32>,
            %add3A_456 = arith.addf %while3A_309, %get3A_455 : vector<16xf32>
            %add3A_457 = arith.constant 448 : i32
            %add3A_458 = arith.addi %mul3A_316, %add3A_457 : i32
            %get3A_459 = arith.index_cast %add3A_458 : i32 to index
            %get3A_460 = tpu.vector_load %arg6[%get3A_459] {strides = array<i32>} : memref<49152xf32, #tpu.memory_space<vmem>>, vector<16xf32>,
            %add3A_461 = arith.addf %while3A_310, %get3A_460 : vector<16xf32>
            %add3A_462 = arith.constant 464 : i32
            %add3A_463 = arith.addi %mul3A_316, %add3A_462 : i32
            %get3A_464 = arith.index_cast %add3A_463 : i32 to index
            %get3A_465 = tpu.vector_load %arg6[%get3A_464] {strides = array<i32>} : memref<49152xf32, #tpu.memory_space<vmem>>, vector<16xf32>,
            %add3A_466 = arith.addf %while3A_311, %get3A_465 : vector<16xf32>
            %add3A_467 = arith.constant 480 : i32
            %add3A_468 = arith.addi %mul3A_316, %add3A_467 : i32
            %get3A_469 = arith.index_cast %add3A_468 : i32 to index
            %get3A_470 = tpu.vector_load %arg6[%get3A_469] {strides = array<i32>} : memref<49152xf32, #tpu.memory_space<vmem>>, vector<16xf32>,
            %add3A_471 = arith.addf %while3A_312, %get3A_470 : vector<16xf32>
            %add3A_472 = arith.constant 496 : i32
            %add3A_473 = arith.addi %mul3A_316, %add3A_472 : i32
            %get3A_474 = arith.index_cast %add3A_473 : i32 to index
            %get3A_475 = tpu.vector_load %arg6[%get3A_474] {strides = array<i32>} : memref<49152xf32, #tpu.memory_space<vmem>>, vector<16xf32>,
            %add3A_476 = arith.addf %while3A_313, %get3A_475 : vector<16xf32>
            scf.yield %add3A_321, %add3A_326, %add3A_331, %add3A_336, %add3A_341, %add3A_346, %add3A_351, %add3A_356, %add3A_361, %add3A_366, %add3A_371, %add3A_376, %add3A_381, %add3A_386, %add3A_391, %add3A_396, %add3A_401, %add3A_406, %add3A_411, %add3A_416, %add3A_421, %add3A_426, %add3A_431, %add3A_436, %add3A_441, %add3A_446, %add3A_451, %add3A_456, %add3A_461, %add3A_466, %add3A_471, %add3A_476 : vector<16xf32>, vector<16xf32>, vector<16xf32>, vector<16xf32>, vector<16xf32>, vector<16xf32>, vector<16xf32>, vector<16xf32>, vector<16xf32>, vector<16xf32>, vector<16xf32>, vector<16xf32>, vector<16xf32>, vector<16xf32>, vector<16xf32>, vector<16xf32>, vector<16xf32>, vector<16xf32>, vector<16xf32>, vector<16xf32>, vector<16xf32>, vector<16xf32>, vector<16xf32>, vector<16xf32>, vector<16xf32>, vector<16xf32>, vector<16xf32>, vector<16xf32>, vector<16xf32>, vector<16xf32>, vector<16xf32>, vector<16xf32>
          }
          %le3A = arith.cmpi sle, %reduce_max3A_262, %min3A_175 : i32
          %convert_element_type3A_277 = arith.extui %le3A : i1 to i32
          %cond3A_278 = arith.constant 0 : i32
          %cond3A_279 = arith.cmpi ne, %convert_element_type3A_277, %cond3A_278 : i32
          %cond3A_280:33 = scf.if %cond3A_279 -> (i32, vector<16xf32>, vector<16xf32>, vector<16xf32>, vector<16xf32>, vector<16xf32>, vector<16xf32>, vector<16xf32>, vector<16xf32>, vector<16xf32>, vector<16xf32>, vector<16xf32>, vector<16xf32>, vector<16xf32>, vector<16xf32>, vector<16xf32>, vector<16xf32>, vector<16xf32>, vector<16xf32>, vector<16xf32>, vector<16xf32>, vector<16xf32>, vector<16xf32>, vector<16xf32>, vector<16xf32>, vector<16xf32>, vector<16xf32>, vector<16xf32>, vector<16xf32>, vector<16xf32>, vector<16xf32>, vector<16xf32>, vector<16xf32>) {
            %sub3A_281 = arith.subi %while3A_184, %mul3A_2 : i32
            %mul3A_282 = arith.constant 512 : i32
            %mul3A_283 = arith.muli %sub3A_281, %mul3A_282 : i32
            %add3A_284 = arith.constant 0 : i32
            %add3A_285 = arith.addi %mul3A_283, %add3A_284 : i32
            %swap3A = arith.index_cast %add3A_285 : i32 to index
            %swap3A_286 = tpu.vector_load %arg8[%swap3A] {strides = array<i32>} : memref<16384xf32, #tpu.memory_space<vmem>>, vector<16xf32>,
            tpu.vector_store %arg8[%swap3A], %while3A_276#0 {strides = array<i32>} : memref<16384xf32, #tpu.memory_space<vmem>>, vector<16xf32>,
            %add3A_287 = arith.constant 16 : i32
            %add3A_288 = arith.addi %mul3A_283, %add3A_287 : i32
            %swap3A_289 = arith.index_cast %add3A_288 : i32 to index
            %swap3A_290 = tpu.vector_load %arg8[%swap3A_289] {strides = array<i32>} : memref<16384xf32, #tpu.memory_space<vmem>>, vector<16xf32>,
            tpu.vector_store %arg8[%swap3A_289], %while3A_276#1 {strides = array<i32>} : memref<16384xf32, #tpu.memory_space<vmem>>, vector<16xf32>,
            %add3A_291 = arith.constant 32 : i32
            %add3A_292 = arith.addi %mul3A_283, %add3A_291 : i32
            %swap3A_293 = arith.index_cast %add3A_292 : i32 to index
            %swap3A_294 = tpu.vector_load %arg8[%swap3A_293] {strides = array<i32>} : memref<16384xf32, #tpu.memory_space<vmem>>, vector<16xf32>,
            tpu.vector_store %arg8[%swap3A_293], %while3A_276#2 {strides = array<i32>} : memref<16384xf32, #tpu.memory_space<vmem>>, vector<16xf32>,
            %add3A_295 = arith.constant 48 : i32
            %add3A_296 = arith.addi %mul3A_283, %add3A_295 : i32
            %swap3A_297 = arith.index_cast %add3A_296 : i32 to index
            %swap3A_298 = tpu.vector_load %arg8[%swap3A_297] {strides = array<i32>} : memref<16384xf32, #tpu.memory_space<vmem>>, vector<16xf32>,
            tpu.vector_store %arg8[%swap3A_297], %while3A_276#3 {strides = array<i32>} : memref<16384xf32, #tpu.memory_space<vmem>>, vector<16xf32>,
            %add3A_299 = arith.constant 64 : i32
            %add3A_300 = arith.addi %mul3A_283, %add3A_299 : i32
            %swap3A_301 = arith.index_cast %add3A_300 : i32 to index
            %swap3A_302 = tpu.vector_load %arg8[%swap3A_301] {strides = array<i32>} : memref<16384xf32, #tpu.memory_space<vmem>>, vector<16xf32>,
            tpu.vector_store %arg8[%swap3A_301], %while3A_276#4 {strides = array<i32>} : memref<16384xf32, #tpu.memory_space<vmem>>, vector<16xf32>,
            %add3A_303 = arith.constant 80 : i32
            %add3A_304 = arith.addi %mul3A_283, %add3A_303 : i32
            %swap3A_305 = arith.index_cast %add3A_304 : i32 to index
            %swap3A_306 = tpu.vector_load %arg8[%swap3A_305] {strides = array<i32>} : memref<16384xf32, #tpu.memory_space<vmem>>, vector<16xf32>,
            tpu.vector_store %arg8[%swap3A_305], %while3A_276#5 {strides = array<i32>} : memref<16384xf32, #tpu.memory_space<vmem>>, vector<16xf32>,
            %add3A_307 = arith.constant 96 : i32
            %add3A_308 = arith.addi %mul3A_283, %add3A_307 : i32
            %swap3A_309 = arith.index_cast %add3A_308 : i32 to index
            %swap3A_310 = tpu.vector_load %arg8[%swap3A_309] {strides = array<i32>} : memref<16384xf32, #tpu.memory_space<vmem>>, vector<16xf32>,
            tpu.vector_store %arg8[%swap3A_309], %while3A_276#6 {strides = array<i32>} : memref<16384xf32, #tpu.memory_space<vmem>>, vector<16xf32>,
            %add3A_311 = arith.constant 112 : i32
            %add3A_312 = arith.addi %mul3A_283, %add3A_311 : i32
            %swap3A_313 = arith.index_cast %add3A_312 : i32 to index
            %swap3A_314 = tpu.vector_load %arg8[%swap3A_313] {strides = array<i32>} : memref<16384xf32, #tpu.memory_space<vmem>>, vector<16xf32>,
            tpu.vector_store %arg8[%swap3A_313], %while3A_276#7 {strides = array<i32>} : memref<16384xf32, #tpu.memory_space<vmem>>, vector<16xf32>,
            %add3A_315 = arith.constant 128 : i32
            %add3A_316 = arith.addi %mul3A_283, %add3A_315 : i32
            %swap3A_317 = arith.index_cast %add3A_316 : i32 to index
            %swap3A_318 = tpu.vector_load %arg8[%swap3A_317] {strides = array<i32>} : memref<16384xf32, #tpu.memory_space<vmem>>, vector<16xf32>,
            tpu.vector_store %arg8[%swap3A_317], %while3A_276#8 {strides = array<i32>} : memref<16384xf32, #tpu.memory_space<vmem>>, vector<16xf32>,
            %add3A_319 = arith.constant 144 : i32
            %add3A_320 = arith.addi %mul3A_283, %add3A_319 : i32
            %swap3A_321 = arith.index_cast %add3A_320 : i32 to index
            %swap3A_322 = tpu.vector_load %arg8[%swap3A_321] {strides = array<i32>} : memref<16384xf32, #tpu.memory_space<vmem>>, vector<16xf32>,
            tpu.vector_store %arg8[%swap3A_321], %while3A_276#9 {strides = array<i32>} : memref<16384xf32, #tpu.memory_space<vmem>>, vector<16xf32>,
            %add3A_323 = arith.constant 160 : i32
            %add3A_324 = arith.addi %mul3A_283, %add3A_323 : i32
            %swap3A_325 = arith.index_cast %add3A_324 : i32 to index
            %swap3A_326 = tpu.vector_load %arg8[%swap3A_325] {strides = array<i32>} : memref<16384xf32, #tpu.memory_space<vmem>>, vector<16xf32>,
            tpu.vector_store %arg8[%swap3A_325], %while3A_276#10 {strides = array<i32>} : memref<16384xf32, #tpu.memory_space<vmem>>, vector<16xf32>,
            %add3A_327 = arith.constant 176 : i32
            %add3A_328 = arith.addi %mul3A_283, %add3A_327 : i32
            %swap3A_329 = arith.index_cast %add3A_328 : i32 to index
            %swap3A_330 = tpu.vector_load %arg8[%swap3A_329] {strides = array<i32>} : memref<16384xf32, #tpu.memory_space<vmem>>, vector<16xf32>,
            tpu.vector_store %arg8[%swap3A_329], %while3A_276#11 {strides = array<i32>} : memref<16384xf32, #tpu.memory_space<vmem>>, vector<16xf32>,
            %add3A_331 = arith.constant 192 : i32
            %add3A_332 = arith.addi %mul3A_283, %add3A_331 : i32
            %swap3A_333 = arith.index_cast %add3A_332 : i32 to index
            %swap3A_334 = tpu.vector_load %arg8[%swap3A_333] {strides = array<i32>} : memref<16384xf32, #tpu.memory_space<vmem>>, vector<16xf32>,
            tpu.vector_store %arg8[%swap3A_333], %while3A_276#12 {strides = array<i32>} : memref<16384xf32, #tpu.memory_space<vmem>>, vector<16xf32>,
            %add3A_335 = arith.constant 208 : i32
            %add3A_336 = arith.addi %mul3A_283, %add3A_335 : i32
            %swap3A_337 = arith.index_cast %add3A_336 : i32 to index
            %swap3A_338 = tpu.vector_load %arg8[%swap3A_337] {strides = array<i32>} : memref<16384xf32, #tpu.memory_space<vmem>>, vector<16xf32>,
            tpu.vector_store %arg8[%swap3A_337], %while3A_276#13 {strides = array<i32>} : memref<16384xf32, #tpu.memory_space<vmem>>, vector<16xf32>,
            %add3A_339 = arith.constant 224 : i32
            %add3A_340 = arith.addi %mul3A_283, %add3A_339 : i32
            %swap3A_341 = arith.index_cast %add3A_340 : i32 to index
            %swap3A_342 = tpu.vector_load %arg8[%swap3A_341] {strides = array<i32>} : memref<16384xf32, #tpu.memory_space<vmem>>, vector<16xf32>,
            tpu.vector_store %arg8[%swap3A_341], %while3A_276#14 {strides = array<i32>} : memref<16384xf32, #tpu.memory_space<vmem>>, vector<16xf32>,
            %add3A_343 = arith.constant 240 : i32
            %add3A_344 = arith.addi %mul3A_283, %add3A_343 : i32
            %swap3A_345 = arith.index_cast %add3A_344 : i32 to index
            %swap3A_346 = tpu.vector_load %arg8[%swap3A_345] {strides = array<i32>} : memref<16384xf32, #tpu.memory_space<vmem>>, vector<16xf32>,
            tpu.vector_store %arg8[%swap3A_345], %while3A_276#15 {strides = array<i32>} : memref<16384xf32, #tpu.memory_space<vmem>>, vector<16xf32>,
            %add3A_347 = arith.constant 256 : i32
            %add3A_348 = arith.addi %mul3A_283, %add3A_347 : i32
            %swap3A_349 = arith.index_cast %add3A_348 : i32 to index
            %swap3A_350 = tpu.vector_load %arg8[%swap3A_349] {strides = array<i32>} : memref<16384xf32, #tpu.memory_space<vmem>>, vector<16xf32>,
            tpu.vector_store %arg8[%swap3A_349], %while3A_276#16 {strides = array<i32>} : memref<16384xf32, #tpu.memory_space<vmem>>, vector<16xf32>,
            %add3A_351 = arith.constant 272 : i32
            %add3A_352 = arith.addi %mul3A_283, %add3A_351 : i32
            %swap3A_353 = arith.index_cast %add3A_352 : i32 to index
            %swap3A_354 = tpu.vector_load %arg8[%swap3A_353] {strides = array<i32>} : memref<16384xf32, #tpu.memory_space<vmem>>, vector<16xf32>,
            tpu.vector_store %arg8[%swap3A_353], %while3A_276#17 {strides = array<i32>} : memref<16384xf32, #tpu.memory_space<vmem>>, vector<16xf32>,
            %add3A_355 = arith.constant 288 : i32
            %add3A_356 = arith.addi %mul3A_283, %add3A_355 : i32
            %swap3A_357 = arith.index_cast %add3A_356 : i32 to index
            %swap3A_358 = tpu.vector_load %arg8[%swap3A_357] {strides = array<i32>} : memref<16384xf32, #tpu.memory_space<vmem>>, vector<16xf32>,
            tpu.vector_store %arg8[%swap3A_357], %while3A_276#18 {strides = array<i32>} : memref<16384xf32, #tpu.memory_space<vmem>>, vector<16xf32>,
            %add3A_359 = arith.constant 304 : i32
            %add3A_360 = arith.addi %mul3A_283, %add3A_359 : i32
            %swap3A_361 = arith.index_cast %add3A_360 : i32 to index
            %swap3A_362 = tpu.vector_load %arg8[%swap3A_361] {strides = array<i32>} : memref<16384xf32, #tpu.memory_space<vmem>>, vector<16xf32>,
            tpu.vector_store %arg8[%swap3A_361], %while3A_276#19 {strides = array<i32>} : memref<16384xf32, #tpu.memory_space<vmem>>, vector<16xf32>,
            %add3A_363 = arith.constant 320 : i32
            %add3A_364 = arith.addi %mul3A_283, %add3A_363 : i32
            %swap3A_365 = arith.index_cast %add3A_364 : i32 to index
            %swap3A_366 = tpu.vector_load %arg8[%swap3A_365] {strides = array<i32>} : memref<16384xf32, #tpu.memory_space<vmem>>, vector<16xf32>,
            tpu.vector_store %arg8[%swap3A_365], %while3A_276#20 {strides = array<i32>} : memref<16384xf32, #tpu.memory_space<vmem>>, vector<16xf32>,
            %add3A_367 = arith.constant 336 : i32
            %add3A_368 = arith.addi %mul3A_283, %add3A_367 : i32
            %swap3A_369 = arith.index_cast %add3A_368 : i32 to index
            %swap3A_370 = tpu.vector_load %arg8[%swap3A_369] {strides = array<i32>} : memref<16384xf32, #tpu.memory_space<vmem>>, vector<16xf32>,
            tpu.vector_store %arg8[%swap3A_369], %while3A_276#21 {strides = array<i32>} : memref<16384xf32, #tpu.memory_space<vmem>>, vector<16xf32>,
            %add3A_371 = arith.constant 352 : i32
            %add3A_372 = arith.addi %mul3A_283, %add3A_371 : i32
            %swap3A_373 = arith.index_cast %add3A_372 : i32 to index
            %swap3A_374 = tpu.vector_load %arg8[%swap3A_373] {strides = array<i32>} : memref<16384xf32, #tpu.memory_space<vmem>>, vector<16xf32>,
            tpu.vector_store %arg8[%swap3A_373], %while3A_276#22 {strides = array<i32>} : memref<16384xf32, #tpu.memory_space<vmem>>, vector<16xf32>,
            %add3A_375 = arith.constant 368 : i32
            %add3A_376 = arith.addi %mul3A_283, %add3A_375 : i32
            %swap3A_377 = arith.index_cast %add3A_376 : i32 to index
            %swap3A_378 = tpu.vector_load %arg8[%swap3A_377] {strides = array<i32>} : memref<16384xf32, #tpu.memory_space<vmem>>, vector<16xf32>,
            tpu.vector_store %arg8[%swap3A_377], %while3A_276#23 {strides = array<i32>} : memref<16384xf32, #tpu.memory_space<vmem>>, vector<16xf32>,
            %add3A_379 = arith.constant 384 : i32
            %add3A_380 = arith.addi %mul3A_283, %add3A_379 : i32
            %swap3A_381 = arith.index_cast %add3A_380 : i32 to index
            %swap3A_382 = tpu.vector_load %arg8[%swap3A_381] {strides = array<i32>} : memref<16384xf32, #tpu.memory_space<vmem>>, vector<16xf32>,
            tpu.vector_store %arg8[%swap3A_381], %while3A_276#24 {strides = array<i32>} : memref<16384xf32, #tpu.memory_space<vmem>>, vector<16xf32>,
            %add3A_383 = arith.constant 400 : i32
            %add3A_384 = arith.addi %mul3A_283, %add3A_383 : i32
            %swap3A_385 = arith.index_cast %add3A_384 : i32 to index
            %swap3A_386 = tpu.vector_load %arg8[%swap3A_385] {strides = array<i32>} : memref<16384xf32, #tpu.memory_space<vmem>>, vector<16xf32>,
            tpu.vector_store %arg8[%swap3A_385], %while3A_276#25 {strides = array<i32>} : memref<16384xf32, #tpu.memory_space<vmem>>, vector<16xf32>,
            %add3A_387 = arith.constant 416 : i32
            %add3A_388 = arith.addi %mul3A_283, %add3A_387 : i32
            %swap3A_389 = arith.index_cast %add3A_388 : i32 to index
            %swap3A_390 = tpu.vector_load %arg8[%swap3A_389] {strides = array<i32>} : memref<16384xf32, #tpu.memory_space<vmem>>, vector<16xf32>,
            tpu.vector_store %arg8[%swap3A_389], %while3A_276#26 {strides = array<i32>} : memref<16384xf32, #tpu.memory_space<vmem>>, vector<16xf32>,
            %add3A_391 = arith.constant 432 : i32
            %add3A_392 = arith.addi %mul3A_283, %add3A_391 : i32
            %swap3A_393 = arith.index_cast %add3A_392 : i32 to index
            %swap3A_394 = tpu.vector_load %arg8[%swap3A_393] {strides = array<i32>} : memref<16384xf32, #tpu.memory_space<vmem>>, vector<16xf32>,
            tpu.vector_store %arg8[%swap3A_393], %while3A_276#27 {strides = array<i32>} : memref<16384xf32, #tpu.memory_space<vmem>>, vector<16xf32>,
            %add3A_395 = arith.constant 448 : i32
            %add3A_396 = arith.addi %mul3A_283, %add3A_395 : i32
            %swap3A_397 = arith.index_cast %add3A_396 : i32 to index
            %swap3A_398 = tpu.vector_load %arg8[%swap3A_397] {strides = array<i32>} : memref<16384xf32, #tpu.memory_space<vmem>>, vector<16xf32>,
            tpu.vector_store %arg8[%swap3A_397], %while3A_276#28 {strides = array<i32>} : memref<16384xf32, #tpu.memory_space<vmem>>, vector<16xf32>,
            %add3A_399 = arith.constant 464 : i32
            %add3A_400 = arith.addi %mul3A_283, %add3A_399 : i32
            %swap3A_401 = arith.index_cast %add3A_400 : i32 to index
            %swap3A_402 = tpu.vector_load %arg8[%swap3A_401] {strides = array<i32>} : memref<16384xf32, #tpu.memory_space<vmem>>, vector<16xf32>,
            tpu.vector_store %arg8[%swap3A_401], %while3A_276#29 {strides = array<i32>} : memref<16384xf32, #tpu.memory_space<vmem>>, vector<16xf32>,
            %add3A_403 = arith.constant 480 : i32
            %add3A_404 = arith.addi %mul3A_283, %add3A_403 : i32
            %swap3A_405 = arith.index_cast %add3A_404 : i32 to index
            %swap3A_406 = tpu.vector_load %arg8[%swap3A_405] {strides = array<i32>} : memref<16384xf32, #tpu.memory_space<vmem>>, vector<16xf32>,
            tpu.vector_store %arg8[%swap3A_405], %while3A_276#30 {strides = array<i32>} : memref<16384xf32, #tpu.memory_space<vmem>>, vector<16xf32>,
            %add3A_407 = arith.constant 496 : i32
            %add3A_408 = arith.addi %mul3A_283, %add3A_407 : i32
            %swap3A_409 = arith.index_cast %add3A_408 : i32 to index
            %swap3A_410 = tpu.vector_load %arg8[%swap3A_409] {strides = array<i32>} : memref<16384xf32, #tpu.memory_space<vmem>>, vector<16xf32>,
            tpu.vector_store %arg8[%swap3A_409], %while3A_276#31 {strides = array<i32>} : memref<16384xf32, #tpu.memory_space<vmem>>, vector<16xf32>,
            %add3A_411 = arith.constant 1 : i32
            %add3A_412 = arith.addi %while3A_184, %add3A_411 : i32
            scf.yield %add3A_412, %broadcast_in_dim3A_3, %broadcast_in_dim3A_3, %broadcast_in_dim3A_3, %broadcast_in_dim3A_3, %broadcast_in_dim3A_3, %broadcast_in_dim3A_3, %broadcast_in_dim3A_3, %broadcast_in_dim3A_3, %broadcast_in_dim3A_3, %broadcast_in_dim3A_3, %broadcast_in_dim3A_3, %broadcast_in_dim3A_3, %broadcast_in_dim3A_3, %broadcast_in_dim3A_3, %broadcast_in_dim3A_3, %broadcast_in_dim3A_3, %broadcast_in_dim3A_3, %broadcast_in_dim3A_3, %broadcast_in_dim3A_3, %broadcast_in_dim3A_3, %broadcast_in_dim3A_3, %broadcast_in_dim3A_3, %broadcast_in_dim3A_3, %broadcast_in_dim3A_3, %broadcast_in_dim3A_3, %broadcast_in_dim3A_3, %broadcast_in_dim3A_3, %broadcast_in_dim3A_3, %broadcast_in_dim3A_3, %broadcast_in_dim3A_3, %broadcast_in_dim3A_3, %broadcast_in_dim3A_3 : i32, vector<16xf32>, vector<16xf32>, vector<16xf32>, vector<16xf32>, vector<16xf32>, vector<16xf32>, vector<16xf32>, vector<16xf32>, vector<16xf32>, vector<16xf32>, vector<16xf32>, vector<16xf32>, vector<16xf32>, vector<16xf32>, vector<16xf32>, vector<16xf32>, vector<16xf32>, vector<16xf32>, vector<16xf32>, vector<16xf32>, vector<16xf32>, vector<16xf32>, vector<16xf32>, vector<16xf32>, vector<16xf32>, vector<16xf32>, vector<16xf32>, vector<16xf32>, vector<16xf32>, vector<16xf32>, vector<16xf32>, vector<16xf32>
          } else {
            scf.yield %while3A_184, %while3A_276#0, %while3A_276#1, %while3A_276#2, %while3A_276#3, %while3A_276#4, %while3A_276#5, %while3A_276#6, %while3A_276#7, %while3A_276#8, %while3A_276#9, %while3A_276#10, %while3A_276#11, %while3A_276#12, %while3A_276#13, %while3A_276#14, %while3A_276#15, %while3A_276#16, %while3A_276#17, %while3A_276#18, %while3A_276#19, %while3A_276#20, %while3A_276#21, %while3A_276#22, %while3A_276#23, %while3A_276#24, %while3A_276#25, %while3A_276#26, %while3A_276#27, %while3A_276#28, %while3A_276#29, %while3A_276#30, %while3A_276#31 : i32, vector<16xf32>, vector<16xf32>, vector<16xf32>, vector<16xf32>, vector<16xf32>, vector<16xf32>, vector<16xf32>, vector<16xf32>, vector<16xf32>, vector<16xf32>, vector<16xf32>, vector<16xf32>, vector<16xf32>, vector<16xf32>, vector<16xf32>, vector<16xf32>, vector<16xf32>, vector<16xf32>, vector<16xf32>, vector<16xf32>, vector<16xf32>, vector<16xf32>, vector<16xf32>, vector<16xf32>, vector<16xf32>, vector<16xf32>, vector<16xf32>, vector<16xf32>, vector<16xf32>, vector<16xf32>, vector<16xf32>, vector<16xf32>
          }
          scf.yield %min3A_263, %cond3A_280#0, %cond3A_280#1, %cond3A_280#2, %cond3A_280#3, %cond3A_280#4, %cond3A_280#5, %cond3A_280#6, %cond3A_280#7, %cond3A_280#8, %cond3A_280#9, %cond3A_280#10, %cond3A_280#11, %cond3A_280#12, %cond3A_280#13, %cond3A_280#14, %cond3A_280#15, %cond3A_280#16, %cond3A_280#17, %cond3A_280#18, %cond3A_280#19, %cond3A_280#20, %cond3A_280#21, %cond3A_280#22, %cond3A_280#23, %cond3A_280#24, %cond3A_280#25, %cond3A_280#26, %cond3A_280#27, %cond3A_280#28, %cond3A_280#29, %cond3A_280#30, %cond3A_280#31, %cond3A_280#32 : i32, i32, vector<16xf32>, vector<16xf32>, vector<16xf32>, vector<16xf32>, vector<16xf32>, vector<16xf32>, vector<16xf32>, vector<16xf32>, vector<16xf32>, vector<16xf32>, vector<16xf32>, vector<16xf32>, vector<16xf32>, vector<16xf32>, vector<16xf32>, vector<16xf32>, vector<16xf32>, vector<16xf32>, vector<16xf32>, vector<16xf32>, vector<16xf32>, vector<16xf32>, vector<16xf32>, vector<16xf32>, vector<16xf32>, vector<16xf32>, vector<16xf32>, vector<16xf32>, vector<16xf32>, vector<16xf32>, vector<16xf32>, vector<16xf32>
        }
        %add3A_177 = arith.constant 2 : i32
        %add3A_178 = arith.addi %add3A_160, %add3A_177 : i32
        %lt3A_179 = arith.cmpi slt, %add3A_178, %select_n3A_62 : i32
        %convert_element_type3A_180 = arith.extui %lt3A_179 : i1 to i32
        %cond3A_181 = arith.constant 0 : i32
        %cond3A_182 = arith.cmpi ne, %convert_element_type3A_180, %cond3A_181 : i32
        scf.if %cond3A_182 {
          %add3A_183 = arith.constant 2 : i32
          %add3A_184 = arith.addi %add3A_160, %add3A_183 : i32
          %mul3A_185 = arith.constant 96 : i32
          %mul3A_186 = arith.muli %add3A_184, %mul3A_185 : i32
          %add3A_187 = arith.addi %reduce_max3A_21, %mul3A_186 : i32
          %min3A_188 = arith.constant 99904 : i32
          %min3A_189 = arith.minsi %add3A_187, %min3A_188 : i32
          %mul3A_190 = arith.constant 512 : i32
          %mul3A_191 = arith.muli %min3A_189, %mul3A_190 : i32
          %multiple_of3A_192 = tpu.assume_multiple %mul3A_191, 512 : i32
          %dma_start3A = tpu.memref_slice %arg2[%multiple_of3A_192] : memref<51200000xf32, #tpu.memory_space<hbm>> -> memref<49152xf32, #tpu.memory_space<hbm>>
          %dma_start3A_193 = tpu.memref_slice %arg2[%multiple_of3A_192] : memref<51200000xf32, #tpu.memory_space<hbm>> -> memref<49152xf32, #tpu.memory_space<hbm>>
          tpu.enqueue_dma source(%dma_start3A_193 : memref<49152xf32, #tpu.memory_space<hbm>>) target(%arg6 : memref<49152xf32, #tpu.memory_space<vmem>>) target_semaphore(%arg10 : memref<!tpu.dma_semaphore, #tpu.memory_space<semaphore_mem>>)
        } else {
        }
        scf.yield %while3A_176#1, %while3A_176#2, %while3A_176#3, %while3A_176#4, %while3A_176#5, %while3A_176#6, %while3A_176#7, %while3A_176#8, %while3A_176#9, %while3A_176#10, %while3A_176#11, %while3A_176#12, %while3A_176#13, %while3A_176#14, %while3A_176#15, %while3A_176#16, %while3A_176#17, %while3A_176#18, %while3A_176#19, %while3A_176#20, %while3A_176#21, %while3A_176#22, %while3A_176#23, %while3A_176#24, %while3A_176#25, %while3A_176#26, %while3A_176#27, %while3A_176#28, %while3A_176#29, %while3A_176#30, %while3A_176#31, %while3A_176#32, %while3A_176#33 : i32, vector<16xf32>, vector<16xf32>, vector<16xf32>, vector<16xf32>, vector<16xf32>, vector<16xf32>, vector<16xf32>, vector<16xf32>, vector<16xf32>, vector<16xf32>, vector<16xf32>, vector<16xf32>, vector<16xf32>, vector<16xf32>, vector<16xf32>, vector<16xf32>, vector<16xf32>, vector<16xf32>, vector<16xf32>, vector<16xf32>, vector<16xf32>, vector<16xf32>, vector<16xf32>, vector<16xf32>, vector<16xf32>, vector<16xf32>, vector<16xf32>, vector<16xf32>, vector<16xf32>, vector<16xf32>, vector<16xf32>, vector<16xf32>
      } else {
        scf.yield %cond3A_156#0, %cond3A_156#1, %cond3A_156#2, %cond3A_156#3, %cond3A_156#4, %cond3A_156#5, %cond3A_156#6, %cond3A_156#7, %cond3A_156#8, %cond3A_156#9, %cond3A_156#10, %cond3A_156#11, %cond3A_156#12, %cond3A_156#13, %cond3A_156#14, %cond3A_156#15, %cond3A_156#16, %cond3A_156#17, %cond3A_156#18, %cond3A_156#19, %cond3A_156#20, %cond3A_156#21, %cond3A_156#22, %cond3A_156#23, %cond3A_156#24, %cond3A_156#25, %cond3A_156#26, %cond3A_156#27, %cond3A_156#28, %cond3A_156#29, %cond3A_156#30, %cond3A_156#31, %cond3A_156#32 : i32, vector<16xf32>, vector<16xf32>, vector<16xf32>, vector<16xf32>, vector<16xf32>, vector<16xf32>, vector<16xf32>, vector<16xf32>, vector<16xf32>, vector<16xf32>, vector<16xf32>, vector<16xf32>, vector<16xf32>, vector<16xf32>, vector<16xf32>, vector<16xf32>, vector<16xf32>, vector<16xf32>, vector<16xf32>, vector<16xf32>, vector<16xf32>, vector<16xf32>, vector<16xf32>, vector<16xf32>, vector<16xf32>, vector<16xf32>, vector<16xf32>, vector<16xf32>, vector<16xf32>, vector<16xf32>, vector<16xf32>, vector<16xf32>
      }
      scf.yield %cond3A_165#0, %cond3A_165#1, %cond3A_165#2, %cond3A_165#3, %cond3A_165#4, %cond3A_165#5, %cond3A_165#6, %cond3A_165#7, %cond3A_165#8, %cond3A_165#9, %cond3A_165#10, %cond3A_165#11, %cond3A_165#12, %cond3A_165#13, %cond3A_165#14, %cond3A_165#15, %cond3A_165#16, %cond3A_165#17, %cond3A_165#18, %cond3A_165#19, %cond3A_165#20, %cond3A_165#21, %cond3A_165#22, %cond3A_165#23, %cond3A_165#24, %cond3A_165#25, %cond3A_165#26, %cond3A_165#27, %cond3A_165#28, %cond3A_165#29, %cond3A_165#30, %cond3A_165#31, %cond3A_165#32 : i32, vector<16xf32>, vector<16xf32>, vector<16xf32>, vector<16xf32>, vector<16xf32>, vector<16xf32>, vector<16xf32>, vector<16xf32>, vector<16xf32>, vector<16xf32>, vector<16xf32>, vector<16xf32>, vector<16xf32>, vector<16xf32>, vector<16xf32>, vector<16xf32>, vector<16xf32>, vector<16xf32>, vector<16xf32>, vector<16xf32>, vector<16xf32>, vector<16xf32>, vector<16xf32>, vector<16xf32>, vector<16xf32>, vector<16xf32>, vector<16xf32>, vector<16xf32>, vector<16xf32>, vector<16xf32>, vector<16xf32>, vector<16xf32>
    }
    %add3A_106 = arith.constant 32 : i32
    %add3A_107 = arith.addi %mul3A_2, %add3A_106 : i32
    %lt3A = arith.cmpi slt, %while3A_105#0, %add3A_107 : i32
    %convert_element_type3A_108 = arith.extui %lt3A : i1 to i32
    %cond3A_109 = arith.constant 0 : i32
    %cond3A_110 = arith.cmpi ne, %convert_element_type3A_108, %cond3A_109 : i32
    scf.if %cond3A_110 {
      %sub3A_114 = arith.subi %while3A_105#0, %mul3A_2 : i32
      %mul3A_115 = arith.constant 512 : i32
      %mul3A_116 = arith.muli %sub3A_114, %mul3A_115 : i32
      %add3A_117 = arith.constant 0 : i32
      %add3A_118 = arith.addi %mul3A_116, %add3A_117 : i32
      %swap3A = arith.index_cast %add3A_118 : i32 to index
      %swap3A_119 = tpu.vector_load %arg8[%swap3A] {strides = array<i32>} : memref<16384xf32, #tpu.memory_space<vmem>>, vector<16xf32>,
      tpu.vector_store %arg8[%swap3A], %while3A_105#1 {strides = array<i32>} : memref<16384xf32, #tpu.memory_space<vmem>>, vector<16xf32>,
      %add3A_120 = arith.constant 16 : i32
      %add3A_121 = arith.addi %mul3A_116, %add3A_120 : i32
      %swap3A_122 = arith.index_cast %add3A_121 : i32 to index
      %swap3A_123 = tpu.vector_load %arg8[%swap3A_122] {strides = array<i32>} : memref<16384xf32, #tpu.memory_space<vmem>>, vector<16xf32>,
      tpu.vector_store %arg8[%swap3A_122], %while3A_105#2 {strides = array<i32>} : memref<16384xf32, #tpu.memory_space<vmem>>, vector<16xf32>,
      %add3A_124 = arith.constant 32 : i32
      %add3A_125 = arith.addi %mul3A_116, %add3A_124 : i32
      %swap3A_126 = arith.index_cast %add3A_125 : i32 to index
      %swap3A_127 = tpu.vector_load %arg8[%swap3A_126] {strides = array<i32>} : memref<16384xf32, #tpu.memory_space<vmem>>, vector<16xf32>,
      tpu.vector_store %arg8[%swap3A_126], %while3A_105#3 {strides = array<i32>} : memref<16384xf32, #tpu.memory_space<vmem>>, vector<16xf32>,
      %add3A_128 = arith.constant 48 : i32
      %add3A_129 = arith.addi %mul3A_116, %add3A_128 : i32
      %swap3A_130 = arith.index_cast %add3A_129 : i32 to index
      %swap3A_131 = tpu.vector_load %arg8[%swap3A_130] {strides = array<i32>} : memref<16384xf32, #tpu.memory_space<vmem>>, vector<16xf32>,
      tpu.vector_store %arg8[%swap3A_130], %while3A_105#4 {strides = array<i32>} : memref<16384xf32, #tpu.memory_space<vmem>>, vector<16xf32>,
      %add3A_132 = arith.constant 64 : i32
      %add3A_133 = arith.addi %mul3A_116, %add3A_132 : i32
      %swap3A_134 = arith.index_cast %add3A_133 : i32 to index
      %swap3A_135 = tpu.vector_load %arg8[%swap3A_134] {strides = array<i32>} : memref<16384xf32, #tpu.memory_space<vmem>>, vector<16xf32>,
      tpu.vector_store %arg8[%swap3A_134], %while3A_105#5 {strides = array<i32>} : memref<16384xf32, #tpu.memory_space<vmem>>, vector<16xf32>,
      %add3A_136 = arith.constant 80 : i32
      %add3A_137 = arith.addi %mul3A_116, %add3A_136 : i32
      %swap3A_138 = arith.index_cast %add3A_137 : i32 to index
      %swap3A_139 = tpu.vector_load %arg8[%swap3A_138] {strides = array<i32>} : memref<16384xf32, #tpu.memory_space<vmem>>, vector<16xf32>,
      tpu.vector_store %arg8[%swap3A_138], %while3A_105#6 {strides = array<i32>} : memref<16384xf32, #tpu.memory_space<vmem>>, vector<16xf32>,
      %add3A_140 = arith.constant 96 : i32
      %add3A_141 = arith.addi %mul3A_116, %add3A_140 : i32
      %swap3A_142 = arith.index_cast %add3A_141 : i32 to index
      %swap3A_143 = tpu.vector_load %arg8[%swap3A_142] {strides = array<i32>} : memref<16384xf32, #tpu.memory_space<vmem>>, vector<16xf32>,
      tpu.vector_store %arg8[%swap3A_142], %while3A_105#7 {strides = array<i32>} : memref<16384xf32, #tpu.memory_space<vmem>>, vector<16xf32>,
      %add3A_144 = arith.constant 112 : i32
      %add3A_145 = arith.addi %mul3A_116, %add3A_144 : i32
      %swap3A_146 = arith.index_cast %add3A_145 : i32 to index
      %swap3A_147 = tpu.vector_load %arg8[%swap3A_146] {strides = array<i32>} : memref<16384xf32, #tpu.memory_space<vmem>>, vector<16xf32>,
      tpu.vector_store %arg8[%swap3A_146], %while3A_105#8 {strides = array<i32>} : memref<16384xf32, #tpu.memory_space<vmem>>, vector<16xf32>,
      %add3A_148 = arith.constant 128 : i32
      %add3A_149 = arith.addi %mul3A_116, %add3A_148 : i32
      %swap3A_150 = arith.index_cast %add3A_149 : i32 to index
      %swap3A_151 = tpu.vector_load %arg8[%swap3A_150] {strides = array<i32>} : memref<16384xf32, #tpu.memory_space<vmem>>, vector<16xf32>,
      tpu.vector_store %arg8[%swap3A_150], %while3A_105#9 {strides = array<i32>} : memref<16384xf32, #tpu.memory_space<vmem>>, vector<16xf32>,
      %add3A_152 = arith.constant 144 : i32
      %add3A_153 = arith.addi %mul3A_116, %add3A_152 : i32
      %swap3A_154 = arith.index_cast %add3A_153 : i32 to index
      %swap3A_155 = tpu.vector_load %arg8[%swap3A_154] {strides = array<i32>} : memref<16384xf32, #tpu.memory_space<vmem>>, vector<16xf32>,
      tpu.vector_store %arg8[%swap3A_154], %while3A_105#10 {strides = array<i32>} : memref<16384xf32, #tpu.memory_space<vmem>>, vector<16xf32>,
      %add3A_156 = arith.constant 160 : i32
      %add3A_157 = arith.addi %mul3A_116, %add3A_156 : i32
      %swap3A_158 = arith.index_cast %add3A_157 : i32 to index
      %swap3A_159 = tpu.vector_load %arg8[%swap3A_158] {strides = array<i32>} : memref<16384xf32, #tpu.memory_space<vmem>>, vector<16xf32>,
      tpu.vector_store %arg8[%swap3A_158], %while3A_105#11 {strides = array<i32>} : memref<16384xf32, #tpu.memory_space<vmem>>, vector<16xf32>,
      %add3A_160 = arith.constant 176 : i32
      %add3A_161 = arith.addi %mul3A_116, %add3A_160 : i32
      %swap3A_162 = arith.index_cast %add3A_161 : i32 to index
      %swap3A_163 = tpu.vector_load %arg8[%swap3A_162] {strides = array<i32>} : memref<16384xf32, #tpu.memory_space<vmem>>, vector<16xf32>,
      tpu.vector_store %arg8[%swap3A_162], %while3A_105#12 {strides = array<i32>} : memref<16384xf32, #tpu.memory_space<vmem>>, vector<16xf32>,
      %add3A_164 = arith.constant 192 : i32
      %add3A_165 = arith.addi %mul3A_116, %add3A_164 : i32
      %swap3A_166 = arith.index_cast %add3A_165 : i32 to index
      %swap3A_167 = tpu.vector_load %arg8[%swap3A_166] {strides = array<i32>} : memref<16384xf32, #tpu.memory_space<vmem>>, vector<16xf32>,
      tpu.vector_store %arg8[%swap3A_166], %while3A_105#13 {strides = array<i32>} : memref<16384xf32, #tpu.memory_space<vmem>>, vector<16xf32>,
      %add3A_168 = arith.constant 208 : i32
      %add3A_169 = arith.addi %mul3A_116, %add3A_168 : i32
      %swap3A_170 = arith.index_cast %add3A_169 : i32 to index
      %swap3A_171 = tpu.vector_load %arg8[%swap3A_170] {strides = array<i32>} : memref<16384xf32, #tpu.memory_space<vmem>>, vector<16xf32>,
      tpu.vector_store %arg8[%swap3A_170], %while3A_105#14 {strides = array<i32>} : memref<16384xf32, #tpu.memory_space<vmem>>, vector<16xf32>,
      %add3A_172 = arith.constant 224 : i32
      %add3A_173 = arith.addi %mul3A_116, %add3A_172 : i32
      %swap3A_174 = arith.index_cast %add3A_173 : i32 to index
      %swap3A_175 = tpu.vector_load %arg8[%swap3A_174] {strides = array<i32>} : memref<16384xf32, #tpu.memory_space<vmem>>, vector<16xf32>,
      tpu.vector_store %arg8[%swap3A_174], %while3A_105#15 {strides = array<i32>} : memref<16384xf32, #tpu.memory_space<vmem>>, vector<16xf32>,
      %add3A_176 = arith.constant 240 : i32
      %add3A_177 = arith.addi %mul3A_116, %add3A_176 : i32
      %swap3A_178 = arith.index_cast %add3A_177 : i32 to index
      %swap3A_179 = tpu.vector_load %arg8[%swap3A_178] {strides = array<i32>} : memref<16384xf32, #tpu.memory_space<vmem>>, vector<16xf32>,
      tpu.vector_store %arg8[%swap3A_178], %while3A_105#16 {strides = array<i32>} : memref<16384xf32, #tpu.memory_space<vmem>>, vector<16xf32>,
      %add3A_180 = arith.constant 256 : i32
      %add3A_181 = arith.addi %mul3A_116, %add3A_180 : i32
      %swap3A_182 = arith.index_cast %add3A_181 : i32 to index
      %swap3A_183 = tpu.vector_load %arg8[%swap3A_182] {strides = array<i32>} : memref<16384xf32, #tpu.memory_space<vmem>>, vector<16xf32>,
      tpu.vector_store %arg8[%swap3A_182], %while3A_105#17 {strides = array<i32>} : memref<16384xf32, #tpu.memory_space<vmem>>, vector<16xf32>,
      %add3A_184 = arith.constant 272 : i32
      %add3A_185 = arith.addi %mul3A_116, %add3A_184 : i32
      %swap3A_186 = arith.index_cast %add3A_185 : i32 to index
      %swap3A_187 = tpu.vector_load %arg8[%swap3A_186] {strides = array<i32>} : memref<16384xf32, #tpu.memory_space<vmem>>, vector<16xf32>,
      tpu.vector_store %arg8[%swap3A_186], %while3A_105#18 {strides = array<i32>} : memref<16384xf32, #tpu.memory_space<vmem>>, vector<16xf32>,
      %add3A_188 = arith.constant 288 : i32
      %add3A_189 = arith.addi %mul3A_116, %add3A_188 : i32
      %swap3A_190 = arith.index_cast %add3A_189 : i32 to index
      %swap3A_191 = tpu.vector_load %arg8[%swap3A_190] {strides = array<i32>} : memref<16384xf32, #tpu.memory_space<vmem>>, vector<16xf32>,
      tpu.vector_store %arg8[%swap3A_190], %while3A_105#19 {strides = array<i32>} : memref<16384xf32, #tpu.memory_space<vmem>>, vector<16xf32>,
      %add3A_192 = arith.constant 304 : i32
      %add3A_193 = arith.addi %mul3A_116, %add3A_192 : i32
      %swap3A_194 = arith.index_cast %add3A_193 : i32 to index
      %swap3A_195 = tpu.vector_load %arg8[%swap3A_194] {strides = array<i32>} : memref<16384xf32, #tpu.memory_space<vmem>>, vector<16xf32>,
      tpu.vector_store %arg8[%swap3A_194], %while3A_105#20 {strides = array<i32>} : memref<16384xf32, #tpu.memory_space<vmem>>, vector<16xf32>,
      %add3A_196 = arith.constant 320 : i32
      %add3A_197 = arith.addi %mul3A_116, %add3A_196 : i32
      %swap3A_198 = arith.index_cast %add3A_197 : i32 to index
      %swap3A_199 = tpu.vector_load %arg8[%swap3A_198] {strides = array<i32>} : memref<16384xf32, #tpu.memory_space<vmem>>, vector<16xf32>,
      tpu.vector_store %arg8[%swap3A_198], %while3A_105#21 {strides = array<i32>} : memref<16384xf32, #tpu.memory_space<vmem>>, vector<16xf32>,
      %add3A_200 = arith.constant 336 : i32
      %add3A_201 = arith.addi %mul3A_116, %add3A_200 : i32
      %swap3A_202 = arith.index_cast %add3A_201 : i32 to index
      %swap3A_203 = tpu.vector_load %arg8[%swap3A_202] {strides = array<i32>} : memref<16384xf32, #tpu.memory_space<vmem>>, vector<16xf32>,
      tpu.vector_store %arg8[%swap3A_202], %while3A_105#22 {strides = array<i32>} : memref<16384xf32, #tpu.memory_space<vmem>>, vector<16xf32>,
      %add3A_204 = arith.constant 352 : i32
      %add3A_205 = arith.addi %mul3A_116, %add3A_204 : i32
      %swap3A_206 = arith.index_cast %add3A_205 : i32 to index
      %swap3A_207 = tpu.vector_load %arg8[%swap3A_206] {strides = array<i32>} : memref<16384xf32, #tpu.memory_space<vmem>>, vector<16xf32>,
      tpu.vector_store %arg8[%swap3A_206], %while3A_105#23 {strides = array<i32>} : memref<16384xf32, #tpu.memory_space<vmem>>, vector<16xf32>,
      %add3A_208 = arith.constant 368 : i32
      %add3A_209 = arith.addi %mul3A_116, %add3A_208 : i32
      %swap3A_210 = arith.index_cast %add3A_209 : i32 to index
      %swap3A_211 = tpu.vector_load %arg8[%swap3A_210] {strides = array<i32>} : memref<16384xf32, #tpu.memory_space<vmem>>, vector<16xf32>,
      tpu.vector_store %arg8[%swap3A_210], %while3A_105#24 {strides = array<i32>} : memref<16384xf32, #tpu.memory_space<vmem>>, vector<16xf32>,
      %add3A_212 = arith.constant 384 : i32
      %add3A_213 = arith.addi %mul3A_116, %add3A_212 : i32
      %swap3A_214 = arith.index_cast %add3A_213 : i32 to index
      %swap3A_215 = tpu.vector_load %arg8[%swap3A_214] {strides = array<i32>} : memref<16384xf32, #tpu.memory_space<vmem>>, vector<16xf32>,
      tpu.vector_store %arg8[%swap3A_214], %while3A_105#25 {strides = array<i32>} : memref<16384xf32, #tpu.memory_space<vmem>>, vector<16xf32>,
      %add3A_216 = arith.constant 400 : i32
      %add3A_217 = arith.addi %mul3A_116, %add3A_216 : i32
      %swap3A_218 = arith.index_cast %add3A_217 : i32 to index
      %swap3A_219 = tpu.vector_load %arg8[%swap3A_218] {strides = array<i32>} : memref<16384xf32, #tpu.memory_space<vmem>>, vector<16xf32>,
      tpu.vector_store %arg8[%swap3A_218], %while3A_105#26 {strides = array<i32>} : memref<16384xf32, #tpu.memory_space<vmem>>, vector<16xf32>,
      %add3A_220 = arith.constant 416 : i32
      %add3A_221 = arith.addi %mul3A_116, %add3A_220 : i32
      %swap3A_222 = arith.index_cast %add3A_221 : i32 to index
      %swap3A_223 = tpu.vector_load %arg8[%swap3A_222] {strides = array<i32>} : memref<16384xf32, #tpu.memory_space<vmem>>, vector<16xf32>,
      tpu.vector_store %arg8[%swap3A_222], %while3A_105#27 {strides = array<i32>} : memref<16384xf32, #tpu.memory_space<vmem>>, vector<16xf32>,
      %add3A_224 = arith.constant 432 : i32
      %add3A_225 = arith.addi %mul3A_116, %add3A_224 : i32
      %swap3A_226 = arith.index_cast %add3A_225 : i32 to index
      %swap3A_227 = tpu.vector_load %arg8[%swap3A_226] {strides = array<i32>} : memref<16384xf32, #tpu.memory_space<vmem>>, vector<16xf32>,
      tpu.vector_store %arg8[%swap3A_226], %while3A_105#28 {strides = array<i32>} : memref<16384xf32, #tpu.memory_space<vmem>>, vector<16xf32>,
      %add3A_228 = arith.constant 448 : i32
      %add3A_229 = arith.addi %mul3A_116, %add3A_228 : i32
      %swap3A_230 = arith.index_cast %add3A_229 : i32 to index
      %swap3A_231 = tpu.vector_load %arg8[%swap3A_230] {strides = array<i32>} : memref<16384xf32, #tpu.memory_space<vmem>>, vector<16xf32>,
      tpu.vector_store %arg8[%swap3A_230], %while3A_105#29 {strides = array<i32>} : memref<16384xf32, #tpu.memory_space<vmem>>, vector<16xf32>,
      %add3A_232 = arith.constant 464 : i32
      %add3A_233 = arith.addi %mul3A_116, %add3A_232 : i32
      %swap3A_234 = arith.index_cast %add3A_233 : i32 to index
      %swap3A_235 = tpu.vector_load %arg8[%swap3A_234] {strides = array<i32>} : memref<16384xf32, #tpu.memory_space<vmem>>, vector<16xf32>,
      tpu.vector_store %arg8[%swap3A_234], %while3A_105#30 {strides = array<i32>} : memref<16384xf32, #tpu.memory_space<vmem>>, vector<16xf32>,
      %add3A_236 = arith.constant 480 : i32
      %add3A_237 = arith.addi %mul3A_116, %add3A_236 : i32
      %swap3A_238 = arith.index_cast %add3A_237 : i32 to index
      %swap3A_239 = tpu.vector_load %arg8[%swap3A_238] {strides = array<i32>} : memref<16384xf32, #tpu.memory_space<vmem>>, vector<16xf32>,
      tpu.vector_store %arg8[%swap3A_238], %while3A_105#31 {strides = array<i32>} : memref<16384xf32, #tpu.memory_space<vmem>>, vector<16xf32>,
      %add3A_240 = arith.constant 496 : i32
      %add3A_241 = arith.addi %mul3A_116, %add3A_240 : i32
      %swap3A_242 = arith.index_cast %add3A_241 : i32 to index
      %swap3A_243 = tpu.vector_load %arg8[%swap3A_242] {strides = array<i32>} : memref<16384xf32, #tpu.memory_space<vmem>>, vector<16xf32>,
      tpu.vector_store %arg8[%swap3A_242], %while3A_105#32 {strides = array<i32>} : memref<16384xf32, #tpu.memory_space<vmem>>, vector<16xf32>,
    } else {
    }
    %mul3A_111 = arith.constant 512 : i32
    %mul3A_112 = arith.muli %mul3A_2, %mul3A_111 : i32
    %multiple_of3A_113 = tpu.assume_multiple %mul3A_112, 16384 : i32
    "tpu.region"() ({
      %run_scoped3A = tpu.sem_alloc : memref<!tpu.dma_semaphore, #tpu.memory_space<semaphore_mem>>
      %dma_start3A = tpu.memref_slice %arg4[%multiple_of3A_113] : memref<524288xf32, #tpu.memory_space<hbm>> -> memref<16384xf32, #tpu.memory_space<hbm>>
      %dma_start3A_114 = tpu.memref_slice %arg4[%multiple_of3A_113] : memref<524288xf32, #tpu.memory_space<hbm>> -> memref<16384xf32, #tpu.memory_space<hbm>>
      tpu.enqueue_dma source(%arg8 : memref<16384xf32, #tpu.memory_space<vmem>>) target(%dma_start3A_114 : memref<16384xf32, #tpu.memory_space<hbm>>) target_semaphore(%run_scoped3A : memref<!tpu.dma_semaphore, #tpu.memory_space<semaphore_mem>>)
      %dma_wait3A = tpu.memref_slice %arg4[%multiple_of3A_113] : memref<524288xf32, #tpu.memory_space<hbm>> -> memref<16384xf32, #tpu.memory_space<hbm>>
      %dma_wait3A_115 = tpu.memref_slice %arg4[%multiple_of3A_113] : memref<524288xf32, #tpu.memory_space<hbm>> -> memref<16384xf32, #tpu.memory_space<hbm>>
      tpu.wait_dma2 semaphore(%run_scoped3A : memref<!tpu.dma_semaphore, #tpu.memory_space<semaphore_mem>>) src(%arg8 : memref<16384xf32, #tpu.memory_space<vmem>>) dst(%dma_wait3A_115 : memref<16384xf32, #tpu.memory_space<hbm>>)
      tpu.yield
    }) : () -> ()
    return
  }
}

module attributes {stable_mosaic.version = 14 : i64} {
  func.func @_tc_reduce_body(%arg0: memref<1024x512xf32, #tpu.memory_space<vmem>>, %arg1: memref<1024x128xf32, #tpu.memory_space<vmem>>) attributes {dimension_semantics = [], scalar_prefetch = 0 : i64, scratch_operands = 0 : i64, tpu.core_type = #tpu.core_type<tc>} {
    %get3A = arith.constant 0 : index
    %get3A_0 = arith.constant 0 : index
    %get3A_1 = vector.load %arg0[%get3A, %get3A_0] : memref<1024x512xf32, #tpu.memory_space<vmem>>, vector<1024x128xf32>
    %get3A_2 = arith.constant 0 : index
    %get3A_3 = arith.constant 128 : index
    %get3A_4 = vector.load %arg0[%get3A_2, %get3A_3] : memref<1024x512xf32, #tpu.memory_space<vmem>>, vector<1024x128xf32>
    %add3A = arith.addf %get3A_1, %get3A_4 : vector<1024x128xf32>
    %get3A_5 = arith.constant 0 : index
    %get3A_6 = arith.constant 256 : index
    %get3A_7 = vector.load %arg0[%get3A_5, %get3A_6] : memref<1024x512xf32, #tpu.memory_space<vmem>>, vector<1024x128xf32>
    %add3A_8 = arith.addf %add3A, %get3A_7 : vector<1024x128xf32>
    %get3A_9 = arith.constant 0 : index
    %get3A_10 = arith.constant 384 : index
    %get3A_11 = vector.load %arg0[%get3A_9, %get3A_10] : memref<1024x512xf32, #tpu.memory_space<vmem>>, vector<1024x128xf32>
    %add3A_12 = arith.addf %add3A_8, %get3A_11 : vector<1024x128xf32>
    %swap3A = arith.constant 0 : index
    %swap3A_13 = arith.constant 0 : index
    %swap3A_14 = vector.load %arg1[%swap3A, %swap3A_13] : memref<1024x128xf32, #tpu.memory_space<vmem>>, vector<1024x128xf32>
    tpu.vector_store %arg1[%swap3A, %swap3A_13], %add3A_12 {strides = array<i32>} : memref<1024x128xf32, #tpu.memory_space<vmem>>, vector<1024x128xf32>,
    return
  }
}

</mosaic_0001>

<sc_bundles>
// kernel: kernel.4.cloned.1.call-start
scs
__scs_entry_jumppad:
0x0: {  	(pc) =	sbr.rel $0x88, $3  }
0x1: {  	(tag) =	ssettag $0x0;
	lr =	simm.s32 $0x1  }
0x2: {  	[smem:$0x3F9F] =	sst lr;
	_ =	strace $0xD0000000  }
0x3: {  	_ = 	snop  }
0x4: {  	_ = 	snop  }
0x5: {  	_ = 	snop  }
0x6: {  	_ = 	snop  }
0x7: {  	_ = 	snop  }
__scs_overlays_trampoline_lowered:
0x8: {  	[smem:$0x3FAE] =	sst s0  }
0x9: {  	[smem:$0x3FAF] =	sst s1  }
0xa: {  	[smem:$0x3FB0] =	sst s2  }
0xb: {  	[smem:$0x3FB1] =	sst s3  }
0xc: {  	[smem:$0x3FB2] =	sst s4  }
0xd: {  	[smem:$0x3FB3] =	sst s5  }
0xe: {  	[smem:$0x3FB4] =	sst s6  }
0xf: {  	[smem:$0x3FB5] =	sst s7  }
0x10: {  	[smem:$0x3FB6] =	sst s8  }
0x11: {  	[smem:$0x3FB7] =	sst s9;
	s0 =	simm.s32 @!p0 $0x0  }
0x12: {  	s1 =	sld [smem:$0x3F9D];
	s0 =	simm.s32 @p0 $0x1  }
0x13: {  	[smem:$0x3FB8] =	sst s0;
	s0 =	simm.s32 @!p1 $0x0  }
0x14: {  	s2 =	sld [smem:$0x3F9C];
	s0 =	simm.s32 @p1 $0x1  }
0x15: {  	[smem:$0x3FB9] =	sst s0;
	s0 =	simm.s32 @!p2 $0x0  }
0x16: {  	s3 =	sld [smem:$0x3FDB];
	s0 =	simm.s32 @p2 $0x1  }
0x17: {  	s4 =	simm.s32 $0x1BF5;
	[smem:$0x3FBB] =	sst s0  }
0x18: {  	s0 =	sld [smem:$0x3F9E];
	_ =	swait.ge [sflag:s4], $0x0  }
0x19: {  	s7 =	sld [smem:$0x3F9F]  }
0x1a: {  	s8 =	sadd.s32 $0xFFFFE003, lr  }
0x1b: {  	s9 =	sadd.s32 $0xFFFFFEF7, lr;
	s5 =	simm.s32 $0xFFFFFFFF;
	p2 =	slt.u32 s8, $0xFFFFF086  }
0x1c: {  	p1 =	slt.u32 s9, $0xF7A;
	s5 =	simm.s32 @!p2 $0x0  }
0x1d: {  	s5 =	simm.s32 @p1 $0x1;
	p0 =	seq.s32 s7, s2  }
0x1e: {  	s7 =	smul.u32 @!p0 $0xF7A, s2;
	p2 =	seq.s32 @!p0 s5, $0x0  }
0x1f: {  	s9 =	smul.u32 $0xF7A, s1;
	s8 =	simm.s32 @!p0 $0x1BF5;
	p2 =	por !p2, p0  }
0x20: {  	[sflag:s8] =	ssyncset.s32 @!p0 $0xFFFFF086;
	s6 =	sadd.s32 @!p0 s3, s7;
	s7 =	simm.s32 @!p0 $0x108  }
0x21: {  	s3 =	sadd.s32 s3, s9;
	s6 =	sadd.s32 @!p0 $0x88, s6;
	s7 =	simm.s32 @p2 $0x1082  }
0x22: {  	[simem:s7], [sflag:s8] =	dma.local @!p0 [hbm:s6], $0xF7A  }
0x23: {  	s9 =	sor.u32 $0xD0000000, s2;
	s6 =	simm.s32 $0x108;
	_ =	swait.ge @!p0 [sflag:s8], $0x0  }
0x24: {  	s3 =	sadd.s32 $0x88, s3;
	s6 =	simm.s32 @!p1 $0x1082;
	[sflag:s4] =	ssyncset.s32 $0xFFFFF086  }
0x25: {  	[simem:s6], [sflag:s4] =	dma.local [hbm:s3], $0xF7A  }
0x26: {  	[smem:$0x3F9F] =	sst s1;
	(tag) =	ssettag s2;
	_ =	strace s9  }
0x27: {  	s1 =	sld [smem:$0x3FAF]  }
0x28: {  	s2 =	sld [smem:$0x3FB0]  }
0x29: {  	s4 =	sld [smem:$0x3FB2]  }
0x2a: {  	p0 =	seq.s32 s5, $0x0;
	s5 =	sld [smem:$0x3FB3]  }
0x2b: {  	s6 =	sld [smem:$0x3FB4]  }
0x2c: {  	s7 =	sld [smem:$0x3FB5]  }
0x2d: {  	s3 =	simm.s32 $0x108;
	s8 =	sld [smem:$0x3FB6]  }
0x2e: {  	s3 =	simm.s32 @!p0 $0x1082;
	s9 =	sld [smem:$0x3FB7]  }
0x2f: {  	lr =	sadd.s32 s0, s3;
	s0 =	sld [smem:$0x3FAE]  }
0x30: {  	s3 =	sld [smem:$0x3FB1]  }
0x31: {  	[smem:$0x3FBA] =	sst s10  }
0x32: {  	s10 =	sld [smem:$0x3FB8];
	_ =	sdelay $0x3  }
0x33: {  	p0 =	seq.s32 s10, $0x1;
	s10 =	sld [smem:$0x3FBA];
	_ =	sdelay $0x3  }
0x34: {  	[smem:$0x3FBA] =	sst s10  }
0x35: {  	s10 =	sld [smem:$0x3FB9];
	_ =	sdelay $0x3  }
0x36: {  	p1 =	seq.s32 s10, $0x1;
	s10 =	sld [smem:$0x3FBA];
	_ =	sdelay $0x3  }
0x37: {  	[smem:$0x3FBA] =	sst s10  }
0x38: {  	s10 =	sld [smem:$0x3FBB]  }
0x39: {  	_ = 	snop;
	(pc) =	sbr.ind lr, $3  }
0x3a: {  	_ = 	snop  }
0x3b: {  	_ = 	snop  }
0x3c: {  	p2 =	seq.s32 s10, $0x1;
	s10 =	sld [smem:$0x3FBA]  }
0x3d: {  	_ =	shalt  }
0x3e: {  	_ =	shalt  }
0x3f: {  	_ =	shalt  }
0x40: {  	_ =	shalt  }
0x41: {  	_ =	shalt  }
0x42: {  	_ =	shalt  }
0x43: {  	_ =	shalt  }
0x44: {  	_ =	shalt  }
0x45: {  	_ =	shalt  }
0x46: {  	_ =	shalt  }
0x47: {  	_ =	shalt  }
0x48: {  	_ =	shalt  }
0x49: {  	_ =	shalt  }
0x4a: {  	_ =	shalt  }
0x4b: {  	_ =	shalt  }
0x4c: {  	_ =	shalt  }
0x4d: {  	_ =	shalt  }
0x4e: {  	_ =	shalt  }
0x4f: {  	_ =	shalt  }
0x50: {  	_ =	shalt  }
0x51: {  	_ =	shalt  }
0x52: {  	_ =	shalt  }
0x53: {  	_ =	shalt  }
0x54: {  	_ =	shalt  }
0x55: {  	_ =	shalt  }
0x56: {  	_ =	shalt  }
0x57: {  	_ =	shalt  }
0x58: {  	_ =	shalt  }
0x59: {  	_ =	shalt  }
0x5a: {  	_ =	shalt  }
0x5b: {  	_ =	shalt  }
0x5c: {  	_ =	shalt  }
0x5d: {  	_ =	shalt  }
0x5e: {  	_ =	shalt  }
0x5f: {  	_ =	shalt  }
0x60: {  	_ =	shalt  }
0x61: {  	_ =	shalt  }
0x62: {  	_ =	shalt  }
0x63: {  	_ =	shalt  }
0x64: {  	_ =	shalt  }
0x65: {  	_ =	shalt  }
0x66: {  	_ =	shalt  }
0x67: {  	_ =	shalt  }
0x68: {  	_ =	shalt  }
0x69: {  	_ =	shalt  }
0x6a: {  	_ =	shalt  }
0x6b: {  	_ =	shalt  }
0x6c: {  	_ =	shalt  }
0x6d: {  	_ =	shalt  }
0x6e: {  	_ =	shalt  }
0x6f: {  	_ =	shalt  }
0x70: {  	_ =	shalt  }
0x71: {  	_ =	shalt  }
0x72: {  	_ =	shalt  }
0x73: {  	_ =	shalt  }
0x74: {  	_ =	shalt  }
0x75: {  	_ =	shalt  }
0x76: {  	_ =	shalt  }
0x77: {  	_ =	shalt  }
0x78: {  	_ =	shalt  }
0x79: {  	_ =	shalt  }
0x7a: {  	_ =	shalt  }
0x7b: {  	_ =	shalt  }
0x7c: {  	_ =	shalt  }
0x7d: {  	_ =	shalt  }
0x7e: {  	_ =	shalt  }
0x7f: {  	_ =	shalt  }
0x80: {  	_ =	shalt  }
0x81: {  	_ =	shalt  }
0x82: {  	_ =	shalt  }
0x83: {  	_ =	shalt  }
0x84: {  	_ =	shalt  }
0x85: {  	_ =	shalt  }
0x86: {  	_ =	shalt  }
0x87: {  	_ =	shalt  }
.Lfunc_end0:
.L_simem_size_0:
called_computation_lowered:
.L_overlay_start_0:
0x88: {  	s2 =	sld [smem:$0x3FD9]  }
0x89: {  	s3 =	sld [smem:$0x3FFE];
	_ =	sdelay $0x1  }
0x8a: {  	s1 =	srdreg.scid  }
0x8b: {  	s0 =	sand.u32 $0x1, s1  }
0x8c: {  	s17 =	sshll.u32 s0, $0xA;
	s2 =	sadd.s32 s3, s2  }
0x8d: {  	s2 =	sadd.s32 s2, s17  }
0x8e: {  	[smem:$0x3FC6] =	sst s2  }
0x8f: {  	_ = 	snop  }
0x90: {  	s2 =	sld [smem:$0x3FC9]  }
0x91: {  	s18 =	sld [smem:$0x3FD0];
	(tm) =	ssettm $0x1  }
0x92: {  	s4 =	sld [smem:$0x3FFB];
	_ =	sdelay $0x3  }
0x93: {  	_ =	strace s4  }
0x94: {  	s4 =	sld [smem:$0x3FFC];
	_ =	sdelay $0x3  }
0x95: {  	_ =	strace s4  }
0x96: {  	s4 =	sld [smem:$0x3FFD];
	_ =	sdelay $0x3  }
0x97: {  	_ =	strace s4  }
0x98: {  	_ =	strace $0x8FFFFFFF  }
0x99: {  	s19 =	sld [smem:$0x3FDB];
	_ =	sdelay $0x1  }
0x9a: {  	s5 =	simm.s32 $_scs_section_size  }
0x9b: {  	s6 =	simm.s32 $_size__tile_overlayer_lowered;
	s7 =	simm.s32 $_tile_overlayer_lowered  }
0x9c: {  	s22 =	simm.s32 $0x1BFF;
	s21 =	sshll.u32 s7, $0x1;
	s4 =	sadd.s32 s5, s19  }
0x9d: {  	s8 =	simm.s32 $0x0;
	s20 =	sshll.u32 s6, $0x1;
	s6 =	sadd.s32 s21, s4  }
0x9e: {  	[timem:s8], [sflag:s22] =	dma.local [hbm:s6], s20  }
0x9f: {  	_ =	swait.ge [sflag:s22], s20  }
0xa0: {  	s5 =	ssub.s32 $0x0, s20;
	[sflag:s22] =	ssyncset.done $0x0  }
0xa1: {  	[sflag:s22] =	ssyncadd.s32 s5;
	_ =	sdelay $0x1  }
0xa2: {  	s23 =	simm.s32 $0x1B8B  }
0xa3: {  	_ =	swait.ge [sflag:s23], $0x1  }
0xa4: {  	[sflag:s23] =	ssyncset.done $0x0  }
0xa5: {  	s25 =	simm.s32 $0x1B8E;
	s24 =	sld [smem:$0x3FFE];
	[sflag:s23] =	ssyncadd.s32 $0xFFFFFFFF  }
0xa6: {  	s26 =	simm.s32 $execute0_lowered;
	[smem:$0x3FD2] =	sst s25  }
0xa7: {  	s6 =	sshll.u32 s26, $0x1;
	_ =	strace $0x80000046;
	[dreg:$0x1] =	wrdreg $0xFFFFFFFF  }
0xa8: {  	s28 =	simm.s32 $_size_execute0_lowered;
	s4 =	sadd.s32 s4, s6;
	[dreg:$0x0] =	wrdreg $0x0  }
0xa9: {  	s6 =	sshll.u32 s28, $0x1;
	[dreg:$0x2] =	wrdreg s4  }
0xaa: {  	[dreg:$0x3] =	wrdreg s6  }
0xab: {  	[dreg:$0x4] =	wrdreg $0xC0  }
0xac: {  	_ =	task [dreg:s8], $0x5FFFF  }
0xad: {  	[dreg:$0x1] =	wrdreg $0xFFFFFFFF  }
0xae: {  	[dreg:$0x0] =	wrdreg $0x60  }
0xaf: {  	[dreg:$0x2] =	wrdreg s2  }
0xb0: {  	[dreg:$0x3] =	wrdreg s18  }
0xb1: {  	[dreg:$0x4] =	wrdreg s24  }
0xb2: {  	[dreg:$0x5] =	wrdreg $0x9  }
0xb3: {  	_ =	task.clear_ibuf [dreg:s8], $0x6FFFF;
	_ =	strace $0x90000046  }
0xb4: {  	s29 =	simm.s32 $0x9;
	_ =	strace $0x80000048  }
0xb5: {  	_ =	swait.ge [sflag:s29], $0x1  }
0xb6: {  	[sflag:s29] =	ssyncadd.s32 $0xFFFFFFFF  }
0xb7: {  	_ =	strace $0x90000048  }
0xb8: {  	_ =	sfence  }
0xb9: {  	s30 =	sld [smem:$0x0];
	_ =	sdelay $0x2  }
0xba: {  	s31 =	sshll.u32 s1, $0xD;
	s1 =	sshrl.u32 s1, $0x2  }
0xbb: {  	s3 =	sand.u32 $0x4000, s31;
	s1 =	sadd.s32 s1, s30  }
0xbc: {  	s0 =	sor.u32 s3, s0;
	s1 =	sshll.u32 s1, $0x11  }
0xbd: {  	s0 =	sor.u32 s1, s0  }
0xbe: {  	s0 =	sadd.s32 $0x8F2B, s0  }
0xbf: {  	[sflag:s0] =	ssyncadd.remote.s32 $0x1  }
0xc0: {  	_ =	sfence.sel $0xFFFF  }
0xc1: {  	[dreg:$0x0] =	wrdreg $0xFFFFFFFF;
	(pc) =	sbr.abs _section_cstart, $3  }
0xc2: {  	[dreg:$0x1] =	wrdreg $0xFFFFFFFF  }
0xc3: {  	_ =	task.clear_ibuf [dreg:s8], $0x2FFFF;
	_ =	strace $0x9FFFFFFF  }
0xc4: {  	(tm) =	ssettm $0x7FFFFFFF  }
0xc5: {  	_ =	shalt  }
tec
execute0_lowered:
.L_overlay_start_1:
0x0: {  	(tag) =	ssettag $0x1  }
0x1: {  	s1 =	rddreg [dreg:$0x0]  }
0x2: {  	s0 =	rddreg [dreg:$0x1]  }
0x3: {  	s7 =	rddreg [dreg:$0x2];
	s3 =	srdreg.scid  }
0x4: {  	s2 =	stileid.u32;
	s9 =	simm.s32 $0x18000;
	s10 =	simm.s32 $0x3  }
0x5: {  	s11 =	simm.s32 $0x1;
	s12 =	simm.s32 $0x2;
	s13 =	simm.s32 $0x18080  }
0x6: {  	s14 =	simm.s32 $0x0;
	s4 =	sand.u32 $0x1, s3;
	s3 =	simm.s32 $0x0  }
.Ltmp0:
0x7: {  	s6 =	sshll.u32 s2, $0x1;
	s5 =	ssub.s32 $0x2, s4;
	(pc) =	sbr.rel .LBB2_1-.Ltmp0, $4  }
0x8: {  	[smem:$0x7FF] =	sst s3;
	s6 =	sor.u32 s4, s6;
	s8 =	sshrl.u32 s5, $0x1  }
0x9: {  	_ =	strace $0x80000047;
	s30 =	sshll.u32 s6, $0x2;
	s4 =	sshll.u32 s6, $0x5  }
0xa: {  	s31 =	sshll.u32 s6, $0xB;
	s8 =	ssub.s32 s5, s8;
	s5 =	sadd.s32 s0, s30  }
0xb: {  	v0 =	vimm.f32 $0.0e+00;
	vm0 =	vmmov $0x1;
	s6 =	sadd.s32 $0x20, s4;
	s7 =	sadd.s32 s7, s31;
	s8 =	smax.u32 s8, $0x1  }
.LBB2_4:
0xc: {  	v31 =	vimm.f32 $0.0e+00;
	v32 =	vimm.f32 $0.0e+00;
	v33 =	vimm.f32 $0.0e+00;
	s23 =	smov.u32 s4  }
.LBB2_28:
0xd: {  	s0 =	ssub.s32 s23, s4  }
0xe: {  	s0 =	sshll.u32 s0, $0xB  }
0xf: {  	s0 =	sshra.s32 s0, $0x2  }
0x10: {  	[tilespmem:s0+$0x18080] =	vst v33  }
0x11: {  	[tilespmem:s0+$0x18090] =	vst v32  }
0x12: {  	[tilespmem:s0+$0x180A0] =	vst v31  }
0x13: {  	[tilespmem:s0+$0x180B0] =	vst v30  }
0x14: {  	[tilespmem:s0+$0x180C0] =	vst v29  }
0x15: {  	[tilespmem:s0+$0x180D0] =	vst v28  }
0x16: {  	[tilespmem:s0+$0x180E0] =	vst v27  }
0x17: {  	[tilespmem:s0+$0x180F0] =	vst v26  }
0x18: {  	[tilespmem:s0+$0x18100] =	vst v25  }
0x19: {  	[tilespmem:s0+$0x18110] =	vst v24  }
0x1a: {  	[tilespmem:s0+$0x18120] =	vst v23  }
0x1b: {  	[tilespmem:s0+$0x18130] =	vst v22  }
0x1c: {  	[tilespmem:s0+$0x18140] =	vst v21  }
0x1d: {  	[tilespmem:s0+$0x18150] =	vst v20  }
0x1e: {  	[tilespmem:s0+$0x18160] =	vst v19  }
0x1f: {  	[tilespmem:s0+$0x18170] =	vst v18  }
0x20: {  	[tilespmem:s0+$0x18180] =	vst v17  }
0x21: {  	[tilespmem:s0+$0x18190] =	vst v16  }
0x22: {  	[tilespmem:s0+$0x181A0] =	vst v15  }
0x23: {  	[tilespmem:s0+$0x181B0] =	vst v14  }
0x24: {  	[tilespmem:s0+$0x181C0] =	vst v13  }
0x25: {  	[tilespmem:s0+$0x181D0] =	vst v12  }
0x26: {  	[tilespmem:s0+$0x181E0] =	vst v11  }
0x27: {  	[tilespmem:s0+$0x181F0] =	vst v10  }
0x28: {  	[tilespmem:s0+$0x18200] =	vst v9  }
0x29: {  	[tilespmem:s0+$0x18210] =	vst v8  }
0x2a: {  	[tilespmem:s0+$0x18220] =	vst v7  }
0x2b: {  	[tilespmem:s0+$0x18230] =	vst v6  }
0x2c: {  	[tilespmem:s0+$0x18240] =	vst v5  }
0x2d: {  	[tilespmem:s0+$0x18250] =	vst v4  }
0x2e: {  	[tilespmem:s0+$0x18260] =	vst v3  }
0x2f: {  	[tilespmem:s0+$0x18270] =	vst v2  }
.LBB2_29:
0x30: {  	s14 =	sadd.s32 $0x1, s14  }
0x31: {  	p0 =	sne.s32 s14, s8  }
.Ltmp1:
0x32: {  	_ = 	snop;
	(pc) =	sbr.rel @!p0 .LBB2_30-.Ltmp1, $4  }
0x33: {  	[hbm4b:s7+s3] =	stream.linear.scatter [tilespmem:s13], [sflag:$0x3], $0x4000, $0x38;
	[tilespmem:$0x1C080] =	vst v63  }
0x34: {  	_ =	swait.ge [sflag:s10], $0x4000  }
0x35: {  	[sflag:s10] =	ssyncset.done $0x0  }
0x36: {  	v0 =	vimm.f32 $0.0e+00;
	[sflag:s10] =	ssyncadd.s32 $0xFFFFC000  }
.LBB2_1:
0x37: {  	s0 =	simm.s32 $0x40;
	s15 =	simm.s32 $0x0  }
.LBB2_2:
0x38: {  	p0 =	sne.s32 s0, $0xFFC0;
	[tilespmem:s15+$0x18080] =	vst v0;
	s15 =	smov.u32 s0;
	s0 =	sadd.s32 $0x40, s0  }
.Ltmp2:
0x39: {  	(pc) =	sbr.rel @p0 .LBB2_2-.Ltmp2, $2  }
0x3a: {  	_ =	sdelay $0x2  }
0x3b: {  	s15 =	sshra.s32 s15, $0x2  }
0x3c: {  	[tilespmem:s15+$0x18080] =	vst v0  }
0x3d: {  	[tilespmem:s9], [sflag:$0x3] =	stream.linear.gather [hbm4b:s5+s3], $0x30, $0x38;
	[tilespmem:$0x1C080] =	vst v63  }
0x3e: {  	_ =	swait.ge [sflag:s10], $0x30  }
0x3f: {  	[sflag:s10] =	ssyncset.done $0x0  }
0x40: {  	[sflag:s10] =	ssyncadd.s32 $0xFFFFFFD0  }
0x41: {  	v0 =	vld [tilespmem:$0x18000]  }
0x42: {  	v1 =	vld [tilespmem:$0x18020];
	_ =	sdelay $0x3  }
0x43: {  	v0 =	vnsel vm0, $0x80000000, v0  }
0x44: {  	v1 =	vnsel vm0, $0x80000000, v1;
	v0 =	vxor.u32 $0x80000000, v0  }
0x45: {  	(xrf0) =	vmax.scan.msk.u32 $0xffff, v0;
	v0 =	vxor.u32 $0x80000000, v1  }
0x46: {  	(xrf0) =	vmax.scan.msk.u32 $0xffff, v0;
	_ =	sdelay $0x4  }
0x47: {  	v0, _, _ =	vpop (xrf0)  }
0x48: {  	(v2sf) =	vpush v0, $0xF;
	v0, _, _ =	vpop (xrf0)  }
0x49: {  	(v2sf) =	vpush v0, $0xF;
	_ =	sdelay $0xd  }
0x4a: {  	s0 =	spop (v2sf)  }
0x4b: {  	s16 =	spop (v2sf)  }
0x4c: {  	s15 =	sxor.u32 $0x80000000, s0;
	s16 =	sxor.u32 $0x80000000, s16  }
0x4d: {  	s17 =	ssub.s32 s16, s15  }
0x4e: {  	s18 =	sadd.s32 $0x5F, s17  }
0x4f: {  	s19 =	smulhi.u32 $0x2AAAAAAB, s18;
	s20 =	sshra.s32 s18, $0x1F  }
0x50: {  	s20 =	smul.u32 $0x2AAAAAAB, s20;
	_ =	sdelay $0x1  }
0x51: {  	s19 =	sadd.s32 s20, s19  }
0x52: {  	s20 =	sshrl.u32 s19, $0x1F;
	s19 =	sshra.s32 s19, $0x4  }
0x53: {  	s19 =	sadd.s32 s20, s19  }
0x54: {  	s20 =	smul.u32 $0xFFFFFFA0, s19  }
0x55: {  	s17 =	ssub.s32 $0xFFFFFFA1, s17  }
0x56: {  	p0 =	slt.s32 s18, $0x1;
	p1 =	sne.s32 s20, s17  }
0x57: {  	p0 =	por !p0, !p1  }
0x58: {  	s17 =	simm.s32 $0x1;
	p0 =	por !p0, !p0  }
0x59: {  	s17 =	simm.s32 @!p0 $0x0  }
0x5a: {  	s17 =	ssub.s32 s19, s17  }
0x5b: {  	p0 =	slt.s32 s17, $0x1  }
0x5c: {  	p1 =	slt.s32 @!p0 s15, $0x18640  }
0x5d: {  	s18 =	smov.u32 s15;
	p1 =	por !p1, p0  }
0x5e: {  	s18 =	simm.s32 @p1 $0x18640  }
0x5f: {  	s18 =	sshll.u32 @!p0 s18, $0x6  }
0x60: {  	p1 =	seq.s32 @!p0 s17, $0x1;
	s18 =	sand.u32 @!p0 $0x1FFFFFC0, s18  }
0x61: {  	s19 =	simm.s32 @!p0 $0x0;
	p2 =	por p1, p0;
	s18 =	sadd.s32 @!p0 s1, s18  }
0x62: {  	[tilespmem:s19], [sflag:$0x1] =	stream.linear.gather @!p0 [hbm4b:s18+s19], $0xC000, $0x38;
	[tilespmem:$0x1C080] =	vst v63  }
0x63: {  	s18 =	sadd.s32 @!p2 $0x80000060, s0  }
0x64: {  	p3 =	slt.s32 @!p2 s18, $0x18640  }
0x65: {  	p1 =	por @!p0 !p3, p1  }
0x66: {  	p0 =	por !p1, p0  }
0x67: {  	s29 =	sadd.s32 $0x1, s17;
	p5 =	slt.s32 s17, $0x0;
	s18 =	simm.s32 @!p0 $0x18640  }
0x68: {  	s30 =	sand.u32 $0x1, s29;
	s31 =	sshrl.u32 s29, $0x1F;
	s18 =	sshll.u32 @!p2 s18, $0x6  }
0x69: {  	p6 =	seq.s32 s30, $0x1;
	s20 =	simm.s32 @!p2 $0xC000;
	s18 =	sand.u32 @!p2 $0x1FFFFFC0, s18  }
0x6a: {  	s19 =	simm.s32 @!p2 $0x0;
	p0 =	por !p5, !p6;
	s18 =	sadd.s32 @!p2 s1, s18  }
0x6b: {  	v2 =	vimm.f32 $0.0e+00;
	v3 =	vimm.f32 $0.0e+00;
	[tilespmem:s20], [sflag:$0x2] =	stream.linear.gather @!p2 [hbm4b:s18+s19], $0xC000, $0x38;
	[tilespmem:$0x1C080] =	vst v63  }
0x6c: {  	v4 =	vimm.f32 $0.0e+00;
	v5 =	vimm.f32 $0.0e+00;
	v6 =	vimm.f32 $0.0e+00;
	p0 =	por !p0, !p0;
	s18 =	sadd.s32 s31, s29;
	s19 =	simm.s32 $0x1  }
0x6d: {  	v7 =	vimm.f32 $0.0e+00;
	v8 =	vimm.f32 $0.0e+00;
	v9 =	vimm.f32 $0.0e+00;
	s18 =	sshra.s32 s18, $0x1;
	s19 =	simm.s32 @!p0 $0x0  }
0x6e: {  	v10 =	vimm.f32 $0.0e+00;
	v11 =	vimm.f32 $0.0e+00;
	v12 =	vimm.f32 $0.0e+00;
	s18 =	ssub.s32 s18, s19  }
0x6f: {  	v13 =	vimm.f32 $0.0e+00;
	v14 =	vimm.f32 $0.0e+00;
	v15 =	vimm.f32 $0.0e+00;
	p0 =	slt.s32 s18, $0x1  }
.Ltmp3:
0x70: {  	v16 =	vimm.f32 $0.0e+00;
	v17 =	vimm.f32 $0.0e+00;
	v18 =	vimm.f32 $0.0e+00;
	(pc) =	sbr.rel @p0 .LBB2_4-.Ltmp3, $4  }
0x71: {  	v19 =	vimm.f32 $0.0e+00;
	v20 =	vimm.f32 $0.0e+00;
	v21 =	vimm.f32 $0.0e+00  }
0x72: {  	v22 =	vimm.f32 $0.0e+00;
	v23 =	vimm.f32 $0.0e+00;
	v24 =	vimm.f32 $0.0e+00  }
0x73: {  	v25 =	vimm.f32 $0.0e+00;
	v26 =	vimm.f32 $0.0e+00;
	v27 =	vimm.f32 $0.0e+00  }
0x74: {  	v28 =	vimm.f32 $0.0e+00;
	v29 =	vimm.f32 $0.0e+00;
	v30 =	vimm.f32 $0.0e+00  }
.Ltmp4:
0x75: {  	(pc) =	sbr.rel .LBB2_6-.Ltmp4, $3  }
0x76: {  	_ =	sdelay $0x1  }
0x77: {  	s19 =	sadd.s32 $0x80000060, s0  }
0x78: {  	s20 =	simm.s32 $0x0;
	s21 =	smov.u32 s15;
	v31 =	vimm.f32 $0.0e+00;
	v32 =	vimm.f32 $0.0e+00;
	v33 =	vimm.f32 $0.0e+00;
	s23 =	smov.u32 s4  }
.LBB2_18:
0x79: {  	v34 =	vmov v33;
	v35 =	vmov v32  }
0x7a: {  	v36 =	vmovc v31;
	v37 =	vmovc v30;
	v38 =	vmov v29;
	v39 =	vmov v28;
	v40 =	vmov v27  }
0x7b: {  	v41 =	vmovc v26;
	v42 =	vmovc v25;
	v43 =	vmov v24;
	v44 =	vmov v23;
	v45 =	vmov v22  }
0x7c: {  	v46 =	vmovc v21;
	v47 =	vmovc v20;
	v48 =	vmov v19;
	v49 =	vmov v18;
	v50 =	vmov v17  }
0x7d: {  	v51 =	vmovc v16;
	v52 =	vmovc v15;
	v53 =	vmov v14;
	v54 =	vmov v13;
	v55 =	vmov v12  }
0x7e: {  	v56 =	vmovc v11;
	v57 =	vmovc v10;
	v58 =	vmov v9;
	v59 =	vmov v8;
	v60 =	vmov v7  }
0x7f: {  	s0 =	smov.u32 s23;
	v61 =	vmovc v6;
	v62 =	vmovc v5;
	v63 =	vmov v4;
	v1 =	vmov v3;
	v0 =	vmov v2  }
.LBB2_25:
0x80: {  	s22 =	sadd.s32 $0x3, s22  }
0x81: {  	p0 =	sge.s32 s22, s17  }
0x82: {  	s22 =	smul.u32 @!p0 $0x60, s22;
	_ =	sdelay $0x1  }
0x83: {  	s22 =	sadd.s32 @!p0 s15, s22  }
0x84: {  	p1 =	slt.s32 @!p0 s22, $0x18640  }
0x85: {  	v33 =	vmov v34;
	v32 =	vmov v35;
	p1 =	por !p1, p0  }
0x86: {  	v31 =	vmovc v36;
	v30 =	vmovc v37;
	v29 =	vmov v38;
	v28 =	vmov v39;
	v27 =	vmov v40;
	s22 =	simm.s32 @p1 $0x18640  }
0x87: {  	v26 =	vmovc v41;
	v25 =	vmovc v42;
	v24 =	vmov v43;
	v23 =	vmov v44;
	v22 =	vmov v45;
	s22 =	sshll.u32 @!p0 s22, $0x6  }
0x88: {  	v21 =	vmovc v46;
	v20 =	vmovc v47;
	v19 =	vmov v48;
	v18 =	vmov v49;
	v17 =	vmov v50;
	s22 =	sand.u32 @!p0 $0x1FFFFFC0, s22  }
0x89: {  	v16 =	vmovc v51;
	v15 =	vmovc v52;
	v14 =	vmov v53;
	v13 =	vmov v54;
	v12 =	vmov v55;
	s23 =	simm.s32 @!p0 $0x0;
	s24 =	simm.s32 @!p0 $0xC000;
	s22 =	sadd.s32 @!p0 s1, s22  }
0x8a: {  	v11 =	vmovc v56;
	v10 =	vmovc v57;
	v9 =	vmov v58;
	v8 =	vmov v59;
	v7 =	vmov v60;
	[tilespmem:s24], [sflag:$0x2] =	stream.linear.gather @!p0 [hbm4b:s22+s23], $0xC000, $0x38;
	[tilespmem:$0x1C080] =	vst v63  }
0x8b: {  	v6 =	vmovc v61;
	v5 =	vmovc v62;
	v4 =	vmov v63;
	v3 =	vmov v1;
	v2 =	vmov v0;
	s23 =	smov.u32 s0  }
.LBB2_26:
0x8c: {  	s20 =	sadd.s32 $0x1, s20  }
0x8d: {  	p0 =	sne.s32 s20, s18  }
.Ltmp5:
0x8e: {  	_ = 	snop;
	(pc) =	sbr.rel @!p0 .LBB2_27-.Ltmp5, $2  }
0x8f: {  	_ =	sdelay $0x2  }
0x90: {  	s21 =	sadd.s32 $0xC0, s21;
	s19 =	sadd.s32 $0xC0, s19  }
.LBB2_6:
0x91: {  	s22 =	sshll.u32 s20, $0x1  }
0x92: {  	p0 =	sge.s32 s22, s17  }
.Ltmp6:
0x93: {  	_ = 	snop;
	(pc) =	sbr.rel @p0 .LBB2_16-.Ltmp6, $1  }
0x94: {  	_ =	sdelay $0x3  }
0x95: {  	s0 =	smul.u32 $0xC0, s20;
	_ =	sdelay $0x1  }
0x96: {  	s31 =	sadd.s32 s15, s0  }
0x97: {  	s0 =	sadd.s32 $0x60, s31  }
0x98: {  	s24 =	smov.u32 s16;
	p0 =	slt.s32 s0, s16  }
0x99: {  	s24 =	smov.u32 @p0 s0  }
0x9a: {  	p0 =	sge.s32 s31, s24  }
.Ltmp7:
0x9b: {  	_ = 	snop;
	(pc) =	sbr.rel @p0 .LBB2_8-.Ltmp7, $4  }
0x9c: {  	_ = 	snop  }
0x9d: {  	_ =	swait.ge [sflag:s11], $0xC000  }
0x9e: {  	[sflag:s11] =	ssyncset.done $0x0  }
0x9f: {  	[sflag:s11] =	ssyncadd.s32 $0xFFFF4000  }
0xa0: {  	p0 =	slt.s32 s21, $0x18640;
	s0 =	smov.u32 s21  }
.Ltmp8:
0xa1: {  	s0 =	simm.s32 @!p0 $0x18640;
	(pc) =	sbr.rel .LBB2_10-.Ltmp8, $4  }
0xa2: {  	s0 =	sshll.u32 s0, $0xB  }
0xa3: {  	s0 =	ssub.s32 $0x0, s0  }
0xa4: {  	s0 =	sshra.s32 s0, $0x2  }
0xa5: {  	s25 =	sadd.s32 $0x100, s0  }
.LBB2_13:
0xa6: {  	v6 =	vadd.f32 v0, v6  }
0xa7: {  	v5 =	vadd.f32 v1, v5;
	v4 =	vadd.f32 v34, v4  }
0xa8: {  	v3 =	vadd.f32 v35, v3;
	v33 =	vadd.f32 v36, v33  }
.LBB2_14:
0xa9: {  	p1 =	sgt.s32 s29, s24  }
0xaa: {  	s0 =	sshll.u32 @!p1 s28, $0xB  }
0xab: {  	s28 =	sshra.s32 @!p1 s0, $0x2  }
0xac: {  	[tilespmem:s28+$0x18080] =	vst @!p1 v33  }
0xad: {  	[tilespmem:s28+$0x18090] =	vst @!p1 v32  }
0xae: {  	[tilespmem:s28+$0x180A0] =	vst @!p1 v31  }
0xaf: {  	[tilespmem:s28+$0x180B0] =	vst @!p1 v30  }
0xb0: {  	[tilespmem:s28+$0x180D0] =	vst @!p1 v28  }
0xb1: {  	[tilespmem:s28+$0x180E0] =	vst @!p1 v27  }
0xb2: {  	[tilespmem:s28+$0x180F0] =	vst @!p1 v26  }
0xb3: {  	[tilespmem:s28+$0x18100] =	vst @!p1 v25  }
0xb4: {  	[tilespmem:s28+$0x18120] =	vst @!p1 v23  }
0xb5: {  	[tilespmem:s28+$0x18130] =	vst @!p1 v22  }
0xb6: {  	[tilespmem:s28+$0x18140] =	vst @!p1 v21  }
0xb7: {  	[tilespmem:s28+$0x18150] =	vst @!p1 v20  }
0xb8: {  	[tilespmem:s28+$0x18170] =	vst @!p1 v18  }
0xb9: {  	[tilespmem:s28+$0x18180] =	vst @!p1 v17  }
0xba: {  	[tilespmem:s28+$0x18190] =	vst @!p1 v16  }
0xbb: {  	v34 =	vpsel !p1, $0x0, v33;
	v35 =	vpsel !p1, $0x0, v32;
	[tilespmem:s28+$0x181A0] =	vst @!p1 v15  }
0xbc: {  	v36 =	vpsel !p1, $0x0, v31;
	v37 =	vpsel !p1, $0x0, v30;
	v38 =	vpsel !p1, $0x0, v29;
	[tilespmem:s28+$0x181C0] =	vst @!p1 v13  }
0xbd: {  	v39 =	vpsel !p1, $0x0, v28;
	v40 =	vpsel !p1, $0x0, v27;
	v41 =	vpsel !p1, $0x0, v26;
	[tilespmem:s28+$0x181D0] =	vst @!p1 v12  }
0xbe: {  	v42 =	vpsel !p1, $0x0, v25;
	v43 =	vpsel !p1, $0x0, v24;
	v44 =	vpsel !p1, $0x0, v23;
	[tilespmem:s28+$0x181E0] =	vst @!p1 v11  }
0xbf: {  	v45 =	vpsel !p1, $0x0, v22;
	v46 =	vpsel !p1, $0x0, v21;
	v47 =	vpsel !p1, $0x0, v20;
	[tilespmem:s28+$0x181F0] =	vst @!p1 v10  }
0xc0: {  	v48 =	vpsel !p1, $0x0, v19;
	v49 =	vpsel !p1, $0x0, v18;
	v50 =	vpsel !p1, $0x0, v17;
	[tilespmem:s28+$0x18210] =	vst @!p1 v8  }
0xc1: {  	v51 =	vpsel !p1, $0x0, v16;
	v52 =	vpsel !p1, $0x0, v15;
	v53 =	vpsel !p1, $0x0, v14;
	[tilespmem:s28+$0x18220] =	vst @!p1 v7  }
0xc2: {  	v54 =	vpsel !p1, $0x0, v13;
	v55 =	vpsel !p1, $0x0, v12;
	v56 =	vpsel !p1, $0x0, v11;
	[tilespmem:s28+$0x18230] =	vst @!p1 v6  }
0xc3: {  	v57 =	vpsel !p1, $0x0, v10;
	v58 =	vpsel !p1, $0x0, v9;
	v59 =	vpsel !p1, $0x0, v8;
	[tilespmem:s28+$0x18240] =	vst @!p1 v5  }
0xc4: {  	v60 =	vpsel !p1, $0x0, v7;
	v1 =	vpsel !p1, $0x0, v3;
	v0 =	vpsel !p1, $0x0, v2;
	[tilespmem:s28+$0x18260] =	vst @!p1 v3  }
0xc5: {  	v61 =	vpsel !p1, $0x0, v6;
	v62 =	vpsel !p1, $0x0, v5;
	v63 =	vpsel !p1, $0x0, v4;
	[tilespmem:s28+$0x18270] =	vst @!p1 v2;
	v2 =	vmovc v0;
	v3 =	vmovc v1  }
0xc6: {  	[tilespmem:s28+$0x18250] =	vst @!p1 v4;
	v4 =	vmovc v63;
	v5 =	vmovc v62;
	v6 =	vmov v61;
	v7 =	vmov v60;
	v8 =	vmov v59  }
.Ltmp9:
0xc7: {  	[tilespmem:s28+$0x18200] =	vst @!p1 v9;
	v9 =	vmovc v58;
	v10 =	vmovc v57;
	v11 =	vmov v56;
	v12 =	vmov v55;
	v13 =	vmov v54;
	(pc) =	sbr.rel @!p0 .LBB2_15-.Ltmp9, $4  }
0xc8: {  	[tilespmem:s28+$0x181B0] =	vst @!p1 v14;
	v14 =	vmovc v53;
	v15 =	vmovc v52;
	v16 =	vmov v51;
	v17 =	vmov v50;
	v18 =	vmov v49  }
0xc9: {  	s0 =	sadd.s32 @!p1 $0x1, s23;
	[tilespmem:s28+$0x18160] =	vst @!p1 v19;
	v19 =	vmovc v48;
	v20 =	vmovc v47;
	v21 =	vmov v46;
	v22 =	vmov v45;
	v23 =	vmov v44  }
0xca: {  	[tilespmem:s28+$0x18110] =	vst @!p1 v24;
	s0 =	smov.u32 @p1 s23;
	v24 =	vmovc v43;
	v25 =	vmovc v42;
	v26 =	vmov v41;
	v27 =	vmov v40;
	v28 =	vmov v39  }
0xcb: {  	s31 =	smov.u32 s26;
	[tilespmem:s28+$0x180C0] =	vst @!p1 v29;
	v29 =	vmovc v38;
	v30 =	vmovc v37;
	v31 =	vmov v36;
	v32 =	vmov v35;
	v33 =	vmov v34;
	s23 =	smov.u32 s0  }
.LBB2_10:
0xcc: {  	s28 =	ssub.s32 s23, s4  }
0xcd: {  	s26 =	simm.s32 $0x1;
	s0 =	sadd.s32 $0x1, s28;
	p0 =	slt.u32 s28, $0x7FFFFFFF  }
0xce: {  	s29 =	sshra.s32 s0, $0x1F;
	s26 =	simm.s32 @!p0 $0x0  }
0xcf: {  	s30 =	sand.u32 $0xF, s0;
	s26 =	sadd.s32 s26, s29  }
0xd0: {  	p1 =	sne.s32 s30, $0x0;
	p6 =	sne.s32 s26, $0x1  }
0xd1: {  	s26 =	sshrl.u32 s29, $0x1C;
	p0 =	por !p1, !p6  }
0xd2: {  	s29 =	simm.s32 $0x1;
	s26 =	sadd.s32 s26, s0;
	p0 =	por !p0, !p0  }
0xd3: {  	s26 =	sshrl.u32 s26, $0x4;
	s29 =	simm.s32 @!p0 $0x0  }
0xd4: {  	s26 =	ssub.s32 s26, s29  }
0xd5: {  	s26 =	sshll.u32 s26, $0x4  }
0xd6: {  	v0 =	vld [tilespmem:s26+$0x18000];
	_ =	sdelay $0x2  }
0xd7: {  	s0 =	ssub.s32 s0, s26  }
0xd8: {  	v34 =	vlaneseq.u32;
	v1 =	vmov s0  }
0xd9: {  	vm1 =	veq.s32 v1, v34;
	v0 =	vxor.u32 $0x80000000, v0  }
0xda: {  	v0 =	vnsel vm1, $0x0, v0  }
0xdb: {  	(xrf0) =	vmax.scan.msk.u32 $0xffff, v0;
	_ =	sdelay $0x5  }
0xdc: {  	v0, _, _ =	vpop (xrf0)  }
0xdd: {  	(v2sf) =	vpush v0, $0xF;
	_ =	sdelay $0xe  }
0xde: {  	s26 =	spop (v2sf)  }
0xdf: {  	s29 =	sxor.u32 $0x80000000, s26  }
0xe0: {  	s26 =	smov.u32 s24;
	p0 =	slt.s32 s29, s24  }
0xe1: {  	s26 =	smov.u32 @p0 s29  }
0xe2: {  	s30 =	ssub.s32 s26, s31  }
0xe3: {  	p1 =	slt.s32 s30, $0x1  }
.Ltmp10:
0xe4: {  	_ = 	snop;
	(pc) =	sbr.rel @p1 .LBB2_14-.Ltmp10, $1  }
0xe5: {  	_ =	sdelay $0x3  }
0xe6: {  	s0 =	sshll.u32 s31, $0xB  }
0xe7: {  	s0 =	sshra.s32 s0, $0x2  }
0xe8: {  	s0 =	sadd.s32 s0, s25  }
0xe9: {  	v0 =	vld [tilespmem:s0+$0xF0]  }
0xea: {  	v1 =	vld [tilespmem:s0+$0xFFFFFF10]  }
0xeb: {  	v34 =	vld [tilespmem:s0+$0xFFFFFF20]  }
0xec: {  	v35 =	vld [tilespmem:s0+$0xFFFFFF30]  }
0xed: {  	v36 =	vld [tilespmem:s0+$0xFFFFFF40]  }
0xee: {  	v37 =	vld [tilespmem:s0+$0xFFFFFF50]  }
0xef: {  	v38 =	vld [tilespmem:s0+$0xFFFFFF60]  }
0xf0: {  	v39 =	vld [tilespmem:s0+$0xFFFFFF70]  }
0xf1: {  	v40 =	vld [tilespmem:s0+$0xFFFFFF80]  }
0xf2: {  	v41 =	vld [tilespmem:s0+$0xFFFFFF90]  }
0xf3: {  	v42 =	vld [tilespmem:s0+$0xFFFFFFA0]  }
0xf4: {  	v43 =	vld [tilespmem:s0+$0xFFFFFFB0]  }
0xf5: {  	v44 =	vld [tilespmem:s0+$0xFFFFFFC0]  }
0xf6: {  	v45 =	vld [tilespmem:s0+$0xFFFFFFD0]  }
0xf7: {  	v46 =	vld [tilespmem:s0+$0xFFFFFFE0]  }
0xf8: {  	v47 =	vld [tilespmem:s0+$0xFFFFFFF0]  }
0xf9: {  	v48 =	vld [tilespmem:s0+$0x0]  }
0xfa: {  	v49 =	vld [tilespmem:s0+$0x10]  }
0xfb: {  	v57 =	vld [tilespmem:s0+$0x40]  }
0xfc: {  	v58 =	vld [tilespmem:s0+$0x50]  }
0xfd: {  	v59 =	vld [tilespmem:s0+$0x60];
	v2 =	vadd.f32 v0, v2  }
0xfe: {  	v60 =	vld [tilespmem:s0+$0x70];
	v32 =	vadd.f32 v1, v32;
	v31 =	vadd.f32 v34, v31  }
0xff: {  	v61 =	vld [tilespmem:s0+$0x80];
	v30 =	vadd.f32 v35, v30;
	v29 =	vadd.f32 v36, v29  }
0x100: {  	v62 =	vld [tilespmem:s0+$0x90];
	v28 =	vadd.f32 v37, v28;
	v27 =	vadd.f32 v38, v27  }
0x101: {  	v0 =	vld [tilespmem:s0+$0x20];
	v26 =	vadd.f32 v39, v26;
	v25 =	vadd.f32 v40, v25  }
0x102: {  	v1 =	vld [tilespmem:s0+$0x30];
	v24 =	vadd.f32 v41, v24;
	v23 =	vadd.f32 v42, v23  }
0x103: {  	v63 =	vld [tilespmem:s0+$0xA0];
	v22 =	vadd.f32 v43, v22;
	v21 =	vadd.f32 v44, v21  }
0x104: {  	v20 =	vadd.f32 v45, v20;
	v19 =	vadd.f32 v46, v19;
	v34 =	vld [tilespmem:s0+$0xD0]  }
0x105: {  	p1 =	sgt.s32 s30, $0x1;
	v18 =	vadd.f32 v47, v18;
	v17 =	vadd.f32 v48, v17;
	v35 =	vld [tilespmem:s0+$0xE0]  }
.Ltmp11:
0x106: {  	v16 =	vadd.f32 v49, v16;
	v15 =	vadd.f32 v0, v15;
	v0 =	vld [tilespmem:s0+$0xB0];
	(pc) =	sbr.rel @!p1 .LBB2_13-.Ltmp11, $4  }
0x107: {  	v13 =	vadd.f32 v57, v13;
	v14 =	vadd.f32 v1, v14;
	v1 =	vld [tilespmem:s0+$0xC0]  }
0x108: {  	v12 =	vadd.f32 v58, v12;
	v11 =	vadd.f32 v59, v11;
	v36 =	vld [tilespmem:s0+$0xFFFFFF00]  }
0x109: {  	v10 =	vadd.f32 v60, v10;
	v9 =	vadd.f32 v61, v9  }
0x10a: {  	s31 =	simm.s32 $0x1;
	v8 =	vadd.f32 v62, v8;
	v7 =	vadd.f32 v63, v7;
	s0 =	sadd.s32 $0x200, s0  }
.LBB2_12:
0x10b: {  	v37 =	vld [tilespmem:s0+$0xF0];
	s31 =	sadd.s32 $0x1, s31;
	v6 =	vadd.f32 v0, v6  }
0x10c: {  	v5 =	vadd.f32 v1, v5;
	v0 =	vld [tilespmem:s0+$0xFFFFFF10];
	p1 =	slt.s32 s31, s30  }
0x10d: {  	v4 =	vadd.f32 v34, v4;
	v1 =	vld [tilespmem:s0+$0xFFFFFF20]  }
0x10e: {  	v3 =	vadd.f32 v35, v3;
	v34 =	vld [tilespmem:s0+$0xFFFFFF30]  }
0x10f: {  	v33 =	vadd.f32 v36, v33;
	v35 =	vld [tilespmem:s0+$0xFFFFFF40]  }
0x110: {  	v36 =	vld [tilespmem:s0+$0xFFFFFF50];
	v2 =	vadd.f32 v37, v2  }
0x111: {  	v32 =	vadd.f32 v0, v32;
	v0 =	vld [tilespmem:s0+$0xFFFFFF60]  }
0x112: {  	v31 =	vadd.f32 v1, v31;
	v1 =	vld [tilespmem:s0+$0xFFFFFF70]  }
0x113: {  	v30 =	vadd.f32 v34, v30;
	v34 =	vld [tilespmem:s0+$0xFFFFFF80]  }
0x114: {  	v29 =	vadd.f32 v35, v29;
	v35 =	vld [tilespmem:s0+$0xFFFFFF90]  }
0x115: {  	v28 =	vadd.f32 v36, v28;
	v36 =	vld [tilespmem:s0+$0xFFFFFFA0]  }
0x116: {  	v27 =	vadd.f32 v0, v27;
	v0 =	vld [tilespmem:s0+$0xFFFFFFB0]  }
0x117: {  	v26 =	vadd.f32 v1, v26;
	v1 =	vld [tilespmem:s0+$0xFFFFFFC0]  }
0x118: {  	v25 =	vadd.f32 v34, v25;
	v34 =	vld [tilespmem:s0+$0xFFFFFFD0]  }
0x119: {  	v24 =	vadd.f32 v35, v24;
	v35 =	vld [tilespmem:s0+$0xFFFFFFE0]  }
0x11a: {  	v23 =	vadd.f32 v36, v23;
	v36 =	vld [tilespmem:s0+$0xFFFFFFF0]  }
0x11b: {  	v22 =	vadd.f32 v0, v22;
	v0 =	vld [tilespmem:s0+$0x0]  }
0x11c: {  	v21 =	vadd.f32 v1, v21;
	v1 =	vld [tilespmem:s0+$0x10]  }
0x11d: {  	v20 =	vadd.f32 v34, v20;
	v34 =	vld [tilespmem:s0+$0x20]  }
0x11e: {  	v19 =	vadd.f32 v35, v19;
	v35 =	vld [tilespmem:s0+$0x30]  }
0x11f: {  	v18 =	vadd.f32 v36, v18;
	v36 =	vld [tilespmem:s0+$0x40]  }
0x120: {  	v17 =	vadd.f32 v0, v17;
	v0 =	vld [tilespmem:s0+$0x50]  }
0x121: {  	v16 =	vadd.f32 v1, v16;
	v1 =	vld [tilespmem:s0+$0x60]  }
0x122: {  	v15 =	vadd.f32 v34, v15;
	v34 =	vld [tilespmem:s0+$0x70]  }
0x123: {  	v14 =	vadd.f32 v35, v14;
	v35 =	vld [tilespmem:s0+$0x80]  }
0x124: {  	v13 =	vadd.f32 v36, v13;
	v36 =	vld [tilespmem:s0+$0x90]  }
0x125: {  	v12 =	vadd.f32 v0, v12;
	v37 =	vld [tilespmem:s0+$0xA0]  }
.Ltmp12:
0x126: {  	v11 =	vadd.f32 v1, v11;
	v0 =	vld [tilespmem:s0+$0xB0];
	(pc) =	sbr.rel @p1 .LBB2_12-.Ltmp12, $4  }
0x127: {  	v10 =	vadd.f32 v34, v10;
	v1 =	vld [tilespmem:s0+$0xC0]  }
0x128: {  	v9 =	vadd.f32 v35, v9;
	v34 =	vld [tilespmem:s0+$0xD0]  }
0x129: {  	v8 =	vadd.f32 v36, v8;
	v35 =	vld [tilespmem:s0+$0xE0]  }
0x12a: {  	v36 =	vld [tilespmem:s0+$0xFFFFFF00];
	v7 =	vadd.f32 v37, v7;
	s0 =	sadd.s32 $0x200, s0  }
.Ltmp13:
0x12b: {  	_ = 	snop;
	(pc) =	sbr.rel .LBB2_13-.Ltmp13, $1  }
0x12c: {  	_ =	sdelay $0x3  }
.LBB2_8:
0x12d: {  	v34 =	vmov v33;
	v35 =	vmov v32  }
0x12e: {  	v36 =	vmovc v31;
	v37 =	vmovc v30;
	v38 =	vmov v29;
	v39 =	vmov v28;
	v40 =	vmov v27  }
0x12f: {  	v41 =	vmovc v26;
	v42 =	vmovc v25;
	v43 =	vmov v24;
	v44 =	vmov v23;
	v45 =	vmov v22  }
0x130: {  	v46 =	vmovc v21;
	v47 =	vmovc v20;
	v48 =	vmov v19;
	v49 =	vmov v18;
	v50 =	vmov v17  }
0x131: {  	v51 =	vmovc v16;
	v52 =	vmovc v15;
	v53 =	vmov v14;
	v54 =	vmov v13;
	v55 =	vmov v12  }
0x132: {  	v56 =	vmovc v11;
	v57 =	vmovc v10;
	v58 =	vmov v9;
	v59 =	vmov v8;
	v60 =	vmov v7  }
0x133: {  	s0 =	smov.u32 s23;
	v61 =	vmovc v6;
	v62 =	vmovc v5;
	v63 =	vmov v4;
	v1 =	vmov v3;
	v0 =	vmov v2  }
.LBB2_15:
0x134: {  	s23 =	sadd.s32 $0x2, s22  }
0x135: {  	p0 =	sge.s32 s23, s17  }
0x136: {  	s23 =	smul.u32 @!p0 $0x60, s23;
	_ =	sdelay $0x1  }
0x137: {  	s23 =	sadd.s32 @!p0 s15, s23  }
0x138: {  	p1 =	slt.s32 @!p0 s23, $0x18640  }
0x139: {  	v33 =	vmov v34;
	v32 =	vmov v35;
	p1 =	por !p1, p0  }
0x13a: {  	v31 =	vmovc v36;
	v30 =	vmovc v37;
	v29 =	vmov v38;
	v28 =	vmov v39;
	v27 =	vmov v40;
	s23 =	simm.s32 @p1 $0x18640  }
0x13b: {  	v26 =	vmovc v41;
	v25 =	vmovc v42;
	v24 =	vmov v43;
	v23 =	vmov v44;
	v22 =	vmov v45;
	s23 =	sshll.u32 @!p0 s23, $0x6  }
0x13c: {  	v21 =	vmovc v46;
	v20 =	vmovc v47;
	v19 =	vmov v48;
	v18 =	vmov v49;
	v17 =	vmov v50;
	s23 =	sand.u32 @!p0 $0x1FFFFFC0, s23  }
0x13d: {  	v16 =	vmovc v51;
	v15 =	vmovc v52;
	v14 =	vmov v53;
	v13 =	vmov v54;
	v12 =	vmov v55;
	s24 =	simm.s32 @!p0 $0x0;
	s23 =	sadd.s32 @!p0 s1, s23  }
0x13e: {  	v11 =	vmovc v56;
	v10 =	vmovc v57;
	v9 =	vmov v58;
	v8 =	vmov v59;
	v7 =	vmov v60;
	[tilespmem:s24], [sflag:$0x1] =	stream.linear.gather @!p0 [hbm4b:s23+s24], $0xC000, $0x38;
	[tilespmem:$0x1C080] =	vst v63  }
0x13f: {  	v6 =	vmovc v61;
	v5 =	vmovc v62;
	v4 =	vmov v63;
	v3 =	vmov v1;
	v2 =	vmov v0;
	s23 =	smov.u32 s0  }
.LBB2_16:
0x140: {  	s0 =	sor.u32 $0x1, s22  }
0x141: {  	p0 =	sge.s32 s0, s17  }
.Ltmp14:
0x142: {  	_ = 	snop;
	(pc) =	sbr.rel @p0 .LBB2_26-.Ltmp14, $1  }
0x143: {  	_ =	sdelay $0x3  }
0x144: {  	s0 =	smul.u32 $0x60, s0;
	_ =	sdelay $0x1  }
0x145: {  	s31 =	sadd.s32 s15, s0  }
0x146: {  	s0 =	sadd.s32 $0x60, s31  }
0x147: {  	s24 =	smov.u32 s16;
	p0 =	slt.s32 s0, s16  }
0x148: {  	s24 =	smov.u32 @p0 s0  }
0x149: {  	p0 =	sge.s32 s31, s24  }
.Ltmp15:
0x14a: {  	_ = 	snop;
	(pc) =	sbr.rel @p0 .LBB2_18-.Ltmp15, $4  }
0x14b: {  	_ = 	snop  }
0x14c: {  	_ =	swait.ge [sflag:s12], $0xC000  }
0x14d: {  	[sflag:s12] =	ssyncset.done $0x0  }
0x14e: {  	[sflag:s12] =	ssyncadd.s32 $0xFFFF4000  }
0x14f: {  	p0 =	slt.s32 s19, $0x18640;
	s0 =	smov.u32 s19  }
.Ltmp16:
0x150: {  	s0 =	simm.s32 @!p0 $0x18640;
	(pc) =	sbr.rel .LBB2_20-.Ltmp16, $4  }
0x151: {  	s0 =	sshll.u32 s0, $0xB  }
0x152: {  	s0 =	ssub.s32 $0x0, s0  }
0x153: {  	s0 =	sshra.s32 s0, $0x2  }
0x154: {  	s25 =	sadd.s32 $0xC100, s0  }
.LBB2_23:
0x155: {  	v6 =	vadd.f32 v0, v6  }
0x156: {  	v5 =	vadd.f32 v1, v5;
	v4 =	vadd.f32 v34, v4  }
0x157: {  	v3 =	vadd.f32 v35, v3;
	v33 =	vadd.f32 v36, v33  }
.LBB2_24:
0x158: {  	p1 =	sgt.s32 s29, s24  }
0x159: {  	s0 =	sshll.u32 @!p1 s28, $0xB  }
0x15a: {  	s28 =	sshra.s32 @!p1 s0, $0x2  }
0x15b: {  	[tilespmem:s28+$0x18080] =	vst @!p1 v33  }
0x15c: {  	[tilespmem:s28+$0x18090] =	vst @!p1 v32  }
0x15d: {  	[tilespmem:s28+$0x180A0] =	vst @!p1 v31  }
0x15e: {  	[tilespmem:s28+$0x180B0] =	vst @!p1 v30  }
0x15f: {  	[tilespmem:s28+$0x180D0] =	vst @!p1 v28  }
0x160: {  	[tilespmem:s28+$0x180E0] =	vst @!p1 v27  }
0x161: {  	[tilespmem:s28+$0x180F0] =	vst @!p1 v26  }
0x162: {  	[tilespmem:s28+$0x18100] =	vst @!p1 v25  }
0x163: {  	[tilespmem:s28+$0x18120] =	vst @!p1 v23  }
0x164: {  	[tilespmem:s28+$0x18130] =	vst @!p1 v22  }
0x165: {  	[tilespmem:s28+$0x18140] =	vst @!p1 v21  }
0x166: {  	[tilespmem:s28+$0x18150] =	vst @!p1 v20  }
0x167: {  	[tilespmem:s28+$0x18170] =	vst @!p1 v18  }
0x168: {  	[tilespmem:s28+$0x18180] =	vst @!p1 v17  }
0x169: {  	[tilespmem:s28+$0x18190] =	vst @!p1 v16  }
0x16a: {  	v34 =	vpsel !p1, $0x0, v33;
	v35 =	vpsel !p1, $0x0, v32;
	[tilespmem:s28+$0x181A0] =	vst @!p1 v15  }
0x16b: {  	v36 =	vpsel !p1, $0x0, v31;
	v37 =	vpsel !p1, $0x0, v30;
	v38 =	vpsel !p1, $0x0, v29;
	[tilespmem:s28+$0x181C0] =	vst @!p1 v13  }
0x16c: {  	v39 =	vpsel !p1, $0x0, v28;
	v40 =	vpsel !p1, $0x0, v27;
	v41 =	vpsel !p1, $0x0, v26;
	[tilespmem:s28+$0x181D0] =	vst @!p1 v12  }
0x16d: {  	v42 =	vpsel !p1, $0x0, v25;
	v43 =	vpsel !p1, $0x0, v24;
	v44 =	vpsel !p1, $0x0, v23;
	[tilespmem:s28+$0x181E0] =	vst @!p1 v11  }
0x16e: {  	v45 =	vpsel !p1, $0x0, v22;
	v46 =	vpsel !p1, $0x0, v21;
	v47 =	vpsel !p1, $0x0, v20;
	[tilespmem:s28+$0x181F0] =	vst @!p1 v10  }
0x16f: {  	v48 =	vpsel !p1, $0x0, v19;
	v49 =	vpsel !p1, $0x0, v18;
	v50 =	vpsel !p1, $0x0, v17;
	[tilespmem:s28+$0x18210] =	vst @!p1 v8  }
0x170: {  	v51 =	vpsel !p1, $0x0, v16;
	v52 =	vpsel !p1, $0x0, v15;
	v53 =	vpsel !p1, $0x0, v14;
	[tilespmem:s28+$0x18220] =	vst @!p1 v7  }
0x171: {  	v54 =	vpsel !p1, $0x0, v13;
	v55 =	vpsel !p1, $0x0, v12;
	v56 =	vpsel !p1, $0x0, v11;
	[tilespmem:s28+$0x18230] =	vst @!p1 v6  }
0x172: {  	v57 =	vpsel !p1, $0x0, v10;
	v58 =	vpsel !p1, $0x0, v9;
	v59 =	vpsel !p1, $0x0, v8;
	[tilespmem:s28+$0x18240] =	vst @!p1 v5  }
0x173: {  	v60 =	vpsel !p1, $0x0, v7;
	v1 =	vpsel !p1, $0x0, v3;
	v0 =	vpsel !p1, $0x0, v2;
	[tilespmem:s28+$0x18260] =	vst @!p1 v3  }
0x174: {  	v61 =	vpsel !p1, $0x0, v6;
	v62 =	vpsel !p1, $0x0, v5;
	v63 =	vpsel !p1, $0x0, v4;
	[tilespmem:s28+$0x18270] =	vst @!p1 v2;
	v2 =	vmovc v0;
	v3 =	vmovc v1  }
0x175: {  	[tilespmem:s28+$0x18250] =	vst @!p1 v4;
	v4 =	vmovc v63;
	v5 =	vmovc v62;
	v6 =	vmov v61;
	v7 =	vmov v60;
	v8 =	vmov v59  }
.Ltmp17:
0x176: {  	[tilespmem:s28+$0x18200] =	vst @!p1 v9;
	v9 =	vmovc v58;
	v10 =	vmovc v57;
	v11 =	vmov v56;
	v12 =	vmov v55;
	v13 =	vmov v54;
	(pc) =	sbr.rel @!p0 .LBB2_25-.Ltmp17, $4  }
0x177: {  	[tilespmem:s28+$0x181B0] =	vst @!p1 v14;
	v14 =	vmovc v53;
	v15 =	vmovc v52;
	v16 =	vmov v51;
	v17 =	vmov v50;
	v18 =	vmov v49  }
0x178: {  	s0 =	sadd.s32 @!p1 $0x1, s23;
	[tilespmem:s28+$0x18160] =	vst @!p1 v19;
	v19 =	vmovc v48;
	v20 =	vmovc v47;
	v21 =	vmov v46;
	v22 =	vmov v45;
	v23 =	vmov v44  }
0x179: {  	[tilespmem:s28+$0x18110] =	vst @!p1 v24;
	s0 =	smov.u32 @p1 s23;
	v24 =	vmovc v43;
	v25 =	vmovc v42;
	v26 =	vmov v41;
	v27 =	vmov v40;
	v28 =	vmov v39  }
0x17a: {  	s31 =	smov.u32 s26;
	[tilespmem:s28+$0x180C0] =	vst @!p1 v29;
	v29 =	vmovc v38;
	v30 =	vmovc v37;
	v31 =	vmov v36;
	v32 =	vmov v35;
	v33 =	vmov v34;
	s23 =	smov.u32 s0  }
.LBB2_20:
0x17b: {  	s28 =	ssub.s32 s23, s4  }
0x17c: {  	s26 =	simm.s32 $0x1;
	s0 =	sadd.s32 $0x1, s28;
	p0 =	slt.u32 s28, $0x7FFFFFFF  }
0x17d: {  	s29 =	sshra.s32 s0, $0x1F;
	s26 =	simm.s32 @!p0 $0x0  }
0x17e: {  	s30 =	sand.u32 $0xF, s0;
	s26 =	sadd.s32 s26, s29  }
0x17f: {  	p1 =	sne.s32 s30, $0x0;
	p6 =	sne.s32 s26, $0x1  }
0x180: {  	s26 =	sshrl.u32 s29, $0x1C;
	p0 =	por !p1, !p6  }
0x181: {  	s29 =	simm.s32 $0x1;
	s26 =	sadd.s32 s26, s0;
	p0 =	por !p0, !p0  }
0x182: {  	s26 =	sshrl.u32 s26, $0x4;
	s29 =	simm.s32 @!p0 $0x0  }
0x183: {  	s26 =	ssub.s32 s26, s29  }
0x184: {  	s26 =	sshll.u32 s26, $0x4  }
0x185: {  	v0 =	vld [tilespmem:s26+$0x18000];
	_ =	sdelay $0x2  }
0x186: {  	s0 =	ssub.s32 s0, s26  }
0x187: {  	v34 =	vlaneseq.u32;
	v1 =	vmov s0  }
0x188: {  	vm1 =	veq.s32 v1, v34;
	v0 =	vxor.u32 $0x80000000, v0  }
0x189: {  	v0 =	vnsel vm1, $0x0, v0  }
0x18a: {  	(xrf0) =	vmax.scan.msk.u32 $0xffff, v0;
	_ =	sdelay $0x5  }
0x18b: {  	v0, _, _ =	vpop (xrf0)  }
0x18c: {  	(v2sf) =	vpush v0, $0xF;
	_ =	sdelay $0xe  }
0x18d: {  	s26 =	spop (v2sf)  }
0x18e: {  	s29 =	sxor.u32 $0x80000000, s26  }
0x18f: {  	s26 =	smov.u32 s24;
	p0 =	slt.s32 s29, s24  }
0x190: {  	s26 =	smov.u32 @p0 s29  }
0x191: {  	s30 =	ssub.s32 s26, s31  }
0x192: {  	p1 =	slt.s32 s30, $0x1  }
.Ltmp18:
0x193: {  	_ = 	snop;
	(pc) =	sbr.rel @p1 .LBB2_24-.Ltmp18, $1  }
0x194: {  	_ =	sdelay $0x3  }
0x195: {  	s0 =	sshll.u32 s31, $0xB  }
0x196: {  	s0 =	sshra.s32 s0, $0x2  }
0x197: {  	s0 =	sadd.s32 s0, s25  }
0x198: {  	v0 =	vld [tilespmem:s0+$0xF0]  }
0x199: {  	v1 =	vld [tilespmem:s0+$0xFFFFFF10]  }
0x19a: {  	v34 =	vld [tilespmem:s0+$0xFFFFFF20]  }
0x19b: {  	v35 =	vld [tilespmem:s0+$0xFFFFFF30]  }
0x19c: {  	v36 =	vld [tilespmem:s0+$0xFFFFFF40]  }
0x19d: {  	v37 =	vld [tilespmem:s0+$0xFFFFFF50]  }
0x19e: {  	v38 =	vld [tilespmem:s0+$0xFFFFFF60]  }
0x19f: {  	v39 =	vld [tilespmem:s0+$0xFFFFFF70]  }
0x1a0: {  	v40 =	vld [tilespmem:s0+$0xFFFFFF80]  }
0x1a1: {  	v41 =	vld [tilespmem:s0+$0xFFFFFF90]  }
0x1a2: {  	v42 =	vld [tilespmem:s0+$0xFFFFFFA0]  }
0x1a3: {  	v43 =	vld [tilespmem:s0+$0xFFFFFFB0]  }
0x1a4: {  	v44 =	vld [tilespmem:s0+$0xFFFFFFC0]  }
0x1a5: {  	v45 =	vld [tilespmem:s0+$0xFFFFFFD0]  }
0x1a6: {  	v46 =	vld [tilespmem:s0+$0xFFFFFFE0]  }
0x1a7: {  	v47 =	vld [tilespmem:s0+$0xFFFFFFF0]  }
0x1a8: {  	v48 =	vld [tilespmem:s0+$0x0]  }
0x1a9: {  	v49 =	vld [tilespmem:s0+$0x10]  }
0x1aa: {  	v57 =	vld [tilespmem:s0+$0x40]  }
0x1ab: {  	v58 =	vld [tilespmem:s0+$0x50]  }
0x1ac: {  	v59 =	vld [tilespmem:s0+$0x60];
	v2 =	vadd.f32 v0, v2  }
0x1ad: {  	v60 =	vld [tilespmem:s0+$0x70];
	v32 =	vadd.f32 v1, v32;
	v31 =	vadd.f32 v34, v31  }
0x1ae: {  	v61 =	vld [tilespmem:s0+$0x80];
	v30 =	vadd.f32 v35, v30;
	v29 =	vadd.f32 v36, v29  }
0x1af: {  	v62 =	vld [tilespmem:s0+$0x90];
	v28 =	vadd.f32 v37, v28;
	v27 =	vadd.f32 v38, v27  }
0x1b0: {  	v0 =	vld [tilespmem:s0+$0x20];
	v26 =	vadd.f32 v39, v26;
	v25 =	vadd.f32 v40, v25  }
0x1b1: {  	v1 =	vld [tilespmem:s0+$0x30];
	v24 =	vadd.f32 v41, v24;
	v23 =	vadd.f32 v42, v23  }
0x1b2: {  	v63 =	vld [tilespmem:s0+$0xA0];
	v22 =	vadd.f32 v43, v22;
	v21 =	vadd.f32 v44, v21  }
0x1b3: {  	v20 =	vadd.f32 v45, v20;
	v19 =	vadd.f32 v46, v19;
	v34 =	vld [tilespmem:s0+$0xD0]  }
0x1b4: {  	p1 =	sgt.s32 s30, $0x1;
	v18 =	vadd.f32 v47, v18;
	v17 =	vadd.f32 v48, v17;
	v35 =	vld [tilespmem:s0+$0xE0]  }
.Ltmp19:
0x1b5: {  	v16 =	vadd.f32 v49, v16;
	v15 =	vadd.f32 v0, v15;
	v0 =	vld [tilespmem:s0+$0xB0];
	(pc) =	sbr.rel @!p1 .LBB2_23-.Ltmp19, $4  }
0x1b6: {  	v13 =	vadd.f32 v57, v13;
	v14 =	vadd.f32 v1, v14;
	v1 =	vld [tilespmem:s0+$0xC0]  }
0x1b7: {  	v12 =	vadd.f32 v58, v12;
	v11 =	vadd.f32 v59, v11;
	v36 =	vld [tilespmem:s0+$0xFFFFFF00]  }
0x1b8: {  	v10 =	vadd.f32 v60, v10;
	v9 =	vadd.f32 v61, v9  }
0x1b9: {  	s31 =	simm.s32 $0x1;
	v8 =	vadd.f32 v62, v8;
	v7 =	vadd.f32 v63, v7;
	s0 =	sadd.s32 $0x200, s0  }
.LBB2_22:
0x1ba: {  	v37 =	vld [tilespmem:s0+$0xF0];
	s31 =	sadd.s32 $0x1, s31;
	v6 =	vadd.f32 v0, v6  }
0x1bb: {  	v5 =	vadd.f32 v1, v5;
	v0 =	vld [tilespmem:s0+$0xFFFFFF10];
	p1 =	slt.s32 s31, s30  }
0x1bc: {  	v4 =	vadd.f32 v34, v4;
	v1 =	vld [tilespmem:s0+$0xFFFFFF20]  }
0x1bd: {  	v3 =	vadd.f32 v35, v3;
	v34 =	vld [tilespmem:s0+$0xFFFFFF30]  }
0x1be: {  	v33 =	vadd.f32 v36, v33;
	v35 =	vld [tilespmem:s0+$0xFFFFFF40]  }
0x1bf: {  	v36 =	vld [tilespmem:s0+$0xFFFFFF50];
	v2 =	vadd.f32 v37, v2  }
0x1c0: {  	v32 =	vadd.f32 v0, v32;
	v0 =	vld [tilespmem:s0+$0xFFFFFF60]  }
0x1c1: {  	v31 =	vadd.f32 v1, v31;
	v1 =	vld [tilespmem:s0+$0xFFFFFF70]  }
0x1c2: {  	v30 =	vadd.f32 v34, v30;
	v34 =	vld [tilespmem:s0+$0xFFFFFF80]  }
0x1c3: {  	v29 =	vadd.f32 v35, v29;
	v35 =	vld [tilespmem:s0+$0xFFFFFF90]  }
0x1c4: {  	v28 =	vadd.f32 v36, v28;
	v36 =	vld [tilespmem:s0+$0xFFFFFFA0]  }
0x1c5: {  	v27 =	vadd.f32 v0, v27;
	v0 =	vld [tilespmem:s0+$0xFFFFFFB0]  }
0x1c6: {  	v26 =	vadd.f32 v1, v26;
	v1 =	vld [tilespmem:s0+$0xFFFFFFC0]  }
0x1c7: {  	v25 =	vadd.f32 v34, v25;
	v34 =	vld [tilespmem:s0+$0xFFFFFFD0]  }
0x1c8: {  	v24 =	vadd.f32 v35, v24;
	v35 =	vld [tilespmem:s0+$0xFFFFFFE0]  }
0x1c9: {  	v23 =	vadd.f32 v36, v23;
	v36 =	vld [tilespmem:s0+$0xFFFFFFF0]  }
0x1ca: {  	v22 =	vadd.f32 v0, v22;
	v0 =	vld [tilespmem:s0+$0x0]  }
0x1cb: {  	v21 =	vadd.f32 v1, v21;
	v1 =	vld [tilespmem:s0+$0x10]  }
0x1cc: {  	v20 =	vadd.f32 v34, v20;
	v34 =	vld [tilespmem:s0+$0x20]  }
0x1cd: {  	v19 =	vadd.f32 v35, v19;
	v35 =	vld [tilespmem:s0+$0x30]  }
0x1ce: {  	v18 =	vadd.f32 v36, v18;
	v36 =	vld [tilespmem:s0+$0x40]  }
0x1cf: {  	v17 =	vadd.f32 v0, v17;
	v0 =	vld [tilespmem:s0+$0x50]  }
0x1d0: {  	v16 =	vadd.f32 v1, v16;
	v1 =	vld [tilespmem:s0+$0x60]  }
0x1d1: {  	v15 =	vadd.f32 v34, v15;
	v34 =	vld [tilespmem:s0+$0x70]  }
0x1d2: {  	v14 =	vadd.f32 v35, v14;
	v35 =	vld [tilespmem:s0+$0x80]  }
0x1d3: {  	v13 =	vadd.f32 v36, v13;
	v36 =	vld [tilespmem:s0+$0x90]  }
0x1d4: {  	v12 =	vadd.f32 v0, v12;
	v37 =	vld [tilespmem:s0+$0xA0]  }
.Ltmp20:
0x1d5: {  	v11 =	vadd.f32 v1, v11;
	v0 =	vld [tilespmem:s0+$0xB0];
	(pc) =	sbr.rel @p1 .LBB2_22-.Ltmp20, $4  }
0x1d6: {  	v10 =	vadd.f32 v34, v10;
	v1 =	vld [tilespmem:s0+$0xC0]  }
0x1d7: {  	v9 =	vadd.f32 v35, v9;
	v34 =	vld [tilespmem:s0+$0xD0]  }
0x1d8: {  	v8 =	vadd.f32 v36, v8;
	v35 =	vld [tilespmem:s0+$0xE0]  }
0x1d9: {  	v36 =	vld [tilespmem:s0+$0xFFFFFF00];
	v7 =	vadd.f32 v37, v7;
	s0 =	sadd.s32 $0x200, s0  }
.Ltmp21:
0x1da: {  	_ = 	snop;
	(pc) =	sbr.rel .LBB2_23-.Ltmp21, $1  }
0x1db: {  	_ =	sdelay $0x3  }
.LBB2_27:
0x1dc: {  	p0 =	sge.s32 s23, s6  }
.Ltmp22:
0x1dd: {  	_ = 	snop;
	(pc) =	sbr.rel @p0 .LBB2_29-.Ltmp22, $4  }
.Ltmp23:
0x1de: {  	_ = 	snop;
	(pc) =	sbr.rel @!p0 .LBB2_28-.Ltmp23, $4  }
0x1df: {  	_ = 	snop  }
0x1e0: {  	_ = 	snop  }
0x1e1: {  	_ = 	snop  }
0x1e2: {  	_ = 	snop  }
.LBB2_30:
0x1e3: {  	_ =	sfence.sel $0x180000  }
0x1e4: {  	[bflag:$0x0] =	sbarrier.arrive $0xFFFF  }
0x1e5: {  	_ =	strace $0x90000047  }
0x1e6: {  	[bflag:$0x2] =	sbarrier.arrive $0xFFFF  }
0x1e7: {  	p0 =	sne.s32 s2, $0x0;
	s0 =	rddreg [dreg:$0x3]  }
0x1e8: {  	s0 =	sadd.s32 @!p0 $0x100000, s0  }
0x1e9: {  	[sflag:s0] =	ssyncadd.tile.s32 @!p0 $0x1;
	_ =	shalt  }
.Lfunc_end2:
_tile_overlayer_lowered:
.L_overlay_start_2:
0x1ea: {  	(tag) =	ssettag $0x2  }
0x1eb: {  	s0 =	rddreg [dreg:$0x0];
	s2 =	stileid.u32  }
0x1ec: {  	s1 =	rddreg [dreg:$0x1];
	p0 =	sne.s32 s2, $0x0  }
0x1ed: {  	s3 =	rddreg [dreg:$0x2];
	[bflag:$0x3] =	sbarrier.arrive $0xFFFF;
	s2 =	simm.s32 @!p0 $0x1C03  }
0x1ee: {  	[timem:s3], [sflag:s2] =	dma.local @!p0 [hbm:s0], s1  }
0x1ef: {  	s0 =	simm.s32 @!p0 $0x3  }
0x1f0: {  	_ =	swait.ge @!p0 [sflag:s0], s1  }
0x1f1: {  	s1 =	ssub.s32 @!p0 $0x0, s1;
	[sflag:s0] =	ssyncset.done @!p0 $0x0  }
0x1f2: {  	[sflag:s0] =	ssyncadd.s32 @!p0 s1  }
0x1f3: {  	[bflag:$0x3] =	sbarrier.arrive $0xFFFF  }
0x1f4: {  	_ =	shalt  }

</sc_bundles>
